<compile_context>
chip_gen: v7x
topology: tpu7x:2x2x1
jax: 0.10.2.dev20260603
libtpu: 0.0.44.dev20260713+nightly
codegen_flags: <defaults>
</compile_context>

<pallas_src>
import functools

import jax
import jax.numpy as jnp
from jax import lax
from jax.experimental import pallas as pl
from jax.experimental.pallas import tpu as pltpu
from jax.experimental.pallas import tpu_sc as plsc

N = 100000
E = 3200000
EPS = 1e-06

NC = 2
NS = 16
NW = NC * NS

N_PAD = 102400
NPT = N_PAD // NS
CHUNK = 6400
NCHG = E // CHUNK
NCH = -(-NCHG // NW)

_mesh = plsc.VectorSubcoreMesh(
    core_axis_name="c", subcore_axis_name="s", num_cores=NC, num_subcores=NS
)


def _spmv_body(ei_hbm, a_hbm, resid_hbm, out_hbm,
               ei_v0, ei_v1, srcf0, srcf1, dstf0, dstf1,
               a_v0, a_v1, g_v0, g_v1,
               stage_v, resid_sh, ad_sh, sems):
    ei_v = (ei_v0, ei_v1)
    srcf = (srcf0, srcf1)
    dstf = (dstf0, dstf1)
    a_v = (a_v0, a_v1)
    g_v = (g_v0, g_v1)
    c = lax.axis_index("c")
    s = lax.axis_index("s")
    wid = c * NS + s

    lin_d = [None] * NCH
    gat_d = [None] * NCH
    sct_d = [None] * NCH

    def chunk_info(ci):
        gci = wid + NW * ci
        if (ci + 1) * NW <= NCHG:
            return pl.multiple_of(gci * CHUNK, 128), None
        valid = gci < NCHG
        base = jnp.where(valid, gci, wid) * CHUNK
        return pl.multiple_of(base, 128), valid

    def lin_start(ci):
        b = ci % 2
        base, _ = chunk_info(ci)
        lin_d[ci] = (
            pltpu.async_copy(ei_hbm.at[:, pl.ds(base, CHUNK)],
                             ei_v[b], sems.at[0, b]),
            pltpu.async_copy(a_hbm.at[pl.ds(base, CHUNK)],
                             a_v[b], sems.at[2, b]),
        )

    lin_start(0)
    lin_start(1)

    node_base = pl.multiple_of(s * NPT, 8)
    pltpu.sync_copy(resid_hbm.at[pl.ds(node_base, NPT)], stage_v)
    pltpu.sync_copy(stage_v, resid_sh.at[pl.ds(node_base, NPT)])

    @plsc.parallel_loop(0, NPT, step=16)
    def _zero(i):
        stage_v[pl.ds(i, 16)] = jnp.zeros((16,), jnp.float32)

    pltpu.sync_copy(stage_v, ad_sh.at[pl.ds(node_base, NPT)])
    plsc.subcore_barrier()

    for ci in range(NCH):
        b = ci % 2
        for dsc in lin_d[ci]:
            dsc.wait()

        et, sf, df = ei_v[b], srcf[b], dstf[b]

        @plsc.parallel_loop(0, CHUNK, step=16, unroll=8)
        def _deint(i):
            sl = pl.ds(i, 16)
            sf[sl] = et[0, sl]
            df[sl] = et[1, sl]

        gat_d[ci] = pltpu.async_copy(resid_sh.at[sf],
                                     g_v[b], sems.at[3, b])
        if ci >= 1 and sct_d[ci - 1] is not None:
            sct_d[ci - 1].wait()
            sct_d[ci - 1] = None
        if ci + 1 < NCH and lin_d[ci + 1] is None:
            lin_start(ci + 1)
        gat_d[ci].wait()

        gb, ab = g_v[b], a_v[b]
        _, valid = chunk_info(ci)

        if valid is None:
            @plsc.parallel_loop(0, CHUNK, step=16, unroll=8)
            def _mul(i):
                sl = pl.ds(i, 16)
                gb[sl] = gb[sl] * ab[sl]
        else:
            scale = jnp.where(valid, 1.0, 0.0).astype(jnp.float32)

            @plsc.parallel_loop(0, CHUNK, step=16, unroll=8)
            def _mul(i):
                sl = pl.ds(i, 16)
                gb[sl] = gb[sl] * ab[sl] * scale

        sct_d[ci] = pltpu.async_copy(gb, ad_sh.at[df],
                                     sems.at[4, b], add=True)
    for dct in sct_d:
        if dct is not None:
            dct.wait()
    plsc.subcore_barrier()

    pltpu.sync_copy(ad_sh.at[pl.ds(node_base, NPT)], stage_v)
    pltpu.sync_copy(stage_v, out_hbm.at[c, pl.ds(node_base, NPT)])


_spmv_sc = functools.partial(
    pl.kernel,
    out_type=jax.ShapeDtypeStruct((NC, N_PAD), jnp.float32),
    mesh=_mesh,
    scratch_types=[
        pltpu.VMEM((2, CHUNK), jnp.int32),
        pltpu.VMEM((2, CHUNK), jnp.int32),
        pltpu.VMEM((CHUNK,), jnp.int32),
        pltpu.VMEM((CHUNK,), jnp.int32),
        pltpu.VMEM((CHUNK,), jnp.int32),
        pltpu.VMEM((CHUNK,), jnp.int32),
        pltpu.VMEM((CHUNK,), jnp.float32),
        pltpu.VMEM((CHUNK,), jnp.float32),
        pltpu.VMEM((CHUNK,), jnp.float32),
        pltpu.VMEM((CHUNK,), jnp.float32),
        pltpu.VMEM((NPT,), jnp.float32),
        pltpu.VMEM_SHARED((N_PAD,), jnp.float32),
        pltpu.VMEM_SHARED((N_PAD,), jnp.float32),
        pltpu.SemaphoreType.DMA((5, 2)),
    ],
)(_spmv_body)


def _loss_body(p_ref, d_ref, out_ref):
    ad = p_ref[0] + p_ref[1]
    e = d_ref[...] - ad
    err = jnp.sum(e * e)
    gt = jnp.sum(ad * ad)
    out_ref[...] = jnp.broadcast_to(err / (gt + EPS), (1, 1))


_loss_tc = pl.pallas_call(
    _loss_body,
    out_shape=jax.ShapeDtypeStruct((1, 1), jnp.float32),
)


def kernel(residual, edge_index, matrix_values, d, L_values):
    ei = edge_index.astype(jnp.int32)
    resid = jnp.pad(residual[:, 0], (0, N_PAD - N))
    dpad = jnp.pad(d[:, 0], (0, N_PAD - N)).reshape(N_PAD // 128, 128)
    partial = _spmv_sc(ei, matrix_values.astype(jnp.float32), resid)
    p3 = partial.reshape(NC, N_PAD // 128, 128)
    return _loss_tc(p3, dpad)[0, 0]

# --- scband reference (transcript-rebuilt; emitter-appended) ---
"""Pipeline reference for scband-nif-loss-82978768159389 (READ-ONLY COPY).

The authoritative reference and input builder live on the scoring server;
editing this copy changes nothing except your own understanding.
"""

import jax, jax.numpy as jnp
import numpy as np

N_NODES = 100000
N_EDGES = 3200000
EPS = 1e-06
SQR_OUT = True
BATCH_LESS = True


def setup_inputs(seed: int = 0) -> dict:
    key = jax.random.key(seed)
    k1, k2, k3, k4, k5 = jax.random.split(key, 5)
    residual = jax.random.normal(k1, (N_NODES, 1), dtype=jnp.float32)
    edge_index = jax.random.randint(k2, (2, N_EDGES), 0, N_NODES, dtype=jnp.int64)
    matrix_values = jax.random.normal(k3, (N_EDGES,), dtype=jnp.float32)
    d = jax.random.normal(k4, (N_NODES, 1), dtype=jnp.float32)
    L_values = jax.random.normal(k5, (N_EDGES,), dtype=jnp.float32)
    return {"residual": residual, "edge_index": edge_index, "matrix_values": matrix_values, "d": d, "L_values": L_values}


def _graph_spmv(X, edge_index, A):
    # Ad[dst] += A[e] * X[src]  (sparse matrix-vector product over edge list)
    src = edge_index[0]
    dst = edge_index[1]
    msgs = A[:, None] * jnp.take(X, src, axis=0)
    return jax.ops.segment_sum(msgs, dst, num_segments=X.shape[0])


def _nif_loss(pred, gt, sqr_out=SQR_OUT, eps=EPS):
    gt_norms = jnp.linalg.norm(gt.reshape(-1))
    err_norms = jnp.linalg.norm((pred - gt).reshape(-1))
    if sqr_out:
        return err_norms ** 2 / (gt_norms ** 2 + eps)
    return err_norms / (gt_norms + eps)


def reference(residual, edge_index, matrix_values, d, L_values):
    # NifLoss.forward with batch_less=True: ptrs = [0, n_v], single segment
    n_v = residual.shape[0]
    Ad = _graph_spmv(residual, edge_index, matrix_values)
    d_sample = d[0:n_v]
    gt_sample = Ad[0:n_v]
    loss = _nif_loss(d_sample, gt_sample)
    bsize = 1
    return loss / bsize

if __name__ == "__main__":
    import jax
    _d = setup_inputs()
    print(jax.jit(kernel)(*tuple(_d.values())))

</pallas_src>

<mosaic_0001>
#map = affine_map<(d0, d1) -> (0, 0)>
#map1 = affine_map<(d0, d1) -> (0)>
module attributes {stable_mosaic.version = 14 : i64} {
  func.func @_spmv_body(%arg0: i32, %arg1: i32, %arg2: memref<2x3200000xi32, #tpu.memory_space<hbm>>, %arg3: memref<3200000xf32, #tpu.memory_space<hbm>>, %arg4: memref<102400xf32, #tpu.memory_space<hbm>>, %arg5: memref<2x102400xf32, #tpu.memory_space<hbm>>, %arg6: memref<2x6400xi32, #tpu.memory_space<vmem>>, %arg7: memref<2x6400xi32, #tpu.memory_space<vmem>>, %arg8: memref<6400xi32, #tpu.memory_space<vmem>>, %arg9: memref<6400xi32, #tpu.memory_space<vmem>>, %arg10: memref<6400xi32, #tpu.memory_space<vmem>>, %arg11: memref<6400xi32, #tpu.memory_space<vmem>>, %arg12: memref<6400xf32, #tpu.memory_space<vmem>>, %arg13: memref<6400xf32, #tpu.memory_space<vmem>>, %arg14: memref<6400xf32, #tpu.memory_space<vmem>>, %arg15: memref<6400xf32, #tpu.memory_space<vmem>>, %arg16: memref<6400xf32, #tpu.memory_space<vmem>>, %arg17: memref<102400xf32, #tpu.memory_space<vmem_shared>>, %arg18: memref<102400xf32, #tpu.memory_space<vmem_shared>>, %arg19: memref<5x2x!tpu.dma_semaphore, #tpu.memory_space<semaphore_mem>>) attributes {dimension_semantics = [#tpu.dimension_semantics<core_parallel>, #tpu.dimension_semantics<subcore_parallel>], iteration_bounds = array<i64: 2, 16>, scalar_prefetch = 0 : i64, scratch_operands = 14 : i64, tpu.core_type = #tpu.core_type<sc_vector_subcore>, window_params = [{transform_indices = #map}, {transform_indices = #map1}, {transform_indices = #map1}, {transform_indices = #map}]} {
    %mul3A = arith.constant 16 : i32
    %mul3A_0 = arith.muli %arg0, %mul3A : i32
    %add3A = arith.addi %mul3A_0, %arg1 : i32
    %add3A_1 = arith.constant 0 : i32
    %add3A_2 = arith.addi %add3A, %add3A_1 : i32
    %mul3A_3 = arith.constant 6400 : i32
    %mul3A_4 = arith.muli %add3A_2, %mul3A_3 : i32
    %multiple_of3A = tpu.assume_multiple %mul3A_4, 128 : i32
    %dma_start3A = arith.constant 0 : i32
    %dma_start3A_5 = arith.constant 0 : i32
    %dma_start3A_6 = arith.constant 0 : i32
    %dma_start3A_7 = tpu.memref_slice %arg2[%dma_start3A_6, %multiple_of3A] : memref<2x3200000xi32, #tpu.memory_space<hbm>> -> memref<2x6400xi32, #tpu.memory_space<hbm>>
    %dma_start3A_8 = tpu.memref_slice %arg19[%dma_start3A, %dma_start3A_5] : memref<5x2x!tpu.dma_semaphore, #tpu.memory_space<semaphore_mem>> -> memref<1x1x!tpu.dma_semaphore, #tpu.memory_space<semaphore_mem>>
    %dma_start3A_9 = tpu.memref_squeeze %dma_start3A_8 : memref<1x1x!tpu.dma_semaphore, #tpu.memory_space<semaphore_mem>> -> memref<!tpu.dma_semaphore, #tpu.memory_space<semaphore_mem>>
    %dma_start3A_10 = arith.constant 0 : i32
    %dma_start3A_11 = tpu.memref_slice %arg2[%dma_start3A_10, %multiple_of3A] : memref<2x3200000xi32, #tpu.memory_space<hbm>> -> memref<2x6400xi32, #tpu.memory_space<hbm>>
    tpu.enqueue_dma source(%dma_start3A_11 : memref<2x6400xi32, #tpu.memory_space<hbm>>) target(%arg6 : memref<2x6400xi32, #tpu.memory_space<vmem>>) target_semaphore(%dma_start3A_9 : memref<!tpu.dma_semaphore, #tpu.memory_space<semaphore_mem>>)
    %dma_start3A_12 = arith.constant 2 : i32
    %dma_start3A_13 = arith.constant 0 : i32
    %dma_start3A_14 = tpu.memref_slice %arg3[%multiple_of3A] : memref<3200000xf32, #tpu.memory_space<hbm>> -> memref<6400xf32, #tpu.memory_space<hbm>>
    %dma_start3A_15 = tpu.memref_slice %arg19[%dma_start3A_12, %dma_start3A_13] : memref<5x2x!tpu.dma_semaphore, #tpu.memory_space<semaphore_mem>> -> memref<1x1x!tpu.dma_semaphore, #tpu.memory_space<semaphore_mem>>
    %dma_start3A_16 = tpu.memref_squeeze %dma_start3A_15 : memref<1x1x!tpu.dma_semaphore, #tpu.memory_space<semaphore_mem>> -> memref<!tpu.dma_semaphore, #tpu.memory_space<semaphore_mem>>
    %dma_start3A_17 = tpu.memref_slice %arg3[%multiple_of3A] : memref<3200000xf32, #tpu.memory_space<hbm>> -> memref<6400xf32, #tpu.memory_space<hbm>>
    tpu.enqueue_dma source(%dma_start3A_17 : memref<6400xf32, #tpu.memory_space<hbm>>) target(%arg12 : memref<6400xf32, #tpu.memory_space<vmem>>) target_semaphore(%dma_start3A_16 : memref<!tpu.dma_semaphore, #tpu.memory_space<semaphore_mem>>)
    %add3A_18 = arith.constant 32 : i32
    %add3A_19 = arith.addi %add3A, %add3A_18 : i32
    %mul3A_20 = arith.constant 6400 : i32
    %mul3A_21 = arith.muli %add3A_19, %mul3A_20 : i32
    %multiple_of3A_22 = tpu.assume_multiple %mul3A_21, 128 : i32
    %dma_start3A_23 = arith.constant 0 : i32
    %dma_start3A_24 = arith.constant 1 : i32
    %dma_start3A_25 = arith.constant 0 : i32
    %dma_start3A_26 = tpu.memref_slice %arg2[%dma_start3A_25, %multiple_of3A_22] : memref<2x3200000xi32, #tpu.memory_space<hbm>> -> memref<2x6400xi32, #tpu.memory_space<hbm>>
    %dma_start3A_27 = tpu.memref_slice %arg19[%dma_start3A_23, %dma_start3A_24] : memref<5x2x!tpu.dma_semaphore, #tpu.memory_space<semaphore_mem>> -> memref<1x1x!tpu.dma_semaphore, #tpu.memory_space<semaphore_mem>>
    %dma_start3A_28 = tpu.memref_squeeze %dma_start3A_27 : memref<1x1x!tpu.dma_semaphore, #tpu.memory_space<semaphore_mem>> -> memref<!tpu.dma_semaphore, #tpu.memory_space<semaphore_mem>>
    %dma_start3A_29 = arith.constant 0 : i32
    %dma_start3A_30 = tpu.memref_slice %arg2[%dma_start3A_29, %multiple_of3A_22] : memref<2x3200000xi32, #tpu.memory_space<hbm>> -> memref<2x6400xi32, #tpu.memory_space<hbm>>
    tpu.enqueue_dma source(%dma_start3A_30 : memref<2x6400xi32, #tpu.memory_space<hbm>>) target(%arg7 : memref<2x6400xi32, #tpu.memory_space<vmem>>) target_semaphore(%dma_start3A_28 : memref<!tpu.dma_semaphore, #tpu.memory_space<semaphore_mem>>)
    %dma_start3A_31 = arith.constant 2 : i32
    %dma_start3A_32 = arith.constant 1 : i32
    %dma_start3A_33 = tpu.memref_slice %arg3[%multiple_of3A_22] : memref<3200000xf32, #tpu.memory_space<hbm>> -> memref<6400xf32, #tpu.memory_space<hbm>>
    %dma_start3A_34 = tpu.memref_slice %arg19[%dma_start3A_31, %dma_start3A_32] : memref<5x2x!tpu.dma_semaphore, #tpu.memory_space<semaphore_mem>> -> memref<1x1x!tpu.dma_semaphore, #tpu.memory_space<semaphore_mem>>
    %dma_start3A_35 = tpu.memref_squeeze %dma_start3A_34 : memref<1x1x!tpu.dma_semaphore, #tpu.memory_space<semaphore_mem>> -> memref<!tpu.dma_semaphore, #tpu.memory_space<semaphore_mem>>
    %dma_start3A_36 = tpu.memref_slice %arg3[%multiple_of3A_22] : memref<3200000xf32, #tpu.memory_space<hbm>> -> memref<6400xf32, #tpu.memory_space<hbm>>
    tpu.enqueue_dma source(%dma_start3A_36 : memref<6400xf32, #tpu.memory_space<hbm>>) target(%arg13 : memref<6400xf32, #tpu.memory_space<vmem>>) target_semaphore(%dma_start3A_35 : memref<!tpu.dma_semaphore, #tpu.memory_space<semaphore_mem>>)
    %mul3A_37 = arith.constant 6400 : i32
    %mul3A_38 = arith.muli %arg1, %mul3A_37 : i32
    %multiple_of3A_39 = tpu.assume_multiple %mul3A_38, 8 : i32
    "tpu.region"() ({
      %run_scoped3A = tpu.sem_alloc : memref<!tpu.dma_semaphore, #tpu.memory_space<semaphore_mem>>
      %dma_start3A_1098 = tpu.memref_slice %arg4[%multiple_of3A_39] : memref<102400xf32, #tpu.memory_space<hbm>> -> memref<6400xf32, #tpu.memory_space<hbm>>
      %dma_start3A_1099 = tpu.memref_slice %arg4[%multiple_of3A_39] : memref<102400xf32, #tpu.memory_space<hbm>> -> memref<6400xf32, #tpu.memory_space<hbm>>
      tpu.enqueue_dma source(%dma_start3A_1099 : memref<6400xf32, #tpu.memory_space<hbm>>) target(%arg16 : memref<6400xf32, #tpu.memory_space<vmem>>) target_semaphore(%run_scoped3A : memref<!tpu.dma_semaphore, #tpu.memory_space<semaphore_mem>>)
      %dma_wait3A_1100 = tpu.memref_slice %arg4[%multiple_of3A_39] : memref<102400xf32, #tpu.memory_space<hbm>> -> memref<6400xf32, #tpu.memory_space<hbm>>
      %dma_wait3A_1101 = tpu.memref_slice %arg4[%multiple_of3A_39] : memref<102400xf32, #tpu.memory_space<hbm>> -> memref<6400xf32, #tpu.memory_space<hbm>>
      tpu.wait_dma2 semaphore(%run_scoped3A : memref<!tpu.dma_semaphore, #tpu.memory_space<semaphore_mem>>) src(%dma_wait3A_1101 : memref<6400xf32, #tpu.memory_space<hbm>>) dst(%arg16 : memref<6400xf32, #tpu.memory_space<vmem>>)
      tpu.yield
    }) : () -> ()
    "tpu.region"() ({
      %run_scoped3A = tpu.sem_alloc : memref<!tpu.dma_semaphore, #tpu.memory_space<semaphore_mem>>
      %dma_start3A_1098 = tpu.memref_slice %arg17[%multiple_of3A_39] : memref<102400xf32, #tpu.memory_space<vmem_shared>> -> memref<6400xf32, #tpu.memory_space<vmem_shared>>
      %dma_start3A_1099 = tpu.memref_slice %arg17[%multiple_of3A_39] : memref<102400xf32, #tpu.memory_space<vmem_shared>> -> memref<6400xf32, #tpu.memory_space<vmem_shared>>
      tpu.enqueue_dma source(%arg16 : memref<6400xf32, #tpu.memory_space<vmem>>) target(%dma_start3A_1099 : memref<6400xf32, #tpu.memory_space<vmem_shared>>) target_semaphore(%run_scoped3A : memref<!tpu.dma_semaphore, #tpu.memory_space<semaphore_mem>>)
      %dma_wait3A_1100 = tpu.memref_slice %arg17[%multiple_of3A_39] : memref<102400xf32, #tpu.memory_space<vmem_shared>> -> memref<6400xf32, #tpu.memory_space<vmem_shared>>
      %dma_wait3A_1101 = tpu.memref_slice %arg17[%multiple_of3A_39] : memref<102400xf32, #tpu.memory_space<vmem_shared>> -> memref<6400xf32, #tpu.memory_space<vmem_shared>>
      tpu.wait_dma2 semaphore(%run_scoped3A : memref<!tpu.dma_semaphore, #tpu.memory_space<semaphore_mem>>) src(%arg16 : memref<6400xf32, #tpu.memory_space<vmem>>) dst(%dma_wait3A_1101 : memref<6400xf32, #tpu.memory_space<vmem_shared>>)
      tpu.yield
    }) : () -> ()
    %parallel_loop3A = arith.constant 0 : i32
    %parallel_loop3A_40 = arith.constant 6400 : i32
    %parallel_loop3A_41 = arith.constant 16 : i32
    scf.for %parallel_loop3A_1098 = %parallel_loop3A to %parallel_loop3A_40 step %parallel_loop3A_41  : i32 {
      %parallel_loop3A_1099 = arith.constant 0.000000e+00 : f32
      %parallel_loop3A_1100 = vector.broadcast %parallel_loop3A_1099 : f32 to vector<16xf32>
      %parallel_loop3A_1101 = arith.index_cast %parallel_loop3A_1098 : i32 to index
      %parallel_loop3A_1102 = tpu.vector_load %arg16[%parallel_loop3A_1101] {strides = array<i32>} : memref<6400xf32, #tpu.memory_space<vmem>>, vector<16xf32>,
      %parallel_loop3A_1103 = vector.shape_cast %parallel_loop3A_1102 : vector<16xf32> to vector<16xf32>
      %parallel_loop3A_1104 = vector.shape_cast %parallel_loop3A_1100 : vector<16xf32> to vector<16xf32>
      tpu.vector_store %arg16[%parallel_loop3A_1101], %parallel_loop3A_1104 {strides = array<i32>} : memref<6400xf32, #tpu.memory_space<vmem>>, vector<16xf32>,
    } {sc.loop_unroll_factor = 1 : i64, sc.parallel_access}
    "tpu.region"() ({
      %run_scoped3A = tpu.sem_alloc : memref<!tpu.dma_semaphore, #tpu.memory_space<semaphore_mem>>
      %dma_start3A_1098 = tpu.memref_slice %arg18[%multiple_of3A_39] : memref<102400xf32, #tpu.memory_space<vmem_shared>> -> memref<6400xf32, #tpu.memory_space<vmem_shared>>
      %dma_start3A_1099 = tpu.memref_slice %arg18[%multiple_of3A_39] : memref<102400xf32, #tpu.memory_space<vmem_shared>> -> memref<6400xf32, #tpu.memory_space<vmem_shared>>
      tpu.enqueue_dma source(%arg16 : memref<6400xf32, #tpu.memory_space<vmem>>) target(%dma_start3A_1099 : memref<6400xf32, #tpu.memory_space<vmem_shared>>) target_semaphore(%run_scoped3A : memref<!tpu.dma_semaphore, #tpu.memory_space<semaphore_mem>>)
      %dma_wait3A_1100 = tpu.memref_slice %arg18[%multiple_of3A_39] : memref<102400xf32, #tpu.memory_space<vmem_shared>> -> memref<6400xf32, #tpu.memory_space<vmem_shared>>
      %dma_wait3A_1101 = tpu.memref_slice %arg18[%multiple_of3A_39] : memref<102400xf32, #tpu.memory_space<vmem_shared>> -> memref<6400xf32, #tpu.memory_space<vmem_shared>>
      tpu.wait_dma2 semaphore(%run_scoped3A : memref<!tpu.dma_semaphore, #tpu.memory_space<semaphore_mem>>) src(%arg16 : memref<6400xf32, #tpu.memory_space<vmem>>) dst(%dma_wait3A_1101 : memref<6400xf32, #tpu.memory_space<vmem_shared>>)
      tpu.yield
    }) : () -> ()
    %barrier3A = arith.constant 0 : index
    tpu.barrier barrier_id(%barrier3A)
    %dma_wait3A = arith.constant 0 : i32
    %dma_wait3A_42 = arith.constant 0 : i32
    %dma_wait3A_43 = arith.constant 0 : i32
    %dma_wait3A_44 = tpu.memref_slice %arg2[%dma_wait3A_43, %multiple_of3A] : memref<2x3200000xi32, #tpu.memory_space<hbm>> -> memref<2x6400xi32, #tpu.memory_space<hbm>>
    %dma_wait3A_45 = tpu.memref_slice %arg19[%dma_wait3A, %dma_wait3A_42] : memref<5x2x!tpu.dma_semaphore, #tpu.memory_space<semaphore_mem>> -> memref<1x1x!tpu.dma_semaphore, #tpu.memory_space<semaphore_mem>>
    %dma_wait3A_46 = tpu.memref_squeeze %dma_wait3A_45 : memref<1x1x!tpu.dma_semaphore, #tpu.memory_space<semaphore_mem>> -> memref<!tpu.dma_semaphore, #tpu.memory_space<semaphore_mem>>
    %dma_wait3A_47 = arith.constant 0 : i32
    %dma_wait3A_48 = tpu.memref_slice %arg2[%dma_wait3A_47, %multiple_of3A] : memref<2x3200000xi32, #tpu.memory_space<hbm>> -> memref<2x6400xi32, #tpu.memory_space<hbm>>
    tpu.wait_dma2 semaphore(%dma_wait3A_46 : memref<!tpu.dma_semaphore, #tpu.memory_space<semaphore_mem>>) src(%dma_wait3A_48 : memref<2x6400xi32, #tpu.memory_space<hbm>>) dst(%arg6 : memref<2x6400xi32, #tpu.memory_space<vmem>>)
    %dma_wait3A_49 = arith.constant 2 : i32
    %dma_wait3A_50 = arith.constant 0 : i32
    %dma_wait3A_51 = tpu.memref_slice %arg3[%multiple_of3A] : memref<3200000xf32, #tpu.memory_space<hbm>> -> memref<6400xf32, #tpu.memory_space<hbm>>
    %dma_wait3A_52 = tpu.memref_slice %arg19[%dma_wait3A_49, %dma_wait3A_50] : memref<5x2x!tpu.dma_semaphore, #tpu.memory_space<semaphore_mem>> -> memref<1x1x!tpu.dma_semaphore, #tpu.memory_space<semaphore_mem>>
    %dma_wait3A_53 = tpu.memref_squeeze %dma_wait3A_52 : memref<1x1x!tpu.dma_semaphore, #tpu.memory_space<semaphore_mem>> -> memref<!tpu.dma_semaphore, #tpu.memory_space<semaphore_mem>>
    %dma_wait3A_54 = tpu.memref_slice %arg3[%multiple_of3A] : memref<3200000xf32, #tpu.memory_space<hbm>> -> memref<6400xf32, #tpu.memory_space<hbm>>
    tpu.wait_dma2 semaphore(%dma_wait3A_53 : memref<!tpu.dma_semaphore, #tpu.memory_space<semaphore_mem>>) src(%dma_wait3A_54 : memref<6400xf32, #tpu.memory_space<hbm>>) dst(%arg12 : memref<6400xf32, #tpu.memory_space<vmem>>)
    %parallel_loop3A_55 = arith.constant 0 : i32
    %parallel_loop3A_56 = arith.constant 6400 : i32
    %parallel_loop3A_57 = arith.constant 16 : i32
    scf.for %parallel_loop3A_1098 = %parallel_loop3A_55 to %parallel_loop3A_56 step %parallel_loop3A_57  : i32 {
      %parallel_loop3A_1099 = arith.constant 0 : i32
      %parallel_loop3A_1100 = arith.index_cast %parallel_loop3A_1099 : i32 to index
      %parallel_loop3A_1101 = arith.index_cast %parallel_loop3A_1098 : i32 to index
      %parallel_loop3A_1102 = tpu.vector_load %arg6[%parallel_loop3A_1100, %parallel_loop3A_1101] {strides = array<i32>} : memref<2x6400xi32, #tpu.memory_space<vmem>>, vector<1x16xi32>,
      %parallel_loop3A_1103 = vector.shape_cast %parallel_loop3A_1102 : vector<1x16xi32> to vector<16xi32>
      %parallel_loop3A_1104 = arith.index_cast %parallel_loop3A_1098 : i32 to index
      %parallel_loop3A_1105 = tpu.vector_load %arg8[%parallel_loop3A_1104] {strides = array<i32>} : memref<6400xi32, #tpu.memory_space<vmem>>, vector<16xi32>,
      %parallel_loop3A_1106 = vector.shape_cast %parallel_loop3A_1105 : vector<16xi32> to vector<16xi32>
      %parallel_loop3A_1107 = vector.shape_cast %parallel_loop3A_1103 : vector<16xi32> to vector<16xi32>
      tpu.vector_store %arg8[%parallel_loop3A_1104], %parallel_loop3A_1107 {strides = array<i32>} : memref<6400xi32, #tpu.memory_space<vmem>>, vector<16xi32>,
      %parallel_loop3A_1108 = arith.constant 1 : i32
      %parallel_loop3A_1109 = arith.index_cast %parallel_loop3A_1108 : i32 to index
      %parallel_loop3A_1110 = arith.index_cast %parallel_loop3A_1098 : i32 to index
      %parallel_loop3A_1111 = tpu.vector_load %arg6[%parallel_loop3A_1109, %parallel_loop3A_1110] {strides = array<i32>} : memref<2x6400xi32, #tpu.memory_space<vmem>>, vector<1x16xi32>,
      %parallel_loop3A_1112 = vector.shape_cast %parallel_loop3A_1111 : vector<1x16xi32> to vector<16xi32>
      %parallel_loop3A_1113 = arith.index_cast %parallel_loop3A_1098 : i32 to index
      %parallel_loop3A_1114 = tpu.vector_load %arg10[%parallel_loop3A_1113] {strides = array<i32>} : memref<6400xi32, #tpu.memory_space<vmem>>, vector<16xi32>,
      %parallel_loop3A_1115 = vector.shape_cast %parallel_loop3A_1114 : vector<16xi32> to vector<16xi32>
      %parallel_loop3A_1116 = vector.shape_cast %parallel_loop3A_1112 : vector<16xi32> to vector<16xi32>
      tpu.vector_store %arg10[%parallel_loop3A_1113], %parallel_loop3A_1116 {strides = array<i32>} : memref<6400xi32, #tpu.memory_space<vmem>>, vector<16xi32>,
    } {sc.loop_unroll_factor = 8 : i64, sc.parallel_access}
    %dma_start3A_58 = arith.constant 3 : i32
    %dma_start3A_59 = arith.constant 0 : i32
    %dma_start3A_60 = arith.constant 0 : i32
    %dma_start3A_61 = tpu.memref_slice %arg17[%dma_start3A_60] : memref<102400xf32, #tpu.memory_space<vmem_shared>> -> memref<102400xf32, #tpu.memory_space<vmem_shared>>
    %dma_start3A_62 = tpu.memref_slice %arg19[%dma_start3A_58, %dma_start3A_59] : memref<5x2x!tpu.dma_semaphore, #tpu.memory_space<semaphore_mem>> -> memref<1x1x!tpu.dma_semaphore, #tpu.memory_space<semaphore_mem>>
    %dma_start3A_63 = tpu.memref_squeeze %dma_start3A_62 : memref<1x1x!tpu.dma_semaphore, #tpu.memory_space<semaphore_mem>> -> memref<!tpu.dma_semaphore, #tpu.memory_space<semaphore_mem>>
    tpu.enqueue_indirect_dma source(%dma_start3A_61 : memref<102400xf32, #tpu.memory_space<vmem_shared>>) target(%arg14 : memref<6400xf32, #tpu.memory_space<vmem>>) offsets(%arg8 : memref<6400xi32, #tpu.memory_space<vmem>>) semaphore(%dma_start3A_63 : memref<!tpu.dma_semaphore, #tpu.memory_space<semaphore_mem>>)
    %dma_wait3A_64 = arith.constant 3 : i32
    %dma_wait3A_65 = arith.constant 0 : i32
    %dma_wait3A_66 = arith.constant 0 : i32
    %dma_wait3A_67 = tpu.memref_slice %arg17[%dma_wait3A_66] : memref<102400xf32, #tpu.memory_space<vmem_shared>> -> memref<102400xf32, #tpu.memory_space<vmem_shared>>
    %dma_wait3A_68 = tpu.memref_slice %arg19[%dma_wait3A_64, %dma_wait3A_65] : memref<5x2x!tpu.dma_semaphore, #tpu.memory_space<semaphore_mem>> -> memref<1x1x!tpu.dma_semaphore, #tpu.memory_space<semaphore_mem>>
    %dma_wait3A_69 = tpu.memref_squeeze %dma_wait3A_68 : memref<1x1x!tpu.dma_semaphore, #tpu.memory_space<semaphore_mem>> -> memref<!tpu.dma_semaphore, #tpu.memory_space<semaphore_mem>>
    tpu.wait_indirect_dma semaphore(%dma_wait3A_69 : memref<!tpu.dma_semaphore, #tpu.memory_space<semaphore_mem>>) src(%dma_wait3A_67 : memref<102400xf32, #tpu.memory_space<vmem_shared>>) dst(%arg14 : memref<6400xf32, #tpu.memory_space<vmem>>)
    %add3A_70 = arith.constant 0 : i32
    %add3A_71 = arith.addi %add3A, %add3A_70 : i32
    %mul3A_72 = arith.constant 6400 : i32
    %mul3A_73 = arith.muli %add3A_71, %mul3A_72 : i32
    %multiple_of3A_74 = tpu.assume_multiple %mul3A_73, 128 : i32
    %parallel_loop3A_75 = arith.constant 0 : i32
    %parallel_loop3A_76 = arith.constant 6400 : i32
    %parallel_loop3A_77 = arith.constant 16 : i32
    scf.for %parallel_loop3A_1098 = %parallel_loop3A_75 to %parallel_loop3A_76 step %parallel_loop3A_77  : i32 {
      %parallel_loop3A_1099 = arith.index_cast %parallel_loop3A_1098 : i32 to index
      %parallel_loop3A_1100 = tpu.vector_load %arg14[%parallel_loop3A_1099] {strides = array<i32>} : memref<6400xf32, #tpu.memory_space<vmem>>, vector<16xf32>,
      %parallel_loop3A_1101 = vector.shape_cast %parallel_loop3A_1100 : vector<16xf32> to vector<16xf32>
      %parallel_loop3A_1102 = arith.index_cast %parallel_loop3A_1098 : i32 to index
      %parallel_loop3A_1103 = tpu.vector_load %arg12[%parallel_loop3A_1102] {strides = array<i32>} : memref<6400xf32, #tpu.memory_space<vmem>>, vector<16xf32>,
      %parallel_loop3A_1104 = vector.shape_cast %parallel_loop3A_1103 : vector<16xf32> to vector<16xf32>
      %parallel_loop3A_1105 = arith.mulf %parallel_loop3A_1101, %parallel_loop3A_1104 : vector<16xf32>
      %parallel_loop3A_1106 = arith.index_cast %parallel_loop3A_1098 : i32 to index
      %parallel_loop3A_1107 = tpu.vector_load %arg14[%parallel_loop3A_1106] {strides = array<i32>} : memref<6400xf32, #tpu.memory_space<vmem>>, vector<16xf32>,
      %parallel_loop3A_1108 = vector.shape_cast %parallel_loop3A_1107 : vector<16xf32> to vector<16xf32>
      %parallel_loop3A_1109 = vector.shape_cast %parallel_loop3A_1105 : vector<16xf32> to vector<16xf32>
      tpu.vector_store %arg14[%parallel_loop3A_1106], %parallel_loop3A_1109 {strides = array<i32>} : memref<6400xf32, #tpu.memory_space<vmem>>, vector<16xf32>,
    } {sc.loop_unroll_factor = 8 : i64, sc.parallel_access}
    %dma_start3A_78 = arith.constant 4 : i32
    %dma_start3A_79 = arith.constant 0 : i32
    %dma_start3A_80 = arith.constant 0 : i32
    %dma_start3A_81 = tpu.memref_slice %arg18[%dma_start3A_80] : memref<102400xf32, #tpu.memory_space<vmem_shared>> -> memref<102400xf32, #tpu.memory_space<vmem_shared>>
    %dma_start3A_82 = tpu.memref_slice %arg19[%dma_start3A_78, %dma_start3A_79] : memref<5x2x!tpu.dma_semaphore, #tpu.memory_space<semaphore_mem>> -> memref<1x1x!tpu.dma_semaphore, #tpu.memory_space<semaphore_mem>>
    %dma_start3A_83 = tpu.memref_squeeze %dma_start3A_82 : memref<1x1x!tpu.dma_semaphore, #tpu.memory_space<semaphore_mem>> -> memref<!tpu.dma_semaphore, #tpu.memory_space<semaphore_mem>>
    tpu.enqueue_indirect_dma source(%arg14 : memref<6400xf32, #tpu.memory_space<vmem>>) target(%dma_start3A_81 : memref<102400xf32, #tpu.memory_space<vmem_shared>>) offsets(%arg10 : memref<6400xi32, #tpu.memory_space<vmem>>) semaphore(%dma_start3A_83 : memref<!tpu.dma_semaphore, #tpu.memory_space<semaphore_mem>>) {add = true}
    %dma_wait3A_84 = arith.constant 0 : i32
    %dma_wait3A_85 = arith.constant 1 : i32
    %dma_wait3A_86 = arith.constant 0 : i32
    %dma_wait3A_87 = tpu.memref_slice %arg2[%dma_wait3A_86, %multiple_of3A_22] : memref<2x3200000xi32, #tpu.memory_space<hbm>> -> memref<2x6400xi32, #tpu.memory_space<hbm>>
    %dma_wait3A_88 = tpu.memref_slice %arg19[%dma_wait3A_84, %dma_wait3A_85] : memref<5x2x!tpu.dma_semaphore, #tpu.memory_space<semaphore_mem>> -> memref<1x1x!tpu.dma_semaphore, #tpu.memory_space<semaphore_mem>>
    %dma_wait3A_89 = tpu.memref_squeeze %dma_wait3A_88 : memref<1x1x!tpu.dma_semaphore, #tpu.memory_space<semaphore_mem>> -> memref<!tpu.dma_semaphore, #tpu.memory_space<semaphore_mem>>
    %dma_wait3A_90 = arith.constant 0 : i32
    %dma_wait3A_91 = tpu.memref_slice %arg2[%dma_wait3A_90, %multiple_of3A_22] : memref<2x3200000xi32, #tpu.memory_space<hbm>> -> memref<2x6400xi32, #tpu.memory_space<hbm>>
    tpu.wait_dma2 semaphore(%dma_wait3A_89 : memref<!tpu.dma_semaphore, #tpu.memory_space<semaphore_mem>>) src(%dma_wait3A_91 : memref<2x6400xi32, #tpu.memory_space<hbm>>) dst(%arg7 : memref<2x6400xi32, #tpu.memory_space<vmem>>)
    %dma_wait3A_92 = arith.constant 2 : i32
    %dma_wait3A_93 = arith.constant 1 : i32
    %dma_wait3A_94 = tpu.memref_slice %arg3[%multiple_of3A_22] : memref<3200000xf32, #tpu.memory_space<hbm>> -> memref<6400xf32, #tpu.memory_space<hbm>>
    %dma_wait3A_95 = tpu.memref_slice %arg19[%dma_wait3A_92, %dma_wait3A_93] : memref<5x2x!tpu.dma_semaphore, #tpu.memory_space<semaphore_mem>> -> memref<1x1x!tpu.dma_semaphore, #tpu.memory_space<semaphore_mem>>
    %dma_wait3A_96 = tpu.memref_squeeze %dma_wait3A_95 : memref<1x1x!tpu.dma_semaphore, #tpu.memory_space<semaphore_mem>> -> memref<!tpu.dma_semaphore, #tpu.memory_space<semaphore_mem>>
    %dma_wait3A_97 = tpu.memref_slice %arg3[%multiple_of3A_22] : memref<3200000xf32, #tpu.memory_space<hbm>> -> memref<6400xf32, #tpu.memory_space<hbm>>
    tpu.wait_dma2 semaphore(%dma_wait3A_96 : memref<!tpu.dma_semaphore, #tpu.memory_space<semaphore_mem>>) src(%dma_wait3A_97 : memref<6400xf32, #tpu.memory_space<hbm>>) dst(%arg13 : memref<6400xf32, #tpu.memory_space<vmem>>)
    %parallel_loop3A_98 = arith.constant 0 : i32
    %parallel_loop3A_99 = arith.constant 6400 : i32
    %parallel_loop3A_100 = arith.constant 16 : i32
    scf.for %parallel_loop3A_1098 = %parallel_loop3A_98 to %parallel_loop3A_99 step %parallel_loop3A_100  : i32 {
      %parallel_loop3A_1099 = arith.constant 0 : i32
      %parallel_loop3A_1100 = arith.index_cast %parallel_loop3A_1099 : i32 to index
      %parallel_loop3A_1101 = arith.index_cast %parallel_loop3A_1098 : i32 to index
      %parallel_loop3A_1102 = tpu.vector_load %arg7[%parallel_loop3A_1100, %parallel_loop3A_1101] {strides = array<i32>} : memref<2x6400xi32, #tpu.memory_space<vmem>>, vector<1x16xi32>,
      %parallel_loop3A_1103 = vector.shape_cast %parallel_loop3A_1102 : vector<1x16xi32> to vector<16xi32>
      %parallel_loop3A_1104 = arith.index_cast %parallel_loop3A_1098 : i32 to index
      %parallel_loop3A_1105 = tpu.vector_load %arg9[%parallel_loop3A_1104] {strides = array<i32>} : memref<6400xi32, #tpu.memory_space<vmem>>, vector<16xi32>,
      %parallel_loop3A_1106 = vector.shape_cast %parallel_loop3A_1105 : vector<16xi32> to vector<16xi32>
      %parallel_loop3A_1107 = vector.shape_cast %parallel_loop3A_1103 : vector<16xi32> to vector<16xi32>
      tpu.vector_store %arg9[%parallel_loop3A_1104], %parallel_loop3A_1107 {strides = array<i32>} : memref<6400xi32, #tpu.memory_space<vmem>>, vector<16xi32>,
      %parallel_loop3A_1108 = arith.constant 1 : i32
      %parallel_loop3A_1109 = arith.index_cast %parallel_loop3A_1108 : i32 to index
      %parallel_loop3A_1110 = arith.index_cast %parallel_loop3A_1098 : i32 to index
      %parallel_loop3A_1111 = tpu.vector_load %arg7[%parallel_loop3A_1109, %parallel_loop3A_1110] {strides = array<i32>} : memref<2x6400xi32, #tpu.memory_space<vmem>>, vector<1x16xi32>,
      %parallel_loop3A_1112 = vector.shape_cast %parallel_loop3A_1111 : vector<1x16xi32> to vector<16xi32>
      %parallel_loop3A_1113 = arith.index_cast %parallel_loop3A_1098 : i32 to index
      %parallel_loop3A_1114 = tpu.vector_load %arg11[%parallel_loop3A_1113] {strides = array<i32>} : memref<6400xi32, #tpu.memory_space<vmem>>, vector<16xi32>,
      %parallel_loop3A_1115 = vector.shape_cast %parallel_loop3A_1114 : vector<16xi32> to vector<16xi32>
      %parallel_loop3A_1116 = vector.shape_cast %parallel_loop3A_1112 : vector<16xi32> to vector<16xi32>
      tpu.vector_store %arg11[%parallel_loop3A_1113], %parallel_loop3A_1116 {strides = array<i32>} : memref<6400xi32, #tpu.memory_space<vmem>>, vector<16xi32>,
    } {sc.loop_unroll_factor = 8 : i64, sc.parallel_access}
    %dma_start3A_101 = arith.constant 3 : i32
    %dma_start3A_102 = arith.constant 1 : i32
    %dma_start3A_103 = arith.constant 0 : i32
    %dma_start3A_104 = tpu.memref_slice %arg17[%dma_start3A_103] : memref<102400xf32, #tpu.memory_space<vmem_shared>> -> memref<102400xf32, #tpu.memory_space<vmem_shared>>
    %dma_start3A_105 = tpu.memref_slice %arg19[%dma_start3A_101, %dma_start3A_102] : memref<5x2x!tpu.dma_semaphore, #tpu.memory_space<semaphore_mem>> -> memref<1x1x!tpu.dma_semaphore, #tpu.memory_space<semaphore_mem>>
    %dma_start3A_106 = tpu.memref_squeeze %dma_start3A_105 : memref<1x1x!tpu.dma_semaphore, #tpu.memory_space<semaphore_mem>> -> memref<!tpu.dma_semaphore, #tpu.memory_space<semaphore_mem>>
    tpu.enqueue_indirect_dma source(%dma_start3A_104 : memref<102400xf32, #tpu.memory_space<vmem_shared>>) target(%arg15 : memref<6400xf32, #tpu.memory_space<vmem>>) offsets(%arg9 : memref<6400xi32, #tpu.memory_space<vmem>>) semaphore(%dma_start3A_106 : memref<!tpu.dma_semaphore, #tpu.memory_space<semaphore_mem>>)
    %dma_wait3A_107 = arith.constant 4 : i32
    %dma_wait3A_108 = arith.constant 0 : i32
    %dma_wait3A_109 = arith.constant 0 : i32
    %dma_wait3A_110 = tpu.memref_slice %arg18[%dma_wait3A_109] : memref<102400xf32, #tpu.memory_space<vmem_shared>> -> memref<102400xf32, #tpu.memory_space<vmem_shared>>
    %dma_wait3A_111 = tpu.memref_slice %arg19[%dma_wait3A_107, %dma_wait3A_108] : memref<5x2x!tpu.dma_semaphore, #tpu.memory_space<semaphore_mem>> -> memref<1x1x!tpu.dma_semaphore, #tpu.memory_space<semaphore_mem>>
    %dma_wait3A_112 = tpu.memref_squeeze %dma_wait3A_111 : memref<1x1x!tpu.dma_semaphore, #tpu.memory_space<semaphore_mem>> -> memref<!tpu.dma_semaphore, #tpu.memory_space<semaphore_mem>>
    tpu.wait_indirect_dma semaphore(%dma_wait3A_112 : memref<!tpu.dma_semaphore, #tpu.memory_space<semaphore_mem>>) src(%arg14 : memref<6400xf32, #tpu.memory_space<vmem>>) dst(%dma_wait3A_110 : memref<102400xf32, #tpu.memory_space<vmem_shared>>)
    %add3A_113 = arith.constant 64 : i32
    %add3A_114 = arith.addi %add3A, %add3A_113 : i32
    %mul3A_115 = arith.constant 6400 : i32
    %mul3A_116 = arith.muli %add3A_114, %mul3A_115 : i32
    %multiple_of3A_117 = tpu.assume_multiple %mul3A_116, 128 : i32
    %dma_start3A_118 = arith.constant 0 : i32
    %dma_start3A_119 = arith.constant 0 : i32
    %dma_start3A_120 = arith.constant 0 : i32
    %dma_start3A_121 = tpu.memref_slice %arg2[%dma_start3A_120, %multiple_of3A_117] : memref<2x3200000xi32, #tpu.memory_space<hbm>> -> memref<2x6400xi32, #tpu.memory_space<hbm>>
    %dma_start3A_122 = tpu.memref_slice %arg19[%dma_start3A_118, %dma_start3A_119] : memref<5x2x!tpu.dma_semaphore, #tpu.memory_space<semaphore_mem>> -> memref<1x1x!tpu.dma_semaphore, #tpu.memory_space<semaphore_mem>>
    %dma_start3A_123 = tpu.memref_squeeze %dma_start3A_122 : memref<1x1x!tpu.dma_semaphore, #tpu.memory_space<semaphore_mem>> -> memref<!tpu.dma_semaphore, #tpu.memory_space<semaphore_mem>>
    %dma_start3A_124 = arith.constant 0 : i32
    %dma_start3A_125 = tpu.memref_slice %arg2[%dma_start3A_124, %multiple_of3A_117] : memref<2x3200000xi32, #tpu.memory_space<hbm>> -> memref<2x6400xi32, #tpu.memory_space<hbm>>
    tpu.enqueue_dma source(%dma_start3A_125 : memref<2x6400xi32, #tpu.memory_space<hbm>>) target(%arg6 : memref<2x6400xi32, #tpu.memory_space<vmem>>) target_semaphore(%dma_start3A_123 : memref<!tpu.dma_semaphore, #tpu.memory_space<semaphore_mem>>)
    %dma_start3A_126 = arith.constant 2 : i32
    %dma_start3A_127 = arith.constant 0 : i32
    %dma_start3A_128 = tpu.memref_slice %arg3[%multiple_of3A_117] : memref<3200000xf32, #tpu.memory_space<hbm>> -> memref<6400xf32, #tpu.memory_space<hbm>>
    %dma_start3A_129 = tpu.memref_slice %arg19[%dma_start3A_126, %dma_start3A_127] : memref<5x2x!tpu.dma_semaphore, #tpu.memory_space<semaphore_mem>> -> memref<1x1x!tpu.dma_semaphore, #tpu.memory_space<semaphore_mem>>
    %dma_start3A_130 = tpu.memref_squeeze %dma_start3A_129 : memref<1x1x!tpu.dma_semaphore, #tpu.memory_space<semaphore_mem>> -> memref<!tpu.dma_semaphore, #tpu.memory_space<semaphore_mem>>
    %dma_start3A_131 = tpu.memref_slice %arg3[%multiple_of3A_117] : memref<3200000xf32, #tpu.memory_space<hbm>> -> memref<6400xf32, #tpu.memory_space<hbm>>
    tpu.enqueue_dma source(%dma_start3A_131 : memref<6400xf32, #tpu.memory_space<hbm>>) target(%arg12 : memref<6400xf32, #tpu.memory_space<vmem>>) target_semaphore(%dma_start3A_130 : memref<!tpu.dma_semaphore, #tpu.memory_space<semaphore_mem>>)
    %dma_wait3A_132 = arith.constant 3 : i32
    %dma_wait3A_133 = arith.constant 1 : i32
    %dma_wait3A_134 = arith.constant 0 : i32
    %dma_wait3A_135 = tpu.memref_slice %arg17[%dma_wait3A_134] : memref<102400xf32, #tpu.memory_space<vmem_shared>> -> memref<102400xf32, #tpu.memory_space<vmem_shared>>
    %dma_wait3A_136 = tpu.memref_slice %arg19[%dma_wait3A_132, %dma_wait3A_133] : memref<5x2x!tpu.dma_semaphore, #tpu.memory_space<semaphore_mem>> -> memref<1x1x!tpu.dma_semaphore, #tpu.memory_space<semaphore_mem>>
    %dma_wait3A_137 = tpu.memref_squeeze %dma_wait3A_136 : memref<1x1x!tpu.dma_semaphore, #tpu.memory_space<semaphore_mem>> -> memref<!tpu.dma_semaphore, #tpu.memory_space<semaphore_mem>>
    tpu.wait_indirect_dma semaphore(%dma_wait3A_137 : memref<!tpu.dma_semaphore, #tpu.memory_space<semaphore_mem>>) src(%dma_wait3A_135 : memref<102400xf32, #tpu.memory_space<vmem_shared>>) dst(%arg15 : memref<6400xf32, #tpu.memory_space<vmem>>)
    %add3A_138 = arith.constant 32 : i32
    %add3A_139 = arith.addi %add3A, %add3A_138 : i32
    %mul3A_140 = arith.constant 6400 : i32
    %mul3A_141 = arith.muli %add3A_139, %mul3A_140 : i32
    %multiple_of3A_142 = tpu.assume_multiple %mul3A_141, 128 : i32
    %parallel_loop3A_143 = arith.constant 0 : i32
    %parallel_loop3A_144 = arith.constant 6400 : i32
    %parallel_loop3A_145 = arith.constant 16 : i32
    scf.for %parallel_loop3A_1098 = %parallel_loop3A_143 to %parallel_loop3A_144 step %parallel_loop3A_145  : i32 {
      %parallel_loop3A_1099 = arith.index_cast %parallel_loop3A_1098 : i32 to index
      %parallel_loop3A_1100 = tpu.vector_load %arg15[%parallel_loop3A_1099] {strides = array<i32>} : memref<6400xf32, #tpu.memory_space<vmem>>, vector<16xf32>,
      %parallel_loop3A_1101 = vector.shape_cast %parallel_loop3A_1100 : vector<16xf32> to vector<16xf32>
      %parallel_loop3A_1102 = arith.index_cast %parallel_loop3A_1098 : i32 to index
      %parallel_loop3A_1103 = tpu.vector_load %arg13[%parallel_loop3A_1102] {strides = array<i32>} : memref<6400xf32, #tpu.memory_space<vmem>>, vector<16xf32>,
      %parallel_loop3A_1104 = vector.shape_cast %parallel_loop3A_1103 : vector<16xf32> to vector<16xf32>
      %parallel_loop3A_1105 = arith.mulf %parallel_loop3A_1101, %parallel_loop3A_1104 : vector<16xf32>
      %parallel_loop3A_1106 = arith.index_cast %parallel_loop3A_1098 : i32 to index
      %parallel_loop3A_1107 = tpu.vector_load %arg15[%parallel_loop3A_1106] {strides = array<i32>} : memref<6400xf32, #tpu.memory_space<vmem>>, vector<16xf32>,
      %parallel_loop3A_1108 = vector.shape_cast %parallel_loop3A_1107 : vector<16xf32> to vector<16xf32>
      %parallel_loop3A_1109 = vector.shape_cast %parallel_loop3A_1105 : vector<16xf32> to vector<16xf32>
      tpu.vector_store %arg15[%parallel_loop3A_1106], %parallel_loop3A_1109 {strides = array<i32>} : memref<6400xf32, #tpu.memory_space<vmem>>, vector<16xf32>,
    } {sc.loop_unroll_factor = 8 : i64, sc.parallel_access}
    %dma_start3A_146 = arith.constant 4 : i32
    %dma_start3A_147 = arith.constant 1 : i32
    %dma_start3A_148 = arith.constant 0 : i32
    %dma_start3A_149 = tpu.memref_slice %arg18[%dma_start3A_148] : memref<102400xf32, #tpu.memory_space<vmem_shared>> -> memref<102400xf32, #tpu.memory_space<vmem_shared>>
    %dma_start3A_150 = tpu.memref_slice %arg19[%dma_start3A_146, %dma_start3A_147] : memref<5x2x!tpu.dma_semaphore, #tpu.memory_space<semaphore_mem>> -> memref<1x1x!tpu.dma_semaphore, #tpu.memory_space<semaphore_mem>>
    %dma_start3A_151 = tpu.memref_squeeze %dma_start3A_150 : memref<1x1x!tpu.dma_semaphore, #tpu.memory_space<semaphore_mem>> -> memref<!tpu.dma_semaphore, #tpu.memory_space<semaphore_mem>>
    tpu.enqueue_indirect_dma source(%arg15 : memref<6400xf32, #tpu.memory_space<vmem>>) target(%dma_start3A_149 : memref<102400xf32, #tpu.memory_space<vmem_shared>>) offsets(%arg11 : memref<6400xi32, #tpu.memory_space<vmem>>) semaphore(%dma_start3A_151 : memref<!tpu.dma_semaphore, #tpu.memory_space<semaphore_mem>>) {add = true}
    %dma_wait3A_152 = arith.constant 0 : i32
    %dma_wait3A_153 = arith.constant 0 : i32
    %dma_wait3A_154 = arith.constant 0 : i32
    %dma_wait3A_155 = tpu.memref_slice %arg2[%dma_wait3A_154, %multiple_of3A_117] : memref<2x3200000xi32, #tpu.memory_space<hbm>> -> memref<2x6400xi32, #tpu.memory_space<hbm>>
    %dma_wait3A_156 = tpu.memref_slice %arg19[%dma_wait3A_152, %dma_wait3A_153] : memref<5x2x!tpu.dma_semaphore, #tpu.memory_space<semaphore_mem>> -> memref<1x1x!tpu.dma_semaphore, #tpu.memory_space<semaphore_mem>>
    %dma_wait3A_157 = tpu.memref_squeeze %dma_wait3A_156 : memref<1x1x!tpu.dma_semaphore, #tpu.memory_space<semaphore_mem>> -> memref<!tpu.dma_semaphore, #tpu.memory_space<semaphore_mem>>
    %dma_wait3A_158 = arith.constant 0 : i32
    %dma_wait3A_159 = tpu.memref_slice %arg2[%dma_wait3A_158, %multiple_of3A_117] : memref<2x3200000xi32, #tpu.memory_space<hbm>> -> memref<2x6400xi32, #tpu.memory_space<hbm>>
    tpu.wait_dma2 semaphore(%dma_wait3A_157 : memref<!tpu.dma_semaphore, #tpu.memory_space<semaphore_mem>>) src(%dma_wait3A_159 : memref<2x6400xi32, #tpu.memory_space<hbm>>) dst(%arg6 : memref<2x6400xi32, #tpu.memory_space<vmem>>)
    %dma_wait3A_160 = arith.constant 2 : i32
    %dma_wait3A_161 = arith.constant 0 : i32
    %dma_wait3A_162 = tpu.memref_slice %arg3[%multiple_of3A_117] : memref<3200000xf32, #tpu.memory_space<hbm>> -> memref<6400xf32, #tpu.memory_space<hbm>>
    %dma_wait3A_163 = tpu.memref_slice %arg19[%dma_wait3A_160, %dma_wait3A_161] : memref<5x2x!tpu.dma_semaphore, #tpu.memory_space<semaphore_mem>> -> memref<1x1x!tpu.dma_semaphore, #tpu.memory_space<semaphore_mem>>
    %dma_wait3A_164 = tpu.memref_squeeze %dma_wait3A_163 : memref<1x1x!tpu.dma_semaphore, #tpu.memory_space<semaphore_mem>> -> memref<!tpu.dma_semaphore, #tpu.memory_space<semaphore_mem>>
    %dma_wait3A_165 = tpu.memref_slice %arg3[%multiple_of3A_117] : memref<3200000xf32, #tpu.memory_space<hbm>> -> memref<6400xf32, #tpu.memory_space<hbm>>
    tpu.wait_dma2 semaphore(%dma_wait3A_164 : memref<!tpu.dma_semaphore, #tpu.memory_space<semaphore_mem>>) src(%dma_wait3A_165 : memref<6400xf32, #tpu.memory_space<hbm>>) dst(%arg12 : memref<6400xf32, #tpu.memory_space<vmem>>)
    %parallel_loop3A_166 = arith.constant 0 : i32
    %parallel_loop3A_167 = arith.constant 6400 : i32
    %parallel_loop3A_168 = arith.constant 16 : i32
    scf.for %parallel_loop3A_1098 = %parallel_loop3A_166 to %parallel_loop3A_167 step %parallel_loop3A_168  : i32 {
      %parallel_loop3A_1099 = arith.constant 0 : i32
      %parallel_loop3A_1100 = arith.index_cast %parallel_loop3A_1099 : i32 to index
      %parallel_loop3A_1101 = arith.index_cast %parallel_loop3A_1098 : i32 to index
      %parallel_loop3A_1102 = tpu.vector_load %arg6[%parallel_loop3A_1100, %parallel_loop3A_1101] {strides = array<i32>} : memref<2x6400xi32, #tpu.memory_space<vmem>>, vector<1x16xi32>,
      %parallel_loop3A_1103 = vector.shape_cast %parallel_loop3A_1102 : vector<1x16xi32> to vector<16xi32>
      %parallel_loop3A_1104 = arith.index_cast %parallel_loop3A_1098 : i32 to index
      %parallel_loop3A_1105 = tpu.vector_load %arg8[%parallel_loop3A_1104] {strides = array<i32>} : memref<6400xi32, #tpu.memory_space<vmem>>, vector<16xi32>,
      %parallel_loop3A_1106 = vector.shape_cast %parallel_loop3A_1105 : vector<16xi32> to vector<16xi32>
      %parallel_loop3A_1107 = vector.shape_cast %parallel_loop3A_1103 : vector<16xi32> to vector<16xi32>
      tpu.vector_store %arg8[%parallel_loop3A_1104], %parallel_loop3A_1107 {strides = array<i32>} : memref<6400xi32, #tpu.memory_space<vmem>>, vector<16xi32>,
      %parallel_loop3A_1108 = arith.constant 1 : i32
      %parallel_loop3A_1109 = arith.index_cast %parallel_loop3A_1108 : i32 to index
      %parallel_loop3A_1110 = arith.index_cast %parallel_loop3A_1098 : i32 to index
      %parallel_loop3A_1111 = tpu.vector_load %arg6[%parallel_loop3A_1109, %parallel_loop3A_1110] {strides = array<i32>} : memref<2x6400xi32, #tpu.memory_space<vmem>>, vector<1x16xi32>,
      %parallel_loop3A_1112 = vector.shape_cast %parallel_loop3A_1111 : vector<1x16xi32> to vector<16xi32>
      %parallel_loop3A_1113 = arith.index_cast %parallel_loop3A_1098 : i32 to index
      %parallel_loop3A_1114 = tpu.vector_load %arg10[%parallel_loop3A_1113] {strides = array<i32>} : memref<6400xi32, #tpu.memory_space<vmem>>, vector<16xi32>,
      %parallel_loop3A_1115 = vector.shape_cast %parallel_loop3A_1114 : vector<16xi32> to vector<16xi32>
      %parallel_loop3A_1116 = vector.shape_cast %parallel_loop3A_1112 : vector<16xi32> to vector<16xi32>
      tpu.vector_store %arg10[%parallel_loop3A_1113], %parallel_loop3A_1116 {strides = array<i32>} : memref<6400xi32, #tpu.memory_space<vmem>>, vector<16xi32>,
    } {sc.loop_unroll_factor = 8 : i64, sc.parallel_access}
    %dma_start3A_169 = arith.constant 3 : i32
    %dma_start3A_170 = arith.constant 0 : i32
    %dma_start3A_171 = arith.constant 0 : i32
    %dma_start3A_172 = tpu.memref_slice %arg17[%dma_start3A_171] : memref<102400xf32, #tpu.memory_space<vmem_shared>> -> memref<102400xf32, #tpu.memory_space<vmem_shared>>
    %dma_start3A_173 = tpu.memref_slice %arg19[%dma_start3A_169, %dma_start3A_170] : memref<5x2x!tpu.dma_semaphore, #tpu.memory_space<semaphore_mem>> -> memref<1x1x!tpu.dma_semaphore, #tpu.memory_space<semaphore_mem>>
    %dma_start3A_174 = tpu.memref_squeeze %dma_start3A_173 : memref<1x1x!tpu.dma_semaphore, #tpu.memory_space<semaphore_mem>> -> memref<!tpu.dma_semaphore, #tpu.memory_space<semaphore_mem>>
    tpu.enqueue_indirect_dma source(%dma_start3A_172 : memref<102400xf32, #tpu.memory_space<vmem_shared>>) target(%arg14 : memref<6400xf32, #tpu.memory_space<vmem>>) offsets(%arg8 : memref<6400xi32, #tpu.memory_space<vmem>>) semaphore(%dma_start3A_174 : memref<!tpu.dma_semaphore, #tpu.memory_space<semaphore_mem>>)
    %dma_wait3A_175 = arith.constant 4 : i32
    %dma_wait3A_176 = arith.constant 1 : i32
    %dma_wait3A_177 = arith.constant 0 : i32
    %dma_wait3A_178 = tpu.memref_slice %arg18[%dma_wait3A_177] : memref<102400xf32, #tpu.memory_space<vmem_shared>> -> memref<102400xf32, #tpu.memory_space<vmem_shared>>
    %dma_wait3A_179 = tpu.memref_slice %arg19[%dma_wait3A_175, %dma_wait3A_176] : memref<5x2x!tpu.dma_semaphore, #tpu.memory_space<semaphore_mem>> -> memref<1x1x!tpu.dma_semaphore, #tpu.memory_space<semaphore_mem>>
    %dma_wait3A_180 = tpu.memref_squeeze %dma_wait3A_179 : memref<1x1x!tpu.dma_semaphore, #tpu.memory_space<semaphore_mem>> -> memref<!tpu.dma_semaphore, #tpu.memory_space<semaphore_mem>>
    tpu.wait_indirect_dma semaphore(%dma_wait3A_180 : memref<!tpu.dma_semaphore, #tpu.memory_space<semaphore_mem>>) src(%arg15 : memref<6400xf32, #tpu.memory_space<vmem>>) dst(%dma_wait3A_178 : memref<102400xf32, #tpu.memory_space<vmem_shared>>)
    %add3A_181 = arith.constant 96 : i32
    %add3A_182 = arith.addi %add3A, %add3A_181 : i32
    %mul3A_183 = arith.constant 6400 : i32
    %mul3A_184 = arith.muli %add3A_182, %mul3A_183 : i32
    %multiple_of3A_185 = tpu.assume_multiple %mul3A_184, 128 : i32
    %dma_start3A_186 = arith.constant 0 : i32
    %dma_start3A_187 = arith.constant 1 : i32
    %dma_start3A_188 = arith.constant 0 : i32
    %dma_start3A_189 = tpu.memref_slice %arg2[%dma_start3A_188, %multiple_of3A_185] : memref<2x3200000xi32, #tpu.memory_space<hbm>> -> memref<2x6400xi32, #tpu.memory_space<hbm>>
    %dma_start3A_190 = tpu.memref_slice %arg19[%dma_start3A_186, %dma_start3A_187] : memref<5x2x!tpu.dma_semaphore, #tpu.memory_space<semaphore_mem>> -> memref<1x1x!tpu.dma_semaphore, #tpu.memory_space<semaphore_mem>>
    %dma_start3A_191 = tpu.memref_squeeze %dma_start3A_190 : memref<1x1x!tpu.dma_semaphore, #tpu.memory_space<semaphore_mem>> -> memref<!tpu.dma_semaphore, #tpu.memory_space<semaphore_mem>>
    %dma_start3A_192 = arith.constant 0 : i32
    %dma_start3A_193 = tpu.memref_slice %arg2[%dma_start3A_192, %multiple_of3A_185] : memref<2x3200000xi32, #tpu.memory_space<hbm>> -> memref<2x6400xi32, #tpu.memory_space<hbm>>
    tpu.enqueue_dma source(%dma_start3A_193 : memref<2x6400xi32, #tpu.memory_space<hbm>>) target(%arg7 : memref<2x6400xi32, #tpu.memory_space<vmem>>) target_semaphore(%dma_start3A_191 : memref<!tpu.dma_semaphore, #tpu.memory_space<semaphore_mem>>)
    %dma_start3A_194 = arith.constant 2 : i32
    %dma_start3A_195 = arith.constant 1 : i32
    %dma_start3A_196 = tpu.memref_slice %arg3[%multiple_of3A_185] : memref<3200000xf32, #tpu.memory_space<hbm>> -> memref<6400xf32, #tpu.memory_space<hbm>>
    %dma_start3A_197 = tpu.memref_slice %arg19[%dma_start3A_194, %dma_start3A_195] : memref<5x2x!tpu.dma_semaphore, #tpu.memory_space<semaphore_mem>> -> memref<1x1x!tpu.dma_semaphore, #tpu.memory_space<semaphore_mem>>
    %dma_start3A_198 = tpu.memref_squeeze %dma_start3A_197 : memref<1x1x!tpu.dma_semaphore, #tpu.memory_space<semaphore_mem>> -> memref<!tpu.dma_semaphore, #tpu.memory_space<semaphore_mem>>
    %dma_start3A_199 = tpu.memref_slice %arg3[%multiple_of3A_185] : memref<3200000xf32, #tpu.memory_space<hbm>> -> memref<6400xf32, #tpu.memory_space<hbm>>
    tpu.enqueue_dma source(%dma_start3A_199 : memref<6400xf32, #tpu.memory_space<hbm>>) target(%arg13 : memref<6400xf32, #tpu.memory_space<vmem>>) target_semaphore(%dma_start3A_198 : memref<!tpu.dma_semaphore, #tpu.memory_space<semaphore_mem>>)
    %dma_wait3A_200 = arith.constant 3 : i32
    %dma_wait3A_201 = arith.constant 0 : i32
    %dma_wait3A_202 = arith.constant 0 : i32
    %dma_wait3A_203 = tpu.memref_slice %arg17[%dma_wait3A_202] : memref<102400xf32, #tpu.memory_space<vmem_shared>> -> memref<102400xf32, #tpu.memory_space<vmem_shared>>
    %dma_wait3A_204 = tpu.memref_slice %arg19[%dma_wait3A_200, %dma_wait3A_201] : memref<5x2x!tpu.dma_semaphore, #tpu.memory_space<semaphore_mem>> -> memref<1x1x!tpu.dma_semaphore, #tpu.memory_space<semaphore_mem>>
    %dma_wait3A_205 = tpu.memref_squeeze %dma_wait3A_204 : memref<1x1x!tpu.dma_semaphore, #tpu.memory_space<semaphore_mem>> -> memref<!tpu.dma_semaphore, #tpu.memory_space<semaphore_mem>>
    tpu.wait_indirect_dma semaphore(%dma_wait3A_205 : memref<!tpu.dma_semaphore, #tpu.memory_space<semaphore_mem>>) src(%dma_wait3A_203 : memref<102400xf32, #tpu.memory_space<vmem_shared>>) dst(%arg14 : memref<6400xf32, #tpu.memory_space<vmem>>)
    %add3A_206 = arith.constant 64 : i32
    %add3A_207 = arith.addi %add3A, %add3A_206 : i32
    %mul3A_208 = arith.constant 6400 : i32
    %mul3A_209 = arith.muli %add3A_207, %mul3A_208 : i32
    %multiple_of3A_210 = tpu.assume_multiple %mul3A_209, 128 : i32
    %parallel_loop3A_211 = arith.constant 0 : i32
    %parallel_loop3A_212 = arith.constant 6400 : i32
    %parallel_loop3A_213 = arith.constant 16 : i32
    scf.for %parallel_loop3A_1098 = %parallel_loop3A_211 to %parallel_loop3A_212 step %parallel_loop3A_213  : i32 {
      %parallel_loop3A_1099 = arith.index_cast %parallel_loop3A_1098 : i32 to index
      %parallel_loop3A_1100 = tpu.vector_load %arg14[%parallel_loop3A_1099] {strides = array<i32>} : memref<6400xf32, #tpu.memory_space<vmem>>, vector<16xf32>,
      %parallel_loop3A_1101 = vector.shape_cast %parallel_loop3A_1100 : vector<16xf32> to vector<16xf32>
      %parallel_loop3A_1102 = arith.index_cast %parallel_loop3A_1098 : i32 to index
      %parallel_loop3A_1103 = tpu.vector_load %arg12[%parallel_loop3A_1102] {strides = array<i32>} : memref<6400xf32, #tpu.memory_space<vmem>>, vector<16xf32>,
      %parallel_loop3A_1104 = vector.shape_cast %parallel_loop3A_1103 : vector<16xf32> to vector<16xf32>
      %parallel_loop3A_1105 = arith.mulf %parallel_loop3A_1101, %parallel_loop3A_1104 : vector<16xf32>
      %parallel_loop3A_1106 = arith.index_cast %parallel_loop3A_1098 : i32 to index
      %parallel_loop3A_1107 = tpu.vector_load %arg14[%parallel_loop3A_1106] {strides = array<i32>} : memref<6400xf32, #tpu.memory_space<vmem>>, vector<16xf32>,
      %parallel_loop3A_1108 = vector.shape_cast %parallel_loop3A_1107 : vector<16xf32> to vector<16xf32>
      %parallel_loop3A_1109 = vector.shape_cast %parallel_loop3A_1105 : vector<16xf32> to vector<16xf32>
      tpu.vector_store %arg14[%parallel_loop3A_1106], %parallel_loop3A_1109 {strides = array<i32>} : memref<6400xf32, #tpu.memory_space<vmem>>, vector<16xf32>,
    } {sc.loop_unroll_factor = 8 : i64, sc.parallel_access}
    %dma_start3A_214 = arith.constant 4 : i32
    %dma_start3A_215 = arith.constant 0 : i32
    %dma_start3A_216 = arith.constant 0 : i32
    %dma_start3A_217 = tpu.memref_slice %arg18[%dma_start3A_216] : memref<102400xf32, #tpu.memory_space<vmem_shared>> -> memref<102400xf32, #tpu.memory_space<vmem_shared>>
    %dma_start3A_218 = tpu.memref_slice %arg19[%dma_start3A_214, %dma_start3A_215] : memref<5x2x!tpu.dma_semaphore, #tpu.memory_space<semaphore_mem>> -> memref<1x1x!tpu.dma_semaphore, #tpu.memory_space<semaphore_mem>>
    %dma_start3A_219 = tpu.memref_squeeze %dma_start3A_218 : memref<1x1x!tpu.dma_semaphore, #tpu.memory_space<semaphore_mem>> -> memref<!tpu.dma_semaphore, #tpu.memory_space<semaphore_mem>>
    tpu.enqueue_indirect_dma source(%arg14 : memref<6400xf32, #tpu.memory_space<vmem>>) target(%dma_start3A_217 : memref<102400xf32, #tpu.memory_space<vmem_shared>>) offsets(%arg10 : memref<6400xi32, #tpu.memory_space<vmem>>) semaphore(%dma_start3A_219 : memref<!tpu.dma_semaphore, #tpu.memory_space<semaphore_mem>>) {add = true}
    %dma_wait3A_220 = arith.constant 0 : i32
    %dma_wait3A_221 = arith.constant 1 : i32
    %dma_wait3A_222 = arith.constant 0 : i32
    %dma_wait3A_223 = tpu.memref_slice %arg2[%dma_wait3A_222, %multiple_of3A_185] : memref<2x3200000xi32, #tpu.memory_space<hbm>> -> memref<2x6400xi32, #tpu.memory_space<hbm>>
    %dma_wait3A_224 = tpu.memref_slice %arg19[%dma_wait3A_220, %dma_wait3A_221] : memref<5x2x!tpu.dma_semaphore, #tpu.memory_space<semaphore_mem>> -> memref<1x1x!tpu.dma_semaphore, #tpu.memory_space<semaphore_mem>>
    %dma_wait3A_225 = tpu.memref_squeeze %dma_wait3A_224 : memref<1x1x!tpu.dma_semaphore, #tpu.memory_space<semaphore_mem>> -> memref<!tpu.dma_semaphore, #tpu.memory_space<semaphore_mem>>
    %dma_wait3A_226 = arith.constant 0 : i32
    %dma_wait3A_227 = tpu.memref_slice %arg2[%dma_wait3A_226, %multiple_of3A_185] : memref<2x3200000xi32, #tpu.memory_space<hbm>> -> memref<2x6400xi32, #tpu.memory_space<hbm>>
    tpu.wait_dma2 semaphore(%dma_wait3A_225 : memref<!tpu.dma_semaphore, #tpu.memory_space<semaphore_mem>>) src(%dma_wait3A_227 : memref<2x6400xi32, #tpu.memory_space<hbm>>) dst(%arg7 : memref<2x6400xi32, #tpu.memory_space<vmem>>)
    %dma_wait3A_228 = arith.constant 2 : i32
    %dma_wait3A_229 = arith.constant 1 : i32
    %dma_wait3A_230 = tpu.memref_slice %arg3[%multiple_of3A_185] : memref<3200000xf32, #tpu.memory_space<hbm>> -> memref<6400xf32, #tpu.memory_space<hbm>>
    %dma_wait3A_231 = tpu.memref_slice %arg19[%dma_wait3A_228, %dma_wait3A_229] : memref<5x2x!tpu.dma_semaphore, #tpu.memory_space<semaphore_mem>> -> memref<1x1x!tpu.dma_semaphore, #tpu.memory_space<semaphore_mem>>
    %dma_wait3A_232 = tpu.memref_squeeze %dma_wait3A_231 : memref<1x1x!tpu.dma_semaphore, #tpu.memory_space<semaphore_mem>> -> memref<!tpu.dma_semaphore, #tpu.memory_space<semaphore_mem>>
    %dma_wait3A_233 = tpu.memref_slice %arg3[%multiple_of3A_185] : memref<3200000xf32, #tpu.memory_space<hbm>> -> memref<6400xf32, #tpu.memory_space<hbm>>
    tpu.wait_dma2 semaphore(%dma_wait3A_232 : memref<!tpu.dma_semaphore, #tpu.memory_space<semaphore_mem>>) src(%dma_wait3A_233 : memref<6400xf32, #tpu.memory_space<hbm>>) dst(%arg13 : memref<6400xf32, #tpu.memory_space<vmem>>)
    %parallel_loop3A_234 = arith.constant 0 : i32
    %parallel_loop3A_235 = arith.constant 6400 : i32
    %parallel_loop3A_236 = arith.constant 16 : i32
    scf.for %parallel_loop3A_1098 = %parallel_loop3A_234 to %parallel_loop3A_235 step %parallel_loop3A_236  : i32 {
      %parallel_loop3A_1099 = arith.constant 0 : i32
      %parallel_loop3A_1100 = arith.index_cast %parallel_loop3A_1099 : i32 to index
      %parallel_loop3A_1101 = arith.index_cast %parallel_loop3A_1098 : i32 to index
      %parallel_loop3A_1102 = tpu.vector_load %arg7[%parallel_loop3A_1100, %parallel_loop3A_1101] {strides = array<i32>} : memref<2x6400xi32, #tpu.memory_space<vmem>>, vector<1x16xi32>,
      %parallel_loop3A_1103 = vector.shape_cast %parallel_loop3A_1102 : vector<1x16xi32> to vector<16xi32>
      %parallel_loop3A_1104 = arith.index_cast %parallel_loop3A_1098 : i32 to index
      %parallel_loop3A_1105 = tpu.vector_load %arg9[%parallel_loop3A_1104] {strides = array<i32>} : memref<6400xi32, #tpu.memory_space<vmem>>, vector<16xi32>,
      %parallel_loop3A_1106 = vector.shape_cast %parallel_loop3A_1105 : vector<16xi32> to vector<16xi32>
      %parallel_loop3A_1107 = vector.shape_cast %parallel_loop3A_1103 : vector<16xi32> to vector<16xi32>
      tpu.vector_store %arg9[%parallel_loop3A_1104], %parallel_loop3A_1107 {strides = array<i32>} : memref<6400xi32, #tpu.memory_space<vmem>>, vector<16xi32>,
      %parallel_loop3A_1108 = arith.constant 1 : i32
      %parallel_loop3A_1109 = arith.index_cast %parallel_loop3A_1108 : i32 to index
      %parallel_loop3A_1110 = arith.index_cast %parallel_loop3A_1098 : i32 to index
      %parallel_loop3A_1111 = tpu.vector_load %arg7[%parallel_loop3A_1109, %parallel_loop3A_1110] {strides = array<i32>} : memref<2x6400xi32, #tpu.memory_space<vmem>>, vector<1x16xi32>,
      %parallel_loop3A_1112 = vector.shape_cast %parallel_loop3A_1111 : vector<1x16xi32> to vector<16xi32>
      %parallel_loop3A_1113 = arith.index_cast %parallel_loop3A_1098 : i32 to index
      %parallel_loop3A_1114 = tpu.vector_load %arg11[%parallel_loop3A_1113] {strides = array<i32>} : memref<6400xi32, #tpu.memory_space<vmem>>, vector<16xi32>,
      %parallel_loop3A_1115 = vector.shape_cast %parallel_loop3A_1114 : vector<16xi32> to vector<16xi32>
      %parallel_loop3A_1116 = vector.shape_cast %parallel_loop3A_1112 : vector<16xi32> to vector<16xi32>
      tpu.vector_store %arg11[%parallel_loop3A_1113], %parallel_loop3A_1116 {strides = array<i32>} : memref<6400xi32, #tpu.memory_space<vmem>>, vector<16xi32>,
    } {sc.loop_unroll_factor = 8 : i64, sc.parallel_access}
    %dma_start3A_237 = arith.constant 3 : i32
    %dma_start3A_238 = arith.constant 1 : i32
    %dma_start3A_239 = arith.constant 0 : i32
    %dma_start3A_240 = tpu.memref_slice %arg17[%dma_start3A_239] : memref<102400xf32, #tpu.memory_space<vmem_shared>> -> memref<102400xf32, #tpu.memory_space<vmem_shared>>
    %dma_start3A_241 = tpu.memref_slice %arg19[%dma_start3A_237, %dma_start3A_238] : memref<5x2x!tpu.dma_semaphore, #tpu.memory_space<semaphore_mem>> -> memref<1x1x!tpu.dma_semaphore, #tpu.memory_space<semaphore_mem>>
    %dma_start3A_242 = tpu.memref_squeeze %dma_start3A_241 : memref<1x1x!tpu.dma_semaphore, #tpu.memory_space<semaphore_mem>> -> memref<!tpu.dma_semaphore, #tpu.memory_space<semaphore_mem>>
    tpu.enqueue_indirect_dma source(%dma_start3A_240 : memref<102400xf32, #tpu.memory_space<vmem_shared>>) target(%arg15 : memref<6400xf32, #tpu.memory_space<vmem>>) offsets(%arg9 : memref<6400xi32, #tpu.memory_space<vmem>>) semaphore(%dma_start3A_242 : memref<!tpu.dma_semaphore, #tpu.memory_space<semaphore_mem>>)
    %dma_wait3A_243 = arith.constant 4 : i32
    %dma_wait3A_244 = arith.constant 0 : i32
    %dma_wait3A_245 = arith.constant 0 : i32
    %dma_wait3A_246 = tpu.memref_slice %arg18[%dma_wait3A_245] : memref<102400xf32, #tpu.memory_space<vmem_shared>> -> memref<102400xf32, #tpu.memory_space<vmem_shared>>
    %dma_wait3A_247 = tpu.memref_slice %arg19[%dma_wait3A_243, %dma_wait3A_244] : memref<5x2x!tpu.dma_semaphore, #tpu.memory_space<semaphore_mem>> -> memref<1x1x!tpu.dma_semaphore, #tpu.memory_space<semaphore_mem>>
    %dma_wait3A_248 = tpu.memref_squeeze %dma_wait3A_247 : memref<1x1x!tpu.dma_semaphore, #tpu.memory_space<semaphore_mem>> -> memref<!tpu.dma_semaphore, #tpu.memory_space<semaphore_mem>>
    tpu.wait_indirect_dma semaphore(%dma_wait3A_248 : memref<!tpu.dma_semaphore, #tpu.memory_space<semaphore_mem>>) src(%arg14 : memref<6400xf32, #tpu.memory_space<vmem>>) dst(%dma_wait3A_246 : memref<102400xf32, #tpu.memory_space<vmem_shared>>)
    %add3A_249 = arith.constant 128 : i32
    %add3A_250 = arith.addi %add3A, %add3A_249 : i32
    %mul3A_251 = arith.constant 6400 : i32
    %mul3A_252 = arith.muli %add3A_250, %mul3A_251 : i32
    %multiple_of3A_253 = tpu.assume_multiple %mul3A_252, 128 : i32
    %dma_start3A_254 = arith.constant 0 : i32
    %dma_start3A_255 = arith.constant 0 : i32
    %dma_start3A_256 = arith.constant 0 : i32
    %dma_start3A_257 = tpu.memref_slice %arg2[%dma_start3A_256, %multiple_of3A_253] : memref<2x3200000xi32, #tpu.memory_space<hbm>> -> memref<2x6400xi32, #tpu.memory_space<hbm>>
    %dma_start3A_258 = tpu.memref_slice %arg19[%dma_start3A_254, %dma_start3A_255] : memref<5x2x!tpu.dma_semaphore, #tpu.memory_space<semaphore_mem>> -> memref<1x1x!tpu.dma_semaphore, #tpu.memory_space<semaphore_mem>>
    %dma_start3A_259 = tpu.memref_squeeze %dma_start3A_258 : memref<1x1x!tpu.dma_semaphore, #tpu.memory_space<semaphore_mem>> -> memref<!tpu.dma_semaphore, #tpu.memory_space<semaphore_mem>>
    %dma_start3A_260 = arith.constant 0 : i32
    %dma_start3A_261 = tpu.memref_slice %arg2[%dma_start3A_260, %multiple_of3A_253] : memref<2x3200000xi32, #tpu.memory_space<hbm>> -> memref<2x6400xi32, #tpu.memory_space<hbm>>
    tpu.enqueue_dma source(%dma_start3A_261 : memref<2x6400xi32, #tpu.memory_space<hbm>>) target(%arg6 : memref<2x6400xi32, #tpu.memory_space<vmem>>) target_semaphore(%dma_start3A_259 : memref<!tpu.dma_semaphore, #tpu.memory_space<semaphore_mem>>)
    %dma_start3A_262 = arith.constant 2 : i32
    %dma_start3A_263 = arith.constant 0 : i32
    %dma_start3A_264 = tpu.memref_slice %arg3[%multiple_of3A_253] : memref<3200000xf32, #tpu.memory_space<hbm>> -> memref<6400xf32, #tpu.memory_space<hbm>>
    %dma_start3A_265 = tpu.memref_slice %arg19[%dma_start3A_262, %dma_start3A_263] : memref<5x2x!tpu.dma_semaphore, #tpu.memory_space<semaphore_mem>> -> memref<1x1x!tpu.dma_semaphore, #tpu.memory_space<semaphore_mem>>
    %dma_start3A_266 = tpu.memref_squeeze %dma_start3A_265 : memref<1x1x!tpu.dma_semaphore, #tpu.memory_space<semaphore_mem>> -> memref<!tpu.dma_semaphore, #tpu.memory_space<semaphore_mem>>
    %dma_start3A_267 = tpu.memref_slice %arg3[%multiple_of3A_253] : memref<3200000xf32, #tpu.memory_space<hbm>> -> memref<6400xf32, #tpu.memory_space<hbm>>
    tpu.enqueue_dma source(%dma_start3A_267 : memref<6400xf32, #tpu.memory_space<hbm>>) target(%arg12 : memref<6400xf32, #tpu.memory_space<vmem>>) target_semaphore(%dma_start3A_266 : memref<!tpu.dma_semaphore, #tpu.memory_space<semaphore_mem>>)
    %dma_wait3A_268 = arith.constant 3 : i32
    %dma_wait3A_269 = arith.constant 1 : i32
    %dma_wait3A_270 = arith.constant 0 : i32
    %dma_wait3A_271 = tpu.memref_slice %arg17[%dma_wait3A_270] : memref<102400xf32, #tpu.memory_space<vmem_shared>> -> memref<102400xf32, #tpu.memory_space<vmem_shared>>
    %dma_wait3A_272 = tpu.memref_slice %arg19[%dma_wait3A_268, %dma_wait3A_269] : memref<5x2x!tpu.dma_semaphore, #tpu.memory_space<semaphore_mem>> -> memref<1x1x!tpu.dma_semaphore, #tpu.memory_space<semaphore_mem>>
    %dma_wait3A_273 = tpu.memref_squeeze %dma_wait3A_272 : memref<1x1x!tpu.dma_semaphore, #tpu.memory_space<semaphore_mem>> -> memref<!tpu.dma_semaphore, #tpu.memory_space<semaphore_mem>>
    tpu.wait_indirect_dma semaphore(%dma_wait3A_273 : memref<!tpu.dma_semaphore, #tpu.memory_space<semaphore_mem>>) src(%dma_wait3A_271 : memref<102400xf32, #tpu.memory_space<vmem_shared>>) dst(%arg15 : memref<6400xf32, #tpu.memory_space<vmem>>)
    %add3A_274 = arith.constant 96 : i32
    %add3A_275 = arith.addi %add3A, %add3A_274 : i32
    %mul3A_276 = arith.constant 6400 : i32
    %mul3A_277 = arith.muli %add3A_275, %mul3A_276 : i32
    %multiple_of3A_278 = tpu.assume_multiple %mul3A_277, 128 : i32
    %parallel_loop3A_279 = arith.constant 0 : i32
    %parallel_loop3A_280 = arith.constant 6400 : i32
    %parallel_loop3A_281 = arith.constant 16 : i32
    scf.for %parallel_loop3A_1098 = %parallel_loop3A_279 to %parallel_loop3A_280 step %parallel_loop3A_281  : i32 {
      %parallel_loop3A_1099 = arith.index_cast %parallel_loop3A_1098 : i32 to index
      %parallel_loop3A_1100 = tpu.vector_load %arg15[%parallel_loop3A_1099] {strides = array<i32>} : memref<6400xf32, #tpu.memory_space<vmem>>, vector<16xf32>,
      %parallel_loop3A_1101 = vector.shape_cast %parallel_loop3A_1100 : vector<16xf32> to vector<16xf32>
      %parallel_loop3A_1102 = arith.index_cast %parallel_loop3A_1098 : i32 to index
      %parallel_loop3A_1103 = tpu.vector_load %arg13[%parallel_loop3A_1102] {strides = array<i32>} : memref<6400xf32, #tpu.memory_space<vmem>>, vector<16xf32>,
      %parallel_loop3A_1104 = vector.shape_cast %parallel_loop3A_1103 : vector<16xf32> to vector<16xf32>
      %parallel_loop3A_1105 = arith.mulf %parallel_loop3A_1101, %parallel_loop3A_1104 : vector<16xf32>
      %parallel_loop3A_1106 = arith.index_cast %parallel_loop3A_1098 : i32 to index
      %parallel_loop3A_1107 = tpu.vector_load %arg15[%parallel_loop3A_1106] {strides = array<i32>} : memref<6400xf32, #tpu.memory_space<vmem>>, vector<16xf32>,
      %parallel_loop3A_1108 = vector.shape_cast %parallel_loop3A_1107 : vector<16xf32> to vector<16xf32>
      %parallel_loop3A_1109 = vector.shape_cast %parallel_loop3A_1105 : vector<16xf32> to vector<16xf32>
      tpu.vector_store %arg15[%parallel_loop3A_1106], %parallel_loop3A_1109 {strides = array<i32>} : memref<6400xf32, #tpu.memory_space<vmem>>, vector<16xf32>,
    } {sc.loop_unroll_factor = 8 : i64, sc.parallel_access}
    %dma_start3A_282 = arith.constant 4 : i32
    %dma_start3A_283 = arith.constant 1 : i32
    %dma_start3A_284 = arith.constant 0 : i32
    %dma_start3A_285 = tpu.memref_slice %arg18[%dma_start3A_284] : memref<102400xf32, #tpu.memory_space<vmem_shared>> -> memref<102400xf32, #tpu.memory_space<vmem_shared>>
    %dma_start3A_286 = tpu.memref_slice %arg19[%dma_start3A_282, %dma_start3A_283] : memref<5x2x!tpu.dma_semaphore, #tpu.memory_space<semaphore_mem>> -> memref<1x1x!tpu.dma_semaphore, #tpu.memory_space<semaphore_mem>>
    %dma_start3A_287 = tpu.memref_squeeze %dma_start3A_286 : memref<1x1x!tpu.dma_semaphore, #tpu.memory_space<semaphore_mem>> -> memref<!tpu.dma_semaphore, #tpu.memory_space<semaphore_mem>>
    tpu.enqueue_indirect_dma source(%arg15 : memref<6400xf32, #tpu.memory_space<vmem>>) target(%dma_start3A_285 : memref<102400xf32, #tpu.memory_space<vmem_shared>>) offsets(%arg11 : memref<6400xi32, #tpu.memory_space<vmem>>) semaphore(%dma_start3A_287 : memref<!tpu.dma_semaphore, #tpu.memory_space<semaphore_mem>>) {add = true}
    %dma_wait3A_288 = arith.constant 0 : i32
    %dma_wait3A_289 = arith.constant 0 : i32
    %dma_wait3A_290 = arith.constant 0 : i32
    %dma_wait3A_291 = tpu.memref_slice %arg2[%dma_wait3A_290, %multiple_of3A_253] : memref<2x3200000xi32, #tpu.memory_space<hbm>> -> memref<2x6400xi32, #tpu.memory_space<hbm>>
    %dma_wait3A_292 = tpu.memref_slice %arg19[%dma_wait3A_288, %dma_wait3A_289] : memref<5x2x!tpu.dma_semaphore, #tpu.memory_space<semaphore_mem>> -> memref<1x1x!tpu.dma_semaphore, #tpu.memory_space<semaphore_mem>>
    %dma_wait3A_293 = tpu.memref_squeeze %dma_wait3A_292 : memref<1x1x!tpu.dma_semaphore, #tpu.memory_space<semaphore_mem>> -> memref<!tpu.dma_semaphore, #tpu.memory_space<semaphore_mem>>
    %dma_wait3A_294 = arith.constant 0 : i32
    %dma_wait3A_295 = tpu.memref_slice %arg2[%dma_wait3A_294, %multiple_of3A_253] : memref<2x3200000xi32, #tpu.memory_space<hbm>> -> memref<2x6400xi32, #tpu.memory_space<hbm>>
    tpu.wait_dma2 semaphore(%dma_wait3A_293 : memref<!tpu.dma_semaphore, #tpu.memory_space<semaphore_mem>>) src(%dma_wait3A_295 : memref<2x6400xi32, #tpu.memory_space<hbm>>) dst(%arg6 : memref<2x6400xi32, #tpu.memory_space<vmem>>)
    %dma_wait3A_296 = arith.constant 2 : i32
    %dma_wait3A_297 = arith.constant 0 : i32
    %dma_wait3A_298 = tpu.memref_slice %arg3[%multiple_of3A_253] : memref<3200000xf32, #tpu.memory_space<hbm>> -> memref<6400xf32, #tpu.memory_space<hbm>>
    %dma_wait3A_299 = tpu.memref_slice %arg19[%dma_wait3A_296, %dma_wait3A_297] : memref<5x2x!tpu.dma_semaphore, #tpu.memory_space<semaphore_mem>> -> memref<1x1x!tpu.dma_semaphore, #tpu.memory_space<semaphore_mem>>
    %dma_wait3A_300 = tpu.memref_squeeze %dma_wait3A_299 : memref<1x1x!tpu.dma_semaphore, #tpu.memory_space<semaphore_mem>> -> memref<!tpu.dma_semaphore, #tpu.memory_space<semaphore_mem>>
    %dma_wait3A_301 = tpu.memref_slice %arg3[%multiple_of3A_253] : memref<3200000xf32, #tpu.memory_space<hbm>> -> memref<6400xf32, #tpu.memory_space<hbm>>
    tpu.wait_dma2 semaphore(%dma_wait3A_300 : memref<!tpu.dma_semaphore, #tpu.memory_space<semaphore_mem>>) src(%dma_wait3A_301 : memref<6400xf32, #tpu.memory_space<hbm>>) dst(%arg12 : memref<6400xf32, #tpu.memory_space<vmem>>)
    %parallel_loop3A_302 = arith.constant 0 : i32
    %parallel_loop3A_303 = arith.constant 6400 : i32
    %parallel_loop3A_304 = arith.constant 16 : i32
    scf.for %parallel_loop3A_1098 = %parallel_loop3A_302 to %parallel_loop3A_303 step %parallel_loop3A_304  : i32 {
      %parallel_loop3A_1099 = arith.constant 0 : i32
      %parallel_loop3A_1100 = arith.index_cast %parallel_loop3A_1099 : i32 to index
      %parallel_loop3A_1101 = arith.index_cast %parallel_loop3A_1098 : i32 to index
      %parallel_loop3A_1102 = tpu.vector_load %arg6[%parallel_loop3A_1100, %parallel_loop3A_1101] {strides = array<i32>} : memref<2x6400xi32, #tpu.memory_space<vmem>>, vector<1x16xi32>,
      %parallel_loop3A_1103 = vector.shape_cast %parallel_loop3A_1102 : vector<1x16xi32> to vector<16xi32>
      %parallel_loop3A_1104 = arith.index_cast %parallel_loop3A_1098 : i32 to index
      %parallel_loop3A_1105 = tpu.vector_load %arg8[%parallel_loop3A_1104] {strides = array<i32>} : memref<6400xi32, #tpu.memory_space<vmem>>, vector<16xi32>,
      %parallel_loop3A_1106 = vector.shape_cast %parallel_loop3A_1105 : vector<16xi32> to vector<16xi32>
      %parallel_loop3A_1107 = vector.shape_cast %parallel_loop3A_1103 : vector<16xi32> to vector<16xi32>
      tpu.vector_store %arg8[%parallel_loop3A_1104], %parallel_loop3A_1107 {strides = array<i32>} : memref<6400xi32, #tpu.memory_space<vmem>>, vector<16xi32>,
      %parallel_loop3A_1108 = arith.constant 1 : i32
      %parallel_loop3A_1109 = arith.index_cast %parallel_loop3A_1108 : i32 to index
      %parallel_loop3A_1110 = arith.index_cast %parallel_loop3A_1098 : i32 to index
      %parallel_loop3A_1111 = tpu.vector_load %arg6[%parallel_loop3A_1109, %parallel_loop3A_1110] {strides = array<i32>} : memref<2x6400xi32, #tpu.memory_space<vmem>>, vector<1x16xi32>,
      %parallel_loop3A_1112 = vector.shape_cast %parallel_loop3A_1111 : vector<1x16xi32> to vector<16xi32>
      %parallel_loop3A_1113 = arith.index_cast %parallel_loop3A_1098 : i32 to index
      %parallel_loop3A_1114 = tpu.vector_load %arg10[%parallel_loop3A_1113] {strides = array<i32>} : memref<6400xi32, #tpu.memory_space<vmem>>, vector<16xi32>,
      %parallel_loop3A_1115 = vector.shape_cast %parallel_loop3A_1114 : vector<16xi32> to vector<16xi32>
      %parallel_loop3A_1116 = vector.shape_cast %parallel_loop3A_1112 : vector<16xi32> to vector<16xi32>
      tpu.vector_store %arg10[%parallel_loop3A_1113], %parallel_loop3A_1116 {strides = array<i32>} : memref<6400xi32, #tpu.memory_space<vmem>>, vector<16xi32>,
    } {sc.loop_unroll_factor = 8 : i64, sc.parallel_access}
    %dma_start3A_305 = arith.constant 3 : i32
    %dma_start3A_306 = arith.constant 0 : i32
    %dma_start3A_307 = arith.constant 0 : i32
    %dma_start3A_308 = tpu.memref_slice %arg17[%dma_start3A_307] : memref<102400xf32, #tpu.memory_space<vmem_shared>> -> memref<102400xf32, #tpu.memory_space<vmem_shared>>
    %dma_start3A_309 = tpu.memref_slice %arg19[%dma_start3A_305, %dma_start3A_306] : memref<5x2x!tpu.dma_semaphore, #tpu.memory_space<semaphore_mem>> -> memref<1x1x!tpu.dma_semaphore, #tpu.memory_space<semaphore_mem>>
    %dma_start3A_310 = tpu.memref_squeeze %dma_start3A_309 : memref<1x1x!tpu.dma_semaphore, #tpu.memory_space<semaphore_mem>> -> memref<!tpu.dma_semaphore, #tpu.memory_space<semaphore_mem>>
    tpu.enqueue_indirect_dma source(%dma_start3A_308 : memref<102400xf32, #tpu.memory_space<vmem_shared>>) target(%arg14 : memref<6400xf32, #tpu.memory_space<vmem>>) offsets(%arg8 : memref<6400xi32, #tpu.memory_space<vmem>>) semaphore(%dma_start3A_310 : memref<!tpu.dma_semaphore, #tpu.memory_space<semaphore_mem>>)
    %dma_wait3A_311 = arith.constant 4 : i32
    %dma_wait3A_312 = arith.constant 1 : i32
    %dma_wait3A_313 = arith.constant 0 : i32
    %dma_wait3A_314 = tpu.memref_slice %arg18[%dma_wait3A_313] : memref<102400xf32, #tpu.memory_space<vmem_shared>> -> memref<102400xf32, #tpu.memory_space<vmem_shared>>
    %dma_wait3A_315 = tpu.memref_slice %arg19[%dma_wait3A_311, %dma_wait3A_312] : memref<5x2x!tpu.dma_semaphore, #tpu.memory_space<semaphore_mem>> -> memref<1x1x!tpu.dma_semaphore, #tpu.memory_space<semaphore_mem>>
    %dma_wait3A_316 = tpu.memref_squeeze %dma_wait3A_315 : memref<1x1x!tpu.dma_semaphore, #tpu.memory_space<semaphore_mem>> -> memref<!tpu.dma_semaphore, #tpu.memory_space<semaphore_mem>>
    tpu.wait_indirect_dma semaphore(%dma_wait3A_316 : memref<!tpu.dma_semaphore, #tpu.memory_space<semaphore_mem>>) src(%arg15 : memref<6400xf32, #tpu.memory_space<vmem>>) dst(%dma_wait3A_314 : memref<102400xf32, #tpu.memory_space<vmem_shared>>)
    %add3A_317 = arith.constant 160 : i32
    %add3A_318 = arith.addi %add3A, %add3A_317 : i32
    %mul3A_319 = arith.constant 6400 : i32
    %mul3A_320 = arith.muli %add3A_318, %mul3A_319 : i32
    %multiple_of3A_321 = tpu.assume_multiple %mul3A_320, 128 : i32
    %dma_start3A_322 = arith.constant 0 : i32
    %dma_start3A_323 = arith.constant 1 : i32
    %dma_start3A_324 = arith.constant 0 : i32
    %dma_start3A_325 = tpu.memref_slice %arg2[%dma_start3A_324, %multiple_of3A_321] : memref<2x3200000xi32, #tpu.memory_space<hbm>> -> memref<2x6400xi32, #tpu.memory_space<hbm>>
    %dma_start3A_326 = tpu.memref_slice %arg19[%dma_start3A_322, %dma_start3A_323] : memref<5x2x!tpu.dma_semaphore, #tpu.memory_space<semaphore_mem>> -> memref<1x1x!tpu.dma_semaphore, #tpu.memory_space<semaphore_mem>>
    %dma_start3A_327 = tpu.memref_squeeze %dma_start3A_326 : memref<1x1x!tpu.dma_semaphore, #tpu.memory_space<semaphore_mem>> -> memref<!tpu.dma_semaphore, #tpu.memory_space<semaphore_mem>>
    %dma_start3A_328 = arith.constant 0 : i32
    %dma_start3A_329 = tpu.memref_slice %arg2[%dma_start3A_328, %multiple_of3A_321] : memref<2x3200000xi32, #tpu.memory_space<hbm>> -> memref<2x6400xi32, #tpu.memory_space<hbm>>
    tpu.enqueue_dma source(%dma_start3A_329 : memref<2x6400xi32, #tpu.memory_space<hbm>>) target(%arg7 : memref<2x6400xi32, #tpu.memory_space<vmem>>) target_semaphore(%dma_start3A_327 : memref<!tpu.dma_semaphore, #tpu.memory_space<semaphore_mem>>)
    %dma_start3A_330 = arith.constant 2 : i32
    %dma_start3A_331 = arith.constant 1 : i32
    %dma_start3A_332 = tpu.memref_slice %arg3[%multiple_of3A_321] : memref<3200000xf32, #tpu.memory_space<hbm>> -> memref<6400xf32, #tpu.memory_space<hbm>>
    %dma_start3A_333 = tpu.memref_slice %arg19[%dma_start3A_330, %dma_start3A_331] : memref<5x2x!tpu.dma_semaphore, #tpu.memory_space<semaphore_mem>> -> memref<1x1x!tpu.dma_semaphore, #tpu.memory_space<semaphore_mem>>
    %dma_start3A_334 = tpu.memref_squeeze %dma_start3A_333 : memref<1x1x!tpu.dma_semaphore, #tpu.memory_space<semaphore_mem>> -> memref<!tpu.dma_semaphore, #tpu.memory_space<semaphore_mem>>
    %dma_start3A_335 = tpu.memref_slice %arg3[%multiple_of3A_321] : memref<3200000xf32, #tpu.memory_space<hbm>> -> memref<6400xf32, #tpu.memory_space<hbm>>
    tpu.enqueue_dma source(%dma_start3A_335 : memref<6400xf32, #tpu.memory_space<hbm>>) target(%arg13 : memref<6400xf32, #tpu.memory_space<vmem>>) target_semaphore(%dma_start3A_334 : memref<!tpu.dma_semaphore, #tpu.memory_space<semaphore_mem>>)
    %dma_wait3A_336 = arith.constant 3 : i32
    %dma_wait3A_337 = arith.constant 0 : i32
    %dma_wait3A_338 = arith.constant 0 : i32
    %dma_wait3A_339 = tpu.memref_slice %arg17[%dma_wait3A_338] : memref<102400xf32, #tpu.memory_space<vmem_shared>> -> memref<102400xf32, #tpu.memory_space<vmem_shared>>
    %dma_wait3A_340 = tpu.memref_slice %arg19[%dma_wait3A_336, %dma_wait3A_337] : memref<5x2x!tpu.dma_semaphore, #tpu.memory_space<semaphore_mem>> -> memref<1x1x!tpu.dma_semaphore, #tpu.memory_space<semaphore_mem>>
    %dma_wait3A_341 = tpu.memref_squeeze %dma_wait3A_340 : memref<1x1x!tpu.dma_semaphore, #tpu.memory_space<semaphore_mem>> -> memref<!tpu.dma_semaphore, #tpu.memory_space<semaphore_mem>>
    tpu.wait_indirect_dma semaphore(%dma_wait3A_341 : memref<!tpu.dma_semaphore, #tpu.memory_space<semaphore_mem>>) src(%dma_wait3A_339 : memref<102400xf32, #tpu.memory_space<vmem_shared>>) dst(%arg14 : memref<6400xf32, #tpu.memory_space<vmem>>)
    %add3A_342 = arith.constant 128 : i32
    %add3A_343 = arith.addi %add3A, %add3A_342 : i32
    %mul3A_344 = arith.constant 6400 : i32
    %mul3A_345 = arith.muli %add3A_343, %mul3A_344 : i32
    %multiple_of3A_346 = tpu.assume_multiple %mul3A_345, 128 : i32
    %parallel_loop3A_347 = arith.constant 0 : i32
    %parallel_loop3A_348 = arith.constant 6400 : i32
    %parallel_loop3A_349 = arith.constant 16 : i32
    scf.for %parallel_loop3A_1098 = %parallel_loop3A_347 to %parallel_loop3A_348 step %parallel_loop3A_349  : i32 {
      %parallel_loop3A_1099 = arith.index_cast %parallel_loop3A_1098 : i32 to index
      %parallel_loop3A_1100 = tpu.vector_load %arg14[%parallel_loop3A_1099] {strides = array<i32>} : memref<6400xf32, #tpu.memory_space<vmem>>, vector<16xf32>,
      %parallel_loop3A_1101 = vector.shape_cast %parallel_loop3A_1100 : vector<16xf32> to vector<16xf32>
      %parallel_loop3A_1102 = arith.index_cast %parallel_loop3A_1098 : i32 to index
      %parallel_loop3A_1103 = tpu.vector_load %arg12[%parallel_loop3A_1102] {strides = array<i32>} : memref<6400xf32, #tpu.memory_space<vmem>>, vector<16xf32>,
      %parallel_loop3A_1104 = vector.shape_cast %parallel_loop3A_1103 : vector<16xf32> to vector<16xf32>
      %parallel_loop3A_1105 = arith.mulf %parallel_loop3A_1101, %parallel_loop3A_1104 : vector<16xf32>
      %parallel_loop3A_1106 = arith.index_cast %parallel_loop3A_1098 : i32 to index
      %parallel_loop3A_1107 = tpu.vector_load %arg14[%parallel_loop3A_1106] {strides = array<i32>} : memref<6400xf32, #tpu.memory_space<vmem>>, vector<16xf32>,
      %parallel_loop3A_1108 = vector.shape_cast %parallel_loop3A_1107 : vector<16xf32> to vector<16xf32>
      %parallel_loop3A_1109 = vector.shape_cast %parallel_loop3A_1105 : vector<16xf32> to vector<16xf32>
      tpu.vector_store %arg14[%parallel_loop3A_1106], %parallel_loop3A_1109 {strides = array<i32>} : memref<6400xf32, #tpu.memory_space<vmem>>, vector<16xf32>,
    } {sc.loop_unroll_factor = 8 : i64, sc.parallel_access}
    %dma_start3A_350 = arith.constant 4 : i32
    %dma_start3A_351 = arith.constant 0 : i32
    %dma_start3A_352 = arith.constant 0 : i32
    %dma_start3A_353 = tpu.memref_slice %arg18[%dma_start3A_352] : memref<102400xf32, #tpu.memory_space<vmem_shared>> -> memref<102400xf32, #tpu.memory_space<vmem_shared>>
    %dma_start3A_354 = tpu.memref_slice %arg19[%dma_start3A_350, %dma_start3A_351] : memref<5x2x!tpu.dma_semaphore, #tpu.memory_space<semaphore_mem>> -> memref<1x1x!tpu.dma_semaphore, #tpu.memory_space<semaphore_mem>>
    %dma_start3A_355 = tpu.memref_squeeze %dma_start3A_354 : memref<1x1x!tpu.dma_semaphore, #tpu.memory_space<semaphore_mem>> -> memref<!tpu.dma_semaphore, #tpu.memory_space<semaphore_mem>>
    tpu.enqueue_indirect_dma source(%arg14 : memref<6400xf32, #tpu.memory_space<vmem>>) target(%dma_start3A_353 : memref<102400xf32, #tpu.memory_space<vmem_shared>>) offsets(%arg10 : memref<6400xi32, #tpu.memory_space<vmem>>) semaphore(%dma_start3A_355 : memref<!tpu.dma_semaphore, #tpu.memory_space<semaphore_mem>>) {add = true}
    %dma_wait3A_356 = arith.constant 0 : i32
    %dma_wait3A_357 = arith.constant 1 : i32
    %dma_wait3A_358 = arith.constant 0 : i32
    %dma_wait3A_359 = tpu.memref_slice %arg2[%dma_wait3A_358, %multiple_of3A_321] : memref<2x3200000xi32, #tpu.memory_space<hbm>> -> memref<2x6400xi32, #tpu.memory_space<hbm>>
    %dma_wait3A_360 = tpu.memref_slice %arg19[%dma_wait3A_356, %dma_wait3A_357] : memref<5x2x!tpu.dma_semaphore, #tpu.memory_space<semaphore_mem>> -> memref<1x1x!tpu.dma_semaphore, #tpu.memory_space<semaphore_mem>>
    %dma_wait3A_361 = tpu.memref_squeeze %dma_wait3A_360 : memref<1x1x!tpu.dma_semaphore, #tpu.memory_space<semaphore_mem>> -> memref<!tpu.dma_semaphore, #tpu.memory_space<semaphore_mem>>
    %dma_wait3A_362 = arith.constant 0 : i32
    %dma_wait3A_363 = tpu.memref_slice %arg2[%dma_wait3A_362, %multiple_of3A_321] : memref<2x3200000xi32, #tpu.memory_space<hbm>> -> memref<2x6400xi32, #tpu.memory_space<hbm>>
    tpu.wait_dma2 semaphore(%dma_wait3A_361 : memref<!tpu.dma_semaphore, #tpu.memory_space<semaphore_mem>>) src(%dma_wait3A_363 : memref<2x6400xi32, #tpu.memory_space<hbm>>) dst(%arg7 : memref<2x6400xi32, #tpu.memory_space<vmem>>)
    %dma_wait3A_364 = arith.constant 2 : i32
    %dma_wait3A_365 = arith.constant 1 : i32
    %dma_wait3A_366 = tpu.memref_slice %arg3[%multiple_of3A_321] : memref<3200000xf32, #tpu.memory_space<hbm>> -> memref<6400xf32, #tpu.memory_space<hbm>>
    %dma_wait3A_367 = tpu.memref_slice %arg19[%dma_wait3A_364, %dma_wait3A_365] : memref<5x2x!tpu.dma_semaphore, #tpu.memory_space<semaphore_mem>> -> memref<1x1x!tpu.dma_semaphore, #tpu.memory_space<semaphore_mem>>
    %dma_wait3A_368 = tpu.memref_squeeze %dma_wait3A_367 : memref<1x1x!tpu.dma_semaphore, #tpu.memory_space<semaphore_mem>> -> memref<!tpu.dma_semaphore, #tpu.memory_space<semaphore_mem>>
    %dma_wait3A_369 = tpu.memref_slice %arg3[%multiple_of3A_321] : memref<3200000xf32, #tpu.memory_space<hbm>> -> memref<6400xf32, #tpu.memory_space<hbm>>
    tpu.wait_dma2 semaphore(%dma_wait3A_368 : memref<!tpu.dma_semaphore, #tpu.memory_space<semaphore_mem>>) src(%dma_wait3A_369 : memref<6400xf32, #tpu.memory_space<hbm>>) dst(%arg13 : memref<6400xf32, #tpu.memory_space<vmem>>)
    %parallel_loop3A_370 = arith.constant 0 : i32
    %parallel_loop3A_371 = arith.constant 6400 : i32
    %parallel_loop3A_372 = arith.constant 16 : i32
    scf.for %parallel_loop3A_1098 = %parallel_loop3A_370 to %parallel_loop3A_371 step %parallel_loop3A_372  : i32 {
      %parallel_loop3A_1099 = arith.constant 0 : i32
      %parallel_loop3A_1100 = arith.index_cast %parallel_loop3A_1099 : i32 to index
      %parallel_loop3A_1101 = arith.index_cast %parallel_loop3A_1098 : i32 to index
      %parallel_loop3A_1102 = tpu.vector_load %arg7[%parallel_loop3A_1100, %parallel_loop3A_1101] {strides = array<i32>} : memref<2x6400xi32, #tpu.memory_space<vmem>>, vector<1x16xi32>,
      %parallel_loop3A_1103 = vector.shape_cast %parallel_loop3A_1102 : vector<1x16xi32> to vector<16xi32>
      %parallel_loop3A_1104 = arith.index_cast %parallel_loop3A_1098 : i32 to index
      %parallel_loop3A_1105 = tpu.vector_load %arg9[%parallel_loop3A_1104] {strides = array<i32>} : memref<6400xi32, #tpu.memory_space<vmem>>, vector<16xi32>,
      %parallel_loop3A_1106 = vector.shape_cast %parallel_loop3A_1105 : vector<16xi32> to vector<16xi32>
      %parallel_loop3A_1107 = vector.shape_cast %parallel_loop3A_1103 : vector<16xi32> to vector<16xi32>
      tpu.vector_store %arg9[%parallel_loop3A_1104], %parallel_loop3A_1107 {strides = array<i32>} : memref<6400xi32, #tpu.memory_space<vmem>>, vector<16xi32>,
      %parallel_loop3A_1108 = arith.constant 1 : i32
      %parallel_loop3A_1109 = arith.index_cast %parallel_loop3A_1108 : i32 to index
      %parallel_loop3A_1110 = arith.index_cast %parallel_loop3A_1098 : i32 to index
      %parallel_loop3A_1111 = tpu.vector_load %arg7[%parallel_loop3A_1109, %parallel_loop3A_1110] {strides = array<i32>} : memref<2x6400xi32, #tpu.memory_space<vmem>>, vector<1x16xi32>,
      %parallel_loop3A_1112 = vector.shape_cast %parallel_loop3A_1111 : vector<1x16xi32> to vector<16xi32>
      %parallel_loop3A_1113 = arith.index_cast %parallel_loop3A_1098 : i32 to index
      %parallel_loop3A_1114 = tpu.vector_load %arg11[%parallel_loop3A_1113] {strides = array<i32>} : memref<6400xi32, #tpu.memory_space<vmem>>, vector<16xi32>,
      %parallel_loop3A_1115 = vector.shape_cast %parallel_loop3A_1114 : vector<16xi32> to vector<16xi32>
      %parallel_loop3A_1116 = vector.shape_cast %parallel_loop3A_1112 : vector<16xi32> to vector<16xi32>
      tpu.vector_store %arg11[%parallel_loop3A_1113], %parallel_loop3A_1116 {strides = array<i32>} : memref<6400xi32, #tpu.memory_space<vmem>>, vector<16xi32>,
    } {sc.loop_unroll_factor = 8 : i64, sc.parallel_access}
    %dma_start3A_373 = arith.constant 3 : i32
    %dma_start3A_374 = arith.constant 1 : i32
    %dma_start3A_375 = arith.constant 0 : i32
    %dma_start3A_376 = tpu.memref_slice %arg17[%dma_start3A_375] : memref<102400xf32, #tpu.memory_space<vmem_shared>> -> memref<102400xf32, #tpu.memory_space<vmem_shared>>
    %dma_start3A_377 = tpu.memref_slice %arg19[%dma_start3A_373, %dma_start3A_374] : memref<5x2x!tpu.dma_semaphore, #tpu.memory_space<semaphore_mem>> -> memref<1x1x!tpu.dma_semaphore, #tpu.memory_space<semaphore_mem>>
    %dma_start3A_378 = tpu.memref_squeeze %dma_start3A_377 : memref<1x1x!tpu.dma_semaphore, #tpu.memory_space<semaphore_mem>> -> memref<!tpu.dma_semaphore, #tpu.memory_space<semaphore_mem>>
    tpu.enqueue_indirect_dma source(%dma_start3A_376 : memref<102400xf32, #tpu.memory_space<vmem_shared>>) target(%arg15 : memref<6400xf32, #tpu.memory_space<vmem>>) offsets(%arg9 : memref<6400xi32, #tpu.memory_space<vmem>>) semaphore(%dma_start3A_378 : memref<!tpu.dma_semaphore, #tpu.memory_space<semaphore_mem>>)
    %dma_wait3A_379 = arith.constant 4 : i32
    %dma_wait3A_380 = arith.constant 0 : i32
    %dma_wait3A_381 = arith.constant 0 : i32
    %dma_wait3A_382 = tpu.memref_slice %arg18[%dma_wait3A_381] : memref<102400xf32, #tpu.memory_space<vmem_shared>> -> memref<102400xf32, #tpu.memory_space<vmem_shared>>
    %dma_wait3A_383 = tpu.memref_slice %arg19[%dma_wait3A_379, %dma_wait3A_380] : memref<5x2x!tpu.dma_semaphore, #tpu.memory_space<semaphore_mem>> -> memref<1x1x!tpu.dma_semaphore, #tpu.memory_space<semaphore_mem>>
    %dma_wait3A_384 = tpu.memref_squeeze %dma_wait3A_383 : memref<1x1x!tpu.dma_semaphore, #tpu.memory_space<semaphore_mem>> -> memref<!tpu.dma_semaphore, #tpu.memory_space<semaphore_mem>>
    tpu.wait_indirect_dma semaphore(%dma_wait3A_384 : memref<!tpu.dma_semaphore, #tpu.memory_space<semaphore_mem>>) src(%arg14 : memref<6400xf32, #tpu.memory_space<vmem>>) dst(%dma_wait3A_382 : memref<102400xf32, #tpu.memory_space<vmem_shared>>)
    %add3A_385 = arith.constant 192 : i32
    %add3A_386 = arith.addi %add3A, %add3A_385 : i32
    %mul3A_387 = arith.constant 6400 : i32
    %mul3A_388 = arith.muli %add3A_386, %mul3A_387 : i32
    %multiple_of3A_389 = tpu.assume_multiple %mul3A_388, 128 : i32
    %dma_start3A_390 = arith.constant 0 : i32
    %dma_start3A_391 = arith.constant 0 : i32
    %dma_start3A_392 = arith.constant 0 : i32
    %dma_start3A_393 = tpu.memref_slice %arg2[%dma_start3A_392, %multiple_of3A_389] : memref<2x3200000xi32, #tpu.memory_space<hbm>> -> memref<2x6400xi32, #tpu.memory_space<hbm>>
    %dma_start3A_394 = tpu.memref_slice %arg19[%dma_start3A_390, %dma_start3A_391] : memref<5x2x!tpu.dma_semaphore, #tpu.memory_space<semaphore_mem>> -> memref<1x1x!tpu.dma_semaphore, #tpu.memory_space<semaphore_mem>>
    %dma_start3A_395 = tpu.memref_squeeze %dma_start3A_394 : memref<1x1x!tpu.dma_semaphore, #tpu.memory_space<semaphore_mem>> -> memref<!tpu.dma_semaphore, #tpu.memory_space<semaphore_mem>>
    %dma_start3A_396 = arith.constant 0 : i32
    %dma_start3A_397 = tpu.memref_slice %arg2[%dma_start3A_396, %multiple_of3A_389] : memref<2x3200000xi32, #tpu.memory_space<hbm>> -> memref<2x6400xi32, #tpu.memory_space<hbm>>
    tpu.enqueue_dma source(%dma_start3A_397 : memref<2x6400xi32, #tpu.memory_space<hbm>>) target(%arg6 : memref<2x6400xi32, #tpu.memory_space<vmem>>) target_semaphore(%dma_start3A_395 : memref<!tpu.dma_semaphore, #tpu.memory_space<semaphore_mem>>)
    %dma_start3A_398 = arith.constant 2 : i32
    %dma_start3A_399 = arith.constant 0 : i32
    %dma_start3A_400 = tpu.memref_slice %arg3[%multiple_of3A_389] : memref<3200000xf32, #tpu.memory_space<hbm>> -> memref<6400xf32, #tpu.memory_space<hbm>>
    %dma_start3A_401 = tpu.memref_slice %arg19[%dma_start3A_398, %dma_start3A_399] : memref<5x2x!tpu.dma_semaphore, #tpu.memory_space<semaphore_mem>> -> memref<1x1x!tpu.dma_semaphore, #tpu.memory_space<semaphore_mem>>
    %dma_start3A_402 = tpu.memref_squeeze %dma_start3A_401 : memref<1x1x!tpu.dma_semaphore, #tpu.memory_space<semaphore_mem>> -> memref<!tpu.dma_semaphore, #tpu.memory_space<semaphore_mem>>
    %dma_start3A_403 = tpu.memref_slice %arg3[%multiple_of3A_389] : memref<3200000xf32, #tpu.memory_space<hbm>> -> memref<6400xf32, #tpu.memory_space<hbm>>
    tpu.enqueue_dma source(%dma_start3A_403 : memref<6400xf32, #tpu.memory_space<hbm>>) target(%arg12 : memref<6400xf32, #tpu.memory_space<vmem>>) target_semaphore(%dma_start3A_402 : memref<!tpu.dma_semaphore, #tpu.memory_space<semaphore_mem>>)
    %dma_wait3A_404 = arith.constant 3 : i32
    %dma_wait3A_405 = arith.constant 1 : i32
    %dma_wait3A_406 = arith.constant 0 : i32
    %dma_wait3A_407 = tpu.memref_slice %arg17[%dma_wait3A_406] : memref<102400xf32, #tpu.memory_space<vmem_shared>> -> memref<102400xf32, #tpu.memory_space<vmem_shared>>
    %dma_wait3A_408 = tpu.memref_slice %arg19[%dma_wait3A_404, %dma_wait3A_405] : memref<5x2x!tpu.dma_semaphore, #tpu.memory_space<semaphore_mem>> -> memref<1x1x!tpu.dma_semaphore, #tpu.memory_space<semaphore_mem>>
    %dma_wait3A_409 = tpu.memref_squeeze %dma_wait3A_408 : memref<1x1x!tpu.dma_semaphore, #tpu.memory_space<semaphore_mem>> -> memref<!tpu.dma_semaphore, #tpu.memory_space<semaphore_mem>>
    tpu.wait_indirect_dma semaphore(%dma_wait3A_409 : memref<!tpu.dma_semaphore, #tpu.memory_space<semaphore_mem>>) src(%dma_wait3A_407 : memref<102400xf32, #tpu.memory_space<vmem_shared>>) dst(%arg15 : memref<6400xf32, #tpu.memory_space<vmem>>)
    %add3A_410 = arith.constant 160 : i32
    %add3A_411 = arith.addi %add3A, %add3A_410 : i32
    %mul3A_412 = arith.constant 6400 : i32
    %mul3A_413 = arith.muli %add3A_411, %mul3A_412 : i32
    %multiple_of3A_414 = tpu.assume_multiple %mul3A_413, 128 : i32
    %parallel_loop3A_415 = arith.constant 0 : i32
    %parallel_loop3A_416 = arith.constant 6400 : i32
    %parallel_loop3A_417 = arith.constant 16 : i32
    scf.for %parallel_loop3A_1098 = %parallel_loop3A_415 to %parallel_loop3A_416 step %parallel_loop3A_417  : i32 {
      %parallel_loop3A_1099 = arith.index_cast %parallel_loop3A_1098 : i32 to index
      %parallel_loop3A_1100 = tpu.vector_load %arg15[%parallel_loop3A_1099] {strides = array<i32>} : memref<6400xf32, #tpu.memory_space<vmem>>, vector<16xf32>,
      %parallel_loop3A_1101 = vector.shape_cast %parallel_loop3A_1100 : vector<16xf32> to vector<16xf32>
      %parallel_loop3A_1102 = arith.index_cast %parallel_loop3A_1098 : i32 to index
      %parallel_loop3A_1103 = tpu.vector_load %arg13[%parallel_loop3A_1102] {strides = array<i32>} : memref<6400xf32, #tpu.memory_space<vmem>>, vector<16xf32>,
      %parallel_loop3A_1104 = vector.shape_cast %parallel_loop3A_1103 : vector<16xf32> to vector<16xf32>
      %parallel_loop3A_1105 = arith.mulf %parallel_loop3A_1101, %parallel_loop3A_1104 : vector<16xf32>
      %parallel_loop3A_1106 = arith.index_cast %parallel_loop3A_1098 : i32 to index
      %parallel_loop3A_1107 = tpu.vector_load %arg15[%parallel_loop3A_1106] {strides = array<i32>} : memref<6400xf32, #tpu.memory_space<vmem>>, vector<16xf32>,
      %parallel_loop3A_1108 = vector.shape_cast %parallel_loop3A_1107 : vector<16xf32> to vector<16xf32>
      %parallel_loop3A_1109 = vector.shape_cast %parallel_loop3A_1105 : vector<16xf32> to vector<16xf32>
      tpu.vector_store %arg15[%parallel_loop3A_1106], %parallel_loop3A_1109 {strides = array<i32>} : memref<6400xf32, #tpu.memory_space<vmem>>, vector<16xf32>,
    } {sc.loop_unroll_factor = 8 : i64, sc.parallel_access}
    %dma_start3A_418 = arith.constant 4 : i32
    %dma_start3A_419 = arith.constant 1 : i32
    %dma_start3A_420 = arith.constant 0 : i32
    %dma_start3A_421 = tpu.memref_slice %arg18[%dma_start3A_420] : memref<102400xf32, #tpu.memory_space<vmem_shared>> -> memref<102400xf32, #tpu.memory_space<vmem_shared>>
    %dma_start3A_422 = tpu.memref_slice %arg19[%dma_start3A_418, %dma_start3A_419] : memref<5x2x!tpu.dma_semaphore, #tpu.memory_space<semaphore_mem>> -> memref<1x1x!tpu.dma_semaphore, #tpu.memory_space<semaphore_mem>>
    %dma_start3A_423 = tpu.memref_squeeze %dma_start3A_422 : memref<1x1x!tpu.dma_semaphore, #tpu.memory_space<semaphore_mem>> -> memref<!tpu.dma_semaphore, #tpu.memory_space<semaphore_mem>>
    tpu.enqueue_indirect_dma source(%arg15 : memref<6400xf32, #tpu.memory_space<vmem>>) target(%dma_start3A_421 : memref<102400xf32, #tpu.memory_space<vmem_shared>>) offsets(%arg11 : memref<6400xi32, #tpu.memory_space<vmem>>) semaphore(%dma_start3A_423 : memref<!tpu.dma_semaphore, #tpu.memory_space<semaphore_mem>>) {add = true}
    %dma_wait3A_424 = arith.constant 0 : i32
    %dma_wait3A_425 = arith.constant 0 : i32
    %dma_wait3A_426 = arith.constant 0 : i32
    %dma_wait3A_427 = tpu.memref_slice %arg2[%dma_wait3A_426, %multiple_of3A_389] : memref<2x3200000xi32, #tpu.memory_space<hbm>> -> memref<2x6400xi32, #tpu.memory_space<hbm>>
    %dma_wait3A_428 = tpu.memref_slice %arg19[%dma_wait3A_424, %dma_wait3A_425] : memref<5x2x!tpu.dma_semaphore, #tpu.memory_space<semaphore_mem>> -> memref<1x1x!tpu.dma_semaphore, #tpu.memory_space<semaphore_mem>>
    %dma_wait3A_429 = tpu.memref_squeeze %dma_wait3A_428 : memref<1x1x!tpu.dma_semaphore, #tpu.memory_space<semaphore_mem>> -> memref<!tpu.dma_semaphore, #tpu.memory_space<semaphore_mem>>
    %dma_wait3A_430 = arith.constant 0 : i32
    %dma_wait3A_431 = tpu.memref_slice %arg2[%dma_wait3A_430, %multiple_of3A_389] : memref<2x3200000xi32, #tpu.memory_space<hbm>> -> memref<2x6400xi32, #tpu.memory_space<hbm>>
    tpu.wait_dma2 semaphore(%dma_wait3A_429 : memref<!tpu.dma_semaphore, #tpu.memory_space<semaphore_mem>>) src(%dma_wait3A_431 : memref<2x6400xi32, #tpu.memory_space<hbm>>) dst(%arg6 : memref<2x6400xi32, #tpu.memory_space<vmem>>)
    %dma_wait3A_432 = arith.constant 2 : i32
    %dma_wait3A_433 = arith.constant 0 : i32
    %dma_wait3A_434 = tpu.memref_slice %arg3[%multiple_of3A_389] : memref<3200000xf32, #tpu.memory_space<hbm>> -> memref<6400xf32, #tpu.memory_space<hbm>>
    %dma_wait3A_435 = tpu.memref_slice %arg19[%dma_wait3A_432, %dma_wait3A_433] : memref<5x2x!tpu.dma_semaphore, #tpu.memory_space<semaphore_mem>> -> memref<1x1x!tpu.dma_semaphore, #tpu.memory_space<semaphore_mem>>
    %dma_wait3A_436 = tpu.memref_squeeze %dma_wait3A_435 : memref<1x1x!tpu.dma_semaphore, #tpu.memory_space<semaphore_mem>> -> memref<!tpu.dma_semaphore, #tpu.memory_space<semaphore_mem>>
    %dma_wait3A_437 = tpu.memref_slice %arg3[%multiple_of3A_389] : memref<3200000xf32, #tpu.memory_space<hbm>> -> memref<6400xf32, #tpu.memory_space<hbm>>
    tpu.wait_dma2 semaphore(%dma_wait3A_436 : memref<!tpu.dma_semaphore, #tpu.memory_space<semaphore_mem>>) src(%dma_wait3A_437 : memref<6400xf32, #tpu.memory_space<hbm>>) dst(%arg12 : memref<6400xf32, #tpu.memory_space<vmem>>)
    %parallel_loop3A_438 = arith.constant 0 : i32
    %parallel_loop3A_439 = arith.constant 6400 : i32
    %parallel_loop3A_440 = arith.constant 16 : i32
    scf.for %parallel_loop3A_1098 = %parallel_loop3A_438 to %parallel_loop3A_439 step %parallel_loop3A_440  : i32 {
      %parallel_loop3A_1099 = arith.constant 0 : i32
      %parallel_loop3A_1100 = arith.index_cast %parallel_loop3A_1099 : i32 to index
      %parallel_loop3A_1101 = arith.index_cast %parallel_loop3A_1098 : i32 to index
      %parallel_loop3A_1102 = tpu.vector_load %arg6[%parallel_loop3A_1100, %parallel_loop3A_1101] {strides = array<i32>} : memref<2x6400xi32, #tpu.memory_space<vmem>>, vector<1x16xi32>,
      %parallel_loop3A_1103 = vector.shape_cast %parallel_loop3A_1102 : vector<1x16xi32> to vector<16xi32>
      %parallel_loop3A_1104 = arith.index_cast %parallel_loop3A_1098 : i32 to index
      %parallel_loop3A_1105 = tpu.vector_load %arg8[%parallel_loop3A_1104] {strides = array<i32>} : memref<6400xi32, #tpu.memory_space<vmem>>, vector<16xi32>,
      %parallel_loop3A_1106 = vector.shape_cast %parallel_loop3A_1105 : vector<16xi32> to vector<16xi32>
      %parallel_loop3A_1107 = vector.shape_cast %parallel_loop3A_1103 : vector<16xi32> to vector<16xi32>
      tpu.vector_store %arg8[%parallel_loop3A_1104], %parallel_loop3A_1107 {strides = array<i32>} : memref<6400xi32, #tpu.memory_space<vmem>>, vector<16xi32>,
      %parallel_loop3A_1108 = arith.constant 1 : i32
      %parallel_loop3A_1109 = arith.index_cast %parallel_loop3A_1108 : i32 to index
      %parallel_loop3A_1110 = arith.index_cast %parallel_loop3A_1098 : i32 to index
      %parallel_loop3A_1111 = tpu.vector_load %arg6[%parallel_loop3A_1109, %parallel_loop3A_1110] {strides = array<i32>} : memref<2x6400xi32, #tpu.memory_space<vmem>>, vector<1x16xi32>,
      %parallel_loop3A_1112 = vector.shape_cast %parallel_loop3A_1111 : vector<1x16xi32> to vector<16xi32>
      %parallel_loop3A_1113 = arith.index_cast %parallel_loop3A_1098 : i32 to index
      %parallel_loop3A_1114 = tpu.vector_load %arg10[%parallel_loop3A_1113] {strides = array<i32>} : memref<6400xi32, #tpu.memory_space<vmem>>, vector<16xi32>,
      %parallel_loop3A_1115 = vector.shape_cast %parallel_loop3A_1114 : vector<16xi32> to vector<16xi32>
      %parallel_loop3A_1116 = vector.shape_cast %parallel_loop3A_1112 : vector<16xi32> to vector<16xi32>
      tpu.vector_store %arg10[%parallel_loop3A_1113], %parallel_loop3A_1116 {strides = array<i32>} : memref<6400xi32, #tpu.memory_space<vmem>>, vector<16xi32>,
    } {sc.loop_unroll_factor = 8 : i64, sc.parallel_access}
    %dma_start3A_441 = arith.constant 3 : i32
    %dma_start3A_442 = arith.constant 0 : i32
    %dma_start3A_443 = arith.constant 0 : i32
    %dma_start3A_444 = tpu.memref_slice %arg17[%dma_start3A_443] : memref<102400xf32, #tpu.memory_space<vmem_shared>> -> memref<102400xf32, #tpu.memory_space<vmem_shared>>
    %dma_start3A_445 = tpu.memref_slice %arg19[%dma_start3A_441, %dma_start3A_442] : memref<5x2x!tpu.dma_semaphore, #tpu.memory_space<semaphore_mem>> -> memref<1x1x!tpu.dma_semaphore, #tpu.memory_space<semaphore_mem>>
    %dma_start3A_446 = tpu.memref_squeeze %dma_start3A_445 : memref<1x1x!tpu.dma_semaphore, #tpu.memory_space<semaphore_mem>> -> memref<!tpu.dma_semaphore, #tpu.memory_space<semaphore_mem>>
    tpu.enqueue_indirect_dma source(%dma_start3A_444 : memref<102400xf32, #tpu.memory_space<vmem_shared>>) target(%arg14 : memref<6400xf32, #tpu.memory_space<vmem>>) offsets(%arg8 : memref<6400xi32, #tpu.memory_space<vmem>>) semaphore(%dma_start3A_446 : memref<!tpu.dma_semaphore, #tpu.memory_space<semaphore_mem>>)
    %dma_wait3A_447 = arith.constant 4 : i32
    %dma_wait3A_448 = arith.constant 1 : i32
    %dma_wait3A_449 = arith.constant 0 : i32
    %dma_wait3A_450 = tpu.memref_slice %arg18[%dma_wait3A_449] : memref<102400xf32, #tpu.memory_space<vmem_shared>> -> memref<102400xf32, #tpu.memory_space<vmem_shared>>
    %dma_wait3A_451 = tpu.memref_slice %arg19[%dma_wait3A_447, %dma_wait3A_448] : memref<5x2x!tpu.dma_semaphore, #tpu.memory_space<semaphore_mem>> -> memref<1x1x!tpu.dma_semaphore, #tpu.memory_space<semaphore_mem>>
    %dma_wait3A_452 = tpu.memref_squeeze %dma_wait3A_451 : memref<1x1x!tpu.dma_semaphore, #tpu.memory_space<semaphore_mem>> -> memref<!tpu.dma_semaphore, #tpu.memory_space<semaphore_mem>>
    tpu.wait_indirect_dma semaphore(%dma_wait3A_452 : memref<!tpu.dma_semaphore, #tpu.memory_space<semaphore_mem>>) src(%arg15 : memref<6400xf32, #tpu.memory_space<vmem>>) dst(%dma_wait3A_450 : memref<102400xf32, #tpu.memory_space<vmem_shared>>)
    %add3A_453 = arith.constant 224 : i32
    %add3A_454 = arith.addi %add3A, %add3A_453 : i32
    %mul3A_455 = arith.constant 6400 : i32
    %mul3A_456 = arith.muli %add3A_454, %mul3A_455 : i32
    %multiple_of3A_457 = tpu.assume_multiple %mul3A_456, 128 : i32
    %dma_start3A_458 = arith.constant 0 : i32
    %dma_start3A_459 = arith.constant 1 : i32
    %dma_start3A_460 = arith.constant 0 : i32
    %dma_start3A_461 = tpu.memref_slice %arg2[%dma_start3A_460, %multiple_of3A_457] : memref<2x3200000xi32, #tpu.memory_space<hbm>> -> memref<2x6400xi32, #tpu.memory_space<hbm>>
    %dma_start3A_462 = tpu.memref_slice %arg19[%dma_start3A_458, %dma_start3A_459] : memref<5x2x!tpu.dma_semaphore, #tpu.memory_space<semaphore_mem>> -> memref<1x1x!tpu.dma_semaphore, #tpu.memory_space<semaphore_mem>>
    %dma_start3A_463 = tpu.memref_squeeze %dma_start3A_462 : memref<1x1x!tpu.dma_semaphore, #tpu.memory_space<semaphore_mem>> -> memref<!tpu.dma_semaphore, #tpu.memory_space<semaphore_mem>>
    %dma_start3A_464 = arith.constant 0 : i32
    %dma_start3A_465 = tpu.memref_slice %arg2[%dma_start3A_464, %multiple_of3A_457] : memref<2x3200000xi32, #tpu.memory_space<hbm>> -> memref<2x6400xi32, #tpu.memory_space<hbm>>
    tpu.enqueue_dma source(%dma_start3A_465 : memref<2x6400xi32, #tpu.memory_space<hbm>>) target(%arg7 : memref<2x6400xi32, #tpu.memory_space<vmem>>) target_semaphore(%dma_start3A_463 : memref<!tpu.dma_semaphore, #tpu.memory_space<semaphore_mem>>)
    %dma_start3A_466 = arith.constant 2 : i32
    %dma_start3A_467 = arith.constant 1 : i32
    %dma_start3A_468 = tpu.memref_slice %arg3[%multiple_of3A_457] : memref<3200000xf32, #tpu.memory_space<hbm>> -> memref<6400xf32, #tpu.memory_space<hbm>>
    %dma_start3A_469 = tpu.memref_slice %arg19[%dma_start3A_466, %dma_start3A_467] : memref<5x2x!tpu.dma_semaphore, #tpu.memory_space<semaphore_mem>> -> memref<1x1x!tpu.dma_semaphore, #tpu.memory_space<semaphore_mem>>
    %dma_start3A_470 = tpu.memref_squeeze %dma_start3A_469 : memref<1x1x!tpu.dma_semaphore, #tpu.memory_space<semaphore_mem>> -> memref<!tpu.dma_semaphore, #tpu.memory_space<semaphore_mem>>
    %dma_start3A_471 = tpu.memref_slice %arg3[%multiple_of3A_457] : memref<3200000xf32, #tpu.memory_space<hbm>> -> memref<6400xf32, #tpu.memory_space<hbm>>
    tpu.enqueue_dma source(%dma_start3A_471 : memref<6400xf32, #tpu.memory_space<hbm>>) target(%arg13 : memref<6400xf32, #tpu.memory_space<vmem>>) target_semaphore(%dma_start3A_470 : memref<!tpu.dma_semaphore, #tpu.memory_space<semaphore_mem>>)
    %dma_wait3A_472 = arith.constant 3 : i32
    %dma_wait3A_473 = arith.constant 0 : i32
    %dma_wait3A_474 = arith.constant 0 : i32
    %dma_wait3A_475 = tpu.memref_slice %arg17[%dma_wait3A_474] : memref<102400xf32, #tpu.memory_space<vmem_shared>> -> memref<102400xf32, #tpu.memory_space<vmem_shared>>
    %dma_wait3A_476 = tpu.memref_slice %arg19[%dma_wait3A_472, %dma_wait3A_473] : memref<5x2x!tpu.dma_semaphore, #tpu.memory_space<semaphore_mem>> -> memref<1x1x!tpu.dma_semaphore, #tpu.memory_space<semaphore_mem>>
    %dma_wait3A_477 = tpu.memref_squeeze %dma_wait3A_476 : memref<1x1x!tpu.dma_semaphore, #tpu.memory_space<semaphore_mem>> -> memref<!tpu.dma_semaphore, #tpu.memory_space<semaphore_mem>>
    tpu.wait_indirect_dma semaphore(%dma_wait3A_477 : memref<!tpu.dma_semaphore, #tpu.memory_space<semaphore_mem>>) src(%dma_wait3A_475 : memref<102400xf32, #tpu.memory_space<vmem_shared>>) dst(%arg14 : memref<6400xf32, #tpu.memory_space<vmem>>)
    %add3A_478 = arith.constant 192 : i32
    %add3A_479 = arith.addi %add3A, %add3A_478 : i32
    %mul3A_480 = arith.constant 6400 : i32
    %mul3A_481 = arith.muli %add3A_479, %mul3A_480 : i32
    %multiple_of3A_482 = tpu.assume_multiple %mul3A_481, 128 : i32
    %parallel_loop3A_483 = arith.constant 0 : i32
    %parallel_loop3A_484 = arith.constant 6400 : i32
    %parallel_loop3A_485 = arith.constant 16 : i32
    scf.for %parallel_loop3A_1098 = %parallel_loop3A_483 to %parallel_loop3A_484 step %parallel_loop3A_485  : i32 {
      %parallel_loop3A_1099 = arith.index_cast %parallel_loop3A_1098 : i32 to index
      %parallel_loop3A_1100 = tpu.vector_load %arg14[%parallel_loop3A_1099] {strides = array<i32>} : memref<6400xf32, #tpu.memory_space<vmem>>, vector<16xf32>,
      %parallel_loop3A_1101 = vector.shape_cast %parallel_loop3A_1100 : vector<16xf32> to vector<16xf32>
      %parallel_loop3A_1102 = arith.index_cast %parallel_loop3A_1098 : i32 to index
      %parallel_loop3A_1103 = tpu.vector_load %arg12[%parallel_loop3A_1102] {strides = array<i32>} : memref<6400xf32, #tpu.memory_space<vmem>>, vector<16xf32>,
      %parallel_loop3A_1104 = vector.shape_cast %parallel_loop3A_1103 : vector<16xf32> to vector<16xf32>
      %parallel_loop3A_1105 = arith.mulf %parallel_loop3A_1101, %parallel_loop3A_1104 : vector<16xf32>
      %parallel_loop3A_1106 = arith.index_cast %parallel_loop3A_1098 : i32 to index
      %parallel_loop3A_1107 = tpu.vector_load %arg14[%parallel_loop3A_1106] {strides = array<i32>} : memref<6400xf32, #tpu.memory_space<vmem>>, vector<16xf32>,
      %parallel_loop3A_1108 = vector.shape_cast %parallel_loop3A_1107 : vector<16xf32> to vector<16xf32>
      %parallel_loop3A_1109 = vector.shape_cast %parallel_loop3A_1105 : vector<16xf32> to vector<16xf32>
      tpu.vector_store %arg14[%parallel_loop3A_1106], %parallel_loop3A_1109 {strides = array<i32>} : memref<6400xf32, #tpu.memory_space<vmem>>, vector<16xf32>,
    } {sc.loop_unroll_factor = 8 : i64, sc.parallel_access}
    %dma_start3A_486 = arith.constant 4 : i32
    %dma_start3A_487 = arith.constant 0 : i32
    %dma_start3A_488 = arith.constant 0 : i32
    %dma_start3A_489 = tpu.memref_slice %arg18[%dma_start3A_488] : memref<102400xf32, #tpu.memory_space<vmem_shared>> -> memref<102400xf32, #tpu.memory_space<vmem_shared>>
    %dma_start3A_490 = tpu.memref_slice %arg19[%dma_start3A_486, %dma_start3A_487] : memref<5x2x!tpu.dma_semaphore, #tpu.memory_space<semaphore_mem>> -> memref<1x1x!tpu.dma_semaphore, #tpu.memory_space<semaphore_mem>>
    %dma_start3A_491 = tpu.memref_squeeze %dma_start3A_490 : memref<1x1x!tpu.dma_semaphore, #tpu.memory_space<semaphore_mem>> -> memref<!tpu.dma_semaphore, #tpu.memory_space<semaphore_mem>>
    tpu.enqueue_indirect_dma source(%arg14 : memref<6400xf32, #tpu.memory_space<vmem>>) target(%dma_start3A_489 : memref<102400xf32, #tpu.memory_space<vmem_shared>>) offsets(%arg10 : memref<6400xi32, #tpu.memory_space<vmem>>) semaphore(%dma_start3A_491 : memref<!tpu.dma_semaphore, #tpu.memory_space<semaphore_mem>>) {add = true}
    %dma_wait3A_492 = arith.constant 0 : i32
    %dma_wait3A_493 = arith.constant 1 : i32
    %dma_wait3A_494 = arith.constant 0 : i32
    %dma_wait3A_495 = tpu.memref_slice %arg2[%dma_wait3A_494, %multiple_of3A_457] : memref<2x3200000xi32, #tpu.memory_space<hbm>> -> memref<2x6400xi32, #tpu.memory_space<hbm>>
    %dma_wait3A_496 = tpu.memref_slice %arg19[%dma_wait3A_492, %dma_wait3A_493] : memref<5x2x!tpu.dma_semaphore, #tpu.memory_space<semaphore_mem>> -> memref<1x1x!tpu.dma_semaphore, #tpu.memory_space<semaphore_mem>>
    %dma_wait3A_497 = tpu.memref_squeeze %dma_wait3A_496 : memref<1x1x!tpu.dma_semaphore, #tpu.memory_space<semaphore_mem>> -> memref<!tpu.dma_semaphore, #tpu.memory_space<semaphore_mem>>
    %dma_wait3A_498 = arith.constant 0 : i32
    %dma_wait3A_499 = tpu.memref_slice %arg2[%dma_wait3A_498, %multiple_of3A_457] : memref<2x3200000xi32, #tpu.memory_space<hbm>> -> memref<2x6400xi32, #tpu.memory_space<hbm>>
    tpu.wait_dma2 semaphore(%dma_wait3A_497 : memref<!tpu.dma_semaphore, #tpu.memory_space<semaphore_mem>>) src(%dma_wait3A_499 : memref<2x6400xi32, #tpu.memory_space<hbm>>) dst(%arg7 : memref<2x6400xi32, #tpu.memory_space<vmem>>)
    %dma_wait3A_500 = arith.constant 2 : i32
    %dma_wait3A_501 = arith.constant 1 : i32
    %dma_wait3A_502 = tpu.memref_slice %arg3[%multiple_of3A_457] : memref<3200000xf32, #tpu.memory_space<hbm>> -> memref<6400xf32, #tpu.memory_space<hbm>>
    %dma_wait3A_503 = tpu.memref_slice %arg19[%dma_wait3A_500, %dma_wait3A_501] : memref<5x2x!tpu.dma_semaphore, #tpu.memory_space<semaphore_mem>> -> memref<1x1x!tpu.dma_semaphore, #tpu.memory_space<semaphore_mem>>
    %dma_wait3A_504 = tpu.memref_squeeze %dma_wait3A_503 : memref<1x1x!tpu.dma_semaphore, #tpu.memory_space<semaphore_mem>> -> memref<!tpu.dma_semaphore, #tpu.memory_space<semaphore_mem>>
    %dma_wait3A_505 = tpu.memref_slice %arg3[%multiple_of3A_457] : memref<3200000xf32, #tpu.memory_space<hbm>> -> memref<6400xf32, #tpu.memory_space<hbm>>
    tpu.wait_dma2 semaphore(%dma_wait3A_504 : memref<!tpu.dma_semaphore, #tpu.memory_space<semaphore_mem>>) src(%dma_wait3A_505 : memref<6400xf32, #tpu.memory_space<hbm>>) dst(%arg13 : memref<6400xf32, #tpu.memory_space<vmem>>)
    %parallel_loop3A_506 = arith.constant 0 : i32
    %parallel_loop3A_507 = arith.constant 6400 : i32
    %parallel_loop3A_508 = arith.constant 16 : i32
    scf.for %parallel_loop3A_1098 = %parallel_loop3A_506 to %parallel_loop3A_507 step %parallel_loop3A_508  : i32 {
      %parallel_loop3A_1099 = arith.constant 0 : i32
      %parallel_loop3A_1100 = arith.index_cast %parallel_loop3A_1099 : i32 to index
      %parallel_loop3A_1101 = arith.index_cast %parallel_loop3A_1098 : i32 to index
      %parallel_loop3A_1102 = tpu.vector_load %arg7[%parallel_loop3A_1100, %parallel_loop3A_1101] {strides = array<i32>} : memref<2x6400xi32, #tpu.memory_space<vmem>>, vector<1x16xi32>,
      %parallel_loop3A_1103 = vector.shape_cast %parallel_loop3A_1102 : vector<1x16xi32> to vector<16xi32>
      %parallel_loop3A_1104 = arith.index_cast %parallel_loop3A_1098 : i32 to index
      %parallel_loop3A_1105 = tpu.vector_load %arg9[%parallel_loop3A_1104] {strides = array<i32>} : memref<6400xi32, #tpu.memory_space<vmem>>, vector<16xi32>,
      %parallel_loop3A_1106 = vector.shape_cast %parallel_loop3A_1105 : vector<16xi32> to vector<16xi32>
      %parallel_loop3A_1107 = vector.shape_cast %parallel_loop3A_1103 : vector<16xi32> to vector<16xi32>
      tpu.vector_store %arg9[%parallel_loop3A_1104], %parallel_loop3A_1107 {strides = array<i32>} : memref<6400xi32, #tpu.memory_space<vmem>>, vector<16xi32>,
      %parallel_loop3A_1108 = arith.constant 1 : i32
      %parallel_loop3A_1109 = arith.index_cast %parallel_loop3A_1108 : i32 to index
      %parallel_loop3A_1110 = arith.index_cast %parallel_loop3A_1098 : i32 to index
      %parallel_loop3A_1111 = tpu.vector_load %arg7[%parallel_loop3A_1109, %parallel_loop3A_1110] {strides = array<i32>} : memref<2x6400xi32, #tpu.memory_space<vmem>>, vector<1x16xi32>,
      %parallel_loop3A_1112 = vector.shape_cast %parallel_loop3A_1111 : vector<1x16xi32> to vector<16xi32>
      %parallel_loop3A_1113 = arith.index_cast %parallel_loop3A_1098 : i32 to index
      %parallel_loop3A_1114 = tpu.vector_load %arg11[%parallel_loop3A_1113] {strides = array<i32>} : memref<6400xi32, #tpu.memory_space<vmem>>, vector<16xi32>,
      %parallel_loop3A_1115 = vector.shape_cast %parallel_loop3A_1114 : vector<16xi32> to vector<16xi32>
      %parallel_loop3A_1116 = vector.shape_cast %parallel_loop3A_1112 : vector<16xi32> to vector<16xi32>
      tpu.vector_store %arg11[%parallel_loop3A_1113], %parallel_loop3A_1116 {strides = array<i32>} : memref<6400xi32, #tpu.memory_space<vmem>>, vector<16xi32>,
    } {sc.loop_unroll_factor = 8 : i64, sc.parallel_access}
    %dma_start3A_509 = arith.constant 3 : i32
    %dma_start3A_510 = arith.constant 1 : i32
    %dma_start3A_511 = arith.constant 0 : i32
    %dma_start3A_512 = tpu.memref_slice %arg17[%dma_start3A_511] : memref<102400xf32, #tpu.memory_space<vmem_shared>> -> memref<102400xf32, #tpu.memory_space<vmem_shared>>
    %dma_start3A_513 = tpu.memref_slice %arg19[%dma_start3A_509, %dma_start3A_510] : memref<5x2x!tpu.dma_semaphore, #tpu.memory_space<semaphore_mem>> -> memref<1x1x!tpu.dma_semaphore, #tpu.memory_space<semaphore_mem>>
    %dma_start3A_514 = tpu.memref_squeeze %dma_start3A_513 : memref<1x1x!tpu.dma_semaphore, #tpu.memory_space<semaphore_mem>> -> memref<!tpu.dma_semaphore, #tpu.memory_space<semaphore_mem>>
    tpu.enqueue_indirect_dma source(%dma_start3A_512 : memref<102400xf32, #tpu.memory_space<vmem_shared>>) target(%arg15 : memref<6400xf32, #tpu.memory_space<vmem>>) offsets(%arg9 : memref<6400xi32, #tpu.memory_space<vmem>>) semaphore(%dma_start3A_514 : memref<!tpu.dma_semaphore, #tpu.memory_space<semaphore_mem>>)
    %dma_wait3A_515 = arith.constant 4 : i32
    %dma_wait3A_516 = arith.constant 0 : i32
    %dma_wait3A_517 = arith.constant 0 : i32
    %dma_wait3A_518 = tpu.memref_slice %arg18[%dma_wait3A_517] : memref<102400xf32, #tpu.memory_space<vmem_shared>> -> memref<102400xf32, #tpu.memory_space<vmem_shared>>
    %dma_wait3A_519 = tpu.memref_slice %arg19[%dma_wait3A_515, %dma_wait3A_516] : memref<5x2x!tpu.dma_semaphore, #tpu.memory_space<semaphore_mem>> -> memref<1x1x!tpu.dma_semaphore, #tpu.memory_space<semaphore_mem>>
    %dma_wait3A_520 = tpu.memref_squeeze %dma_wait3A_519 : memref<1x1x!tpu.dma_semaphore, #tpu.memory_space<semaphore_mem>> -> memref<!tpu.dma_semaphore, #tpu.memory_space<semaphore_mem>>
    tpu.wait_indirect_dma semaphore(%dma_wait3A_520 : memref<!tpu.dma_semaphore, #tpu.memory_space<semaphore_mem>>) src(%arg14 : memref<6400xf32, #tpu.memory_space<vmem>>) dst(%dma_wait3A_518 : memref<102400xf32, #tpu.memory_space<vmem_shared>>)
    %add3A_521 = arith.constant 256 : i32
    %add3A_522 = arith.addi %add3A, %add3A_521 : i32
    %mul3A_523 = arith.constant 6400 : i32
    %mul3A_524 = arith.muli %add3A_522, %mul3A_523 : i32
    %multiple_of3A_525 = tpu.assume_multiple %mul3A_524, 128 : i32
    %dma_start3A_526 = arith.constant 0 : i32
    %dma_start3A_527 = arith.constant 0 : i32
    %dma_start3A_528 = arith.constant 0 : i32
    %dma_start3A_529 = tpu.memref_slice %arg2[%dma_start3A_528, %multiple_of3A_525] : memref<2x3200000xi32, #tpu.memory_space<hbm>> -> memref<2x6400xi32, #tpu.memory_space<hbm>>
    %dma_start3A_530 = tpu.memref_slice %arg19[%dma_start3A_526, %dma_start3A_527] : memref<5x2x!tpu.dma_semaphore, #tpu.memory_space<semaphore_mem>> -> memref<1x1x!tpu.dma_semaphore, #tpu.memory_space<semaphore_mem>>
    %dma_start3A_531 = tpu.memref_squeeze %dma_start3A_530 : memref<1x1x!tpu.dma_semaphore, #tpu.memory_space<semaphore_mem>> -> memref<!tpu.dma_semaphore, #tpu.memory_space<semaphore_mem>>
    %dma_start3A_532 = arith.constant 0 : i32
    %dma_start3A_533 = tpu.memref_slice %arg2[%dma_start3A_532, %multiple_of3A_525] : memref<2x3200000xi32, #tpu.memory_space<hbm>> -> memref<2x6400xi32, #tpu.memory_space<hbm>>
    tpu.enqueue_dma source(%dma_start3A_533 : memref<2x6400xi32, #tpu.memory_space<hbm>>) target(%arg6 : memref<2x6400xi32, #tpu.memory_space<vmem>>) target_semaphore(%dma_start3A_531 : memref<!tpu.dma_semaphore, #tpu.memory_space<semaphore_mem>>)
    %dma_start3A_534 = arith.constant 2 : i32
    %dma_start3A_535 = arith.constant 0 : i32
    %dma_start3A_536 = tpu.memref_slice %arg3[%multiple_of3A_525] : memref<3200000xf32, #tpu.memory_space<hbm>> -> memref<6400xf32, #tpu.memory_space<hbm>>
    %dma_start3A_537 = tpu.memref_slice %arg19[%dma_start3A_534, %dma_start3A_535] : memref<5x2x!tpu.dma_semaphore, #tpu.memory_space<semaphore_mem>> -> memref<1x1x!tpu.dma_semaphore, #tpu.memory_space<semaphore_mem>>
    %dma_start3A_538 = tpu.memref_squeeze %dma_start3A_537 : memref<1x1x!tpu.dma_semaphore, #tpu.memory_space<semaphore_mem>> -> memref<!tpu.dma_semaphore, #tpu.memory_space<semaphore_mem>>
    %dma_start3A_539 = tpu.memref_slice %arg3[%multiple_of3A_525] : memref<3200000xf32, #tpu.memory_space<hbm>> -> memref<6400xf32, #tpu.memory_space<hbm>>
    tpu.enqueue_dma source(%dma_start3A_539 : memref<6400xf32, #tpu.memory_space<hbm>>) target(%arg12 : memref<6400xf32, #tpu.memory_space<vmem>>) target_semaphore(%dma_start3A_538 : memref<!tpu.dma_semaphore, #tpu.memory_space<semaphore_mem>>)
    %dma_wait3A_540 = arith.constant 3 : i32
    %dma_wait3A_541 = arith.constant 1 : i32
    %dma_wait3A_542 = arith.constant 0 : i32
    %dma_wait3A_543 = tpu.memref_slice %arg17[%dma_wait3A_542] : memref<102400xf32, #tpu.memory_space<vmem_shared>> -> memref<102400xf32, #tpu.memory_space<vmem_shared>>
    %dma_wait3A_544 = tpu.memref_slice %arg19[%dma_wait3A_540, %dma_wait3A_541] : memref<5x2x!tpu.dma_semaphore, #tpu.memory_space<semaphore_mem>> -> memref<1x1x!tpu.dma_semaphore, #tpu.memory_space<semaphore_mem>>
    %dma_wait3A_545 = tpu.memref_squeeze %dma_wait3A_544 : memref<1x1x!tpu.dma_semaphore, #tpu.memory_space<semaphore_mem>> -> memref<!tpu.dma_semaphore, #tpu.memory_space<semaphore_mem>>
    tpu.wait_indirect_dma semaphore(%dma_wait3A_545 : memref<!tpu.dma_semaphore, #tpu.memory_space<semaphore_mem>>) src(%dma_wait3A_543 : memref<102400xf32, #tpu.memory_space<vmem_shared>>) dst(%arg15 : memref<6400xf32, #tpu.memory_space<vmem>>)
    %add3A_546 = arith.constant 224 : i32
    %add3A_547 = arith.addi %add3A, %add3A_546 : i32
    %mul3A_548 = arith.constant 6400 : i32
    %mul3A_549 = arith.muli %add3A_547, %mul3A_548 : i32
    %multiple_of3A_550 = tpu.assume_multiple %mul3A_549, 128 : i32
    %parallel_loop3A_551 = arith.constant 0 : i32
    %parallel_loop3A_552 = arith.constant 6400 : i32
    %parallel_loop3A_553 = arith.constant 16 : i32
    scf.for %parallel_loop3A_1098 = %parallel_loop3A_551 to %parallel_loop3A_552 step %parallel_loop3A_553  : i32 {
      %parallel_loop3A_1099 = arith.index_cast %parallel_loop3A_1098 : i32 to index
      %parallel_loop3A_1100 = tpu.vector_load %arg15[%parallel_loop3A_1099] {strides = array<i32>} : memref<6400xf32, #tpu.memory_space<vmem>>, vector<16xf32>,
      %parallel_loop3A_1101 = vector.shape_cast %parallel_loop3A_1100 : vector<16xf32> to vector<16xf32>
      %parallel_loop3A_1102 = arith.index_cast %parallel_loop3A_1098 : i32 to index
      %parallel_loop3A_1103 = tpu.vector_load %arg13[%parallel_loop3A_1102] {strides = array<i32>} : memref<6400xf32, #tpu.memory_space<vmem>>, vector<16xf32>,
      %parallel_loop3A_1104 = vector.shape_cast %parallel_loop3A_1103 : vector<16xf32> to vector<16xf32>
      %parallel_loop3A_1105 = arith.mulf %parallel_loop3A_1101, %parallel_loop3A_1104 : vector<16xf32>
      %parallel_loop3A_1106 = arith.index_cast %parallel_loop3A_1098 : i32 to index
      %parallel_loop3A_1107 = tpu.vector_load %arg15[%parallel_loop3A_1106] {strides = array<i32>} : memref<6400xf32, #tpu.memory_space<vmem>>, vector<16xf32>,
      %parallel_loop3A_1108 = vector.shape_cast %parallel_loop3A_1107 : vector<16xf32> to vector<16xf32>
      %parallel_loop3A_1109 = vector.shape_cast %parallel_loop3A_1105 : vector<16xf32> to vector<16xf32>
      tpu.vector_store %arg15[%parallel_loop3A_1106], %parallel_loop3A_1109 {strides = array<i32>} : memref<6400xf32, #tpu.memory_space<vmem>>, vector<16xf32>,
    } {sc.loop_unroll_factor = 8 : i64, sc.parallel_access}
    %dma_start3A_554 = arith.constant 4 : i32
    %dma_start3A_555 = arith.constant 1 : i32
    %dma_start3A_556 = arith.constant 0 : i32
    %dma_start3A_557 = tpu.memref_slice %arg18[%dma_start3A_556] : memref<102400xf32, #tpu.memory_space<vmem_shared>> -> memref<102400xf32, #tpu.memory_space<vmem_shared>>
    %dma_start3A_558 = tpu.memref_slice %arg19[%dma_start3A_554, %dma_start3A_555] : memref<5x2x!tpu.dma_semaphore, #tpu.memory_space<semaphore_mem>> -> memref<1x1x!tpu.dma_semaphore, #tpu.memory_space<semaphore_mem>>
    %dma_start3A_559 = tpu.memref_squeeze %dma_start3A_558 : memref<1x1x!tpu.dma_semaphore, #tpu.memory_space<semaphore_mem>> -> memref<!tpu.dma_semaphore, #tpu.memory_space<semaphore_mem>>
    tpu.enqueue_indirect_dma source(%arg15 : memref<6400xf32, #tpu.memory_space<vmem>>) target(%dma_start3A_557 : memref<102400xf32, #tpu.memory_space<vmem_shared>>) offsets(%arg11 : memref<6400xi32, #tpu.memory_space<vmem>>) semaphore(%dma_start3A_559 : memref<!tpu.dma_semaphore, #tpu.memory_space<semaphore_mem>>) {add = true}
    %dma_wait3A_560 = arith.constant 0 : i32
    %dma_wait3A_561 = arith.constant 0 : i32
    %dma_wait3A_562 = arith.constant 0 : i32
    %dma_wait3A_563 = tpu.memref_slice %arg2[%dma_wait3A_562, %multiple_of3A_525] : memref<2x3200000xi32, #tpu.memory_space<hbm>> -> memref<2x6400xi32, #tpu.memory_space<hbm>>
    %dma_wait3A_564 = tpu.memref_slice %arg19[%dma_wait3A_560, %dma_wait3A_561] : memref<5x2x!tpu.dma_semaphore, #tpu.memory_space<semaphore_mem>> -> memref<1x1x!tpu.dma_semaphore, #tpu.memory_space<semaphore_mem>>
    %dma_wait3A_565 = tpu.memref_squeeze %dma_wait3A_564 : memref<1x1x!tpu.dma_semaphore, #tpu.memory_space<semaphore_mem>> -> memref<!tpu.dma_semaphore, #tpu.memory_space<semaphore_mem>>
    %dma_wait3A_566 = arith.constant 0 : i32
    %dma_wait3A_567 = tpu.memref_slice %arg2[%dma_wait3A_566, %multiple_of3A_525] : memref<2x3200000xi32, #tpu.memory_space<hbm>> -> memref<2x6400xi32, #tpu.memory_space<hbm>>
    tpu.wait_dma2 semaphore(%dma_wait3A_565 : memref<!tpu.dma_semaphore, #tpu.memory_space<semaphore_mem>>) src(%dma_wait3A_567 : memref<2x6400xi32, #tpu.memory_space<hbm>>) dst(%arg6 : memref<2x6400xi32, #tpu.memory_space<vmem>>)
    %dma_wait3A_568 = arith.constant 2 : i32
    %dma_wait3A_569 = arith.constant 0 : i32
    %dma_wait3A_570 = tpu.memref_slice %arg3[%multiple_of3A_525] : memref<3200000xf32, #tpu.memory_space<hbm>> -> memref<6400xf32, #tpu.memory_space<hbm>>
    %dma_wait3A_571 = tpu.memref_slice %arg19[%dma_wait3A_568, %dma_wait3A_569] : memref<5x2x!tpu.dma_semaphore, #tpu.memory_space<semaphore_mem>> -> memref<1x1x!tpu.dma_semaphore, #tpu.memory_space<semaphore_mem>>
    %dma_wait3A_572 = tpu.memref_squeeze %dma_wait3A_571 : memref<1x1x!tpu.dma_semaphore, #tpu.memory_space<semaphore_mem>> -> memref<!tpu.dma_semaphore, #tpu.memory_space<semaphore_mem>>
    %dma_wait3A_573 = tpu.memref_slice %arg3[%multiple_of3A_525] : memref<3200000xf32, #tpu.memory_space<hbm>> -> memref<6400xf32, #tpu.memory_space<hbm>>
    tpu.wait_dma2 semaphore(%dma_wait3A_572 : memref<!tpu.dma_semaphore, #tpu.memory_space<semaphore_mem>>) src(%dma_wait3A_573 : memref<6400xf32, #tpu.memory_space<hbm>>) dst(%arg12 : memref<6400xf32, #tpu.memory_space<vmem>>)
    %parallel_loop3A_574 = arith.constant 0 : i32
    %parallel_loop3A_575 = arith.constant 6400 : i32
    %parallel_loop3A_576 = arith.constant 16 : i32
    scf.for %parallel_loop3A_1098 = %parallel_loop3A_574 to %parallel_loop3A_575 step %parallel_loop3A_576  : i32 {
      %parallel_loop3A_1099 = arith.constant 0 : i32
      %parallel_loop3A_1100 = arith.index_cast %parallel_loop3A_1099 : i32 to index
      %parallel_loop3A_1101 = arith.index_cast %parallel_loop3A_1098 : i32 to index
      %parallel_loop3A_1102 = tpu.vector_load %arg6[%parallel_loop3A_1100, %parallel_loop3A_1101] {strides = array<i32>} : memref<2x6400xi32, #tpu.memory_space<vmem>>, vector<1x16xi32>,
      %parallel_loop3A_1103 = vector.shape_cast %parallel_loop3A_1102 : vector<1x16xi32> to vector<16xi32>
      %parallel_loop3A_1104 = arith.index_cast %parallel_loop3A_1098 : i32 to index
      %parallel_loop3A_1105 = tpu.vector_load %arg8[%parallel_loop3A_1104] {strides = array<i32>} : memref<6400xi32, #tpu.memory_space<vmem>>, vector<16xi32>,
      %parallel_loop3A_1106 = vector.shape_cast %parallel_loop3A_1105 : vector<16xi32> to vector<16xi32>
      %parallel_loop3A_1107 = vector.shape_cast %parallel_loop3A_1103 : vector<16xi32> to vector<16xi32>
      tpu.vector_store %arg8[%parallel_loop3A_1104], %parallel_loop3A_1107 {strides = array<i32>} : memref<6400xi32, #tpu.memory_space<vmem>>, vector<16xi32>,
      %parallel_loop3A_1108 = arith.constant 1 : i32
      %parallel_loop3A_1109 = arith.index_cast %parallel_loop3A_1108 : i32 to index
      %parallel_loop3A_1110 = arith.index_cast %parallel_loop3A_1098 : i32 to index
      %parallel_loop3A_1111 = tpu.vector_load %arg6[%parallel_loop3A_1109, %parallel_loop3A_1110] {strides = array<i32>} : memref<2x6400xi32, #tpu.memory_space<vmem>>, vector<1x16xi32>,
      %parallel_loop3A_1112 = vector.shape_cast %parallel_loop3A_1111 : vector<1x16xi32> to vector<16xi32>
      %parallel_loop3A_1113 = arith.index_cast %parallel_loop3A_1098 : i32 to index
      %parallel_loop3A_1114 = tpu.vector_load %arg10[%parallel_loop3A_1113] {strides = array<i32>} : memref<6400xi32, #tpu.memory_space<vmem>>, vector<16xi32>,
      %parallel_loop3A_1115 = vector.shape_cast %parallel_loop3A_1114 : vector<16xi32> to vector<16xi32>
      %parallel_loop3A_1116 = vector.shape_cast %parallel_loop3A_1112 : vector<16xi32> to vector<16xi32>
      tpu.vector_store %arg10[%parallel_loop3A_1113], %parallel_loop3A_1116 {strides = array<i32>} : memref<6400xi32, #tpu.memory_space<vmem>>, vector<16xi32>,
    } {sc.loop_unroll_factor = 8 : i64, sc.parallel_access}
    %dma_start3A_577 = arith.constant 3 : i32
    %dma_start3A_578 = arith.constant 0 : i32
    %dma_start3A_579 = arith.constant 0 : i32
    %dma_start3A_580 = tpu.memref_slice %arg17[%dma_start3A_579] : memref<102400xf32, #tpu.memory_space<vmem_shared>> -> memref<102400xf32, #tpu.memory_space<vmem_shared>>
    %dma_start3A_581 = tpu.memref_slice %arg19[%dma_start3A_577, %dma_start3A_578] : memref<5x2x!tpu.dma_semaphore, #tpu.memory_space<semaphore_mem>> -> memref<1x1x!tpu.dma_semaphore, #tpu.memory_space<semaphore_mem>>
    %dma_start3A_582 = tpu.memref_squeeze %dma_start3A_581 : memref<1x1x!tpu.dma_semaphore, #tpu.memory_space<semaphore_mem>> -> memref<!tpu.dma_semaphore, #tpu.memory_space<semaphore_mem>>
    tpu.enqueue_indirect_dma source(%dma_start3A_580 : memref<102400xf32, #tpu.memory_space<vmem_shared>>) target(%arg14 : memref<6400xf32, #tpu.memory_space<vmem>>) offsets(%arg8 : memref<6400xi32, #tpu.memory_space<vmem>>) semaphore(%dma_start3A_582 : memref<!tpu.dma_semaphore, #tpu.memory_space<semaphore_mem>>)
    %dma_wait3A_583 = arith.constant 4 : i32
    %dma_wait3A_584 = arith.constant 1 : i32
    %dma_wait3A_585 = arith.constant 0 : i32
    %dma_wait3A_586 = tpu.memref_slice %arg18[%dma_wait3A_585] : memref<102400xf32, #tpu.memory_space<vmem_shared>> -> memref<102400xf32, #tpu.memory_space<vmem_shared>>
    %dma_wait3A_587 = tpu.memref_slice %arg19[%dma_wait3A_583, %dma_wait3A_584] : memref<5x2x!tpu.dma_semaphore, #tpu.memory_space<semaphore_mem>> -> memref<1x1x!tpu.dma_semaphore, #tpu.memory_space<semaphore_mem>>
    %dma_wait3A_588 = tpu.memref_squeeze %dma_wait3A_587 : memref<1x1x!tpu.dma_semaphore, #tpu.memory_space<semaphore_mem>> -> memref<!tpu.dma_semaphore, #tpu.memory_space<semaphore_mem>>
    tpu.wait_indirect_dma semaphore(%dma_wait3A_588 : memref<!tpu.dma_semaphore, #tpu.memory_space<semaphore_mem>>) src(%arg15 : memref<6400xf32, #tpu.memory_space<vmem>>) dst(%dma_wait3A_586 : memref<102400xf32, #tpu.memory_space<vmem_shared>>)
    %add3A_589 = arith.constant 288 : i32
    %add3A_590 = arith.addi %add3A, %add3A_589 : i32
    %mul3A_591 = arith.constant 6400 : i32
    %mul3A_592 = arith.muli %add3A_590, %mul3A_591 : i32
    %multiple_of3A_593 = tpu.assume_multiple %mul3A_592, 128 : i32
    %dma_start3A_594 = arith.constant 0 : i32
    %dma_start3A_595 = arith.constant 1 : i32
    %dma_start3A_596 = arith.constant 0 : i32
    %dma_start3A_597 = tpu.memref_slice %arg2[%dma_start3A_596, %multiple_of3A_593] : memref<2x3200000xi32, #tpu.memory_space<hbm>> -> memref<2x6400xi32, #tpu.memory_space<hbm>>
    %dma_start3A_598 = tpu.memref_slice %arg19[%dma_start3A_594, %dma_start3A_595] : memref<5x2x!tpu.dma_semaphore, #tpu.memory_space<semaphore_mem>> -> memref<1x1x!tpu.dma_semaphore, #tpu.memory_space<semaphore_mem>>
    %dma_start3A_599 = tpu.memref_squeeze %dma_start3A_598 : memref<1x1x!tpu.dma_semaphore, #tpu.memory_space<semaphore_mem>> -> memref<!tpu.dma_semaphore, #tpu.memory_space<semaphore_mem>>
    %dma_start3A_600 = arith.constant 0 : i32
    %dma_start3A_601 = tpu.memref_slice %arg2[%dma_start3A_600, %multiple_of3A_593] : memref<2x3200000xi32, #tpu.memory_space<hbm>> -> memref<2x6400xi32, #tpu.memory_space<hbm>>
    tpu.enqueue_dma source(%dma_start3A_601 : memref<2x6400xi32, #tpu.memory_space<hbm>>) target(%arg7 : memref<2x6400xi32, #tpu.memory_space<vmem>>) target_semaphore(%dma_start3A_599 : memref<!tpu.dma_semaphore, #tpu.memory_space<semaphore_mem>>)
    %dma_start3A_602 = arith.constant 2 : i32
    %dma_start3A_603 = arith.constant 1 : i32
    %dma_start3A_604 = tpu.memref_slice %arg3[%multiple_of3A_593] : memref<3200000xf32, #tpu.memory_space<hbm>> -> memref<6400xf32, #tpu.memory_space<hbm>>
    %dma_start3A_605 = tpu.memref_slice %arg19[%dma_start3A_602, %dma_start3A_603] : memref<5x2x!tpu.dma_semaphore, #tpu.memory_space<semaphore_mem>> -> memref<1x1x!tpu.dma_semaphore, #tpu.memory_space<semaphore_mem>>
    %dma_start3A_606 = tpu.memref_squeeze %dma_start3A_605 : memref<1x1x!tpu.dma_semaphore, #tpu.memory_space<semaphore_mem>> -> memref<!tpu.dma_semaphore, #tpu.memory_space<semaphore_mem>>
    %dma_start3A_607 = tpu.memref_slice %arg3[%multiple_of3A_593] : memref<3200000xf32, #tpu.memory_space<hbm>> -> memref<6400xf32, #tpu.memory_space<hbm>>
    tpu.enqueue_dma source(%dma_start3A_607 : memref<6400xf32, #tpu.memory_space<hbm>>) target(%arg13 : memref<6400xf32, #tpu.memory_space<vmem>>) target_semaphore(%dma_start3A_606 : memref<!tpu.dma_semaphore, #tpu.memory_space<semaphore_mem>>)
    %dma_wait3A_608 = arith.constant 3 : i32
    %dma_wait3A_609 = arith.constant 0 : i32
    %dma_wait3A_610 = arith.constant 0 : i32
    %dma_wait3A_611 = tpu.memref_slice %arg17[%dma_wait3A_610] : memref<102400xf32, #tpu.memory_space<vmem_shared>> -> memref<102400xf32, #tpu.memory_space<vmem_shared>>
    %dma_wait3A_612 = tpu.memref_slice %arg19[%dma_wait3A_608, %dma_wait3A_609] : memref<5x2x!tpu.dma_semaphore, #tpu.memory_space<semaphore_mem>> -> memref<1x1x!tpu.dma_semaphore, #tpu.memory_space<semaphore_mem>>
    %dma_wait3A_613 = tpu.memref_squeeze %dma_wait3A_612 : memref<1x1x!tpu.dma_semaphore, #tpu.memory_space<semaphore_mem>> -> memref<!tpu.dma_semaphore, #tpu.memory_space<semaphore_mem>>
    tpu.wait_indirect_dma semaphore(%dma_wait3A_613 : memref<!tpu.dma_semaphore, #tpu.memory_space<semaphore_mem>>) src(%dma_wait3A_611 : memref<102400xf32, #tpu.memory_space<vmem_shared>>) dst(%arg14 : memref<6400xf32, #tpu.memory_space<vmem>>)
    %add3A_614 = arith.constant 256 : i32
    %add3A_615 = arith.addi %add3A, %add3A_614 : i32
    %mul3A_616 = arith.constant 6400 : i32
    %mul3A_617 = arith.muli %add3A_615, %mul3A_616 : i32
    %multiple_of3A_618 = tpu.assume_multiple %mul3A_617, 128 : i32
    %parallel_loop3A_619 = arith.constant 0 : i32
    %parallel_loop3A_620 = arith.constant 6400 : i32
    %parallel_loop3A_621 = arith.constant 16 : i32
    scf.for %parallel_loop3A_1098 = %parallel_loop3A_619 to %parallel_loop3A_620 step %parallel_loop3A_621  : i32 {
      %parallel_loop3A_1099 = arith.index_cast %parallel_loop3A_1098 : i32 to index
      %parallel_loop3A_1100 = tpu.vector_load %arg14[%parallel_loop3A_1099] {strides = array<i32>} : memref<6400xf32, #tpu.memory_space<vmem>>, vector<16xf32>,
      %parallel_loop3A_1101 = vector.shape_cast %parallel_loop3A_1100 : vector<16xf32> to vector<16xf32>
      %parallel_loop3A_1102 = arith.index_cast %parallel_loop3A_1098 : i32 to index
      %parallel_loop3A_1103 = tpu.vector_load %arg12[%parallel_loop3A_1102] {strides = array<i32>} : memref<6400xf32, #tpu.memory_space<vmem>>, vector<16xf32>,
      %parallel_loop3A_1104 = vector.shape_cast %parallel_loop3A_1103 : vector<16xf32> to vector<16xf32>
      %parallel_loop3A_1105 = arith.mulf %parallel_loop3A_1101, %parallel_loop3A_1104 : vector<16xf32>
      %parallel_loop3A_1106 = arith.index_cast %parallel_loop3A_1098 : i32 to index
      %parallel_loop3A_1107 = tpu.vector_load %arg14[%parallel_loop3A_1106] {strides = array<i32>} : memref<6400xf32, #tpu.memory_space<vmem>>, vector<16xf32>,
      %parallel_loop3A_1108 = vector.shape_cast %parallel_loop3A_1107 : vector<16xf32> to vector<16xf32>
      %parallel_loop3A_1109 = vector.shape_cast %parallel_loop3A_1105 : vector<16xf32> to vector<16xf32>
      tpu.vector_store %arg14[%parallel_loop3A_1106], %parallel_loop3A_1109 {strides = array<i32>} : memref<6400xf32, #tpu.memory_space<vmem>>, vector<16xf32>,
    } {sc.loop_unroll_factor = 8 : i64, sc.parallel_access}
    %dma_start3A_622 = arith.constant 4 : i32
    %dma_start3A_623 = arith.constant 0 : i32
    %dma_start3A_624 = arith.constant 0 : i32
    %dma_start3A_625 = tpu.memref_slice %arg18[%dma_start3A_624] : memref<102400xf32, #tpu.memory_space<vmem_shared>> -> memref<102400xf32, #tpu.memory_space<vmem_shared>>
    %dma_start3A_626 = tpu.memref_slice %arg19[%dma_start3A_622, %dma_start3A_623] : memref<5x2x!tpu.dma_semaphore, #tpu.memory_space<semaphore_mem>> -> memref<1x1x!tpu.dma_semaphore, #tpu.memory_space<semaphore_mem>>
    %dma_start3A_627 = tpu.memref_squeeze %dma_start3A_626 : memref<1x1x!tpu.dma_semaphore, #tpu.memory_space<semaphore_mem>> -> memref<!tpu.dma_semaphore, #tpu.memory_space<semaphore_mem>>
    tpu.enqueue_indirect_dma source(%arg14 : memref<6400xf32, #tpu.memory_space<vmem>>) target(%dma_start3A_625 : memref<102400xf32, #tpu.memory_space<vmem_shared>>) offsets(%arg10 : memref<6400xi32, #tpu.memory_space<vmem>>) semaphore(%dma_start3A_627 : memref<!tpu.dma_semaphore, #tpu.memory_space<semaphore_mem>>) {add = true}
    %dma_wait3A_628 = arith.constant 0 : i32
    %dma_wait3A_629 = arith.constant 1 : i32
    %dma_wait3A_630 = arith.constant 0 : i32
    %dma_wait3A_631 = tpu.memref_slice %arg2[%dma_wait3A_630, %multiple_of3A_593] : memref<2x3200000xi32, #tpu.memory_space<hbm>> -> memref<2x6400xi32, #tpu.memory_space<hbm>>
    %dma_wait3A_632 = tpu.memref_slice %arg19[%dma_wait3A_628, %dma_wait3A_629] : memref<5x2x!tpu.dma_semaphore, #tpu.memory_space<semaphore_mem>> -> memref<1x1x!tpu.dma_semaphore, #tpu.memory_space<semaphore_mem>>
    %dma_wait3A_633 = tpu.memref_squeeze %dma_wait3A_632 : memref<1x1x!tpu.dma_semaphore, #tpu.memory_space<semaphore_mem>> -> memref<!tpu.dma_semaphore, #tpu.memory_space<semaphore_mem>>
    %dma_wait3A_634 = arith.constant 0 : i32
    %dma_wait3A_635 = tpu.memref_slice %arg2[%dma_wait3A_634, %multiple_of3A_593] : memref<2x3200000xi32, #tpu.memory_space<hbm>> -> memref<2x6400xi32, #tpu.memory_space<hbm>>
    tpu.wait_dma2 semaphore(%dma_wait3A_633 : memref<!tpu.dma_semaphore, #tpu.memory_space<semaphore_mem>>) src(%dma_wait3A_635 : memref<2x6400xi32, #tpu.memory_space<hbm>>) dst(%arg7 : memref<2x6400xi32, #tpu.memory_space<vmem>>)
    %dma_wait3A_636 = arith.constant 2 : i32
    %dma_wait3A_637 = arith.constant 1 : i32
    %dma_wait3A_638 = tpu.memref_slice %arg3[%multiple_of3A_593] : memref<3200000xf32, #tpu.memory_space<hbm>> -> memref<6400xf32, #tpu.memory_space<hbm>>
    %dma_wait3A_639 = tpu.memref_slice %arg19[%dma_wait3A_636, %dma_wait3A_637] : memref<5x2x!tpu.dma_semaphore, #tpu.memory_space<semaphore_mem>> -> memref<1x1x!tpu.dma_semaphore, #tpu.memory_space<semaphore_mem>>
    %dma_wait3A_640 = tpu.memref_squeeze %dma_wait3A_639 : memref<1x1x!tpu.dma_semaphore, #tpu.memory_space<semaphore_mem>> -> memref<!tpu.dma_semaphore, #tpu.memory_space<semaphore_mem>>
    %dma_wait3A_641 = tpu.memref_slice %arg3[%multiple_of3A_593] : memref<3200000xf32, #tpu.memory_space<hbm>> -> memref<6400xf32, #tpu.memory_space<hbm>>
    tpu.wait_dma2 semaphore(%dma_wait3A_640 : memref<!tpu.dma_semaphore, #tpu.memory_space<semaphore_mem>>) src(%dma_wait3A_641 : memref<6400xf32, #tpu.memory_space<hbm>>) dst(%arg13 : memref<6400xf32, #tpu.memory_space<vmem>>)
    %parallel_loop3A_642 = arith.constant 0 : i32
    %parallel_loop3A_643 = arith.constant 6400 : i32
    %parallel_loop3A_644 = arith.constant 16 : i32
    scf.for %parallel_loop3A_1098 = %parallel_loop3A_642 to %parallel_loop3A_643 step %parallel_loop3A_644  : i32 {
      %parallel_loop3A_1099 = arith.constant 0 : i32
      %parallel_loop3A_1100 = arith.index_cast %parallel_loop3A_1099 : i32 to index
      %parallel_loop3A_1101 = arith.index_cast %parallel_loop3A_1098 : i32 to index
      %parallel_loop3A_1102 = tpu.vector_load %arg7[%parallel_loop3A_1100, %parallel_loop3A_1101] {strides = array<i32>} : memref<2x6400xi32, #tpu.memory_space<vmem>>, vector<1x16xi32>,
      %parallel_loop3A_1103 = vector.shape_cast %parallel_loop3A_1102 : vector<1x16xi32> to vector<16xi32>
      %parallel_loop3A_1104 = arith.index_cast %parallel_loop3A_1098 : i32 to index
      %parallel_loop3A_1105 = tpu.vector_load %arg9[%parallel_loop3A_1104] {strides = array<i32>} : memref<6400xi32, #tpu.memory_space<vmem>>, vector<16xi32>,
      %parallel_loop3A_1106 = vector.shape_cast %parallel_loop3A_1105 : vector<16xi32> to vector<16xi32>
      %parallel_loop3A_1107 = vector.shape_cast %parallel_loop3A_1103 : vector<16xi32> to vector<16xi32>
      tpu.vector_store %arg9[%parallel_loop3A_1104], %parallel_loop3A_1107 {strides = array<i32>} : memref<6400xi32, #tpu.memory_space<vmem>>, vector<16xi32>,
      %parallel_loop3A_1108 = arith.constant 1 : i32
      %parallel_loop3A_1109 = arith.index_cast %parallel_loop3A_1108 : i32 to index
      %parallel_loop3A_1110 = arith.index_cast %parallel_loop3A_1098 : i32 to index
      %parallel_loop3A_1111 = tpu.vector_load %arg7[%parallel_loop3A_1109, %parallel_loop3A_1110] {strides = array<i32>} : memref<2x6400xi32, #tpu.memory_space<vmem>>, vector<1x16xi32>,
      %parallel_loop3A_1112 = vector.shape_cast %parallel_loop3A_1111 : vector<1x16xi32> to vector<16xi32>
      %parallel_loop3A_1113 = arith.index_cast %parallel_loop3A_1098 : i32 to index
      %parallel_loop3A_1114 = tpu.vector_load %arg11[%parallel_loop3A_1113] {strides = array<i32>} : memref<6400xi32, #tpu.memory_space<vmem>>, vector<16xi32>,
      %parallel_loop3A_1115 = vector.shape_cast %parallel_loop3A_1114 : vector<16xi32> to vector<16xi32>
      %parallel_loop3A_1116 = vector.shape_cast %parallel_loop3A_1112 : vector<16xi32> to vector<16xi32>
      tpu.vector_store %arg11[%parallel_loop3A_1113], %parallel_loop3A_1116 {strides = array<i32>} : memref<6400xi32, #tpu.memory_space<vmem>>, vector<16xi32>,
    } {sc.loop_unroll_factor = 8 : i64, sc.parallel_access}
    %dma_start3A_645 = arith.constant 3 : i32
    %dma_start3A_646 = arith.constant 1 : i32
    %dma_start3A_647 = arith.constant 0 : i32
    %dma_start3A_648 = tpu.memref_slice %arg17[%dma_start3A_647] : memref<102400xf32, #tpu.memory_space<vmem_shared>> -> memref<102400xf32, #tpu.memory_space<vmem_shared>>
    %dma_start3A_649 = tpu.memref_slice %arg19[%dma_start3A_645, %dma_start3A_646] : memref<5x2x!tpu.dma_semaphore, #tpu.memory_space<semaphore_mem>> -> memref<1x1x!tpu.dma_semaphore, #tpu.memory_space<semaphore_mem>>
    %dma_start3A_650 = tpu.memref_squeeze %dma_start3A_649 : memref<1x1x!tpu.dma_semaphore, #tpu.memory_space<semaphore_mem>> -> memref<!tpu.dma_semaphore, #tpu.memory_space<semaphore_mem>>
    tpu.enqueue_indirect_dma source(%dma_start3A_648 : memref<102400xf32, #tpu.memory_space<vmem_shared>>) target(%arg15 : memref<6400xf32, #tpu.memory_space<vmem>>) offsets(%arg9 : memref<6400xi32, #tpu.memory_space<vmem>>) semaphore(%dma_start3A_650 : memref<!tpu.dma_semaphore, #tpu.memory_space<semaphore_mem>>)
    %dma_wait3A_651 = arith.constant 4 : i32
    %dma_wait3A_652 = arith.constant 0 : i32
    %dma_wait3A_653 = arith.constant 0 : i32
    %dma_wait3A_654 = tpu.memref_slice %arg18[%dma_wait3A_653] : memref<102400xf32, #tpu.memory_space<vmem_shared>> -> memref<102400xf32, #tpu.memory_space<vmem_shared>>
    %dma_wait3A_655 = tpu.memref_slice %arg19[%dma_wait3A_651, %dma_wait3A_652] : memref<5x2x!tpu.dma_semaphore, #tpu.memory_space<semaphore_mem>> -> memref<1x1x!tpu.dma_semaphore, #tpu.memory_space<semaphore_mem>>
    %dma_wait3A_656 = tpu.memref_squeeze %dma_wait3A_655 : memref<1x1x!tpu.dma_semaphore, #tpu.memory_space<semaphore_mem>> -> memref<!tpu.dma_semaphore, #tpu.memory_space<semaphore_mem>>
    tpu.wait_indirect_dma semaphore(%dma_wait3A_656 : memref<!tpu.dma_semaphore, #tpu.memory_space<semaphore_mem>>) src(%arg14 : memref<6400xf32, #tpu.memory_space<vmem>>) dst(%dma_wait3A_654 : memref<102400xf32, #tpu.memory_space<vmem_shared>>)
    %add3A_657 = arith.constant 320 : i32
    %add3A_658 = arith.addi %add3A, %add3A_657 : i32
    %mul3A_659 = arith.constant 6400 : i32
    %mul3A_660 = arith.muli %add3A_658, %mul3A_659 : i32
    %multiple_of3A_661 = tpu.assume_multiple %mul3A_660, 128 : i32
    %dma_start3A_662 = arith.constant 0 : i32
    %dma_start3A_663 = arith.constant 0 : i32
    %dma_start3A_664 = arith.constant 0 : i32
    %dma_start3A_665 = tpu.memref_slice %arg2[%dma_start3A_664, %multiple_of3A_661] : memref<2x3200000xi32, #tpu.memory_space<hbm>> -> memref<2x6400xi32, #tpu.memory_space<hbm>>
    %dma_start3A_666 = tpu.memref_slice %arg19[%dma_start3A_662, %dma_start3A_663] : memref<5x2x!tpu.dma_semaphore, #tpu.memory_space<semaphore_mem>> -> memref<1x1x!tpu.dma_semaphore, #tpu.memory_space<semaphore_mem>>
    %dma_start3A_667 = tpu.memref_squeeze %dma_start3A_666 : memref<1x1x!tpu.dma_semaphore, #tpu.memory_space<semaphore_mem>> -> memref<!tpu.dma_semaphore, #tpu.memory_space<semaphore_mem>>
    %dma_start3A_668 = arith.constant 0 : i32
    %dma_start3A_669 = tpu.memref_slice %arg2[%dma_start3A_668, %multiple_of3A_661] : memref<2x3200000xi32, #tpu.memory_space<hbm>> -> memref<2x6400xi32, #tpu.memory_space<hbm>>
    tpu.enqueue_dma source(%dma_start3A_669 : memref<2x6400xi32, #tpu.memory_space<hbm>>) target(%arg6 : memref<2x6400xi32, #tpu.memory_space<vmem>>) target_semaphore(%dma_start3A_667 : memref<!tpu.dma_semaphore, #tpu.memory_space<semaphore_mem>>)
    %dma_start3A_670 = arith.constant 2 : i32
    %dma_start3A_671 = arith.constant 0 : i32
    %dma_start3A_672 = tpu.memref_slice %arg3[%multiple_of3A_661] : memref<3200000xf32, #tpu.memory_space<hbm>> -> memref<6400xf32, #tpu.memory_space<hbm>>
    %dma_start3A_673 = tpu.memref_slice %arg19[%dma_start3A_670, %dma_start3A_671] : memref<5x2x!tpu.dma_semaphore, #tpu.memory_space<semaphore_mem>> -> memref<1x1x!tpu.dma_semaphore, #tpu.memory_space<semaphore_mem>>
    %dma_start3A_674 = tpu.memref_squeeze %dma_start3A_673 : memref<1x1x!tpu.dma_semaphore, #tpu.memory_space<semaphore_mem>> -> memref<!tpu.dma_semaphore, #tpu.memory_space<semaphore_mem>>
    %dma_start3A_675 = tpu.memref_slice %arg3[%multiple_of3A_661] : memref<3200000xf32, #tpu.memory_space<hbm>> -> memref<6400xf32, #tpu.memory_space<hbm>>
    tpu.enqueue_dma source(%dma_start3A_675 : memref<6400xf32, #tpu.memory_space<hbm>>) target(%arg12 : memref<6400xf32, #tpu.memory_space<vmem>>) target_semaphore(%dma_start3A_674 : memref<!tpu.dma_semaphore, #tpu.memory_space<semaphore_mem>>)
    %dma_wait3A_676 = arith.constant 3 : i32
    %dma_wait3A_677 = arith.constant 1 : i32
    %dma_wait3A_678 = arith.constant 0 : i32
    %dma_wait3A_679 = tpu.memref_slice %arg17[%dma_wait3A_678] : memref<102400xf32, #tpu.memory_space<vmem_shared>> -> memref<102400xf32, #tpu.memory_space<vmem_shared>>
    %dma_wait3A_680 = tpu.memref_slice %arg19[%dma_wait3A_676, %dma_wait3A_677] : memref<5x2x!tpu.dma_semaphore, #tpu.memory_space<semaphore_mem>> -> memref<1x1x!tpu.dma_semaphore, #tpu.memory_space<semaphore_mem>>
    %dma_wait3A_681 = tpu.memref_squeeze %dma_wait3A_680 : memref<1x1x!tpu.dma_semaphore, #tpu.memory_space<semaphore_mem>> -> memref<!tpu.dma_semaphore, #tpu.memory_space<semaphore_mem>>
    tpu.wait_indirect_dma semaphore(%dma_wait3A_681 : memref<!tpu.dma_semaphore, #tpu.memory_space<semaphore_mem>>) src(%dma_wait3A_679 : memref<102400xf32, #tpu.memory_space<vmem_shared>>) dst(%arg15 : memref<6400xf32, #tpu.memory_space<vmem>>)
    %add3A_682 = arith.constant 288 : i32
    %add3A_683 = arith.addi %add3A, %add3A_682 : i32
    %mul3A_684 = arith.constant 6400 : i32
    %mul3A_685 = arith.muli %add3A_683, %mul3A_684 : i32
    %multiple_of3A_686 = tpu.assume_multiple %mul3A_685, 128 : i32
    %parallel_loop3A_687 = arith.constant 0 : i32
    %parallel_loop3A_688 = arith.constant 6400 : i32
    %parallel_loop3A_689 = arith.constant 16 : i32
    scf.for %parallel_loop3A_1098 = %parallel_loop3A_687 to %parallel_loop3A_688 step %parallel_loop3A_689  : i32 {
      %parallel_loop3A_1099 = arith.index_cast %parallel_loop3A_1098 : i32 to index
      %parallel_loop3A_1100 = tpu.vector_load %arg15[%parallel_loop3A_1099] {strides = array<i32>} : memref<6400xf32, #tpu.memory_space<vmem>>, vector<16xf32>,
      %parallel_loop3A_1101 = vector.shape_cast %parallel_loop3A_1100 : vector<16xf32> to vector<16xf32>
      %parallel_loop3A_1102 = arith.index_cast %parallel_loop3A_1098 : i32 to index
      %parallel_loop3A_1103 = tpu.vector_load %arg13[%parallel_loop3A_1102] {strides = array<i32>} : memref<6400xf32, #tpu.memory_space<vmem>>, vector<16xf32>,
      %parallel_loop3A_1104 = vector.shape_cast %parallel_loop3A_1103 : vector<16xf32> to vector<16xf32>
      %parallel_loop3A_1105 = arith.mulf %parallel_loop3A_1101, %parallel_loop3A_1104 : vector<16xf32>
      %parallel_loop3A_1106 = arith.index_cast %parallel_loop3A_1098 : i32 to index
      %parallel_loop3A_1107 = tpu.vector_load %arg15[%parallel_loop3A_1106] {strides = array<i32>} : memref<6400xf32, #tpu.memory_space<vmem>>, vector<16xf32>,
      %parallel_loop3A_1108 = vector.shape_cast %parallel_loop3A_1107 : vector<16xf32> to vector<16xf32>
      %parallel_loop3A_1109 = vector.shape_cast %parallel_loop3A_1105 : vector<16xf32> to vector<16xf32>
      tpu.vector_store %arg15[%parallel_loop3A_1106], %parallel_loop3A_1109 {strides = array<i32>} : memref<6400xf32, #tpu.memory_space<vmem>>, vector<16xf32>,
    } {sc.loop_unroll_factor = 8 : i64, sc.parallel_access}
    %dma_start3A_690 = arith.constant 4 : i32
    %dma_start3A_691 = arith.constant 1 : i32
    %dma_start3A_692 = arith.constant 0 : i32
    %dma_start3A_693 = tpu.memref_slice %arg18[%dma_start3A_692] : memref<102400xf32, #tpu.memory_space<vmem_shared>> -> memref<102400xf32, #tpu.memory_space<vmem_shared>>
    %dma_start3A_694 = tpu.memref_slice %arg19[%dma_start3A_690, %dma_start3A_691] : memref<5x2x!tpu.dma_semaphore, #tpu.memory_space<semaphore_mem>> -> memref<1x1x!tpu.dma_semaphore, #tpu.memory_space<semaphore_mem>>
    %dma_start3A_695 = tpu.memref_squeeze %dma_start3A_694 : memref<1x1x!tpu.dma_semaphore, #tpu.memory_space<semaphore_mem>> -> memref<!tpu.dma_semaphore, #tpu.memory_space<semaphore_mem>>
    tpu.enqueue_indirect_dma source(%arg15 : memref<6400xf32, #tpu.memory_space<vmem>>) target(%dma_start3A_693 : memref<102400xf32, #tpu.memory_space<vmem_shared>>) offsets(%arg11 : memref<6400xi32, #tpu.memory_space<vmem>>) semaphore(%dma_start3A_695 : memref<!tpu.dma_semaphore, #tpu.memory_space<semaphore_mem>>) {add = true}
    %dma_wait3A_696 = arith.constant 0 : i32
    %dma_wait3A_697 = arith.constant 0 : i32
    %dma_wait3A_698 = arith.constant 0 : i32
    %dma_wait3A_699 = tpu.memref_slice %arg2[%dma_wait3A_698, %multiple_of3A_661] : memref<2x3200000xi32, #tpu.memory_space<hbm>> -> memref<2x6400xi32, #tpu.memory_space<hbm>>
    %dma_wait3A_700 = tpu.memref_slice %arg19[%dma_wait3A_696, %dma_wait3A_697] : memref<5x2x!tpu.dma_semaphore, #tpu.memory_space<semaphore_mem>> -> memref<1x1x!tpu.dma_semaphore, #tpu.memory_space<semaphore_mem>>
    %dma_wait3A_701 = tpu.memref_squeeze %dma_wait3A_700 : memref<1x1x!tpu.dma_semaphore, #tpu.memory_space<semaphore_mem>> -> memref<!tpu.dma_semaphore, #tpu.memory_space<semaphore_mem>>
    %dma_wait3A_702 = arith.constant 0 : i32
    %dma_wait3A_703 = tpu.memref_slice %arg2[%dma_wait3A_702, %multiple_of3A_661] : memref<2x3200000xi32, #tpu.memory_space<hbm>> -> memref<2x6400xi32, #tpu.memory_space<hbm>>
    tpu.wait_dma2 semaphore(%dma_wait3A_701 : memref<!tpu.dma_semaphore, #tpu.memory_space<semaphore_mem>>) src(%dma_wait3A_703 : memref<2x6400xi32, #tpu.memory_space<hbm>>) dst(%arg6 : memref<2x6400xi32, #tpu.memory_space<vmem>>)
    %dma_wait3A_704 = arith.constant 2 : i32
    %dma_wait3A_705 = arith.constant 0 : i32
    %dma_wait3A_706 = tpu.memref_slice %arg3[%multiple_of3A_661] : memref<3200000xf32, #tpu.memory_space<hbm>> -> memref<6400xf32, #tpu.memory_space<hbm>>
    %dma_wait3A_707 = tpu.memref_slice %arg19[%dma_wait3A_704, %dma_wait3A_705] : memref<5x2x!tpu.dma_semaphore, #tpu.memory_space<semaphore_mem>> -> memref<1x1x!tpu.dma_semaphore, #tpu.memory_space<semaphore_mem>>
    %dma_wait3A_708 = tpu.memref_squeeze %dma_wait3A_707 : memref<1x1x!tpu.dma_semaphore, #tpu.memory_space<semaphore_mem>> -> memref<!tpu.dma_semaphore, #tpu.memory_space<semaphore_mem>>
    %dma_wait3A_709 = tpu.memref_slice %arg3[%multiple_of3A_661] : memref<3200000xf32, #tpu.memory_space<hbm>> -> memref<6400xf32, #tpu.memory_space<hbm>>
    tpu.wait_dma2 semaphore(%dma_wait3A_708 : memref<!tpu.dma_semaphore, #tpu.memory_space<semaphore_mem>>) src(%dma_wait3A_709 : memref<6400xf32, #tpu.memory_space<hbm>>) dst(%arg12 : memref<6400xf32, #tpu.memory_space<vmem>>)
    %parallel_loop3A_710 = arith.constant 0 : i32
    %parallel_loop3A_711 = arith.constant 6400 : i32
    %parallel_loop3A_712 = arith.constant 16 : i32
    scf.for %parallel_loop3A_1098 = %parallel_loop3A_710 to %parallel_loop3A_711 step %parallel_loop3A_712  : i32 {
      %parallel_loop3A_1099 = arith.constant 0 : i32
      %parallel_loop3A_1100 = arith.index_cast %parallel_loop3A_1099 : i32 to index
      %parallel_loop3A_1101 = arith.index_cast %parallel_loop3A_1098 : i32 to index
      %parallel_loop3A_1102 = tpu.vector_load %arg6[%parallel_loop3A_1100, %parallel_loop3A_1101] {strides = array<i32>} : memref<2x6400xi32, #tpu.memory_space<vmem>>, vector<1x16xi32>,
      %parallel_loop3A_1103 = vector.shape_cast %parallel_loop3A_1102 : vector<1x16xi32> to vector<16xi32>
      %parallel_loop3A_1104 = arith.index_cast %parallel_loop3A_1098 : i32 to index
      %parallel_loop3A_1105 = tpu.vector_load %arg8[%parallel_loop3A_1104] {strides = array<i32>} : memref<6400xi32, #tpu.memory_space<vmem>>, vector<16xi32>,
      %parallel_loop3A_1106 = vector.shape_cast %parallel_loop3A_1105 : vector<16xi32> to vector<16xi32>
      %parallel_loop3A_1107 = vector.shape_cast %parallel_loop3A_1103 : vector<16xi32> to vector<16xi32>
      tpu.vector_store %arg8[%parallel_loop3A_1104], %parallel_loop3A_1107 {strides = array<i32>} : memref<6400xi32, #tpu.memory_space<vmem>>, vector<16xi32>,
      %parallel_loop3A_1108 = arith.constant 1 : i32
      %parallel_loop3A_1109 = arith.index_cast %parallel_loop3A_1108 : i32 to index
      %parallel_loop3A_1110 = arith.index_cast %parallel_loop3A_1098 : i32 to index
      %parallel_loop3A_1111 = tpu.vector_load %arg6[%parallel_loop3A_1109, %parallel_loop3A_1110] {strides = array<i32>} : memref<2x6400xi32, #tpu.memory_space<vmem>>, vector<1x16xi32>,
      %parallel_loop3A_1112 = vector.shape_cast %parallel_loop3A_1111 : vector<1x16xi32> to vector<16xi32>
      %parallel_loop3A_1113 = arith.index_cast %parallel_loop3A_1098 : i32 to index
      %parallel_loop3A_1114 = tpu.vector_load %arg10[%parallel_loop3A_1113] {strides = array<i32>} : memref<6400xi32, #tpu.memory_space<vmem>>, vector<16xi32>,
      %parallel_loop3A_1115 = vector.shape_cast %parallel_loop3A_1114 : vector<16xi32> to vector<16xi32>
      %parallel_loop3A_1116 = vector.shape_cast %parallel_loop3A_1112 : vector<16xi32> to vector<16xi32>
      tpu.vector_store %arg10[%parallel_loop3A_1113], %parallel_loop3A_1116 {strides = array<i32>} : memref<6400xi32, #tpu.memory_space<vmem>>, vector<16xi32>,
    } {sc.loop_unroll_factor = 8 : i64, sc.parallel_access}
    %dma_start3A_713 = arith.constant 3 : i32
    %dma_start3A_714 = arith.constant 0 : i32
    %dma_start3A_715 = arith.constant 0 : i32
    %dma_start3A_716 = tpu.memref_slice %arg17[%dma_start3A_715] : memref<102400xf32, #tpu.memory_space<vmem_shared>> -> memref<102400xf32, #tpu.memory_space<vmem_shared>>
    %dma_start3A_717 = tpu.memref_slice %arg19[%dma_start3A_713, %dma_start3A_714] : memref<5x2x!tpu.dma_semaphore, #tpu.memory_space<semaphore_mem>> -> memref<1x1x!tpu.dma_semaphore, #tpu.memory_space<semaphore_mem>>
    %dma_start3A_718 = tpu.memref_squeeze %dma_start3A_717 : memref<1x1x!tpu.dma_semaphore, #tpu.memory_space<semaphore_mem>> -> memref<!tpu.dma_semaphore, #tpu.memory_space<semaphore_mem>>
    tpu.enqueue_indirect_dma source(%dma_start3A_716 : memref<102400xf32, #tpu.memory_space<vmem_shared>>) target(%arg14 : memref<6400xf32, #tpu.memory_space<vmem>>) offsets(%arg8 : memref<6400xi32, #tpu.memory_space<vmem>>) semaphore(%dma_start3A_718 : memref<!tpu.dma_semaphore, #tpu.memory_space<semaphore_mem>>)
    %dma_wait3A_719 = arith.constant 4 : i32
    %dma_wait3A_720 = arith.constant 1 : i32
    %dma_wait3A_721 = arith.constant 0 : i32
    %dma_wait3A_722 = tpu.memref_slice %arg18[%dma_wait3A_721] : memref<102400xf32, #tpu.memory_space<vmem_shared>> -> memref<102400xf32, #tpu.memory_space<vmem_shared>>
    %dma_wait3A_723 = tpu.memref_slice %arg19[%dma_wait3A_719, %dma_wait3A_720] : memref<5x2x!tpu.dma_semaphore, #tpu.memory_space<semaphore_mem>> -> memref<1x1x!tpu.dma_semaphore, #tpu.memory_space<semaphore_mem>>
    %dma_wait3A_724 = tpu.memref_squeeze %dma_wait3A_723 : memref<1x1x!tpu.dma_semaphore, #tpu.memory_space<semaphore_mem>> -> memref<!tpu.dma_semaphore, #tpu.memory_space<semaphore_mem>>
    tpu.wait_indirect_dma semaphore(%dma_wait3A_724 : memref<!tpu.dma_semaphore, #tpu.memory_space<semaphore_mem>>) src(%arg15 : memref<6400xf32, #tpu.memory_space<vmem>>) dst(%dma_wait3A_722 : memref<102400xf32, #tpu.memory_space<vmem_shared>>)
    %add3A_725 = arith.constant 352 : i32
    %add3A_726 = arith.addi %add3A, %add3A_725 : i32
    %mul3A_727 = arith.constant 6400 : i32
    %mul3A_728 = arith.muli %add3A_726, %mul3A_727 : i32
    %multiple_of3A_729 = tpu.assume_multiple %mul3A_728, 128 : i32
    %dma_start3A_730 = arith.constant 0 : i32
    %dma_start3A_731 = arith.constant 1 : i32
    %dma_start3A_732 = arith.constant 0 : i32
    %dma_start3A_733 = tpu.memref_slice %arg2[%dma_start3A_732, %multiple_of3A_729] : memref<2x3200000xi32, #tpu.memory_space<hbm>> -> memref<2x6400xi32, #tpu.memory_space<hbm>>
    %dma_start3A_734 = tpu.memref_slice %arg19[%dma_start3A_730, %dma_start3A_731] : memref<5x2x!tpu.dma_semaphore, #tpu.memory_space<semaphore_mem>> -> memref<1x1x!tpu.dma_semaphore, #tpu.memory_space<semaphore_mem>>
    %dma_start3A_735 = tpu.memref_squeeze %dma_start3A_734 : memref<1x1x!tpu.dma_semaphore, #tpu.memory_space<semaphore_mem>> -> memref<!tpu.dma_semaphore, #tpu.memory_space<semaphore_mem>>
    %dma_start3A_736 = arith.constant 0 : i32
    %dma_start3A_737 = tpu.memref_slice %arg2[%dma_start3A_736, %multiple_of3A_729] : memref<2x3200000xi32, #tpu.memory_space<hbm>> -> memref<2x6400xi32, #tpu.memory_space<hbm>>
    tpu.enqueue_dma source(%dma_start3A_737 : memref<2x6400xi32, #tpu.memory_space<hbm>>) target(%arg7 : memref<2x6400xi32, #tpu.memory_space<vmem>>) target_semaphore(%dma_start3A_735 : memref<!tpu.dma_semaphore, #tpu.memory_space<semaphore_mem>>)
    %dma_start3A_738 = arith.constant 2 : i32
    %dma_start3A_739 = arith.constant 1 : i32
    %dma_start3A_740 = tpu.memref_slice %arg3[%multiple_of3A_729] : memref<3200000xf32, #tpu.memory_space<hbm>> -> memref<6400xf32, #tpu.memory_space<hbm>>
    %dma_start3A_741 = tpu.memref_slice %arg19[%dma_start3A_738, %dma_start3A_739] : memref<5x2x!tpu.dma_semaphore, #tpu.memory_space<semaphore_mem>> -> memref<1x1x!tpu.dma_semaphore, #tpu.memory_space<semaphore_mem>>
    %dma_start3A_742 = tpu.memref_squeeze %dma_start3A_741 : memref<1x1x!tpu.dma_semaphore, #tpu.memory_space<semaphore_mem>> -> memref<!tpu.dma_semaphore, #tpu.memory_space<semaphore_mem>>
    %dma_start3A_743 = tpu.memref_slice %arg3[%multiple_of3A_729] : memref<3200000xf32, #tpu.memory_space<hbm>> -> memref<6400xf32, #tpu.memory_space<hbm>>
    tpu.enqueue_dma source(%dma_start3A_743 : memref<6400xf32, #tpu.memory_space<hbm>>) target(%arg13 : memref<6400xf32, #tpu.memory_space<vmem>>) target_semaphore(%dma_start3A_742 : memref<!tpu.dma_semaphore, #tpu.memory_space<semaphore_mem>>)
    %dma_wait3A_744 = arith.constant 3 : i32
    %dma_wait3A_745 = arith.constant 0 : i32
    %dma_wait3A_746 = arith.constant 0 : i32
    %dma_wait3A_747 = tpu.memref_slice %arg17[%dma_wait3A_746] : memref<102400xf32, #tpu.memory_space<vmem_shared>> -> memref<102400xf32, #tpu.memory_space<vmem_shared>>
    %dma_wait3A_748 = tpu.memref_slice %arg19[%dma_wait3A_744, %dma_wait3A_745] : memref<5x2x!tpu.dma_semaphore, #tpu.memory_space<semaphore_mem>> -> memref<1x1x!tpu.dma_semaphore, #tpu.memory_space<semaphore_mem>>
    %dma_wait3A_749 = tpu.memref_squeeze %dma_wait3A_748 : memref<1x1x!tpu.dma_semaphore, #tpu.memory_space<semaphore_mem>> -> memref<!tpu.dma_semaphore, #tpu.memory_space<semaphore_mem>>
    tpu.wait_indirect_dma semaphore(%dma_wait3A_749 : memref<!tpu.dma_semaphore, #tpu.memory_space<semaphore_mem>>) src(%dma_wait3A_747 : memref<102400xf32, #tpu.memory_space<vmem_shared>>) dst(%arg14 : memref<6400xf32, #tpu.memory_space<vmem>>)
    %add3A_750 = arith.constant 320 : i32
    %add3A_751 = arith.addi %add3A, %add3A_750 : i32
    %mul3A_752 = arith.constant 6400 : i32
    %mul3A_753 = arith.muli %add3A_751, %mul3A_752 : i32
    %multiple_of3A_754 = tpu.assume_multiple %mul3A_753, 128 : i32
    %parallel_loop3A_755 = arith.constant 0 : i32
    %parallel_loop3A_756 = arith.constant 6400 : i32
    %parallel_loop3A_757 = arith.constant 16 : i32
    scf.for %parallel_loop3A_1098 = %parallel_loop3A_755 to %parallel_loop3A_756 step %parallel_loop3A_757  : i32 {
      %parallel_loop3A_1099 = arith.index_cast %parallel_loop3A_1098 : i32 to index
      %parallel_loop3A_1100 = tpu.vector_load %arg14[%parallel_loop3A_1099] {strides = array<i32>} : memref<6400xf32, #tpu.memory_space<vmem>>, vector<16xf32>,
      %parallel_loop3A_1101 = vector.shape_cast %parallel_loop3A_1100 : vector<16xf32> to vector<16xf32>
      %parallel_loop3A_1102 = arith.index_cast %parallel_loop3A_1098 : i32 to index
      %parallel_loop3A_1103 = tpu.vector_load %arg12[%parallel_loop3A_1102] {strides = array<i32>} : memref<6400xf32, #tpu.memory_space<vmem>>, vector<16xf32>,
      %parallel_loop3A_1104 = vector.shape_cast %parallel_loop3A_1103 : vector<16xf32> to vector<16xf32>
      %parallel_loop3A_1105 = arith.mulf %parallel_loop3A_1101, %parallel_loop3A_1104 : vector<16xf32>
      %parallel_loop3A_1106 = arith.index_cast %parallel_loop3A_1098 : i32 to index
      %parallel_loop3A_1107 = tpu.vector_load %arg14[%parallel_loop3A_1106] {strides = array<i32>} : memref<6400xf32, #tpu.memory_space<vmem>>, vector<16xf32>,
      %parallel_loop3A_1108 = vector.shape_cast %parallel_loop3A_1107 : vector<16xf32> to vector<16xf32>
      %parallel_loop3A_1109 = vector.shape_cast %parallel_loop3A_1105 : vector<16xf32> to vector<16xf32>
      tpu.vector_store %arg14[%parallel_loop3A_1106], %parallel_loop3A_1109 {strides = array<i32>} : memref<6400xf32, #tpu.memory_space<vmem>>, vector<16xf32>,
    } {sc.loop_unroll_factor = 8 : i64, sc.parallel_access}
    %dma_start3A_758 = arith.constant 4 : i32
    %dma_start3A_759 = arith.constant 0 : i32
    %dma_start3A_760 = arith.constant 0 : i32
    %dma_start3A_761 = tpu.memref_slice %arg18[%dma_start3A_760] : memref<102400xf32, #tpu.memory_space<vmem_shared>> -> memref<102400xf32, #tpu.memory_space<vmem_shared>>
    %dma_start3A_762 = tpu.memref_slice %arg19[%dma_start3A_758, %dma_start3A_759] : memref<5x2x!tpu.dma_semaphore, #tpu.memory_space<semaphore_mem>> -> memref<1x1x!tpu.dma_semaphore, #tpu.memory_space<semaphore_mem>>
    %dma_start3A_763 = tpu.memref_squeeze %dma_start3A_762 : memref<1x1x!tpu.dma_semaphore, #tpu.memory_space<semaphore_mem>> -> memref<!tpu.dma_semaphore, #tpu.memory_space<semaphore_mem>>
    tpu.enqueue_indirect_dma source(%arg14 : memref<6400xf32, #tpu.memory_space<vmem>>) target(%dma_start3A_761 : memref<102400xf32, #tpu.memory_space<vmem_shared>>) offsets(%arg10 : memref<6400xi32, #tpu.memory_space<vmem>>) semaphore(%dma_start3A_763 : memref<!tpu.dma_semaphore, #tpu.memory_space<semaphore_mem>>) {add = true}
    %dma_wait3A_764 = arith.constant 0 : i32
    %dma_wait3A_765 = arith.constant 1 : i32
    %dma_wait3A_766 = arith.constant 0 : i32
    %dma_wait3A_767 = tpu.memref_slice %arg2[%dma_wait3A_766, %multiple_of3A_729] : memref<2x3200000xi32, #tpu.memory_space<hbm>> -> memref<2x6400xi32, #tpu.memory_space<hbm>>
    %dma_wait3A_768 = tpu.memref_slice %arg19[%dma_wait3A_764, %dma_wait3A_765] : memref<5x2x!tpu.dma_semaphore, #tpu.memory_space<semaphore_mem>> -> memref<1x1x!tpu.dma_semaphore, #tpu.memory_space<semaphore_mem>>
    %dma_wait3A_769 = tpu.memref_squeeze %dma_wait3A_768 : memref<1x1x!tpu.dma_semaphore, #tpu.memory_space<semaphore_mem>> -> memref<!tpu.dma_semaphore, #tpu.memory_space<semaphore_mem>>
    %dma_wait3A_770 = arith.constant 0 : i32
    %dma_wait3A_771 = tpu.memref_slice %arg2[%dma_wait3A_770, %multiple_of3A_729] : memref<2x3200000xi32, #tpu.memory_space<hbm>> -> memref<2x6400xi32, #tpu.memory_space<hbm>>
    tpu.wait_dma2 semaphore(%dma_wait3A_769 : memref<!tpu.dma_semaphore, #tpu.memory_space<semaphore_mem>>) src(%dma_wait3A_771 : memref<2x6400xi32, #tpu.memory_space<hbm>>) dst(%arg7 : memref<2x6400xi32, #tpu.memory_space<vmem>>)
    %dma_wait3A_772 = arith.constant 2 : i32
    %dma_wait3A_773 = arith.constant 1 : i32
    %dma_wait3A_774 = tpu.memref_slice %arg3[%multiple_of3A_729] : memref<3200000xf32, #tpu.memory_space<hbm>> -> memref<6400xf32, #tpu.memory_space<hbm>>
    %dma_wait3A_775 = tpu.memref_slice %arg19[%dma_wait3A_772, %dma_wait3A_773] : memref<5x2x!tpu.dma_semaphore, #tpu.memory_space<semaphore_mem>> -> memref<1x1x!tpu.dma_semaphore, #tpu.memory_space<semaphore_mem>>
    %dma_wait3A_776 = tpu.memref_squeeze %dma_wait3A_775 : memref<1x1x!tpu.dma_semaphore, #tpu.memory_space<semaphore_mem>> -> memref<!tpu.dma_semaphore, #tpu.memory_space<semaphore_mem>>
    %dma_wait3A_777 = tpu.memref_slice %arg3[%multiple_of3A_729] : memref<3200000xf32, #tpu.memory_space<hbm>> -> memref<6400xf32, #tpu.memory_space<hbm>>
    tpu.wait_dma2 semaphore(%dma_wait3A_776 : memref<!tpu.dma_semaphore, #tpu.memory_space<semaphore_mem>>) src(%dma_wait3A_777 : memref<6400xf32, #tpu.memory_space<hbm>>) dst(%arg13 : memref<6400xf32, #tpu.memory_space<vmem>>)
    %parallel_loop3A_778 = arith.constant 0 : i32
    %parallel_loop3A_779 = arith.constant 6400 : i32
    %parallel_loop3A_780 = arith.constant 16 : i32
    scf.for %parallel_loop3A_1098 = %parallel_loop3A_778 to %parallel_loop3A_779 step %parallel_loop3A_780  : i32 {
      %parallel_loop3A_1099 = arith.constant 0 : i32
      %parallel_loop3A_1100 = arith.index_cast %parallel_loop3A_1099 : i32 to index
      %parallel_loop3A_1101 = arith.index_cast %parallel_loop3A_1098 : i32 to index
      %parallel_loop3A_1102 = tpu.vector_load %arg7[%parallel_loop3A_1100, %parallel_loop3A_1101] {strides = array<i32>} : memref<2x6400xi32, #tpu.memory_space<vmem>>, vector<1x16xi32>,
      %parallel_loop3A_1103 = vector.shape_cast %parallel_loop3A_1102 : vector<1x16xi32> to vector<16xi32>
      %parallel_loop3A_1104 = arith.index_cast %parallel_loop3A_1098 : i32 to index
      %parallel_loop3A_1105 = tpu.vector_load %arg9[%parallel_loop3A_1104] {strides = array<i32>} : memref<6400xi32, #tpu.memory_space<vmem>>, vector<16xi32>,
      %parallel_loop3A_1106 = vector.shape_cast %parallel_loop3A_1105 : vector<16xi32> to vector<16xi32>
      %parallel_loop3A_1107 = vector.shape_cast %parallel_loop3A_1103 : vector<16xi32> to vector<16xi32>
      tpu.vector_store %arg9[%parallel_loop3A_1104], %parallel_loop3A_1107 {strides = array<i32>} : memref<6400xi32, #tpu.memory_space<vmem>>, vector<16xi32>,
      %parallel_loop3A_1108 = arith.constant 1 : i32
      %parallel_loop3A_1109 = arith.index_cast %parallel_loop3A_1108 : i32 to index
      %parallel_loop3A_1110 = arith.index_cast %parallel_loop3A_1098 : i32 to index
      %parallel_loop3A_1111 = tpu.vector_load %arg7[%parallel_loop3A_1109, %parallel_loop3A_1110] {strides = array<i32>} : memref<2x6400xi32, #tpu.memory_space<vmem>>, vector<1x16xi32>,
      %parallel_loop3A_1112 = vector.shape_cast %parallel_loop3A_1111 : vector<1x16xi32> to vector<16xi32>
      %parallel_loop3A_1113 = arith.index_cast %parallel_loop3A_1098 : i32 to index
      %parallel_loop3A_1114 = tpu.vector_load %arg11[%parallel_loop3A_1113] {strides = array<i32>} : memref<6400xi32, #tpu.memory_space<vmem>>, vector<16xi32>,
      %parallel_loop3A_1115 = vector.shape_cast %parallel_loop3A_1114 : vector<16xi32> to vector<16xi32>
      %parallel_loop3A_1116 = vector.shape_cast %parallel_loop3A_1112 : vector<16xi32> to vector<16xi32>
      tpu.vector_store %arg11[%parallel_loop3A_1113], %parallel_loop3A_1116 {strides = array<i32>} : memref<6400xi32, #tpu.memory_space<vmem>>, vector<16xi32>,
    } {sc.loop_unroll_factor = 8 : i64, sc.parallel_access}
    %dma_start3A_781 = arith.constant 3 : i32
    %dma_start3A_782 = arith.constant 1 : i32
    %dma_start3A_783 = arith.constant 0 : i32
    %dma_start3A_784 = tpu.memref_slice %arg17[%dma_start3A_783] : memref<102400xf32, #tpu.memory_space<vmem_shared>> -> memref<102400xf32, #tpu.memory_space<vmem_shared>>
    %dma_start3A_785 = tpu.memref_slice %arg19[%dma_start3A_781, %dma_start3A_782] : memref<5x2x!tpu.dma_semaphore, #tpu.memory_space<semaphore_mem>> -> memref<1x1x!tpu.dma_semaphore, #tpu.memory_space<semaphore_mem>>
    %dma_start3A_786 = tpu.memref_squeeze %dma_start3A_785 : memref<1x1x!tpu.dma_semaphore, #tpu.memory_space<semaphore_mem>> -> memref<!tpu.dma_semaphore, #tpu.memory_space<semaphore_mem>>
    tpu.enqueue_indirect_dma source(%dma_start3A_784 : memref<102400xf32, #tpu.memory_space<vmem_shared>>) target(%arg15 : memref<6400xf32, #tpu.memory_space<vmem>>) offsets(%arg9 : memref<6400xi32, #tpu.memory_space<vmem>>) semaphore(%dma_start3A_786 : memref<!tpu.dma_semaphore, #tpu.memory_space<semaphore_mem>>)
    %dma_wait3A_787 = arith.constant 4 : i32
    %dma_wait3A_788 = arith.constant 0 : i32
    %dma_wait3A_789 = arith.constant 0 : i32
    %dma_wait3A_790 = tpu.memref_slice %arg18[%dma_wait3A_789] : memref<102400xf32, #tpu.memory_space<vmem_shared>> -> memref<102400xf32, #tpu.memory_space<vmem_shared>>
    %dma_wait3A_791 = tpu.memref_slice %arg19[%dma_wait3A_787, %dma_wait3A_788] : memref<5x2x!tpu.dma_semaphore, #tpu.memory_space<semaphore_mem>> -> memref<1x1x!tpu.dma_semaphore, #tpu.memory_space<semaphore_mem>>
    %dma_wait3A_792 = tpu.memref_squeeze %dma_wait3A_791 : memref<1x1x!tpu.dma_semaphore, #tpu.memory_space<semaphore_mem>> -> memref<!tpu.dma_semaphore, #tpu.memory_space<semaphore_mem>>
    tpu.wait_indirect_dma semaphore(%dma_wait3A_792 : memref<!tpu.dma_semaphore, #tpu.memory_space<semaphore_mem>>) src(%arg14 : memref<6400xf32, #tpu.memory_space<vmem>>) dst(%dma_wait3A_790 : memref<102400xf32, #tpu.memory_space<vmem_shared>>)
    %add3A_793 = arith.constant 384 : i32
    %add3A_794 = arith.addi %add3A, %add3A_793 : i32
    %mul3A_795 = arith.constant 6400 : i32
    %mul3A_796 = arith.muli %add3A_794, %mul3A_795 : i32
    %multiple_of3A_797 = tpu.assume_multiple %mul3A_796, 128 : i32
    %dma_start3A_798 = arith.constant 0 : i32
    %dma_start3A_799 = arith.constant 0 : i32
    %dma_start3A_800 = arith.constant 0 : i32
    %dma_start3A_801 = tpu.memref_slice %arg2[%dma_start3A_800, %multiple_of3A_797] : memref<2x3200000xi32, #tpu.memory_space<hbm>> -> memref<2x6400xi32, #tpu.memory_space<hbm>>
    %dma_start3A_802 = tpu.memref_slice %arg19[%dma_start3A_798, %dma_start3A_799] : memref<5x2x!tpu.dma_semaphore, #tpu.memory_space<semaphore_mem>> -> memref<1x1x!tpu.dma_semaphore, #tpu.memory_space<semaphore_mem>>
    %dma_start3A_803 = tpu.memref_squeeze %dma_start3A_802 : memref<1x1x!tpu.dma_semaphore, #tpu.memory_space<semaphore_mem>> -> memref<!tpu.dma_semaphore, #tpu.memory_space<semaphore_mem>>
    %dma_start3A_804 = arith.constant 0 : i32
    %dma_start3A_805 = tpu.memref_slice %arg2[%dma_start3A_804, %multiple_of3A_797] : memref<2x3200000xi32, #tpu.memory_space<hbm>> -> memref<2x6400xi32, #tpu.memory_space<hbm>>
    tpu.enqueue_dma source(%dma_start3A_805 : memref<2x6400xi32, #tpu.memory_space<hbm>>) target(%arg6 : memref<2x6400xi32, #tpu.memory_space<vmem>>) target_semaphore(%dma_start3A_803 : memref<!tpu.dma_semaphore, #tpu.memory_space<semaphore_mem>>)
    %dma_start3A_806 = arith.constant 2 : i32
    %dma_start3A_807 = arith.constant 0 : i32
    %dma_start3A_808 = tpu.memref_slice %arg3[%multiple_of3A_797] : memref<3200000xf32, #tpu.memory_space<hbm>> -> memref<6400xf32, #tpu.memory_space<hbm>>
    %dma_start3A_809 = tpu.memref_slice %arg19[%dma_start3A_806, %dma_start3A_807] : memref<5x2x!tpu.dma_semaphore, #tpu.memory_space<semaphore_mem>> -> memref<1x1x!tpu.dma_semaphore, #tpu.memory_space<semaphore_mem>>
    %dma_start3A_810 = tpu.memref_squeeze %dma_start3A_809 : memref<1x1x!tpu.dma_semaphore, #tpu.memory_space<semaphore_mem>> -> memref<!tpu.dma_semaphore, #tpu.memory_space<semaphore_mem>>
    %dma_start3A_811 = tpu.memref_slice %arg3[%multiple_of3A_797] : memref<3200000xf32, #tpu.memory_space<hbm>> -> memref<6400xf32, #tpu.memory_space<hbm>>
    tpu.enqueue_dma source(%dma_start3A_811 : memref<6400xf32, #tpu.memory_space<hbm>>) target(%arg12 : memref<6400xf32, #tpu.memory_space<vmem>>) target_semaphore(%dma_start3A_810 : memref<!tpu.dma_semaphore, #tpu.memory_space<semaphore_mem>>)
    %dma_wait3A_812 = arith.constant 3 : i32
    %dma_wait3A_813 = arith.constant 1 : i32
    %dma_wait3A_814 = arith.constant 0 : i32
    %dma_wait3A_815 = tpu.memref_slice %arg17[%dma_wait3A_814] : memref<102400xf32, #tpu.memory_space<vmem_shared>> -> memref<102400xf32, #tpu.memory_space<vmem_shared>>
    %dma_wait3A_816 = tpu.memref_slice %arg19[%dma_wait3A_812, %dma_wait3A_813] : memref<5x2x!tpu.dma_semaphore, #tpu.memory_space<semaphore_mem>> -> memref<1x1x!tpu.dma_semaphore, #tpu.memory_space<semaphore_mem>>
    %dma_wait3A_817 = tpu.memref_squeeze %dma_wait3A_816 : memref<1x1x!tpu.dma_semaphore, #tpu.memory_space<semaphore_mem>> -> memref<!tpu.dma_semaphore, #tpu.memory_space<semaphore_mem>>
    tpu.wait_indirect_dma semaphore(%dma_wait3A_817 : memref<!tpu.dma_semaphore, #tpu.memory_space<semaphore_mem>>) src(%dma_wait3A_815 : memref<102400xf32, #tpu.memory_space<vmem_shared>>) dst(%arg15 : memref<6400xf32, #tpu.memory_space<vmem>>)
    %add3A_818 = arith.constant 352 : i32
    %add3A_819 = arith.addi %add3A, %add3A_818 : i32
    %mul3A_820 = arith.constant 6400 : i32
    %mul3A_821 = arith.muli %add3A_819, %mul3A_820 : i32
    %multiple_of3A_822 = tpu.assume_multiple %mul3A_821, 128 : i32
    %parallel_loop3A_823 = arith.constant 0 : i32
    %parallel_loop3A_824 = arith.constant 6400 : i32
    %parallel_loop3A_825 = arith.constant 16 : i32
    scf.for %parallel_loop3A_1098 = %parallel_loop3A_823 to %parallel_loop3A_824 step %parallel_loop3A_825  : i32 {
      %parallel_loop3A_1099 = arith.index_cast %parallel_loop3A_1098 : i32 to index
      %parallel_loop3A_1100 = tpu.vector_load %arg15[%parallel_loop3A_1099] {strides = array<i32>} : memref<6400xf32, #tpu.memory_space<vmem>>, vector<16xf32>,
      %parallel_loop3A_1101 = vector.shape_cast %parallel_loop3A_1100 : vector<16xf32> to vector<16xf32>
      %parallel_loop3A_1102 = arith.index_cast %parallel_loop3A_1098 : i32 to index
      %parallel_loop3A_1103 = tpu.vector_load %arg13[%parallel_loop3A_1102] {strides = array<i32>} : memref<6400xf32, #tpu.memory_space<vmem>>, vector<16xf32>,
      %parallel_loop3A_1104 = vector.shape_cast %parallel_loop3A_1103 : vector<16xf32> to vector<16xf32>
      %parallel_loop3A_1105 = arith.mulf %parallel_loop3A_1101, %parallel_loop3A_1104 : vector<16xf32>
      %parallel_loop3A_1106 = arith.index_cast %parallel_loop3A_1098 : i32 to index
      %parallel_loop3A_1107 = tpu.vector_load %arg15[%parallel_loop3A_1106] {strides = array<i32>} : memref<6400xf32, #tpu.memory_space<vmem>>, vector<16xf32>,
      %parallel_loop3A_1108 = vector.shape_cast %parallel_loop3A_1107 : vector<16xf32> to vector<16xf32>
      %parallel_loop3A_1109 = vector.shape_cast %parallel_loop3A_1105 : vector<16xf32> to vector<16xf32>
      tpu.vector_store %arg15[%parallel_loop3A_1106], %parallel_loop3A_1109 {strides = array<i32>} : memref<6400xf32, #tpu.memory_space<vmem>>, vector<16xf32>,
    } {sc.loop_unroll_factor = 8 : i64, sc.parallel_access}
    %dma_start3A_826 = arith.constant 4 : i32
    %dma_start3A_827 = arith.constant 1 : i32
    %dma_start3A_828 = arith.constant 0 : i32
    %dma_start3A_829 = tpu.memref_slice %arg18[%dma_start3A_828] : memref<102400xf32, #tpu.memory_space<vmem_shared>> -> memref<102400xf32, #tpu.memory_space<vmem_shared>>
    %dma_start3A_830 = tpu.memref_slice %arg19[%dma_start3A_826, %dma_start3A_827] : memref<5x2x!tpu.dma_semaphore, #tpu.memory_space<semaphore_mem>> -> memref<1x1x!tpu.dma_semaphore, #tpu.memory_space<semaphore_mem>>
    %dma_start3A_831 = tpu.memref_squeeze %dma_start3A_830 : memref<1x1x!tpu.dma_semaphore, #tpu.memory_space<semaphore_mem>> -> memref<!tpu.dma_semaphore, #tpu.memory_space<semaphore_mem>>
    tpu.enqueue_indirect_dma source(%arg15 : memref<6400xf32, #tpu.memory_space<vmem>>) target(%dma_start3A_829 : memref<102400xf32, #tpu.memory_space<vmem_shared>>) offsets(%arg11 : memref<6400xi32, #tpu.memory_space<vmem>>) semaphore(%dma_start3A_831 : memref<!tpu.dma_semaphore, #tpu.memory_space<semaphore_mem>>) {add = true}
    %dma_wait3A_832 = arith.constant 0 : i32
    %dma_wait3A_833 = arith.constant 0 : i32
    %dma_wait3A_834 = arith.constant 0 : i32
    %dma_wait3A_835 = tpu.memref_slice %arg2[%dma_wait3A_834, %multiple_of3A_797] : memref<2x3200000xi32, #tpu.memory_space<hbm>> -> memref<2x6400xi32, #tpu.memory_space<hbm>>
    %dma_wait3A_836 = tpu.memref_slice %arg19[%dma_wait3A_832, %dma_wait3A_833] : memref<5x2x!tpu.dma_semaphore, #tpu.memory_space<semaphore_mem>> -> memref<1x1x!tpu.dma_semaphore, #tpu.memory_space<semaphore_mem>>
    %dma_wait3A_837 = tpu.memref_squeeze %dma_wait3A_836 : memref<1x1x!tpu.dma_semaphore, #tpu.memory_space<semaphore_mem>> -> memref<!tpu.dma_semaphore, #tpu.memory_space<semaphore_mem>>
    %dma_wait3A_838 = arith.constant 0 : i32
    %dma_wait3A_839 = tpu.memref_slice %arg2[%dma_wait3A_838, %multiple_of3A_797] : memref<2x3200000xi32, #tpu.memory_space<hbm>> -> memref<2x6400xi32, #tpu.memory_space<hbm>>
    tpu.wait_dma2 semaphore(%dma_wait3A_837 : memref<!tpu.dma_semaphore, #tpu.memory_space<semaphore_mem>>) src(%dma_wait3A_839 : memref<2x6400xi32, #tpu.memory_space<hbm>>) dst(%arg6 : memref<2x6400xi32, #tpu.memory_space<vmem>>)
    %dma_wait3A_840 = arith.constant 2 : i32
    %dma_wait3A_841 = arith.constant 0 : i32
    %dma_wait3A_842 = tpu.memref_slice %arg3[%multiple_of3A_797] : memref<3200000xf32, #tpu.memory_space<hbm>> -> memref<6400xf32, #tpu.memory_space<hbm>>
    %dma_wait3A_843 = tpu.memref_slice %arg19[%dma_wait3A_840, %dma_wait3A_841] : memref<5x2x!tpu.dma_semaphore, #tpu.memory_space<semaphore_mem>> -> memref<1x1x!tpu.dma_semaphore, #tpu.memory_space<semaphore_mem>>
    %dma_wait3A_844 = tpu.memref_squeeze %dma_wait3A_843 : memref<1x1x!tpu.dma_semaphore, #tpu.memory_space<semaphore_mem>> -> memref<!tpu.dma_semaphore, #tpu.memory_space<semaphore_mem>>
    %dma_wait3A_845 = tpu.memref_slice %arg3[%multiple_of3A_797] : memref<3200000xf32, #tpu.memory_space<hbm>> -> memref<6400xf32, #tpu.memory_space<hbm>>
    tpu.wait_dma2 semaphore(%dma_wait3A_844 : memref<!tpu.dma_semaphore, #tpu.memory_space<semaphore_mem>>) src(%dma_wait3A_845 : memref<6400xf32, #tpu.memory_space<hbm>>) dst(%arg12 : memref<6400xf32, #tpu.memory_space<vmem>>)
    %parallel_loop3A_846 = arith.constant 0 : i32
    %parallel_loop3A_847 = arith.constant 6400 : i32
    %parallel_loop3A_848 = arith.constant 16 : i32
    scf.for %parallel_loop3A_1098 = %parallel_loop3A_846 to %parallel_loop3A_847 step %parallel_loop3A_848  : i32 {
      %parallel_loop3A_1099 = arith.constant 0 : i32
      %parallel_loop3A_1100 = arith.index_cast %parallel_loop3A_1099 : i32 to index
      %parallel_loop3A_1101 = arith.index_cast %parallel_loop3A_1098 : i32 to index
      %parallel_loop3A_1102 = tpu.vector_load %arg6[%parallel_loop3A_1100, %parallel_loop3A_1101] {strides = array<i32>} : memref<2x6400xi32, #tpu.memory_space<vmem>>, vector<1x16xi32>,
      %parallel_loop3A_1103 = vector.shape_cast %parallel_loop3A_1102 : vector<1x16xi32> to vector<16xi32>
      %parallel_loop3A_1104 = arith.index_cast %parallel_loop3A_1098 : i32 to index
      %parallel_loop3A_1105 = tpu.vector_load %arg8[%parallel_loop3A_1104] {strides = array<i32>} : memref<6400xi32, #tpu.memory_space<vmem>>, vector<16xi32>,
      %parallel_loop3A_1106 = vector.shape_cast %parallel_loop3A_1105 : vector<16xi32> to vector<16xi32>
      %parallel_loop3A_1107 = vector.shape_cast %parallel_loop3A_1103 : vector<16xi32> to vector<16xi32>
      tpu.vector_store %arg8[%parallel_loop3A_1104], %parallel_loop3A_1107 {strides = array<i32>} : memref<6400xi32, #tpu.memory_space<vmem>>, vector<16xi32>,
      %parallel_loop3A_1108 = arith.constant 1 : i32
      %parallel_loop3A_1109 = arith.index_cast %parallel_loop3A_1108 : i32 to index
      %parallel_loop3A_1110 = arith.index_cast %parallel_loop3A_1098 : i32 to index
      %parallel_loop3A_1111 = tpu.vector_load %arg6[%parallel_loop3A_1109, %parallel_loop3A_1110] {strides = array<i32>} : memref<2x6400xi32, #tpu.memory_space<vmem>>, vector<1x16xi32>,
      %parallel_loop3A_1112 = vector.shape_cast %parallel_loop3A_1111 : vector<1x16xi32> to vector<16xi32>
      %parallel_loop3A_1113 = arith.index_cast %parallel_loop3A_1098 : i32 to index
      %parallel_loop3A_1114 = tpu.vector_load %arg10[%parallel_loop3A_1113] {strides = array<i32>} : memref<6400xi32, #tpu.memory_space<vmem>>, vector<16xi32>,
      %parallel_loop3A_1115 = vector.shape_cast %parallel_loop3A_1114 : vector<16xi32> to vector<16xi32>
      %parallel_loop3A_1116 = vector.shape_cast %parallel_loop3A_1112 : vector<16xi32> to vector<16xi32>
      tpu.vector_store %arg10[%parallel_loop3A_1113], %parallel_loop3A_1116 {strides = array<i32>} : memref<6400xi32, #tpu.memory_space<vmem>>, vector<16xi32>,
    } {sc.loop_unroll_factor = 8 : i64, sc.parallel_access}
    %dma_start3A_849 = arith.constant 3 : i32
    %dma_start3A_850 = arith.constant 0 : i32
    %dma_start3A_851 = arith.constant 0 : i32
    %dma_start3A_852 = tpu.memref_slice %arg17[%dma_start3A_851] : memref<102400xf32, #tpu.memory_space<vmem_shared>> -> memref<102400xf32, #tpu.memory_space<vmem_shared>>
    %dma_start3A_853 = tpu.memref_slice %arg19[%dma_start3A_849, %dma_start3A_850] : memref<5x2x!tpu.dma_semaphore, #tpu.memory_space<semaphore_mem>> -> memref<1x1x!tpu.dma_semaphore, #tpu.memory_space<semaphore_mem>>
    %dma_start3A_854 = tpu.memref_squeeze %dma_start3A_853 : memref<1x1x!tpu.dma_semaphore, #tpu.memory_space<semaphore_mem>> -> memref<!tpu.dma_semaphore, #tpu.memory_space<semaphore_mem>>
    tpu.enqueue_indirect_dma source(%dma_start3A_852 : memref<102400xf32, #tpu.memory_space<vmem_shared>>) target(%arg14 : memref<6400xf32, #tpu.memory_space<vmem>>) offsets(%arg8 : memref<6400xi32, #tpu.memory_space<vmem>>) semaphore(%dma_start3A_854 : memref<!tpu.dma_semaphore, #tpu.memory_space<semaphore_mem>>)
    %dma_wait3A_855 = arith.constant 4 : i32
    %dma_wait3A_856 = arith.constant 1 : i32
    %dma_wait3A_857 = arith.constant 0 : i32
    %dma_wait3A_858 = tpu.memref_slice %arg18[%dma_wait3A_857] : memref<102400xf32, #tpu.memory_space<vmem_shared>> -> memref<102400xf32, #tpu.memory_space<vmem_shared>>
    %dma_wait3A_859 = tpu.memref_slice %arg19[%dma_wait3A_855, %dma_wait3A_856] : memref<5x2x!tpu.dma_semaphore, #tpu.memory_space<semaphore_mem>> -> memref<1x1x!tpu.dma_semaphore, #tpu.memory_space<semaphore_mem>>
    %dma_wait3A_860 = tpu.memref_squeeze %dma_wait3A_859 : memref<1x1x!tpu.dma_semaphore, #tpu.memory_space<semaphore_mem>> -> memref<!tpu.dma_semaphore, #tpu.memory_space<semaphore_mem>>
    tpu.wait_indirect_dma semaphore(%dma_wait3A_860 : memref<!tpu.dma_semaphore, #tpu.memory_space<semaphore_mem>>) src(%arg15 : memref<6400xf32, #tpu.memory_space<vmem>>) dst(%dma_wait3A_858 : memref<102400xf32, #tpu.memory_space<vmem_shared>>)
    %add3A_861 = arith.constant 416 : i32
    %add3A_862 = arith.addi %add3A, %add3A_861 : i32
    %mul3A_863 = arith.constant 6400 : i32
    %mul3A_864 = arith.muli %add3A_862, %mul3A_863 : i32
    %multiple_of3A_865 = tpu.assume_multiple %mul3A_864, 128 : i32
    %dma_start3A_866 = arith.constant 0 : i32
    %dma_start3A_867 = arith.constant 1 : i32
    %dma_start3A_868 = arith.constant 0 : i32
    %dma_start3A_869 = tpu.memref_slice %arg2[%dma_start3A_868, %multiple_of3A_865] : memref<2x3200000xi32, #tpu.memory_space<hbm>> -> memref<2x6400xi32, #tpu.memory_space<hbm>>
    %dma_start3A_870 = tpu.memref_slice %arg19[%dma_start3A_866, %dma_start3A_867] : memref<5x2x!tpu.dma_semaphore, #tpu.memory_space<semaphore_mem>> -> memref<1x1x!tpu.dma_semaphore, #tpu.memory_space<semaphore_mem>>
    %dma_start3A_871 = tpu.memref_squeeze %dma_start3A_870 : memref<1x1x!tpu.dma_semaphore, #tpu.memory_space<semaphore_mem>> -> memref<!tpu.dma_semaphore, #tpu.memory_space<semaphore_mem>>
    %dma_start3A_872 = arith.constant 0 : i32
    %dma_start3A_873 = tpu.memref_slice %arg2[%dma_start3A_872, %multiple_of3A_865] : memref<2x3200000xi32, #tpu.memory_space<hbm>> -> memref<2x6400xi32, #tpu.memory_space<hbm>>
    tpu.enqueue_dma source(%dma_start3A_873 : memref<2x6400xi32, #tpu.memory_space<hbm>>) target(%arg7 : memref<2x6400xi32, #tpu.memory_space<vmem>>) target_semaphore(%dma_start3A_871 : memref<!tpu.dma_semaphore, #tpu.memory_space<semaphore_mem>>)
    %dma_start3A_874 = arith.constant 2 : i32
    %dma_start3A_875 = arith.constant 1 : i32
    %dma_start3A_876 = tpu.memref_slice %arg3[%multiple_of3A_865] : memref<3200000xf32, #tpu.memory_space<hbm>> -> memref<6400xf32, #tpu.memory_space<hbm>>
    %dma_start3A_877 = tpu.memref_slice %arg19[%dma_start3A_874, %dma_start3A_875] : memref<5x2x!tpu.dma_semaphore, #tpu.memory_space<semaphore_mem>> -> memref<1x1x!tpu.dma_semaphore, #tpu.memory_space<semaphore_mem>>
    %dma_start3A_878 = tpu.memref_squeeze %dma_start3A_877 : memref<1x1x!tpu.dma_semaphore, #tpu.memory_space<semaphore_mem>> -> memref<!tpu.dma_semaphore, #tpu.memory_space<semaphore_mem>>
    %dma_start3A_879 = tpu.memref_slice %arg3[%multiple_of3A_865] : memref<3200000xf32, #tpu.memory_space<hbm>> -> memref<6400xf32, #tpu.memory_space<hbm>>
    tpu.enqueue_dma source(%dma_start3A_879 : memref<6400xf32, #tpu.memory_space<hbm>>) target(%arg13 : memref<6400xf32, #tpu.memory_space<vmem>>) target_semaphore(%dma_start3A_878 : memref<!tpu.dma_semaphore, #tpu.memory_space<semaphore_mem>>)
    %dma_wait3A_880 = arith.constant 3 : i32
    %dma_wait3A_881 = arith.constant 0 : i32
    %dma_wait3A_882 = arith.constant 0 : i32
    %dma_wait3A_883 = tpu.memref_slice %arg17[%dma_wait3A_882] : memref<102400xf32, #tpu.memory_space<vmem_shared>> -> memref<102400xf32, #tpu.memory_space<vmem_shared>>
    %dma_wait3A_884 = tpu.memref_slice %arg19[%dma_wait3A_880, %dma_wait3A_881] : memref<5x2x!tpu.dma_semaphore, #tpu.memory_space<semaphore_mem>> -> memref<1x1x!tpu.dma_semaphore, #tpu.memory_space<semaphore_mem>>
    %dma_wait3A_885 = tpu.memref_squeeze %dma_wait3A_884 : memref<1x1x!tpu.dma_semaphore, #tpu.memory_space<semaphore_mem>> -> memref<!tpu.dma_semaphore, #tpu.memory_space<semaphore_mem>>
    tpu.wait_indirect_dma semaphore(%dma_wait3A_885 : memref<!tpu.dma_semaphore, #tpu.memory_space<semaphore_mem>>) src(%dma_wait3A_883 : memref<102400xf32, #tpu.memory_space<vmem_shared>>) dst(%arg14 : memref<6400xf32, #tpu.memory_space<vmem>>)
    %add3A_886 = arith.constant 384 : i32
    %add3A_887 = arith.addi %add3A, %add3A_886 : i32
    %mul3A_888 = arith.constant 6400 : i32
    %mul3A_889 = arith.muli %add3A_887, %mul3A_888 : i32
    %multiple_of3A_890 = tpu.assume_multiple %mul3A_889, 128 : i32
    %parallel_loop3A_891 = arith.constant 0 : i32
    %parallel_loop3A_892 = arith.constant 6400 : i32
    %parallel_loop3A_893 = arith.constant 16 : i32
    scf.for %parallel_loop3A_1098 = %parallel_loop3A_891 to %parallel_loop3A_892 step %parallel_loop3A_893  : i32 {
      %parallel_loop3A_1099 = arith.index_cast %parallel_loop3A_1098 : i32 to index
      %parallel_loop3A_1100 = tpu.vector_load %arg14[%parallel_loop3A_1099] {strides = array<i32>} : memref<6400xf32, #tpu.memory_space<vmem>>, vector<16xf32>,
      %parallel_loop3A_1101 = vector.shape_cast %parallel_loop3A_1100 : vector<16xf32> to vector<16xf32>
      %parallel_loop3A_1102 = arith.index_cast %parallel_loop3A_1098 : i32 to index
      %parallel_loop3A_1103 = tpu.vector_load %arg12[%parallel_loop3A_1102] {strides = array<i32>} : memref<6400xf32, #tpu.memory_space<vmem>>, vector<16xf32>,
      %parallel_loop3A_1104 = vector.shape_cast %parallel_loop3A_1103 : vector<16xf32> to vector<16xf32>
      %parallel_loop3A_1105 = arith.mulf %parallel_loop3A_1101, %parallel_loop3A_1104 : vector<16xf32>
      %parallel_loop3A_1106 = arith.index_cast %parallel_loop3A_1098 : i32 to index
      %parallel_loop3A_1107 = tpu.vector_load %arg14[%parallel_loop3A_1106] {strides = array<i32>} : memref<6400xf32, #tpu.memory_space<vmem>>, vector<16xf32>,
      %parallel_loop3A_1108 = vector.shape_cast %parallel_loop3A_1107 : vector<16xf32> to vector<16xf32>
      %parallel_loop3A_1109 = vector.shape_cast %parallel_loop3A_1105 : vector<16xf32> to vector<16xf32>
      tpu.vector_store %arg14[%parallel_loop3A_1106], %parallel_loop3A_1109 {strides = array<i32>} : memref<6400xf32, #tpu.memory_space<vmem>>, vector<16xf32>,
    } {sc.loop_unroll_factor = 8 : i64, sc.parallel_access}
    %dma_start3A_894 = arith.constant 4 : i32
    %dma_start3A_895 = arith.constant 0 : i32
    %dma_start3A_896 = arith.constant 0 : i32
    %dma_start3A_897 = tpu.memref_slice %arg18[%dma_start3A_896] : memref<102400xf32, #tpu.memory_space<vmem_shared>> -> memref<102400xf32, #tpu.memory_space<vmem_shared>>
    %dma_start3A_898 = tpu.memref_slice %arg19[%dma_start3A_894, %dma_start3A_895] : memref<5x2x!tpu.dma_semaphore, #tpu.memory_space<semaphore_mem>> -> memref<1x1x!tpu.dma_semaphore, #tpu.memory_space<semaphore_mem>>
    %dma_start3A_899 = tpu.memref_squeeze %dma_start3A_898 : memref<1x1x!tpu.dma_semaphore, #tpu.memory_space<semaphore_mem>> -> memref<!tpu.dma_semaphore, #tpu.memory_space<semaphore_mem>>
    tpu.enqueue_indirect_dma source(%arg14 : memref<6400xf32, #tpu.memory_space<vmem>>) target(%dma_start3A_897 : memref<102400xf32, #tpu.memory_space<vmem_shared>>) offsets(%arg10 : memref<6400xi32, #tpu.memory_space<vmem>>) semaphore(%dma_start3A_899 : memref<!tpu.dma_semaphore, #tpu.memory_space<semaphore_mem>>) {add = true}
    %dma_wait3A_900 = arith.constant 0 : i32
    %dma_wait3A_901 = arith.constant 1 : i32
    %dma_wait3A_902 = arith.constant 0 : i32
    %dma_wait3A_903 = tpu.memref_slice %arg2[%dma_wait3A_902, %multiple_of3A_865] : memref<2x3200000xi32, #tpu.memory_space<hbm>> -> memref<2x6400xi32, #tpu.memory_space<hbm>>
    %dma_wait3A_904 = tpu.memref_slice %arg19[%dma_wait3A_900, %dma_wait3A_901] : memref<5x2x!tpu.dma_semaphore, #tpu.memory_space<semaphore_mem>> -> memref<1x1x!tpu.dma_semaphore, #tpu.memory_space<semaphore_mem>>
    %dma_wait3A_905 = tpu.memref_squeeze %dma_wait3A_904 : memref<1x1x!tpu.dma_semaphore, #tpu.memory_space<semaphore_mem>> -> memref<!tpu.dma_semaphore, #tpu.memory_space<semaphore_mem>>
    %dma_wait3A_906 = arith.constant 0 : i32
    %dma_wait3A_907 = tpu.memref_slice %arg2[%dma_wait3A_906, %multiple_of3A_865] : memref<2x3200000xi32, #tpu.memory_space<hbm>> -> memref<2x6400xi32, #tpu.memory_space<hbm>>
    tpu.wait_dma2 semaphore(%dma_wait3A_905 : memref<!tpu.dma_semaphore, #tpu.memory_space<semaphore_mem>>) src(%dma_wait3A_907 : memref<2x6400xi32, #tpu.memory_space<hbm>>) dst(%arg7 : memref<2x6400xi32, #tpu.memory_space<vmem>>)
    %dma_wait3A_908 = arith.constant 2 : i32
    %dma_wait3A_909 = arith.constant 1 : i32
    %dma_wait3A_910 = tpu.memref_slice %arg3[%multiple_of3A_865] : memref<3200000xf32, #tpu.memory_space<hbm>> -> memref<6400xf32, #tpu.memory_space<hbm>>
    %dma_wait3A_911 = tpu.memref_slice %arg19[%dma_wait3A_908, %dma_wait3A_909] : memref<5x2x!tpu.dma_semaphore, #tpu.memory_space<semaphore_mem>> -> memref<1x1x!tpu.dma_semaphore, #tpu.memory_space<semaphore_mem>>
    %dma_wait3A_912 = tpu.memref_squeeze %dma_wait3A_911 : memref<1x1x!tpu.dma_semaphore, #tpu.memory_space<semaphore_mem>> -> memref<!tpu.dma_semaphore, #tpu.memory_space<semaphore_mem>>
    %dma_wait3A_913 = tpu.memref_slice %arg3[%multiple_of3A_865] : memref<3200000xf32, #tpu.memory_space<hbm>> -> memref<6400xf32, #tpu.memory_space<hbm>>
    tpu.wait_dma2 semaphore(%dma_wait3A_912 : memref<!tpu.dma_semaphore, #tpu.memory_space<semaphore_mem>>) src(%dma_wait3A_913 : memref<6400xf32, #tpu.memory_space<hbm>>) dst(%arg13 : memref<6400xf32, #tpu.memory_space<vmem>>)
    %parallel_loop3A_914 = arith.constant 0 : i32
    %parallel_loop3A_915 = arith.constant 6400 : i32
    %parallel_loop3A_916 = arith.constant 16 : i32
    scf.for %parallel_loop3A_1098 = %parallel_loop3A_914 to %parallel_loop3A_915 step %parallel_loop3A_916  : i32 {
      %parallel_loop3A_1099 = arith.constant 0 : i32
      %parallel_loop3A_1100 = arith.index_cast %parallel_loop3A_1099 : i32 to index
      %parallel_loop3A_1101 = arith.index_cast %parallel_loop3A_1098 : i32 to index
      %parallel_loop3A_1102 = tpu.vector_load %arg7[%parallel_loop3A_1100, %parallel_loop3A_1101] {strides = array<i32>} : memref<2x6400xi32, #tpu.memory_space<vmem>>, vector<1x16xi32>,
      %parallel_loop3A_1103 = vector.shape_cast %parallel_loop3A_1102 : vector<1x16xi32> to vector<16xi32>
      %parallel_loop3A_1104 = arith.index_cast %parallel_loop3A_1098 : i32 to index
      %parallel_loop3A_1105 = tpu.vector_load %arg9[%parallel_loop3A_1104] {strides = array<i32>} : memref<6400xi32, #tpu.memory_space<vmem>>, vector<16xi32>,
      %parallel_loop3A_1106 = vector.shape_cast %parallel_loop3A_1105 : vector<16xi32> to vector<16xi32>
      %parallel_loop3A_1107 = vector.shape_cast %parallel_loop3A_1103 : vector<16xi32> to vector<16xi32>
      tpu.vector_store %arg9[%parallel_loop3A_1104], %parallel_loop3A_1107 {strides = array<i32>} : memref<6400xi32, #tpu.memory_space<vmem>>, vector<16xi32>,
      %parallel_loop3A_1108 = arith.constant 1 : i32
      %parallel_loop3A_1109 = arith.index_cast %parallel_loop3A_1108 : i32 to index
      %parallel_loop3A_1110 = arith.index_cast %parallel_loop3A_1098 : i32 to index
      %parallel_loop3A_1111 = tpu.vector_load %arg7[%parallel_loop3A_1109, %parallel_loop3A_1110] {strides = array<i32>} : memref<2x6400xi32, #tpu.memory_space<vmem>>, vector<1x16xi32>,
      %parallel_loop3A_1112 = vector.shape_cast %parallel_loop3A_1111 : vector<1x16xi32> to vector<16xi32>
      %parallel_loop3A_1113 = arith.index_cast %parallel_loop3A_1098 : i32 to index
      %parallel_loop3A_1114 = tpu.vector_load %arg11[%parallel_loop3A_1113] {strides = array<i32>} : memref<6400xi32, #tpu.memory_space<vmem>>, vector<16xi32>,
      %parallel_loop3A_1115 = vector.shape_cast %parallel_loop3A_1114 : vector<16xi32> to vector<16xi32>
      %parallel_loop3A_1116 = vector.shape_cast %parallel_loop3A_1112 : vector<16xi32> to vector<16xi32>
      tpu.vector_store %arg11[%parallel_loop3A_1113], %parallel_loop3A_1116 {strides = array<i32>} : memref<6400xi32, #tpu.memory_space<vmem>>, vector<16xi32>,
    } {sc.loop_unroll_factor = 8 : i64, sc.parallel_access}
    %dma_start3A_917 = arith.constant 3 : i32
    %dma_start3A_918 = arith.constant 1 : i32
    %dma_start3A_919 = arith.constant 0 : i32
    %dma_start3A_920 = tpu.memref_slice %arg17[%dma_start3A_919] : memref<102400xf32, #tpu.memory_space<vmem_shared>> -> memref<102400xf32, #tpu.memory_space<vmem_shared>>
    %dma_start3A_921 = tpu.memref_slice %arg19[%dma_start3A_917, %dma_start3A_918] : memref<5x2x!tpu.dma_semaphore, #tpu.memory_space<semaphore_mem>> -> memref<1x1x!tpu.dma_semaphore, #tpu.memory_space<semaphore_mem>>
    %dma_start3A_922 = tpu.memref_squeeze %dma_start3A_921 : memref<1x1x!tpu.dma_semaphore, #tpu.memory_space<semaphore_mem>> -> memref<!tpu.dma_semaphore, #tpu.memory_space<semaphore_mem>>
    tpu.enqueue_indirect_dma source(%dma_start3A_920 : memref<102400xf32, #tpu.memory_space<vmem_shared>>) target(%arg15 : memref<6400xf32, #tpu.memory_space<vmem>>) offsets(%arg9 : memref<6400xi32, #tpu.memory_space<vmem>>) semaphore(%dma_start3A_922 : memref<!tpu.dma_semaphore, #tpu.memory_space<semaphore_mem>>)
    %dma_wait3A_923 = arith.constant 4 : i32
    %dma_wait3A_924 = arith.constant 0 : i32
    %dma_wait3A_925 = arith.constant 0 : i32
    %dma_wait3A_926 = tpu.memref_slice %arg18[%dma_wait3A_925] : memref<102400xf32, #tpu.memory_space<vmem_shared>> -> memref<102400xf32, #tpu.memory_space<vmem_shared>>
    %dma_wait3A_927 = tpu.memref_slice %arg19[%dma_wait3A_923, %dma_wait3A_924] : memref<5x2x!tpu.dma_semaphore, #tpu.memory_space<semaphore_mem>> -> memref<1x1x!tpu.dma_semaphore, #tpu.memory_space<semaphore_mem>>
    %dma_wait3A_928 = tpu.memref_squeeze %dma_wait3A_927 : memref<1x1x!tpu.dma_semaphore, #tpu.memory_space<semaphore_mem>> -> memref<!tpu.dma_semaphore, #tpu.memory_space<semaphore_mem>>
    tpu.wait_indirect_dma semaphore(%dma_wait3A_928 : memref<!tpu.dma_semaphore, #tpu.memory_space<semaphore_mem>>) src(%arg14 : memref<6400xf32, #tpu.memory_space<vmem>>) dst(%dma_wait3A_926 : memref<102400xf32, #tpu.memory_space<vmem_shared>>)
    %add3A_929 = arith.constant 448 : i32
    %add3A_930 = arith.addi %add3A, %add3A_929 : i32
    %mul3A_931 = arith.constant 6400 : i32
    %mul3A_932 = arith.muli %add3A_930, %mul3A_931 : i32
    %multiple_of3A_933 = tpu.assume_multiple %mul3A_932, 128 : i32
    %dma_start3A_934 = arith.constant 0 : i32
    %dma_start3A_935 = arith.constant 0 : i32
    %dma_start3A_936 = arith.constant 0 : i32
    %dma_start3A_937 = tpu.memref_slice %arg2[%dma_start3A_936, %multiple_of3A_933] : memref<2x3200000xi32, #tpu.memory_space<hbm>> -> memref<2x6400xi32, #tpu.memory_space<hbm>>
    %dma_start3A_938 = tpu.memref_slice %arg19[%dma_start3A_934, %dma_start3A_935] : memref<5x2x!tpu.dma_semaphore, #tpu.memory_space<semaphore_mem>> -> memref<1x1x!tpu.dma_semaphore, #tpu.memory_space<semaphore_mem>>
    %dma_start3A_939 = tpu.memref_squeeze %dma_start3A_938 : memref<1x1x!tpu.dma_semaphore, #tpu.memory_space<semaphore_mem>> -> memref<!tpu.dma_semaphore, #tpu.memory_space<semaphore_mem>>
    %dma_start3A_940 = arith.constant 0 : i32
    %dma_start3A_941 = tpu.memref_slice %arg2[%dma_start3A_940, %multiple_of3A_933] : memref<2x3200000xi32, #tpu.memory_space<hbm>> -> memref<2x6400xi32, #tpu.memory_space<hbm>>
    tpu.enqueue_dma source(%dma_start3A_941 : memref<2x6400xi32, #tpu.memory_space<hbm>>) target(%arg6 : memref<2x6400xi32, #tpu.memory_space<vmem>>) target_semaphore(%dma_start3A_939 : memref<!tpu.dma_semaphore, #tpu.memory_space<semaphore_mem>>)
    %dma_start3A_942 = arith.constant 2 : i32
    %dma_start3A_943 = arith.constant 0 : i32
    %dma_start3A_944 = tpu.memref_slice %arg3[%multiple_of3A_933] : memref<3200000xf32, #tpu.memory_space<hbm>> -> memref<6400xf32, #tpu.memory_space<hbm>>
    %dma_start3A_945 = tpu.memref_slice %arg19[%dma_start3A_942, %dma_start3A_943] : memref<5x2x!tpu.dma_semaphore, #tpu.memory_space<semaphore_mem>> -> memref<1x1x!tpu.dma_semaphore, #tpu.memory_space<semaphore_mem>>
    %dma_start3A_946 = tpu.memref_squeeze %dma_start3A_945 : memref<1x1x!tpu.dma_semaphore, #tpu.memory_space<semaphore_mem>> -> memref<!tpu.dma_semaphore, #tpu.memory_space<semaphore_mem>>
    %dma_start3A_947 = tpu.memref_slice %arg3[%multiple_of3A_933] : memref<3200000xf32, #tpu.memory_space<hbm>> -> memref<6400xf32, #tpu.memory_space<hbm>>
    tpu.enqueue_dma source(%dma_start3A_947 : memref<6400xf32, #tpu.memory_space<hbm>>) target(%arg12 : memref<6400xf32, #tpu.memory_space<vmem>>) target_semaphore(%dma_start3A_946 : memref<!tpu.dma_semaphore, #tpu.memory_space<semaphore_mem>>)
    %dma_wait3A_948 = arith.constant 3 : i32
    %dma_wait3A_949 = arith.constant 1 : i32
    %dma_wait3A_950 = arith.constant 0 : i32
    %dma_wait3A_951 = tpu.memref_slice %arg17[%dma_wait3A_950] : memref<102400xf32, #tpu.memory_space<vmem_shared>> -> memref<102400xf32, #tpu.memory_space<vmem_shared>>
    %dma_wait3A_952 = tpu.memref_slice %arg19[%dma_wait3A_948, %dma_wait3A_949] : memref<5x2x!tpu.dma_semaphore, #tpu.memory_space<semaphore_mem>> -> memref<1x1x!tpu.dma_semaphore, #tpu.memory_space<semaphore_mem>>
    %dma_wait3A_953 = tpu.memref_squeeze %dma_wait3A_952 : memref<1x1x!tpu.dma_semaphore, #tpu.memory_space<semaphore_mem>> -> memref<!tpu.dma_semaphore, #tpu.memory_space<semaphore_mem>>
    tpu.wait_indirect_dma semaphore(%dma_wait3A_953 : memref<!tpu.dma_semaphore, #tpu.memory_space<semaphore_mem>>) src(%dma_wait3A_951 : memref<102400xf32, #tpu.memory_space<vmem_shared>>) dst(%arg15 : memref<6400xf32, #tpu.memory_space<vmem>>)
    %add3A_954 = arith.constant 416 : i32
    %add3A_955 = arith.addi %add3A, %add3A_954 : i32
    %mul3A_956 = arith.constant 6400 : i32
    %mul3A_957 = arith.muli %add3A_955, %mul3A_956 : i32
    %multiple_of3A_958 = tpu.assume_multiple %mul3A_957, 128 : i32
    %parallel_loop3A_959 = arith.constant 0 : i32
    %parallel_loop3A_960 = arith.constant 6400 : i32
    %parallel_loop3A_961 = arith.constant 16 : i32
    scf.for %parallel_loop3A_1098 = %parallel_loop3A_959 to %parallel_loop3A_960 step %parallel_loop3A_961  : i32 {
      %parallel_loop3A_1099 = arith.index_cast %parallel_loop3A_1098 : i32 to index
      %parallel_loop3A_1100 = tpu.vector_load %arg15[%parallel_loop3A_1099] {strides = array<i32>} : memref<6400xf32, #tpu.memory_space<vmem>>, vector<16xf32>,
      %parallel_loop3A_1101 = vector.shape_cast %parallel_loop3A_1100 : vector<16xf32> to vector<16xf32>
      %parallel_loop3A_1102 = arith.index_cast %parallel_loop3A_1098 : i32 to index
      %parallel_loop3A_1103 = tpu.vector_load %arg13[%parallel_loop3A_1102] {strides = array<i32>} : memref<6400xf32, #tpu.memory_space<vmem>>, vector<16xf32>,
      %parallel_loop3A_1104 = vector.shape_cast %parallel_loop3A_1103 : vector<16xf32> to vector<16xf32>
      %parallel_loop3A_1105 = arith.mulf %parallel_loop3A_1101, %parallel_loop3A_1104 : vector<16xf32>
      %parallel_loop3A_1106 = arith.index_cast %parallel_loop3A_1098 : i32 to index
      %parallel_loop3A_1107 = tpu.vector_load %arg15[%parallel_loop3A_1106] {strides = array<i32>} : memref<6400xf32, #tpu.memory_space<vmem>>, vector<16xf32>,
      %parallel_loop3A_1108 = vector.shape_cast %parallel_loop3A_1107 : vector<16xf32> to vector<16xf32>
      %parallel_loop3A_1109 = vector.shape_cast %parallel_loop3A_1105 : vector<16xf32> to vector<16xf32>
      tpu.vector_store %arg15[%parallel_loop3A_1106], %parallel_loop3A_1109 {strides = array<i32>} : memref<6400xf32, #tpu.memory_space<vmem>>, vector<16xf32>,
    } {sc.loop_unroll_factor = 8 : i64, sc.parallel_access}
    %dma_start3A_962 = arith.constant 4 : i32
    %dma_start3A_963 = arith.constant 1 : i32
    %dma_start3A_964 = arith.constant 0 : i32
    %dma_start3A_965 = tpu.memref_slice %arg18[%dma_start3A_964] : memref<102400xf32, #tpu.memory_space<vmem_shared>> -> memref<102400xf32, #tpu.memory_space<vmem_shared>>
    %dma_start3A_966 = tpu.memref_slice %arg19[%dma_start3A_962, %dma_start3A_963] : memref<5x2x!tpu.dma_semaphore, #tpu.memory_space<semaphore_mem>> -> memref<1x1x!tpu.dma_semaphore, #tpu.memory_space<semaphore_mem>>
    %dma_start3A_967 = tpu.memref_squeeze %dma_start3A_966 : memref<1x1x!tpu.dma_semaphore, #tpu.memory_space<semaphore_mem>> -> memref<!tpu.dma_semaphore, #tpu.memory_space<semaphore_mem>>
    tpu.enqueue_indirect_dma source(%arg15 : memref<6400xf32, #tpu.memory_space<vmem>>) target(%dma_start3A_965 : memref<102400xf32, #tpu.memory_space<vmem_shared>>) offsets(%arg11 : memref<6400xi32, #tpu.memory_space<vmem>>) semaphore(%dma_start3A_967 : memref<!tpu.dma_semaphore, #tpu.memory_space<semaphore_mem>>) {add = true}
    %dma_wait3A_968 = arith.constant 0 : i32
    %dma_wait3A_969 = arith.constant 0 : i32
    %dma_wait3A_970 = arith.constant 0 : i32
    %dma_wait3A_971 = tpu.memref_slice %arg2[%dma_wait3A_970, %multiple_of3A_933] : memref<2x3200000xi32, #tpu.memory_space<hbm>> -> memref<2x6400xi32, #tpu.memory_space<hbm>>
    %dma_wait3A_972 = tpu.memref_slice %arg19[%dma_wait3A_968, %dma_wait3A_969] : memref<5x2x!tpu.dma_semaphore, #tpu.memory_space<semaphore_mem>> -> memref<1x1x!tpu.dma_semaphore, #tpu.memory_space<semaphore_mem>>
    %dma_wait3A_973 = tpu.memref_squeeze %dma_wait3A_972 : memref<1x1x!tpu.dma_semaphore, #tpu.memory_space<semaphore_mem>> -> memref<!tpu.dma_semaphore, #tpu.memory_space<semaphore_mem>>
    %dma_wait3A_974 = arith.constant 0 : i32
    %dma_wait3A_975 = tpu.memref_slice %arg2[%dma_wait3A_974, %multiple_of3A_933] : memref<2x3200000xi32, #tpu.memory_space<hbm>> -> memref<2x6400xi32, #tpu.memory_space<hbm>>
    tpu.wait_dma2 semaphore(%dma_wait3A_973 : memref<!tpu.dma_semaphore, #tpu.memory_space<semaphore_mem>>) src(%dma_wait3A_975 : memref<2x6400xi32, #tpu.memory_space<hbm>>) dst(%arg6 : memref<2x6400xi32, #tpu.memory_space<vmem>>)
    %dma_wait3A_976 = arith.constant 2 : i32
    %dma_wait3A_977 = arith.constant 0 : i32
    %dma_wait3A_978 = tpu.memref_slice %arg3[%multiple_of3A_933] : memref<3200000xf32, #tpu.memory_space<hbm>> -> memref<6400xf32, #tpu.memory_space<hbm>>
    %dma_wait3A_979 = tpu.memref_slice %arg19[%dma_wait3A_976, %dma_wait3A_977] : memref<5x2x!tpu.dma_semaphore, #tpu.memory_space<semaphore_mem>> -> memref<1x1x!tpu.dma_semaphore, #tpu.memory_space<semaphore_mem>>
    %dma_wait3A_980 = tpu.memref_squeeze %dma_wait3A_979 : memref<1x1x!tpu.dma_semaphore, #tpu.memory_space<semaphore_mem>> -> memref<!tpu.dma_semaphore, #tpu.memory_space<semaphore_mem>>
    %dma_wait3A_981 = tpu.memref_slice %arg3[%multiple_of3A_933] : memref<3200000xf32, #tpu.memory_space<hbm>> -> memref<6400xf32, #tpu.memory_space<hbm>>
    tpu.wait_dma2 semaphore(%dma_wait3A_980 : memref<!tpu.dma_semaphore, #tpu.memory_space<semaphore_mem>>) src(%dma_wait3A_981 : memref<6400xf32, #tpu.memory_space<hbm>>) dst(%arg12 : memref<6400xf32, #tpu.memory_space<vmem>>)
    %parallel_loop3A_982 = arith.constant 0 : i32
    %parallel_loop3A_983 = arith.constant 6400 : i32
    %parallel_loop3A_984 = arith.constant 16 : i32
    scf.for %parallel_loop3A_1098 = %parallel_loop3A_982 to %parallel_loop3A_983 step %parallel_loop3A_984  : i32 {
      %parallel_loop3A_1099 = arith.constant 0 : i32
      %parallel_loop3A_1100 = arith.index_cast %parallel_loop3A_1099 : i32 to index
      %parallel_loop3A_1101 = arith.index_cast %parallel_loop3A_1098 : i32 to index
      %parallel_loop3A_1102 = tpu.vector_load %arg6[%parallel_loop3A_1100, %parallel_loop3A_1101] {strides = array<i32>} : memref<2x6400xi32, #tpu.memory_space<vmem>>, vector<1x16xi32>,
      %parallel_loop3A_1103 = vector.shape_cast %parallel_loop3A_1102 : vector<1x16xi32> to vector<16xi32>
      %parallel_loop3A_1104 = arith.index_cast %parallel_loop3A_1098 : i32 to index
      %parallel_loop3A_1105 = tpu.vector_load %arg8[%parallel_loop3A_1104] {strides = array<i32>} : memref<6400xi32, #tpu.memory_space<vmem>>, vector<16xi32>,
      %parallel_loop3A_1106 = vector.shape_cast %parallel_loop3A_1105 : vector<16xi32> to vector<16xi32>
      %parallel_loop3A_1107 = vector.shape_cast %parallel_loop3A_1103 : vector<16xi32> to vector<16xi32>
      tpu.vector_store %arg8[%parallel_loop3A_1104], %parallel_loop3A_1107 {strides = array<i32>} : memref<6400xi32, #tpu.memory_space<vmem>>, vector<16xi32>,
      %parallel_loop3A_1108 = arith.constant 1 : i32
      %parallel_loop3A_1109 = arith.index_cast %parallel_loop3A_1108 : i32 to index
      %parallel_loop3A_1110 = arith.index_cast %parallel_loop3A_1098 : i32 to index
      %parallel_loop3A_1111 = tpu.vector_load %arg6[%parallel_loop3A_1109, %parallel_loop3A_1110] {strides = array<i32>} : memref<2x6400xi32, #tpu.memory_space<vmem>>, vector<1x16xi32>,
      %parallel_loop3A_1112 = vector.shape_cast %parallel_loop3A_1111 : vector<1x16xi32> to vector<16xi32>
      %parallel_loop3A_1113 = arith.index_cast %parallel_loop3A_1098 : i32 to index
      %parallel_loop3A_1114 = tpu.vector_load %arg10[%parallel_loop3A_1113] {strides = array<i32>} : memref<6400xi32, #tpu.memory_space<vmem>>, vector<16xi32>,
      %parallel_loop3A_1115 = vector.shape_cast %parallel_loop3A_1114 : vector<16xi32> to vector<16xi32>
      %parallel_loop3A_1116 = vector.shape_cast %parallel_loop3A_1112 : vector<16xi32> to vector<16xi32>
      tpu.vector_store %arg10[%parallel_loop3A_1113], %parallel_loop3A_1116 {strides = array<i32>} : memref<6400xi32, #tpu.memory_space<vmem>>, vector<16xi32>,
    } {sc.loop_unroll_factor = 8 : i64, sc.parallel_access}
    %dma_start3A_985 = arith.constant 3 : i32
    %dma_start3A_986 = arith.constant 0 : i32
    %dma_start3A_987 = arith.constant 0 : i32
    %dma_start3A_988 = tpu.memref_slice %arg17[%dma_start3A_987] : memref<102400xf32, #tpu.memory_space<vmem_shared>> -> memref<102400xf32, #tpu.memory_space<vmem_shared>>
    %dma_start3A_989 = tpu.memref_slice %arg19[%dma_start3A_985, %dma_start3A_986] : memref<5x2x!tpu.dma_semaphore, #tpu.memory_space<semaphore_mem>> -> memref<1x1x!tpu.dma_semaphore, #tpu.memory_space<semaphore_mem>>
    %dma_start3A_990 = tpu.memref_squeeze %dma_start3A_989 : memref<1x1x!tpu.dma_semaphore, #tpu.memory_space<semaphore_mem>> -> memref<!tpu.dma_semaphore, #tpu.memory_space<semaphore_mem>>
    tpu.enqueue_indirect_dma source(%dma_start3A_988 : memref<102400xf32, #tpu.memory_space<vmem_shared>>) target(%arg14 : memref<6400xf32, #tpu.memory_space<vmem>>) offsets(%arg8 : memref<6400xi32, #tpu.memory_space<vmem>>) semaphore(%dma_start3A_990 : memref<!tpu.dma_semaphore, #tpu.memory_space<semaphore_mem>>)
    %dma_wait3A_991 = arith.constant 4 : i32
    %dma_wait3A_992 = arith.constant 1 : i32
    %dma_wait3A_993 = arith.constant 0 : i32
    %dma_wait3A_994 = tpu.memref_slice %arg18[%dma_wait3A_993] : memref<102400xf32, #tpu.memory_space<vmem_shared>> -> memref<102400xf32, #tpu.memory_space<vmem_shared>>
    %dma_wait3A_995 = tpu.memref_slice %arg19[%dma_wait3A_991, %dma_wait3A_992] : memref<5x2x!tpu.dma_semaphore, #tpu.memory_space<semaphore_mem>> -> memref<1x1x!tpu.dma_semaphore, #tpu.memory_space<semaphore_mem>>
    %dma_wait3A_996 = tpu.memref_squeeze %dma_wait3A_995 : memref<1x1x!tpu.dma_semaphore, #tpu.memory_space<semaphore_mem>> -> memref<!tpu.dma_semaphore, #tpu.memory_space<semaphore_mem>>
    tpu.wait_indirect_dma semaphore(%dma_wait3A_996 : memref<!tpu.dma_semaphore, #tpu.memory_space<semaphore_mem>>) src(%arg15 : memref<6400xf32, #tpu.memory_space<vmem>>) dst(%dma_wait3A_994 : memref<102400xf32, #tpu.memory_space<vmem_shared>>)
    %add3A_997 = arith.constant 480 : i32
    %add3A_998 = arith.addi %add3A, %add3A_997 : i32
    %lt3A = arith.constant 500 : i32
    %lt3A_999 = arith.cmpi slt, %add3A_998, %lt3A : i32
    %select_n3A = arith.select %lt3A_999, %add3A_998, %add3A : i32
    %mul3A_1000 = arith.constant 6400 : i32
    %mul3A_1001 = arith.muli %select_n3A, %mul3A_1000 : i32
    %multiple_of3A_1002 = tpu.assume_multiple %mul3A_1001, 128 : i32
    %dma_start3A_1003 = arith.constant 0 : i32
    %dma_start3A_1004 = arith.constant 1 : i32
    %dma_start3A_1005 = arith.constant 0 : i32
    %dma_start3A_1006 = tpu.memref_slice %arg2[%dma_start3A_1005, %multiple_of3A_1002] : memref<2x3200000xi32, #tpu.memory_space<hbm>> -> memref<2x6400xi32, #tpu.memory_space<hbm>>
    %dma_start3A_1007 = tpu.memref_slice %arg19[%dma_start3A_1003, %dma_start3A_1004] : memref<5x2x!tpu.dma_semaphore, #tpu.memory_space<semaphore_mem>> -> memref<1x1x!tpu.dma_semaphore, #tpu.memory_space<semaphore_mem>>
    %dma_start3A_1008 = tpu.memref_squeeze %dma_start3A_1007 : memref<1x1x!tpu.dma_semaphore, #tpu.memory_space<semaphore_mem>> -> memref<!tpu.dma_semaphore, #tpu.memory_space<semaphore_mem>>
    %dma_start3A_1009 = arith.constant 0 : i32
    %dma_start3A_1010 = tpu.memref_slice %arg2[%dma_start3A_1009, %multiple_of3A_1002] : memref<2x3200000xi32, #tpu.memory_space<hbm>> -> memref<2x6400xi32, #tpu.memory_space<hbm>>
    tpu.enqueue_dma source(%dma_start3A_1010 : memref<2x6400xi32, #tpu.memory_space<hbm>>) target(%arg7 : memref<2x6400xi32, #tpu.memory_space<vmem>>) target_semaphore(%dma_start3A_1008 : memref<!tpu.dma_semaphore, #tpu.memory_space<semaphore_mem>>)
    %dma_start3A_1011 = arith.constant 2 : i32
    %dma_start3A_1012 = arith.constant 1 : i32
    %dma_start3A_1013 = tpu.memref_slice %arg3[%multiple_of3A_1002] : memref<3200000xf32, #tpu.memory_space<hbm>> -> memref<6400xf32, #tpu.memory_space<hbm>>
    %dma_start3A_1014 = tpu.memref_slice %arg19[%dma_start3A_1011, %dma_start3A_1012] : memref<5x2x!tpu.dma_semaphore, #tpu.memory_space<semaphore_mem>> -> memref<1x1x!tpu.dma_semaphore, #tpu.memory_space<semaphore_mem>>
    %dma_start3A_1015 = tpu.memref_squeeze %dma_start3A_1014 : memref<1x1x!tpu.dma_semaphore, #tpu.memory_space<semaphore_mem>> -> memref<!tpu.dma_semaphore, #tpu.memory_space<semaphore_mem>>
    %dma_start3A_1016 = tpu.memref_slice %arg3[%multiple_of3A_1002] : memref<3200000xf32, #tpu.memory_space<hbm>> -> memref<6400xf32, #tpu.memory_space<hbm>>
    tpu.enqueue_dma source(%dma_start3A_1016 : memref<6400xf32, #tpu.memory_space<hbm>>) target(%arg13 : memref<6400xf32, #tpu.memory_space<vmem>>) target_semaphore(%dma_start3A_1015 : memref<!tpu.dma_semaphore, #tpu.memory_space<semaphore_mem>>)
    %dma_wait3A_1017 = arith.constant 3 : i32
    %dma_wait3A_1018 = arith.constant 0 : i32
    %dma_wait3A_1019 = arith.constant 0 : i32
    %dma_wait3A_1020 = tpu.memref_slice %arg17[%dma_wait3A_1019] : memref<102400xf32, #tpu.memory_space<vmem_shared>> -> memref<102400xf32, #tpu.memory_space<vmem_shared>>
    %dma_wait3A_1021 = tpu.memref_slice %arg19[%dma_wait3A_1017, %dma_wait3A_1018] : memref<5x2x!tpu.dma_semaphore, #tpu.memory_space<semaphore_mem>> -> memref<1x1x!tpu.dma_semaphore, #tpu.memory_space<semaphore_mem>>
    %dma_wait3A_1022 = tpu.memref_squeeze %dma_wait3A_1021 : memref<1x1x!tpu.dma_semaphore, #tpu.memory_space<semaphore_mem>> -> memref<!tpu.dma_semaphore, #tpu.memory_space<semaphore_mem>>
    tpu.wait_indirect_dma semaphore(%dma_wait3A_1022 : memref<!tpu.dma_semaphore, #tpu.memory_space<semaphore_mem>>) src(%dma_wait3A_1020 : memref<102400xf32, #tpu.memory_space<vmem_shared>>) dst(%arg14 : memref<6400xf32, #tpu.memory_space<vmem>>)
    %add3A_1023 = arith.constant 448 : i32
    %add3A_1024 = arith.addi %add3A, %add3A_1023 : i32
    %mul3A_1025 = arith.constant 6400 : i32
    %mul3A_1026 = arith.muli %add3A_1024, %mul3A_1025 : i32
    %multiple_of3A_1027 = tpu.assume_multiple %mul3A_1026, 128 : i32
    %parallel_loop3A_1028 = arith.constant 0 : i32
    %parallel_loop3A_1029 = arith.constant 6400 : i32
    %parallel_loop3A_1030 = arith.constant 16 : i32
    scf.for %parallel_loop3A_1098 = %parallel_loop3A_1028 to %parallel_loop3A_1029 step %parallel_loop3A_1030  : i32 {
      %parallel_loop3A_1099 = arith.index_cast %parallel_loop3A_1098 : i32 to index
      %parallel_loop3A_1100 = tpu.vector_load %arg14[%parallel_loop3A_1099] {strides = array<i32>} : memref<6400xf32, #tpu.memory_space<vmem>>, vector<16xf32>,
      %parallel_loop3A_1101 = vector.shape_cast %parallel_loop3A_1100 : vector<16xf32> to vector<16xf32>
      %parallel_loop3A_1102 = arith.index_cast %parallel_loop3A_1098 : i32 to index
      %parallel_loop3A_1103 = tpu.vector_load %arg12[%parallel_loop3A_1102] {strides = array<i32>} : memref<6400xf32, #tpu.memory_space<vmem>>, vector<16xf32>,
      %parallel_loop3A_1104 = vector.shape_cast %parallel_loop3A_1103 : vector<16xf32> to vector<16xf32>
      %parallel_loop3A_1105 = arith.mulf %parallel_loop3A_1101, %parallel_loop3A_1104 : vector<16xf32>
      %parallel_loop3A_1106 = arith.index_cast %parallel_loop3A_1098 : i32 to index
      %parallel_loop3A_1107 = tpu.vector_load %arg14[%parallel_loop3A_1106] {strides = array<i32>} : memref<6400xf32, #tpu.memory_space<vmem>>, vector<16xf32>,
      %parallel_loop3A_1108 = vector.shape_cast %parallel_loop3A_1107 : vector<16xf32> to vector<16xf32>
      %parallel_loop3A_1109 = vector.shape_cast %parallel_loop3A_1105 : vector<16xf32> to vector<16xf32>
      tpu.vector_store %arg14[%parallel_loop3A_1106], %parallel_loop3A_1109 {strides = array<i32>} : memref<6400xf32, #tpu.memory_space<vmem>>, vector<16xf32>,
    } {sc.loop_unroll_factor = 8 : i64, sc.parallel_access}
    %dma_start3A_1031 = arith.constant 4 : i32
    %dma_start3A_1032 = arith.constant 0 : i32
    %dma_start3A_1033 = arith.constant 0 : i32
    %dma_start3A_1034 = tpu.memref_slice %arg18[%dma_start3A_1033] : memref<102400xf32, #tpu.memory_space<vmem_shared>> -> memref<102400xf32, #tpu.memory_space<vmem_shared>>
    %dma_start3A_1035 = tpu.memref_slice %arg19[%dma_start3A_1031, %dma_start3A_1032] : memref<5x2x!tpu.dma_semaphore, #tpu.memory_space<semaphore_mem>> -> memref<1x1x!tpu.dma_semaphore, #tpu.memory_space<semaphore_mem>>
    %dma_start3A_1036 = tpu.memref_squeeze %dma_start3A_1035 : memref<1x1x!tpu.dma_semaphore, #tpu.memory_space<semaphore_mem>> -> memref<!tpu.dma_semaphore, #tpu.memory_space<semaphore_mem>>
    tpu.enqueue_indirect_dma source(%arg14 : memref<6400xf32, #tpu.memory_space<vmem>>) target(%dma_start3A_1034 : memref<102400xf32, #tpu.memory_space<vmem_shared>>) offsets(%arg10 : memref<6400xi32, #tpu.memory_space<vmem>>) semaphore(%dma_start3A_1036 : memref<!tpu.dma_semaphore, #tpu.memory_space<semaphore_mem>>) {add = true}
    %dma_wait3A_1037 = arith.constant 0 : i32
    %dma_wait3A_1038 = arith.constant 1 : i32
    %dma_wait3A_1039 = arith.constant 0 : i32
    %dma_wait3A_1040 = tpu.memref_slice %arg2[%dma_wait3A_1039, %multiple_of3A_1002] : memref<2x3200000xi32, #tpu.memory_space<hbm>> -> memref<2x6400xi32, #tpu.memory_space<hbm>>
    %dma_wait3A_1041 = tpu.memref_slice %arg19[%dma_wait3A_1037, %dma_wait3A_1038] : memref<5x2x!tpu.dma_semaphore, #tpu.memory_space<semaphore_mem>> -> memref<1x1x!tpu.dma_semaphore, #tpu.memory_space<semaphore_mem>>
    %dma_wait3A_1042 = tpu.memref_squeeze %dma_wait3A_1041 : memref<1x1x!tpu.dma_semaphore, #tpu.memory_space<semaphore_mem>> -> memref<!tpu.dma_semaphore, #tpu.memory_space<semaphore_mem>>
    %dma_wait3A_1043 = arith.constant 0 : i32
    %dma_wait3A_1044 = tpu.memref_slice %arg2[%dma_wait3A_1043, %multiple_of3A_1002] : memref<2x3200000xi32, #tpu.memory_space<hbm>> -> memref<2x6400xi32, #tpu.memory_space<hbm>>
    tpu.wait_dma2 semaphore(%dma_wait3A_1042 : memref<!tpu.dma_semaphore, #tpu.memory_space<semaphore_mem>>) src(%dma_wait3A_1044 : memref<2x6400xi32, #tpu.memory_space<hbm>>) dst(%arg7 : memref<2x6400xi32, #tpu.memory_space<vmem>>)
    %dma_wait3A_1045 = arith.constant 2 : i32
    %dma_wait3A_1046 = arith.constant 1 : i32
    %dma_wait3A_1047 = tpu.memref_slice %arg3[%multiple_of3A_1002] : memref<3200000xf32, #tpu.memory_space<hbm>> -> memref<6400xf32, #tpu.memory_space<hbm>>
    %dma_wait3A_1048 = tpu.memref_slice %arg19[%dma_wait3A_1045, %dma_wait3A_1046] : memref<5x2x!tpu.dma_semaphore, #tpu.memory_space<semaphore_mem>> -> memref<1x1x!tpu.dma_semaphore, #tpu.memory_space<semaphore_mem>>
    %dma_wait3A_1049 = tpu.memref_squeeze %dma_wait3A_1048 : memref<1x1x!tpu.dma_semaphore, #tpu.memory_space<semaphore_mem>> -> memref<!tpu.dma_semaphore, #tpu.memory_space<semaphore_mem>>
    %dma_wait3A_1050 = tpu.memref_slice %arg3[%multiple_of3A_1002] : memref<3200000xf32, #tpu.memory_space<hbm>> -> memref<6400xf32, #tpu.memory_space<hbm>>
    tpu.wait_dma2 semaphore(%dma_wait3A_1049 : memref<!tpu.dma_semaphore, #tpu.memory_space<semaphore_mem>>) src(%dma_wait3A_1050 : memref<6400xf32, #tpu.memory_space<hbm>>) dst(%arg13 : memref<6400xf32, #tpu.memory_space<vmem>>)
    %parallel_loop3A_1051 = arith.constant 0 : i32
    %parallel_loop3A_1052 = arith.constant 6400 : i32
    %parallel_loop3A_1053 = arith.constant 16 : i32
    scf.for %parallel_loop3A_1098 = %parallel_loop3A_1051 to %parallel_loop3A_1052 step %parallel_loop3A_1053  : i32 {
      %parallel_loop3A_1099 = arith.constant 0 : i32
      %parallel_loop3A_1100 = arith.index_cast %parallel_loop3A_1099 : i32 to index
      %parallel_loop3A_1101 = arith.index_cast %parallel_loop3A_1098 : i32 to index
      %parallel_loop3A_1102 = tpu.vector_load %arg7[%parallel_loop3A_1100, %parallel_loop3A_1101] {strides = array<i32>} : memref<2x6400xi32, #tpu.memory_space<vmem>>, vector<1x16xi32>,
      %parallel_loop3A_1103 = vector.shape_cast %parallel_loop3A_1102 : vector<1x16xi32> to vector<16xi32>
      %parallel_loop3A_1104 = arith.index_cast %parallel_loop3A_1098 : i32 to index
      %parallel_loop3A_1105 = tpu.vector_load %arg9[%parallel_loop3A_1104] {strides = array<i32>} : memref<6400xi32, #tpu.memory_space<vmem>>, vector<16xi32>,
      %parallel_loop3A_1106 = vector.shape_cast %parallel_loop3A_1105 : vector<16xi32> to vector<16xi32>
      %parallel_loop3A_1107 = vector.shape_cast %parallel_loop3A_1103 : vector<16xi32> to vector<16xi32>
      tpu.vector_store %arg9[%parallel_loop3A_1104], %parallel_loop3A_1107 {strides = array<i32>} : memref<6400xi32, #tpu.memory_space<vmem>>, vector<16xi32>,
      %parallel_loop3A_1108 = arith.constant 1 : i32
      %parallel_loop3A_1109 = arith.index_cast %parallel_loop3A_1108 : i32 to index
      %parallel_loop3A_1110 = arith.index_cast %parallel_loop3A_1098 : i32 to index
      %parallel_loop3A_1111 = tpu.vector_load %arg7[%parallel_loop3A_1109, %parallel_loop3A_1110] {strides = array<i32>} : memref<2x6400xi32, #tpu.memory_space<vmem>>, vector<1x16xi32>,
      %parallel_loop3A_1112 = vector.shape_cast %parallel_loop3A_1111 : vector<1x16xi32> to vector<16xi32>
      %parallel_loop3A_1113 = arith.index_cast %parallel_loop3A_1098 : i32 to index
      %parallel_loop3A_1114 = tpu.vector_load %arg11[%parallel_loop3A_1113] {strides = array<i32>} : memref<6400xi32, #tpu.memory_space<vmem>>, vector<16xi32>,
      %parallel_loop3A_1115 = vector.shape_cast %parallel_loop3A_1114 : vector<16xi32> to vector<16xi32>
      %parallel_loop3A_1116 = vector.shape_cast %parallel_loop3A_1112 : vector<16xi32> to vector<16xi32>
      tpu.vector_store %arg11[%parallel_loop3A_1113], %parallel_loop3A_1116 {strides = array<i32>} : memref<6400xi32, #tpu.memory_space<vmem>>, vector<16xi32>,
    } {sc.loop_unroll_factor = 8 : i64, sc.parallel_access}
    %dma_start3A_1054 = arith.constant 3 : i32
    %dma_start3A_1055 = arith.constant 1 : i32
    %dma_start3A_1056 = arith.constant 0 : i32
    %dma_start3A_1057 = tpu.memref_slice %arg17[%dma_start3A_1056] : memref<102400xf32, #tpu.memory_space<vmem_shared>> -> memref<102400xf32, #tpu.memory_space<vmem_shared>>
    %dma_start3A_1058 = tpu.memref_slice %arg19[%dma_start3A_1054, %dma_start3A_1055] : memref<5x2x!tpu.dma_semaphore, #tpu.memory_space<semaphore_mem>> -> memref<1x1x!tpu.dma_semaphore, #tpu.memory_space<semaphore_mem>>
    %dma_start3A_1059 = tpu.memref_squeeze %dma_start3A_1058 : memref<1x1x!tpu.dma_semaphore, #tpu.memory_space<semaphore_mem>> -> memref<!tpu.dma_semaphore, #tpu.memory_space<semaphore_mem>>
    tpu.enqueue_indirect_dma source(%dma_start3A_1057 : memref<102400xf32, #tpu.memory_space<vmem_shared>>) target(%arg15 : memref<6400xf32, #tpu.memory_space<vmem>>) offsets(%arg9 : memref<6400xi32, #tpu.memory_space<vmem>>) semaphore(%dma_start3A_1059 : memref<!tpu.dma_semaphore, #tpu.memory_space<semaphore_mem>>)
    %dma_wait3A_1060 = arith.constant 4 : i32
    %dma_wait3A_1061 = arith.constant 0 : i32
    %dma_wait3A_1062 = arith.constant 0 : i32
    %dma_wait3A_1063 = tpu.memref_slice %arg18[%dma_wait3A_1062] : memref<102400xf32, #tpu.memory_space<vmem_shared>> -> memref<102400xf32, #tpu.memory_space<vmem_shared>>
    %dma_wait3A_1064 = tpu.memref_slice %arg19[%dma_wait3A_1060, %dma_wait3A_1061] : memref<5x2x!tpu.dma_semaphore, #tpu.memory_space<semaphore_mem>> -> memref<1x1x!tpu.dma_semaphore, #tpu.memory_space<semaphore_mem>>
    %dma_wait3A_1065 = tpu.memref_squeeze %dma_wait3A_1064 : memref<1x1x!tpu.dma_semaphore, #tpu.memory_space<semaphore_mem>> -> memref<!tpu.dma_semaphore, #tpu.memory_space<semaphore_mem>>
    tpu.wait_indirect_dma semaphore(%dma_wait3A_1065 : memref<!tpu.dma_semaphore, #tpu.memory_space<semaphore_mem>>) src(%arg14 : memref<6400xf32, #tpu.memory_space<vmem>>) dst(%dma_wait3A_1063 : memref<102400xf32, #tpu.memory_space<vmem_shared>>)
    %dma_wait3A_1066 = arith.constant 3 : i32
    %dma_wait3A_1067 = arith.constant 1 : i32
    %dma_wait3A_1068 = arith.constant 0 : i32
    %dma_wait3A_1069 = tpu.memref_slice %arg17[%dma_wait3A_1068] : memref<102400xf32, #tpu.memory_space<vmem_shared>> -> memref<102400xf32, #tpu.memory_space<vmem_shared>>
    %dma_wait3A_1070 = tpu.memref_slice %arg19[%dma_wait3A_1066, %dma_wait3A_1067] : memref<5x2x!tpu.dma_semaphore, #tpu.memory_space<semaphore_mem>> -> memref<1x1x!tpu.dma_semaphore, #tpu.memory_space<semaphore_mem>>
    %dma_wait3A_1071 = tpu.memref_squeeze %dma_wait3A_1070 : memref<1x1x!tpu.dma_semaphore, #tpu.memory_space<semaphore_mem>> -> memref<!tpu.dma_semaphore, #tpu.memory_space<semaphore_mem>>
    tpu.wait_indirect_dma semaphore(%dma_wait3A_1071 : memref<!tpu.dma_semaphore, #tpu.memory_space<semaphore_mem>>) src(%dma_wait3A_1069 : memref<102400xf32, #tpu.memory_space<vmem_shared>>) dst(%arg15 : memref<6400xf32, #tpu.memory_space<vmem>>)
    %add3A_1072 = arith.constant 480 : i32
    %add3A_1073 = arith.addi %add3A, %add3A_1072 : i32
    %lt3A_1074 = arith.constant 500 : i32
    %lt3A_1075 = arith.cmpi slt, %add3A_1073, %lt3A_1074 : i32
    %select_n3A_1076 = arith.select %lt3A_1075, %add3A_1073, %add3A : i32
    %mul3A_1077 = arith.constant 6400 : i32
    %mul3A_1078 = arith.muli %select_n3A_1076, %mul3A_1077 : i32
    %multiple_of3A_1079 = tpu.assume_multiple %mul3A_1078, 128 : i32
    %jit3A = arith.constant 1.000000e+00 : f32
    %jit3A_1080 = arith.constant 0.000000e+00 : f32
    %select_n3A_1081 = arith.select %lt3A_1075, %jit3A, %jit3A_1080 : f32
    %parallel_loop3A_1082 = arith.constant 0 : i32
    %parallel_loop3A_1083 = arith.constant 6400 : i32
    %parallel_loop3A_1084 = arith.constant 16 : i32
    scf.for %parallel_loop3A_1098 = %parallel_loop3A_1082 to %parallel_loop3A_1083 step %parallel_loop3A_1084  : i32 {
      %parallel_loop3A_1099 = arith.index_cast %parallel_loop3A_1098 : i32 to index
      %parallel_loop3A_1100 = tpu.vector_load %arg15[%parallel_loop3A_1099] {strides = array<i32>} : memref<6400xf32, #tpu.memory_space<vmem>>, vector<16xf32>,
      %parallel_loop3A_1101 = vector.shape_cast %parallel_loop3A_1100 : vector<16xf32> to vector<16xf32>
      %parallel_loop3A_1102 = arith.index_cast %parallel_loop3A_1098 : i32 to index
      %parallel_loop3A_1103 = tpu.vector_load %arg13[%parallel_loop3A_1102] {strides = array<i32>} : memref<6400xf32, #tpu.memory_space<vmem>>, vector<16xf32>,
      %parallel_loop3A_1104 = vector.shape_cast %parallel_loop3A_1103 : vector<16xf32> to vector<16xf32>
      %parallel_loop3A_1105 = arith.mulf %parallel_loop3A_1101, %parallel_loop3A_1104 : vector<16xf32>
      %parallel_loop3A_1106 = vector.broadcast %select_n3A_1081 : f32 to vector<16xf32>
      %parallel_loop3A_1107 = arith.mulf %parallel_loop3A_1105, %parallel_loop3A_1106 : vector<16xf32>
      %parallel_loop3A_1108 = arith.index_cast %parallel_loop3A_1098 : i32 to index
      %parallel_loop3A_1109 = tpu.vector_load %arg15[%parallel_loop3A_1108] {strides = array<i32>} : memref<6400xf32, #tpu.memory_space<vmem>>, vector<16xf32>,
      %parallel_loop3A_1110 = vector.shape_cast %parallel_loop3A_1109 : vector<16xf32> to vector<16xf32>
      %parallel_loop3A_1111 = vector.shape_cast %parallel_loop3A_1107 : vector<16xf32> to vector<16xf32>
      tpu.vector_store %arg15[%parallel_loop3A_1108], %parallel_loop3A_1111 {strides = array<i32>} : memref<6400xf32, #tpu.memory_space<vmem>>, vector<16xf32>,
    } {sc.loop_unroll_factor = 8 : i64, sc.parallel_access}
    %dma_start3A_1085 = arith.constant 4 : i32
    %dma_start3A_1086 = arith.constant 1 : i32
    %dma_start3A_1087 = arith.constant 0 : i32
    %dma_start3A_1088 = tpu.memref_slice %arg18[%dma_start3A_1087] : memref<102400xf32, #tpu.memory_space<vmem_shared>> -> memref<102400xf32, #tpu.memory_space<vmem_shared>>
    %dma_start3A_1089 = tpu.memref_slice %arg19[%dma_start3A_1085, %dma_start3A_1086] : memref<5x2x!tpu.dma_semaphore, #tpu.memory_space<semaphore_mem>> -> memref<1x1x!tpu.dma_semaphore, #tpu.memory_space<semaphore_mem>>
    %dma_start3A_1090 = tpu.memref_squeeze %dma_start3A_1089 : memref<1x1x!tpu.dma_semaphore, #tpu.memory_space<semaphore_mem>> -> memref<!tpu.dma_semaphore, #tpu.memory_space<semaphore_mem>>
    tpu.enqueue_indirect_dma source(%arg15 : memref<6400xf32, #tpu.memory_space<vmem>>) target(%dma_start3A_1088 : memref<102400xf32, #tpu.memory_space<vmem_shared>>) offsets(%arg11 : memref<6400xi32, #tpu.memory_space<vmem>>) semaphore(%dma_start3A_1090 : memref<!tpu.dma_semaphore, #tpu.memory_space<semaphore_mem>>) {add = true}
    %dma_wait3A_1091 = arith.constant 4 : i32
    %dma_wait3A_1092 = arith.constant 1 : i32
    %dma_wait3A_1093 = arith.constant 0 : i32
    %dma_wait3A_1094 = tpu.memref_slice %arg18[%dma_wait3A_1093] : memref<102400xf32, #tpu.memory_space<vmem_shared>> -> memref<102400xf32, #tpu.memory_space<vmem_shared>>
    %dma_wait3A_1095 = tpu.memref_slice %arg19[%dma_wait3A_1091, %dma_wait3A_1092] : memref<5x2x!tpu.dma_semaphore, #tpu.memory_space<semaphore_mem>> -> memref<1x1x!tpu.dma_semaphore, #tpu.memory_space<semaphore_mem>>
    %dma_wait3A_1096 = tpu.memref_squeeze %dma_wait3A_1095 : memref<1x1x!tpu.dma_semaphore, #tpu.memory_space<semaphore_mem>> -> memref<!tpu.dma_semaphore, #tpu.memory_space<semaphore_mem>>
    tpu.wait_indirect_dma semaphore(%dma_wait3A_1096 : memref<!tpu.dma_semaphore, #tpu.memory_space<semaphore_mem>>) src(%arg15 : memref<6400xf32, #tpu.memory_space<vmem>>) dst(%dma_wait3A_1094 : memref<102400xf32, #tpu.memory_space<vmem_shared>>)
    %barrier3A_1097 = arith.constant 0 : index
    tpu.barrier barrier_id(%barrier3A_1097)
    "tpu.region"() ({
      %run_scoped3A = tpu.sem_alloc : memref<!tpu.dma_semaphore, #tpu.memory_space<semaphore_mem>>
      %dma_start3A_1098 = tpu.memref_slice %arg18[%multiple_of3A_39] : memref<102400xf32, #tpu.memory_space<vmem_shared>> -> memref<6400xf32, #tpu.memory_space<vmem_shared>>
      %dma_start3A_1099 = tpu.memref_slice %arg18[%multiple_of3A_39] : memref<102400xf32, #tpu.memory_space<vmem_shared>> -> memref<6400xf32, #tpu.memory_space<vmem_shared>>
      tpu.enqueue_dma source(%dma_start3A_1099 : memref<6400xf32, #tpu.memory_space<vmem_shared>>) target(%arg16 : memref<6400xf32, #tpu.memory_space<vmem>>) target_semaphore(%run_scoped3A : memref<!tpu.dma_semaphore, #tpu.memory_space<semaphore_mem>>)
      %dma_wait3A_1100 = tpu.memref_slice %arg18[%multiple_of3A_39] : memref<102400xf32, #tpu.memory_space<vmem_shared>> -> memref<6400xf32, #tpu.memory_space<vmem_shared>>
      %dma_wait3A_1101 = tpu.memref_slice %arg18[%multiple_of3A_39] : memref<102400xf32, #tpu.memory_space<vmem_shared>> -> memref<6400xf32, #tpu.memory_space<vmem_shared>>
      tpu.wait_dma2 semaphore(%run_scoped3A : memref<!tpu.dma_semaphore, #tpu.memory_space<semaphore_mem>>) src(%dma_wait3A_1101 : memref<6400xf32, #tpu.memory_space<vmem_shared>>) dst(%arg16 : memref<6400xf32, #tpu.memory_space<vmem>>)
      tpu.yield
    }) : () -> ()
    "tpu.region"() ({
      %run_scoped3A = tpu.sem_alloc : memref<!tpu.dma_semaphore, #tpu.memory_space<semaphore_mem>>
      %dma_start3A_1098 = tpu.memref_slice %arg5[%arg0, %multiple_of3A_39] : memref<2x102400xf32, #tpu.memory_space<hbm>> -> memref<1x6400xf32, #tpu.memory_space<hbm>>
      %dma_start3A_1099 = tpu.memref_squeeze %dma_start3A_1098 : memref<1x6400xf32, #tpu.memory_space<hbm>> -> memref<6400xf32, #tpu.memory_space<hbm>>
      %dma_start3A_1100 = tpu.memref_slice %arg5[%arg0, %multiple_of3A_39] : memref<2x102400xf32, #tpu.memory_space<hbm>> -> memref<1x6400xf32, #tpu.memory_space<hbm>>
      %dma_start3A_1101 = tpu.memref_squeeze %dma_start3A_1100 : memref<1x6400xf32, #tpu.memory_space<hbm>> -> memref<6400xf32, #tpu.memory_space<hbm>>
      tpu.enqueue_dma source(%arg16 : memref<6400xf32, #tpu.memory_space<vmem>>) target(%dma_start3A_1101 : memref<6400xf32, #tpu.memory_space<hbm>>) target_semaphore(%run_scoped3A : memref<!tpu.dma_semaphore, #tpu.memory_space<semaphore_mem>>)
      %dma_wait3A_1102 = tpu.memref_slice %arg5[%arg0, %multiple_of3A_39] : memref<2x102400xf32, #tpu.memory_space<hbm>> -> memref<1x6400xf32, #tpu.memory_space<hbm>>
      %dma_wait3A_1103 = tpu.memref_squeeze %dma_wait3A_1102 : memref<1x6400xf32, #tpu.memory_space<hbm>> -> memref<6400xf32, #tpu.memory_space<hbm>>
      %dma_wait3A_1104 = tpu.memref_slice %arg5[%arg0, %multiple_of3A_39] : memref<2x102400xf32, #tpu.memory_space<hbm>> -> memref<1x6400xf32, #tpu.memory_space<hbm>>
      %dma_wait3A_1105 = tpu.memref_squeeze %dma_wait3A_1104 : memref<1x6400xf32, #tpu.memory_space<hbm>> -> memref<6400xf32, #tpu.memory_space<hbm>>
      tpu.wait_dma2 semaphore(%run_scoped3A : memref<!tpu.dma_semaphore, #tpu.memory_space<semaphore_mem>>) src(%arg16 : memref<6400xf32, #tpu.memory_space<vmem>>) dst(%dma_wait3A_1105 : memref<6400xf32, #tpu.memory_space<hbm>>)
      tpu.yield
    }) : () -> ()
    return
  }
}

module attributes {stable_mosaic.version = 14 : i64} {
  func.func @_loss_body(%arg0: memref<2x800x128xf32, #tpu.memory_space<vmem>>, %arg1: memref<800x128xf32, #tpu.memory_space<vmem>>, %arg2: memref<1x1xf32, #tpu.memory_space<vmem>>) attributes {dimension_semantics = [], scalar_prefetch = 0 : i64, scratch_operands = 0 : i64, tpu.core_type = #tpu.core_type<tc>} {
    %get3A = arith.constant 0 : index
    %get3A_0 = arith.constant 0 : index
    %get3A_1 = arith.constant 0 : index
    %get3A_2 = vector.load %arg0[%get3A, %get3A_0, %get3A_1] : memref<2x800x128xf32, #tpu.memory_space<vmem>>, vector<1x800x128xf32>
    %get3A_3 = vector.shape_cast %get3A_2 : vector<1x800x128xf32> to vector<800x128xf32>
    %get3A_4 = arith.constant 1 : index
    %get3A_5 = arith.constant 0 : index
    %get3A_6 = arith.constant 0 : index
    %get3A_7 = vector.load %arg0[%get3A_4, %get3A_5, %get3A_6] : memref<2x800x128xf32, #tpu.memory_space<vmem>>, vector<1x800x128xf32>
    %get3A_8 = vector.shape_cast %get3A_7 : vector<1x800x128xf32> to vector<800x128xf32>
    %add3A = arith.addf %get3A_3, %get3A_8 : vector<800x128xf32>
    %get3A_9 = arith.constant 0 : index
    %get3A_10 = arith.constant 0 : index
    %get3A_11 = vector.load %arg1[%get3A_9, %get3A_10] : memref<800x128xf32, #tpu.memory_space<vmem>>, vector<800x128xf32>
    %sub3A = arith.subf %get3A_11, %add3A : vector<800x128xf32>
    %mul3A = arith.mulf %sub3A, %sub3A : vector<800x128xf32>
    %reduce_sum3A = vector.shape_cast %mul3A : vector<800x128xf32> to vector<1x800x128xf32>
    %reduce_sum3A_12 = arith.constant dense<0.000000e+00> : vector<1xf32>
    %reduce_sum3A_13 = vector.multi_reduction <add>, %reduce_sum3A, %reduce_sum3A_12 [1, 2] : vector<1x800x128xf32> to vector<1xf32>
    %reduce_sum3A_14 = vector.shape_cast %reduce_sum3A_13 : vector<1xf32> to vector<1x1x1xf32>
    %reduce_sum3A_15 = vector.extract %reduce_sum3A_14[0, 0, 0] : f32 from vector<1x1x1xf32>
    %mul3A_16 = arith.mulf %add3A, %add3A : vector<800x128xf32>
    %reduce_sum3A_17 = vector.shape_cast %mul3A_16 : vector<800x128xf32> to vector<1x800x128xf32>
    %reduce_sum3A_18 = arith.constant dense<0.000000e+00> : vector<1xf32>
    %reduce_sum3A_19 = vector.multi_reduction <add>, %reduce_sum3A_17, %reduce_sum3A_18 [1, 2] : vector<1x800x128xf32> to vector<1xf32>
    %reduce_sum3A_20 = vector.shape_cast %reduce_sum3A_19 : vector<1xf32> to vector<1x1x1xf32>
    %reduce_sum3A_21 = vector.extract %reduce_sum3A_20[0, 0, 0] : f32 from vector<1x1x1xf32>
    %add3A_22 = arith.constant 9.99999997E-7 : f32
    %add3A_23 = arith.addf %reduce_sum3A_21, %add3A_22 : f32
    %div3A = arith.divf %reduce_sum3A_15, %add3A_23 : f32
    %broadcast_in_dim3A = vector.broadcast %div3A : f32 to vector<1x1xf32>
    %swap3A = arith.constant 0 : index
    %swap3A_24 = arith.constant 0 : index
    %swap3A_25 = vector.load %arg2[%swap3A, %swap3A_24] : memref<1x1xf32, #tpu.memory_space<vmem>>, vector<1x1xf32>
    tpu.vector_store %arg2[%swap3A, %swap3A_24], %broadcast_in_dim3A {strides = array<i32>} : memref<1x1xf32, #tpu.memory_space<vmem>>, vector<1x1xf32>,
    return
  }
}

</mosaic_0001>

<sc_bundles>
// kernel: kernel.4.cloned.1.call-start
scs
__scs_entry_jumppad:
0x0: {  	(pc) =	sbr.rel $0x88, $3  }
0x1: {  	(tag) =	ssettag $0x0;
	lr =	simm.s32 $0x1  }
0x2: {  	[smem:$0x3F9D] =	sst lr;
	_ =	strace $0xD0000000  }
0x3: {  	_ = 	snop  }
0x4: {  	_ = 	snop  }
0x5: {  	_ = 	snop  }
0x6: {  	_ = 	snop  }
0x7: {  	_ = 	snop  }
__scs_overlays_trampoline_lowered:
0x8: {  	[smem:$0x3FAC] =	sst s0  }
0x9: {  	[smem:$0x3FAD] =	sst s1  }
0xa: {  	[smem:$0x3FAE] =	sst s2  }
0xb: {  	[smem:$0x3FAF] =	sst s3  }
0xc: {  	[smem:$0x3FB0] =	sst s4  }
0xd: {  	[smem:$0x3FB1] =	sst s5  }
0xe: {  	[smem:$0x3FB2] =	sst s6  }
0xf: {  	[smem:$0x3FB3] =	sst s7  }
0x10: {  	[smem:$0x3FB4] =	sst s8  }
0x11: {  	[smem:$0x3FB5] =	sst s9;
	s0 =	simm.s32 @!p0 $0x0  }
0x12: {  	s1 =	sld [smem:$0x3F9B];
	s0 =	simm.s32 @p0 $0x1  }
0x13: {  	[smem:$0x3FB6] =	sst s0;
	s0 =	simm.s32 @!p1 $0x0  }
0x14: {  	s2 =	sld [smem:$0x3F9A];
	s0 =	simm.s32 @p1 $0x1  }
0x15: {  	[smem:$0x3FB7] =	sst s0;
	s0 =	simm.s32 @!p2 $0x0  }
0x16: {  	s3 =	sld [smem:$0x3FDB];
	s0 =	simm.s32 @p2 $0x1  }
0x17: {  	s4 =	simm.s32 $0x1BF5;
	[smem:$0x3FB9] =	sst s0  }
0x18: {  	s0 =	sld [smem:$0x3F9C];
	_ =	swait.ge [sflag:s4], $0x0  }
0x19: {  	s7 =	sld [smem:$0x3F9D]  }
0x1a: {  	s8 =	sadd.s32 $0xFFFFE003, lr  }
0x1b: {  	s9 =	sadd.s32 $0xFFFFFEF7, lr;
	s5 =	simm.s32 $0xFFFFFFFF;
	p2 =	slt.u32 s8, $0xFFFFF086  }
0x1c: {  	p1 =	slt.u32 s9, $0xF7A;
	s5 =	simm.s32 @!p2 $0x0  }
0x1d: {  	s5 =	simm.s32 @p1 $0x1;
	p0 =	seq.s32 s7, s2  }
0x1e: {  	s7 =	smul.u32 @!p0 $0xF7A, s2;
	p2 =	seq.s32 @!p0 s5, $0x0  }
0x1f: {  	s9 =	smul.u32 $0xF7A, s1;
	s8 =	simm.s32 @!p0 $0x1BF5;
	p2 =	por !p2, p0  }
0x20: {  	[sflag:s8] =	ssyncset.s32 @!p0 $0xFFFFF086;
	s6 =	sadd.s32 @!p0 s3, s7;
	s7 =	simm.s32 @!p0 $0x108  }
0x21: {  	s3 =	sadd.s32 s3, s9;
	s6 =	sadd.s32 @!p0 $0x88, s6;
	s7 =	simm.s32 @p2 $0x1082  }
0x22: {  	[simem:s7], [sflag:s8] =	dma.local @!p0 [hbm:s6], $0xF7A  }
0x23: {  	s9 =	sor.u32 $0xD0000000, s2;
	s6 =	simm.s32 $0x108;
	_ =	swait.ge @!p0 [sflag:s8], $0x0  }
0x24: {  	s3 =	sadd.s32 $0x88, s3;
	s6 =	simm.s32 @!p1 $0x1082;
	[sflag:s4] =	ssyncset.s32 $0xFFFFF086  }
0x25: {  	[simem:s6], [sflag:s4] =	dma.local [hbm:s3], $0xF7A  }
0x26: {  	[smem:$0x3F9D] =	sst s1;
	(tag) =	ssettag s2;
	_ =	strace s9  }
0x27: {  	s1 =	sld [smem:$0x3FAD]  }
0x28: {  	s2 =	sld [smem:$0x3FAE]  }
0x29: {  	s4 =	sld [smem:$0x3FB0]  }
0x2a: {  	p0 =	seq.s32 s5, $0x0;
	s5 =	sld [smem:$0x3FB1]  }
0x2b: {  	s6 =	sld [smem:$0x3FB2]  }
0x2c: {  	s7 =	sld [smem:$0x3FB3]  }
0x2d: {  	s3 =	simm.s32 $0x108;
	s8 =	sld [smem:$0x3FB4]  }
0x2e: {  	s3 =	simm.s32 @!p0 $0x1082;
	s9 =	sld [smem:$0x3FB5]  }
0x2f: {  	lr =	sadd.s32 s0, s3;
	s0 =	sld [smem:$0x3FAC]  }
0x30: {  	s3 =	sld [smem:$0x3FAF]  }
0x31: {  	[smem:$0x3FB8] =	sst s10  }
0x32: {  	s10 =	sld [smem:$0x3FB6];
	_ =	sdelay $0x3  }
0x33: {  	p0 =	seq.s32 s10, $0x1;
	s10 =	sld [smem:$0x3FB8];
	_ =	sdelay $0x3  }
0x34: {  	[smem:$0x3FB8] =	sst s10  }
0x35: {  	s10 =	sld [smem:$0x3FB7];
	_ =	sdelay $0x3  }
0x36: {  	p1 =	seq.s32 s10, $0x1;
	s10 =	sld [smem:$0x3FB8];
	_ =	sdelay $0x3  }
0x37: {  	[smem:$0x3FB8] =	sst s10  }
0x38: {  	s10 =	sld [smem:$0x3FB9]  }
0x39: {  	_ = 	snop;
	(pc) =	sbr.ind lr, $3  }
0x3a: {  	_ = 	snop  }
0x3b: {  	_ = 	snop  }
0x3c: {  	p2 =	seq.s32 s10, $0x1;
	s10 =	sld [smem:$0x3FB8]  }
0x3d: {  	_ =	shalt  }
0x3e: {  	_ =	shalt  }
0x3f: {  	_ =	shalt  }
0x40: {  	_ =	shalt  }
0x41: {  	_ =	shalt  }
0x42: {  	_ =	shalt  }
0x43: {  	_ =	shalt  }
0x44: {  	_ =	shalt  }
0x45: {  	_ =	shalt  }
0x46: {  	_ =	shalt  }
0x47: {  	_ =	shalt  }
0x48: {  	_ =	shalt  }
0x49: {  	_ =	shalt  }
0x4a: {  	_ =	shalt  }
0x4b: {  	_ =	shalt  }
0x4c: {  	_ =	shalt  }
0x4d: {  	_ =	shalt  }
0x4e: {  	_ =	shalt  }
0x4f: {  	_ =	shalt  }
0x50: {  	_ =	shalt  }
0x51: {  	_ =	shalt  }
0x52: {  	_ =	shalt  }
0x53: {  	_ =	shalt  }
0x54: {  	_ =	shalt  }
0x55: {  	_ =	shalt  }
0x56: {  	_ =	shalt  }
0x57: {  	_ =	shalt  }
0x58: {  	_ =	shalt  }
0x59: {  	_ =	shalt  }
0x5a: {  	_ =	shalt  }
0x5b: {  	_ =	shalt  }
0x5c: {  	_ =	shalt  }
0x5d: {  	_ =	shalt  }
0x5e: {  	_ =	shalt  }
0x5f: {  	_ =	shalt  }
0x60: {  	_ =	shalt  }
0x61: {  	_ =	shalt  }
0x62: {  	_ =	shalt  }
0x63: {  	_ =	shalt  }
0x64: {  	_ =	shalt  }
0x65: {  	_ =	shalt  }
0x66: {  	_ =	shalt  }
0x67: {  	_ =	shalt  }
0x68: {  	_ =	shalt  }
0x69: {  	_ =	shalt  }
0x6a: {  	_ =	shalt  }
0x6b: {  	_ =	shalt  }
0x6c: {  	_ =	shalt  }
0x6d: {  	_ =	shalt  }
0x6e: {  	_ =	shalt  }
0x6f: {  	_ =	shalt  }
0x70: {  	_ =	shalt  }
0x71: {  	_ =	shalt  }
0x72: {  	_ =	shalt  }
0x73: {  	_ =	shalt  }
0x74: {  	_ =	shalt  }
0x75: {  	_ =	shalt  }
0x76: {  	_ =	shalt  }
0x77: {  	_ =	shalt  }
0x78: {  	_ =	shalt  }
0x79: {  	_ =	shalt  }
0x7a: {  	_ =	shalt  }
0x7b: {  	_ =	shalt  }
0x7c: {  	_ =	shalt  }
0x7d: {  	_ =	shalt  }
0x7e: {  	_ =	shalt  }
0x7f: {  	_ =	shalt  }
0x80: {  	_ =	shalt  }
0x81: {  	_ =	shalt  }
0x82: {  	_ =	shalt  }
0x83: {  	_ =	shalt  }
0x84: {  	_ =	shalt  }
0x85: {  	_ =	shalt  }
0x86: {  	_ =	shalt  }
0x87: {  	_ =	shalt  }
.Lfunc_end0:
.L_simem_size_0:
called_computation_lowered:
.L_overlay_start_0:
0x88: {  	s2 =	sld [smem:$0x3FD9]  }
0x89: {  	s3 =	sld [smem:$0x3FFE];
	_ =	sdelay $0x1  }
0x8a: {  	s1 =	srdreg.scid  }
0x8b: {  	s0 =	sand.u32 $0x1, s1  }
0x8c: {  	s17 =	sshll.u32 s0, $0xA;
	s2 =	sadd.s32 s3, s2  }
0x8d: {  	s2 =	sadd.s32 s2, s17  }
0x8e: {  	[smem:$0x3FC4] =	sst s2  }
0x8f: {  	_ = 	snop  }
0x90: {  	s2 =	sld [smem:$0x3FC8]  }
0x91: {  	s18 =	sld [smem:$0x3FC7];
	(tm) =	ssettm $0x1  }
0x92: {  	s4 =	sld [smem:$0x3FFB];
	_ =	sdelay $0x3  }
0x93: {  	_ =	strace s4  }
0x94: {  	s4 =	sld [smem:$0x3FFC];
	_ =	sdelay $0x3  }
0x95: {  	_ =	strace s4  }
0x96: {  	s4 =	sld [smem:$0x3FFD];
	_ =	sdelay $0x3  }
0x97: {  	_ =	strace s4  }
0x98: {  	_ =	strace $0x8FFFFFFF  }
0x99: {  	s19 =	sld [smem:$0x3FDB];
	_ =	sdelay $0x1  }
0x9a: {  	s5 =	simm.s32 $_scs_section_size  }
0x9b: {  	s6 =	simm.s32 $_size__tile_overlayer_lowered;
	s7 =	simm.s32 $_tile_overlayer_lowered  }
0x9c: {  	s22 =	simm.s32 $0x1BFF;
	s21 =	sshll.u32 s7, $0x1;
	s4 =	sadd.s32 s5, s19  }
0x9d: {  	s8 =	simm.s32 $0x0;
	s20 =	sshll.u32 s6, $0x1;
	s6 =	sadd.s32 s21, s4  }
0x9e: {  	[timem:s8], [sflag:s22] =	dma.local [hbm:s6], s20  }
0x9f: {  	_ =	swait.ge [sflag:s22], s20  }
0xa0: {  	s5 =	ssub.s32 $0x0, s20;
	[sflag:s22] =	ssyncset.done $0x0  }
0xa1: {  	[sflag:s22] =	ssyncadd.s32 s5;
	_ =	sdelay $0x1  }
0xa2: {  	s23 =	simm.s32 $0x1B8B  }
0xa3: {  	_ =	swait.ge [sflag:s23], $0x1  }
0xa4: {  	[sflag:s23] =	ssyncset.done $0x0  }
0xa5: {  	s25 =	simm.s32 $0x1B8E;
	s24 =	sld [smem:$0x3FFE];
	[sflag:s23] =	ssyncadd.s32 $0xFFFFFFFF  }
0xa6: {  	s26 =	simm.s32 $execute0_lowered;
	[smem:$0x3FD2] =	sst s25  }
0xa7: {  	s6 =	sshll.u32 s26, $0x1;
	_ =	strace $0x80000046;
	[dreg:$0x1] =	wrdreg $0xFFFFFFFF  }
0xa8: {  	s28 =	simm.s32 $_size_execute0_lowered;
	s4 =	sadd.s32 s4, s6;
	[dreg:$0x0] =	wrdreg $0x0  }
0xa9: {  	s6 =	sshll.u32 s28, $0x1;
	[dreg:$0x2] =	wrdreg s4  }
0xaa: {  	[dreg:$0x3] =	wrdreg s6  }
0xab: {  	[dreg:$0x4] =	wrdreg $0xC0  }
0xac: {  	_ =	task [dreg:s8], $0x5FFFF  }
0xad: {  	[dreg:$0x1] =	wrdreg $0xFFFFFFFF  }
0xae: {  	[dreg:$0x0] =	wrdreg $0x60  }
0xaf: {  	[dreg:$0x2] =	wrdreg s2  }
0xb0: {  	[dreg:$0x3] =	wrdreg s18  }
0xb1: {  	[dreg:$0x4] =	wrdreg s24  }
0xb2: {  	[dreg:$0x5] =	wrdreg $0x145000  }
0xb3: {  	[dreg:$0x6] =	wrdreg $0x15E000  }
0xb4: {  	[dreg:$0x7] =	wrdreg $0x9  }
0xb5: {  	_ =	task.clear_ibuf [dreg:s8], $0x8FFFF;
	_ =	strace $0x90000046  }
0xb6: {  	s29 =	simm.s32 $0x9;
	_ =	strace $0x80000048  }
0xb7: {  	_ =	swait.ge [sflag:s29], $0x1  }
0xb8: {  	[sflag:s29] =	ssyncadd.s32 $0xFFFFFFFF  }
0xb9: {  	_ =	strace $0x90000048  }
0xba: {  	_ =	sfence  }
0xbb: {  	s30 =	sld [smem:$0x0];
	_ =	sdelay $0x2  }
0xbc: {  	s31 =	sshll.u32 s1, $0xD;
	s1 =	sshrl.u32 s1, $0x2  }
0xbd: {  	s3 =	sand.u32 $0x4000, s31;
	s1 =	sadd.s32 s1, s30  }
0xbe: {  	s0 =	sor.u32 s3, s0;
	s1 =	sshll.u32 s1, $0x11  }
0xbf: {  	s0 =	sor.u32 s1, s0  }
0xc0: {  	s0 =	sadd.s32 $0x8F2B, s0  }
0xc1: {  	[sflag:s0] =	ssyncadd.remote.s32 $0x1  }
0xc2: {  	_ =	sfence.sel $0xFFFF  }
0xc3: {  	[dreg:$0x0] =	wrdreg $0xFFFFFFFF;
	(pc) =	sbr.abs _section_cstart, $3  }
0xc4: {  	[dreg:$0x1] =	wrdreg $0xFFFFFFFF  }
0xc5: {  	_ =	task.clear_ibuf [dreg:s8], $0x2FFFF;
	_ =	strace $0x9FFFFFFF  }
0xc6: {  	(tm) =	ssettm $0x7FFFFFFF  }
0xc7: {  	_ =	shalt  }
tec
execute0_lowered:
.L_overlay_start_1:
0x0: {  	(tag) =	ssettag $0x1  }
0x1: {  	s0 =	srdreg.scid;
	s3 =	rddreg [dreg:$0x0]  }
0x2: {  	s9 =	stileid.u32;
	s5 =	rddreg [dreg:$0x2];
	s28 =	simm.s32 $0x9  }
0x3: {  	s29 =	simm.s32 $0x8;
	s0 =	sand.u32 $0x1, s0;
	s2 =	smul.u32 $0x3200, s9  }
0x4: {  	s30 =	simm.s32 $0xAF00;
	s1 =	sshll.u32 s0, $0x4;
	s4 =	sshll.u32 s0, $0x7  }
0x5: {  	s1 =	sor.u32 s9, s1;
	s2 =	sor.u32 s4, s2;
	s4 =	smul.u32 $0x1900, s9  }
0x6: {  	s31 =	simm.s32 $0xA;
	s7 =	ssub.s32 $0x2, s0;
	s6 =	smul.u32 $0x640, s1  }
0x7: {  	s13 =	sshrl.u32 s7, $0x1;
	s8 =	smul.u32 $0x1900, s1;
	s12 =	sshrl.u32 s2, $0x3  }
0x8: {  	s2 =	ssub.s32 s7, s13;
	s10 =	smul.u32 $0x320, s1;
	p0 =	slt.u32 s1, $0x14  }
0x9: {  	s0 =	sadd.s32 s12, s5;
	s9 =	sshrl.u32 s4, $0x3;
	s6 =	sadd.s32 s3, s6  }
0xa: {  	s7 =	sadd.s32 $0x32000, s8;
	s5 =	sadd.s32 s5, s9;
	[dreg:$0x6] =	wrdreg s6  }
0xb: {  	s9 =	sadd.s32 $0xC8000, s8;
	s14 =	sshrl.u32 s7, $0x2;
	[dreg:$0x8] =	wrdreg s5  }
0xc: {  	s5 =	sadd.s32 $0x64000, s8;
	s13 =	sshrl.u32 s9, $0x2;
	s6 =	sadd.s32 s3, s14  }
0xd: {  	s11 =	sshrl.u32 s5, $0x2;
	s16 =	sadd.s32 s3, s13;
	s13 =	sadd.s32 $0x15E000, s8  }
0xe: {  	[dreg:$0x7] =	wrdreg s6;
	s6 =	sadd.s32 $0x96000, s8;
	s11 =	sadd.s32 s3, s11  }
0xf: {  	[dreg:$0xb] =	wrdreg s16;
	s16 =	sshrl.u32 s13, $0x2;
	s12 =	sshrl.u32 s6, $0x2  }
0x10: {  	[dreg:$0x9] =	wrdreg s11;
	s11 =	sadd.s32 $0xFA000, s8;
	s18 =	sadd.s32 s3, s16  }
0x11: {  	s16 =	sadd.s32 $0x1C2000, s8;
	s15 =	sadd.s32 s3, s12;
	s12 =	sadd.s32 $0x12C000, s8  }
0x12: {  	s14 =	sshrl.u32 s11, $0x2;
	[dreg:$0xe] =	wrdreg s18;
	s20 =	sshrl.u32 s16, $0x2  }
0x13: {  	s18 =	sadd.s32 $0x1F4000, s8;
	[dreg:$0xa] =	wrdreg s15;
	s14 =	sadd.s32 s3, s14  }
0x14: {  	s15 =	sshrl.u32 s12, $0x2;
	s21 =	sshrl.u32 s18, $0x2;
	[dreg:$0xc] =	wrdreg s14  }
0x15: {  	s17 =	sadd.s32 s3, s15;
	s14 =	sadd.s32 $0x190000, s8;
	s15 =	sor.u32 $0x1E0, s1  }
0x16: {  	[dreg:$0xd] =	wrdreg s17;
	s19 =	sshrl.u32 s14, $0x2;
	s17 =	simm.s32 $0x0  }
0x17: {  	s1 =	smov.u32 @p0 s15;
	s15 =	sadd.s32 s3, s19;
	[smem:$0x7FF] =	sst s17  }
0x18: {  	s19 =	sadd.s32 $0x226000, s8;
	[dreg:$0xf] =	wrdreg s15;
	s15 =	sadd.s32 s3, s20  }
0x19: {  	s22 =	sshrl.u32 s19, $0x2;
	s20 =	sadd.s32 $0x258000, s8;
	[dreg:$0x10] =	wrdreg s15  }
0x1a: {  	s15 =	sadd.s32 s3, s21;
	s23 =	sshrl.u32 s20, $0x2;
	s21 =	sadd.s32 $0x28A000, s8  }
0x1b: {  	s8 =	sadd.s32 $0x2BC000, s8;
	[dreg:$0x11] =	wrdreg s15;
	s15 =	sadd.s32 s3, s22  }
0x1c: {  	s24 =	sshrl.u32 s21, $0x2;
	[dreg:$0x12] =	wrdreg s15;
	s15 =	sadd.s32 s3, s23  }
0x1d: {  	s25 =	sshrl.u32 s8, $0x2;
	[dreg:$0x13] =	wrdreg s15;
	s15 =	sadd.s32 s3, s24  }
0x1e: {  	s22 =	smul.u32 $0x640, s1;
	[dreg:$0x14] =	wrdreg s15;
	s15 =	sadd.s32 s3, s25  }
0x1f: {  	s5 =	sshrl.u32 s5, $0x3;
	s6 =	sshrl.u32 s6, $0x3;
	[dreg:$0x15] =	wrdreg s15  }
0x20: {  	s24 =	sshrl.u32 s9, $0x3;
	s3 =	sadd.s32 s3, s22;
	s15 =	rddreg [dreg:$0x1]  }
0x21: {  	s25 =	sshrl.u32 s11, $0x3;
	s11 =	sshrl.u32 s14, $0x3;
	[dreg:$0x16] =	wrdreg s3  }
0x22: {  	s26 =	sadd.s32 s15, s10;
	s10 =	sshrl.u32 s7, $0x3;
	s22 =	sadd.s32 s15, s5  }
0x23: {  	s23 =	sadd.s32 s15, s6;
	s7 =	sadd.s32 s15, s25;
	[dreg:$0x17] =	wrdreg s26  }
0x24: {  	s25 =	sshrl.u32 s8, $0x3;
	s8 =	sadd.s32 $0x3200, s0;
	[dreg:$0x19] =	wrdreg s22  }
0x25: {  	s0 =	simm.s32 $0x0;
	s3 =	sadd.s32 s15, s10;
	[dreg:$0x1a] =	wrdreg s23  }
0x26: {  	s26 =	sshrl.u32 s12, $0x3;
	[dreg:$0x1c] =	wrdreg s7;
	s10 =	sshrl.u32 s13, $0x3  }
0x27: {  	s12 =	sshrl.u32 s16, $0x3;
	s13 =	sadd.s32 s15, s11;
	s16 =	sshrl.u32 s18, $0x3  }
0x28: {  	s18 =	sshrl.u32 s19, $0x3;
	s19 =	sshrl.u32 s20, $0x3;
	[dreg:$0x18] =	wrdreg s3  }
0x29: {  	s23 =	sshrl.u32 s21, $0x3;
	s6 =	sadd.s32 s15, s25;
	[dreg:$0x1f] =	wrdreg s13  }
0x2a: {  	s3 =	sadd.s32 s15, s24;
	s24 =	smul.u32 $0x320, s1;
	s1 =	rddreg [dreg:$0x3]  }
0x2b: {  	s11 =	simm.s32 $0x3200;
	s21 =	simm.s32 $0x7;
	[smem:$0x7FB] =	sst s6  }
0x2c: {  	s25 =	simm.s32 $0x7D00;
	s9 =	sadd.s32 s15, s26;
	[dreg:$0x1b] =	wrdreg s3  }
0x2d: {  	s14 =	sadd.s32 s15, s12;
	s20 =	sadd.s32 s15, s18;
	[dreg:$0x1d] =	wrdreg s9  }
0x2e: {  	s22 =	sadd.s32 s15, s19;
	s12 =	simm.s32 $0xE100;
	[smem:$0x7F6] =	sst s14  }
0x2f: {  	s13 =	simm.s32 $0xB;
	s18 =	simm.s32 $0x1900;
	[smem:$0x7F8] =	sst s20  }
0x30: {  	s19 =	simm.s32 $0x6400;
	s3 =	sadd.s32 s15, s10;
	[smem:$0x7F9] =	sst s22  }
0x31: {  	s26 =	sadd.s32 s4, s1;
	s9 =	smax.u32 s2, $0x1;
	s10 =	simm.s32 $0xC800  }
0x32: {  	s14 =	simm.s32 $0x12C00;
	s20 =	simm.s32 $0xFA00;
	s22 =	simm.s32 $0x9600  }
0x33: {  	[dreg:$0x1e] =	wrdreg s3;
	s3 =	sadd.s32 s15, s16;
	s5 =	sadd.s32 s15, s24  }
0x34: {  	s16 =	simm.s32 $0x5;
	s24 =	simm.s32 $0x6;
	[smem:$0x7F7] =	sst s3  }
0x35: {  	s3 =	sadd.s32 s15, s23;
	[smem:$0x7FC] =	sst s5;
	s5 =	simm.f32 $1.000000000e+00  }
0x36: {  	s15 =	simm.s32 $0x1;
	s23 =	simm.s32 $0x2;
	[smem:$0x7FA] =	sst s3  }
0x37: {  	s3 =	rddreg [dreg:$0x4];
	s5 =	simm.s32 @!p0 $0x0;
	_ =	strace $0x80000047  }
0x38: {  	v1 =	vimm.f32 $0.0e+00;
	[smem:$0x7FD] =	sst s26;
	s7 =	sadd.s32 s4, s3;
	s26 =	simm.s32 $0x11300;
	v0 =	vmov s5  }
.LBB2_1:
0x39: {  	s2 =	rddreg [dreg:$0x6]  }
0x3a: {  	[tilespmem:s17], [sflag:$0x1] =	stream.linear.gather [hbm4b:s2+s17], $0x3200, $0x38;
	[tilespmem:$0x17700] =	vst v63  }
0x3b: {  	s5 =	rddreg [dreg:$0x17]  }
0x3c: {  	[tilespmem:s10], [sflag:$0x5] =	stream.linear.gather [hbm4b:s5+s17], $0x1900, $0x38;
	[tilespmem:$0x17700] =	vst v63  }
0x3d: {  	s6 =	rddreg [dreg:$0x7]  }
0x3e: {  	[tilespmem:s11], [sflag:$0x2] =	stream.linear.gather [hbm4b:s6+s17], $0x3200, $0x38;
	[tilespmem:$0x17700] =	vst v63  }
0x3f: {  	s4 =	rddreg [dreg:$0x18]  }
0x40: {  	[tilespmem:s12], [sflag:$0x6] =	stream.linear.gather [hbm4b:s4+s17], $0x1900, $0x38;
	[tilespmem:$0x17700] =	vst v63  }
0x41: {  	s5 =	rddreg [dreg:$0x8]  }
0x42: {  	[tilespmem:s14], [sflag:$0xB] =	stream.linear.gather [hbm4b:s5+s17], $0x1900, $0x38;
	[tilespmem:$0x17700] =	vst v63  }
0x43: {  	_ =	swait.ge [sflag:s13], $0x1900  }
0x44: {  	s6 =	sld [smem:$0x7FD]  }
0x45: {  	[sflag:s13] =	ssyncset.done $0x0  }
0x46: {  	[sflag:s13] =	ssyncadd.s32 $0xFFFFE700  }
0x47: {  	[spmem:s6] =	stream.linear.scatter [tilespmem:s14], [sflag:$0xB], $0x1900, $0x38;
	[tilespmem:$0x17700] =	vst v63  }
0x48: {  	_ =	swait.ge [sflag:s13], $0x1900  }
0x49: {  	[sflag:s13] =	ssyncset.done $0x0  }
0x4a: {  	[sflag:s13] =	ssyncadd.s32 $0xFFFFE700  }
0x4b: {  	s2 =	simm.s32 $0x0;
	s4 =	simm.s32 $0x12C00;
	[tilespmem:s14+$0x0] =	vst v1  }
.LBB2_2:
0x4c: {  	s2 =	sadd.s32 $0x10, s2  }
0x4d: {  	p0 =	slt.u32 s2, $0x18F0  }
.Ltmp0:
0x4e: {  	_ = 	snop;
	(pc) =	sbr.rel @p0 .LBB2_2-.Ltmp0, $3  }
0x4f: {  	_ =	sdelay $0x1  }
0x50: {  	s4 =	sadd.s32 $0x10, s4  }
0x51: {  	[tilespmem:s4+$0x0] =	vst v1  }
0x52: {  	[spmem:s7] =	stream.linear.scatter [tilespmem:s14], [sflag:$0xB], $0x1900, $0x38;
	[tilespmem:$0x17700] =	vst v63  }
0x53: {  	_ =	swait.ge [sflag:s13], $0x1900  }
0x54: {  	[sflag:s13] =	ssyncset.done $0x0  }
0x55: {  	[sflag:s13] =	ssyncadd.s32 $0xFFFFE700  }
0x56: {  	[bflag:$0x0] =	sbarrier.arrive $0xFFFF  }
0x57: {  	_ =	swait.ge [sflag:s15], $0x3200  }
0x58: {  	[sflag:s15] =	ssyncset.done $0x0  }
0x59: {  	[sflag:s15] =	ssyncadd.s32 $0xFFFFCE00  }
0x5a: {  	_ =	swait.ge [sflag:s16], $0x1900  }
0x5b: {  	[sflag:s16] =	ssyncset.done $0x0  }
0x5c: {  	s6 =	simm.s32 $0x80;
	[sflag:s16] =	ssyncadd.s32 $0xFFFFE700  }
0x5d: {  	v2 =	vld [tilespmem:s6+$0xFFFFFFF0]  }
0x5e: {  	v3 =	vld [tilespmem:s6+$0xFFFFFF90]  }
0x5f: {  	v4 =	vld [tilespmem:s6+$0xFFFFFFA0]  }
0x60: {  	v5 =	vld [tilespmem:s6+$0xFFFFFFB0]  }
0x61: {  	s2 =	simm.s32 $0x6440;
	v6 =	vld [tilespmem:s6+$0xFFFFFFC0]  }
0x62: {  	v7 =	vld [tilespmem:s6+$0xFFFFFFD0];
	[tilespmem:s2+$0x30] =	vst v2  }
0x63: {  	v8 =	vld [tilespmem:s6+$0xFFFFFF80];
	[tilespmem:s2+$0xFFFFFFD0] =	vst v3  }
0x64: {  	[tilespmem:s2+$0xFFFFFFE0] =	vst v4;
	v3 =	vld [tilespmem:s6+$0x70]  }
0x65: {  	v4 =	vld [tilespmem:s6+$0xFFFFFFE0];
	[tilespmem:s2+$0xFFFFFFF0] =	vst v5  }
0x66: {  	[tilespmem:s2+$0x0] =	vst v6;
	v9 =	vld [tilespmem:s6+$0x10]  }
0x67: {  	[tilespmem:s2+$0x10] =	vst v7;
	v6 =	vld [tilespmem:s6+$0x20]  }
0x68: {  	s4 =	simm.s32 $0x9640;
	[tilespmem:s2+$0xFFFFFFC0] =	vst v8;
	v2 =	vld [tilespmem:s6+$0x30]  }
0x69: {  	[tilespmem:s4+$0x30] =	vst v3;
	v3 =	vld [tilespmem:s6+$0x40]  }
0x6a: {  	v5 =	vld [tilespmem:s6+$0x50];
	[tilespmem:s2+$0x20] =	vst v4  }
0x6b: {  	v4 =	vld [tilespmem:s6+$0x0];
	[tilespmem:s4+$0xFFFFFFD0] =	vst v9  }
0x6c: {  	s5 =	simm.s32 $0x0;
	[tilespmem:s4+$0xFFFFFFE0] =	vst v6;
	v6 =	vld [tilespmem:s6+$0x60];
	s6 =	simm.s32 $0x180  }
.LBB2_4:
0x6d: {  	v7 =	vld [tilespmem:s6+$0xFFFFFFF0];
	s5 =	sadd.s32 $0x80, s5;
	[tilespmem:s4+$0xFFFFFFF0] =	vst v2  }
0x6e: {  	v2 =	vld [tilespmem:s6+$0xFFFFFF90];
	p0 =	slt.u32 s5, $0x1880;
	[tilespmem:s4+$0x0] =	vst v3  }
0x6f: {  	v3 =	vld [tilespmem:s6+$0xFFFFFFA0];
	[tilespmem:s4+$0x10] =	vst v5  }
0x70: {  	v5 =	vld [tilespmem:s6+$0xFFFFFFB0];
	[tilespmem:s4+$0xFFFFFFC0] =	vst v4  }
0x71: {  	s2 =	sadd.s32 $0x80, s2;
	v4 =	vld [tilespmem:s6+$0xFFFFFFC0];
	[tilespmem:s4+$0x20] =	vst v6  }
0x72: {  	v6 =	vld [tilespmem:s6+$0xFFFFFFD0];
	[tilespmem:s2+$0x30] =	vst v7  }
0x73: {  	[tilespmem:s2+$0xFFFFFFD0] =	vst v2;
	v7 =	vld [tilespmem:s6+$0x70]  }
0x74: {  	[tilespmem:s2+$0xFFFFFFE0] =	vst v3;
	v8 =	vld [tilespmem:s6+$0xFFFFFFE0]  }
0x75: {  	v9 =	vld [tilespmem:s6+$0xFFFFFF80];
	[tilespmem:s2+$0xFFFFFFF0] =	vst v5  }
0x76: {  	v10 =	vld [tilespmem:s6+$0x10];
	[tilespmem:s2+$0x0] =	vst v4  }
0x77: {  	s4 =	sadd.s32 $0x80, s4;
	v11 =	vld [tilespmem:s6+$0x20];
	[tilespmem:s2+$0x10] =	vst v6  }
.Ltmp1:
0x78: {  	v2 =	vld [tilespmem:s6+$0x30];
	[tilespmem:s4+$0x30] =	vst v7;
	(pc) =	sbr.rel @p0 .LBB2_4-.Ltmp1, $4  }
0x79: {  	v3 =	vld [tilespmem:s6+$0x40];
	[tilespmem:s2+$0x20] =	vst v8  }
0x7a: {  	[tilespmem:s2+$0xFFFFFFC0] =	vst v9;
	v5 =	vld [tilespmem:s6+$0x50]  }
0x7b: {  	v4 =	vld [tilespmem:s6+$0x0];
	[tilespmem:s4+$0xFFFFFFD0] =	vst v10  }
0x7c: {  	[tilespmem:s4+$0xFFFFFFE0] =	vst v11;
	v6 =	vld [tilespmem:s6+$0x60];
	s6 =	sadd.s32 $0x100, s6  }
0x7d: {  	[tilespmem:s4+$0xFFFFFFF0] =	vst v2  }
0x7e: {  	[tilespmem:s4+$0x0] =	vst v3  }
0x7f: {  	[tilespmem:s4+$0x10] =	vst v5  }
0x80: {  	[tilespmem:s4+$0xFFFFFFC0] =	vst v4  }
0x81: {  	[tilespmem:s4+$0x20] =	vst v6  }
0x82: {  	[tilespmem:s20], [sflag:$0x7] =	stream.indirect.gather [spmem:s1], $0x1, s19, s18, $0xb8;
	[tilespmem:$0x17700] =	vst v63  }
0x83: {  	_ =	swait.ge [sflag:s21], $0x1900  }
0x84: {  	[sflag:s21] =	ssyncset.done $0x0  }
0x85: {  	s2 =	simm.s32 $0xFA40;
	[sflag:s21] =	ssyncadd.s32 $0xFFFFE700  }
0x86: {  	s4 =	simm.s32 $0xC840;
	v3 =	vld [tilespmem:s2+$0x30]  }
0x87: {  	v4 =	vld [tilespmem:s4+$0x30]  }
0x88: {  	v2 =	vld [tilespmem:s4+$0xFFFFFFC0]  }
0x89: {  	v5 =	vld [tilespmem:s2+$0xFFFFFFD0]  }
0x8a: {  	v6 =	vld [tilespmem:s4+$0xFFFFFFD0]  }
0x8b: {  	v7 =	vld [tilespmem:s2+$0xFFFFFFE0]  }
0x8c: {  	v8 =	vld [tilespmem:s4+$0xFFFFFFE0]  }
0x8d: {  	v9 =	vld [tilespmem:s2+$0xFFFFFFF0]  }
0x8e: {  	v10 =	vld [tilespmem:s4+$0xFFFFFFF0]  }
0x8f: {  	v11 =	vld [tilespmem:s2+$0x0]  }
0x90: {  	v12 =	vld [tilespmem:s4+$0x0];
	v4 =	vmul.f32 v4, v3  }
0x91: {  	v6 =	vmul.f32 v6, v5;
	v3 =	vld [tilespmem:s2+$0x10]  }
0x92: {  	v7 =	vmul.f32 v8, v7;
	v5 =	vld [tilespmem:s4+$0x10];
	[tilespmem:s2+$0x30] =	vst v4  }
0x93: {  	v8 =	vmul.f32 v10, v9;
	[tilespmem:s2+$0xFFFFFFD0] =	vst v6;
	v4 =	vld [tilespmem:s2+$0x20]  }
0x94: {  	[tilespmem:s2+$0xFFFFFFE0] =	vst v7;
	v7 =	vld [tilespmem:s4+$0x20]  }
0x95: {  	s5 =	simm.s32 $0x0;
	s6 =	simm.s32 $0xFAC0;
	v6 =	vld [tilespmem:s2+$0xFFFFFFC0];
	[tilespmem:s2+$0xFFFFFFF0] =	vst v8;
	v8 =	vmul.f32 v12, v11  }
.LBB2_6:
0x96: {  	v9 =	vld [tilespmem:s6+$0x30];
	s4 =	sadd.s32 $0x80, s4  }
0x97: {  	s5 =	sadd.s32 $0x80, s5;
	v10 =	vld [tilespmem:s4+$0x30];
	[tilespmem:s2+$0x0] =	vst v8;
	v3 =	vmul.f32 v5, v3  }
0x98: {  	p0 =	slt.u32 s5, $0x1880;
	v5 =	vld [tilespmem:s4+$0xFFFFFFC0]  }
0x99: {  	v8 =	vld [tilespmem:s6+$0xFFFFFFD0];
	[tilespmem:s2+$0x10] =	vst v3;
	v3 =	vmul.f32 v7, v4  }
0x9a: {  	v4 =	vld [tilespmem:s4+$0xFFFFFFD0];
	v11 =	vmul.f32 v2, v6  }
0x9b: {  	v6 =	vld [tilespmem:s6+$0xFFFFFFE0];
	[tilespmem:s2+$0x20] =	vst v3  }
0x9c: {  	v3 =	vld [tilespmem:s4+$0xFFFFFFE0];
	v7 =	vmul.f32 v10, v9;
	[tilespmem:s2+$0xFFFFFFC0] =	vst v11;
	s2 =	smov.u32 s6  }
0x9d: {  	v9 =	vld [tilespmem:s6+$0xFFFFFFF0];
	v2 =	vmov v5  }
0x9e: {  	v10 =	vld [tilespmem:s4+$0xFFFFFFF0];
	[tilespmem:s6+$0x30] =	vst v7  }
0x9f: {  	v4 =	vmul.f32 v4, v8;
	v8 =	vld [tilespmem:s6+$0x0]  }
0xa0: {  	v11 =	vld [tilespmem:s4+$0x0]  }
.Ltmp2:
0xa1: {  	[tilespmem:s6+$0xFFFFFFD0] =	vst v4;
	v4 =	vmul.f32 v3, v6;
	v3 =	vld [tilespmem:s6+$0x10];
	(pc) =	sbr.rel @p0 .LBB2_6-.Ltmp2, $4  }
0xa2: {  	v5 =	vld [tilespmem:s4+$0x10]  }
0xa3: {  	[tilespmem:s6+$0xFFFFFFE0] =	vst v4;
	v9 =	vmul.f32 v10, v9;
	v4 =	vld [tilespmem:s6+$0x20]  }
0xa4: {  	v7 =	vld [tilespmem:s4+$0x20]  }
0xa5: {  	s6 =	sadd.s32 $0x80, s6;
	v6 =	vld [tilespmem:s2+$0xFFFFFFC0];
	[tilespmem:s2+$0xFFFFFFF0] =	vst v9;
	v8 =	vmul.f32 v11, v8  }
0xa6: {  	_ =	sdelay $0x1  }
0xa7: {  	v3 =	vmul.f32 v5, v3  }
0xa8: {  	[tilespmem:s2+$0x0] =	vst v8;
	v4 =	vmul.f32 v7, v4  }
0xa9: {  	[tilespmem:s2+$0x10] =	vst v3;
	v2 =	vmul.f32 v2, v6  }
0xaa: {  	[tilespmem:s2+$0x20] =	vst v4  }
0xab: {  	[tilespmem:s2+$0xFFFFFFC0] =	vst v2  }
0xac: {  	[spmem:s3] =	stream.indirect.scatter.add.f32 [tilespmem:s20], [sflag:$0x9], $0x1, s22, s18, $0xb8;
	[tilespmem:$0x17700] =	vst v63  }
0xad: {  	_ =	swait.ge [sflag:s23], $0x3200  }
0xae: {  	[sflag:s23] =	ssyncset.done $0x0  }
0xaf: {  	[sflag:s23] =	ssyncadd.s32 $0xFFFFCE00  }
0xb0: {  	_ =	swait.ge [sflag:s24], $0x1900  }
0xb1: {  	[sflag:s24] =	ssyncset.done $0x0  }
0xb2: {  	s6 =	simm.s32 $0x3280;
	[sflag:s24] =	ssyncadd.s32 $0xFFFFE700  }
0xb3: {  	v2 =	vld [tilespmem:s6+$0xFFFFFFF0]  }
0xb4: {  	v3 =	vld [tilespmem:s6+$0xFFFFFF90]  }
0xb5: {  	v4 =	vld [tilespmem:s6+$0xFFFFFFA0]  }
0xb6: {  	v5 =	vld [tilespmem:s6+$0xFFFFFFB0]  }
0xb7: {  	s2 =	simm.s32 $0x7D40;
	v6 =	vld [tilespmem:s6+$0xFFFFFFC0]  }
0xb8: {  	v7 =	vld [tilespmem:s6+$0xFFFFFFD0];
	[tilespmem:s2+$0x30] =	vst v2  }
0xb9: {  	v8 =	vld [tilespmem:s6+$0xFFFFFF80];
	[tilespmem:s2+$0xFFFFFFD0] =	vst v3  }
0xba: {  	[tilespmem:s2+$0xFFFFFFE0] =	vst v4;
	v3 =	vld [tilespmem:s6+$0x70]  }
0xbb: {  	v4 =	vld [tilespmem:s6+$0xFFFFFFE0];
	[tilespmem:s2+$0xFFFFFFF0] =	vst v5  }
0xbc: {  	[tilespmem:s2+$0x0] =	vst v6;
	v9 =	vld [tilespmem:s6+$0x10]  }
0xbd: {  	[tilespmem:s2+$0x10] =	vst v7;
	v6 =	vld [tilespmem:s6+$0x20]  }
0xbe: {  	s4 =	simm.s32 $0xAF40;
	[tilespmem:s2+$0xFFFFFFC0] =	vst v8;
	v2 =	vld [tilespmem:s6+$0x30]  }
0xbf: {  	[tilespmem:s4+$0x30] =	vst v3;
	v3 =	vld [tilespmem:s6+$0x40]  }
0xc0: {  	v5 =	vld [tilespmem:s6+$0x50];
	[tilespmem:s2+$0x20] =	vst v4  }
0xc1: {  	v4 =	vld [tilespmem:s6+$0x0];
	[tilespmem:s4+$0xFFFFFFD0] =	vst v9  }
0xc2: {  	s5 =	simm.s32 $0x0;
	[tilespmem:s4+$0xFFFFFFE0] =	vst v6;
	v6 =	vld [tilespmem:s6+$0x60];
	s6 =	simm.s32 $0x3380  }
.LBB2_8:
0xc3: {  	v7 =	vld [tilespmem:s6+$0xFFFFFFF0];
	s5 =	sadd.s32 $0x80, s5;
	[tilespmem:s4+$0xFFFFFFF0] =	vst v2  }
0xc4: {  	v2 =	vld [tilespmem:s6+$0xFFFFFF90];
	p0 =	slt.u32 s5, $0x1880;
	[tilespmem:s4+$0x0] =	vst v3  }
0xc5: {  	v3 =	vld [tilespmem:s6+$0xFFFFFFA0];
	[tilespmem:s4+$0x10] =	vst v5  }
0xc6: {  	v5 =	vld [tilespmem:s6+$0xFFFFFFB0];
	[tilespmem:s4+$0xFFFFFFC0] =	vst v4  }
0xc7: {  	s2 =	sadd.s32 $0x80, s2;
	v4 =	vld [tilespmem:s6+$0xFFFFFFC0];
	[tilespmem:s4+$0x20] =	vst v6  }
0xc8: {  	v6 =	vld [tilespmem:s6+$0xFFFFFFD0];
	[tilespmem:s2+$0x30] =	vst v7  }
0xc9: {  	[tilespmem:s2+$0xFFFFFFD0] =	vst v2;
	v7 =	vld [tilespmem:s6+$0x70]  }
0xca: {  	[tilespmem:s2+$0xFFFFFFE0] =	vst v3;
	v8 =	vld [tilespmem:s6+$0xFFFFFFE0]  }
0xcb: {  	v9 =	vld [tilespmem:s6+$0xFFFFFF80];
	[tilespmem:s2+$0xFFFFFFF0] =	vst v5  }
0xcc: {  	v10 =	vld [tilespmem:s6+$0x10];
	[tilespmem:s2+$0x0] =	vst v4  }
0xcd: {  	s4 =	sadd.s32 $0x80, s4;
	v11 =	vld [tilespmem:s6+$0x20];
	[tilespmem:s2+$0x10] =	vst v6  }
.Ltmp3:
0xce: {  	v2 =	vld [tilespmem:s6+$0x30];
	[tilespmem:s4+$0x30] =	vst v7;
	(pc) =	sbr.rel @p0 .LBB2_8-.Ltmp3, $4  }
0xcf: {  	v3 =	vld [tilespmem:s6+$0x40];
	[tilespmem:s2+$0x20] =	vst v8  }
0xd0: {  	[tilespmem:s2+$0xFFFFFFC0] =	vst v9;
	v5 =	vld [tilespmem:s6+$0x50]  }
0xd1: {  	v4 =	vld [tilespmem:s6+$0x0];
	[tilespmem:s4+$0xFFFFFFD0] =	vst v10  }
0xd2: {  	[tilespmem:s4+$0xFFFFFFE0] =	vst v11;
	v6 =	vld [tilespmem:s6+$0x60];
	s6 =	sadd.s32 $0x100, s6  }
0xd3: {  	[tilespmem:s4+$0xFFFFFFF0] =	vst v2  }
0xd4: {  	[tilespmem:s4+$0x0] =	vst v3  }
0xd5: {  	[tilespmem:s4+$0x10] =	vst v5  }
0xd6: {  	[tilespmem:s4+$0xFFFFFFC0] =	vst v4  }
0xd7: {  	[tilespmem:s4+$0x20] =	vst v6  }
0xd8: {  	[tilespmem:s26], [sflag:$0x8] =	stream.indirect.gather [spmem:s1], $0x1, s25, s18, $0xb8;
	[tilespmem:$0x17700] =	vst v63  }
0xd9: {  	_ =	swait.ge [sflag:s28], $0x1900  }
0xda: {  	[sflag:s28] =	ssyncset.done $0x0  }
0xdb: {  	s2 =	rddreg [dreg:$0x9];
	[sflag:s28] =	ssyncadd.s32 $0xFFFFE700  }
0xdc: {  	[tilespmem:s17], [sflag:$0x1] =	stream.linear.gather [hbm4b:s2+s17], $0x3200, $0x38;
	[tilespmem:$0x17700] =	vst v63  }
0xdd: {  	s6 =	rddreg [dreg:$0x19]  }
0xde: {  	[tilespmem:s10], [sflag:$0x5] =	stream.linear.gather [hbm4b:s6+s17], $0x1900, $0x38;
	[tilespmem:$0x17700] =	vst v63  }
0xdf: {  	_ =	swait.ge [sflag:s29], $0x1900  }
0xe0: {  	[sflag:s29] =	ssyncset.done $0x0  }
0xe1: {  	s2 =	simm.s32 $0x11340;
	[sflag:s29] =	ssyncadd.s32 $0xFFFFE700  }
0xe2: {  	s4 =	simm.s32 $0xE140;
	v3 =	vld [tilespmem:s2+$0x30]  }
0xe3: {  	v4 =	vld [tilespmem:s4+$0x30]  }
0xe4: {  	v2 =	vld [tilespmem:s4+$0xFFFFFFC0]  }
0xe5: {  	v5 =	vld [tilespmem:s2+$0xFFFFFFD0]  }
0xe6: {  	v6 =	vld [tilespmem:s4+$0xFFFFFFD0]  }
0xe7: {  	v7 =	vld [tilespmem:s2+$0xFFFFFFE0]  }
0xe8: {  	v8 =	vld [tilespmem:s4+$0xFFFFFFE0]  }
0xe9: {  	v9 =	vld [tilespmem:s2+$0xFFFFFFF0]  }
0xea: {  	v10 =	vld [tilespmem:s4+$0xFFFFFFF0]  }
0xeb: {  	v11 =	vld [tilespmem:s2+$0x0]  }
0xec: {  	v12 =	vld [tilespmem:s4+$0x0];
	v4 =	vmul.f32 v4, v3  }
0xed: {  	v6 =	vmul.f32 v6, v5;
	v3 =	vld [tilespmem:s2+$0x10]  }
0xee: {  	v7 =	vmul.f32 v8, v7;
	v5 =	vld [tilespmem:s4+$0x10];
	[tilespmem:s2+$0x30] =	vst v4  }
0xef: {  	v8 =	vmul.f32 v10, v9;
	[tilespmem:s2+$0xFFFFFFD0] =	vst v6;
	v4 =	vld [tilespmem:s2+$0x20]  }
0xf0: {  	[tilespmem:s2+$0xFFFFFFE0] =	vst v7;
	v7 =	vld [tilespmem:s4+$0x20]  }
0xf1: {  	s5 =	simm.s32 $0x0;
	s6 =	simm.s32 $0x113C0;
	v6 =	vld [tilespmem:s2+$0xFFFFFFC0];
	[tilespmem:s2+$0xFFFFFFF0] =	vst v8;
	v8 =	vmul.f32 v12, v11  }
.LBB2_10:
0xf2: {  	v9 =	vld [tilespmem:s6+$0x30];
	s4 =	sadd.s32 $0x80, s4  }
0xf3: {  	s5 =	sadd.s32 $0x80, s5;
	v10 =	vld [tilespmem:s4+$0x30];
	[tilespmem:s2+$0x0] =	vst v8;
	v3 =	vmul.f32 v5, v3  }
0xf4: {  	p0 =	slt.u32 s5, $0x1880;
	v5 =	vld [tilespmem:s4+$0xFFFFFFC0]  }
0xf5: {  	v8 =	vld [tilespmem:s6+$0xFFFFFFD0];
	[tilespmem:s2+$0x10] =	vst v3;
	v3 =	vmul.f32 v7, v4  }
0xf6: {  	v4 =	vld [tilespmem:s4+$0xFFFFFFD0];
	v11 =	vmul.f32 v2, v6  }
0xf7: {  	v6 =	vld [tilespmem:s6+$0xFFFFFFE0];
	[tilespmem:s2+$0x20] =	vst v3  }
0xf8: {  	v3 =	vld [tilespmem:s4+$0xFFFFFFE0];
	v7 =	vmul.f32 v10, v9;
	[tilespmem:s2+$0xFFFFFFC0] =	vst v11;
	s2 =	smov.u32 s6  }
0xf9: {  	v9 =	vld [tilespmem:s6+$0xFFFFFFF0];
	v2 =	vmov v5  }
0xfa: {  	v10 =	vld [tilespmem:s4+$0xFFFFFFF0];
	[tilespmem:s6+$0x30] =	vst v7  }
0xfb: {  	v4 =	vmul.f32 v4, v8;
	v8 =	vld [tilespmem:s6+$0x0]  }
0xfc: {  	v11 =	vld [tilespmem:s4+$0x0]  }
.Ltmp4:
0xfd: {  	[tilespmem:s6+$0xFFFFFFD0] =	vst v4;
	v4 =	vmul.f32 v3, v6;
	v3 =	vld [tilespmem:s6+$0x10];
	(pc) =	sbr.rel @p0 .LBB2_10-.Ltmp4, $4  }
0xfe: {  	v5 =	vld [tilespmem:s4+$0x10]  }
0xff: {  	[tilespmem:s6+$0xFFFFFFE0] =	vst v4;
	v9 =	vmul.f32 v10, v9;
	v4 =	vld [tilespmem:s6+$0x20]  }
0x100: {  	v7 =	vld [tilespmem:s4+$0x20]  }
0x101: {  	s6 =	sadd.s32 $0x80, s6;
	v6 =	vld [tilespmem:s2+$0xFFFFFFC0];
	[tilespmem:s2+$0xFFFFFFF0] =	vst v9;
	v8 =	vmul.f32 v11, v8  }
0x102: {  	_ =	sdelay $0x1  }
0x103: {  	v3 =	vmul.f32 v5, v3  }
0x104: {  	[tilespmem:s2+$0x0] =	vst v8;
	v4 =	vmul.f32 v7, v4  }
0x105: {  	[tilespmem:s2+$0x10] =	vst v3;
	v2 =	vmul.f32 v2, v6  }
0x106: {  	[tilespmem:s2+$0x20] =	vst v4  }
0x107: {  	[tilespmem:s2+$0xFFFFFFC0] =	vst v2  }
0x108: {  	[spmem:s3] =	stream.indirect.scatter.add.f32 [tilespmem:s26], [sflag:$0xA], $0x1, s30, s18, $0xb8;
	[tilespmem:$0x17700] =	vst v63  }
0x109: {  	_ =	swait.ge [sflag:s15], $0x3200  }
0x10a: {  	[sflag:s15] =	ssyncset.done $0x0  }
0x10b: {  	[sflag:s15] =	ssyncadd.s32 $0xFFFFCE00  }
0x10c: {  	_ =	swait.ge [sflag:s16], $0x1900  }
0x10d: {  	[sflag:s16] =	ssyncset.done $0x0  }
0x10e: {  	s6 =	simm.s32 $0x80;
	[sflag:s16] =	ssyncadd.s32 $0xFFFFE700  }
0x10f: {  	v2 =	vld [tilespmem:s6+$0xFFFFFFF0]  }
0x110: {  	v3 =	vld [tilespmem:s6+$0xFFFFFF90]  }
0x111: {  	v4 =	vld [tilespmem:s6+$0xFFFFFFA0]  }
0x112: {  	v5 =	vld [tilespmem:s6+$0xFFFFFFB0]  }
0x113: {  	s2 =	simm.s32 $0x6440;
	v6 =	vld [tilespmem:s6+$0xFFFFFFC0]  }
0x114: {  	v7 =	vld [tilespmem:s6+$0xFFFFFFD0];
	[tilespmem:s2+$0x30] =	vst v2  }
0x115: {  	v8 =	vld [tilespmem:s6+$0xFFFFFF80];
	[tilespmem:s2+$0xFFFFFFD0] =	vst v3  }
0x116: {  	[tilespmem:s2+$0xFFFFFFE0] =	vst v4;
	v3 =	vld [tilespmem:s6+$0x70]  }
0x117: {  	v4 =	vld [tilespmem:s6+$0xFFFFFFE0];
	[tilespmem:s2+$0xFFFFFFF0] =	vst v5  }
0x118: {  	[tilespmem:s2+$0x0] =	vst v6;
	v9 =	vld [tilespmem:s6+$0x10]  }
0x119: {  	[tilespmem:s2+$0x10] =	vst v7;
	v6 =	vld [tilespmem:s6+$0x20]  }
0x11a: {  	s4 =	simm.s32 $0x9640;
	[tilespmem:s2+$0xFFFFFFC0] =	vst v8;
	v2 =	vld [tilespmem:s6+$0x30]  }
0x11b: {  	[tilespmem:s4+$0x30] =	vst v3;
	v3 =	vld [tilespmem:s6+$0x40]  }
0x11c: {  	v5 =	vld [tilespmem:s6+$0x50];
	[tilespmem:s2+$0x20] =	vst v4  }
0x11d: {  	v4 =	vld [tilespmem:s6+$0x0];
	[tilespmem:s4+$0xFFFFFFD0] =	vst v9  }
0x11e: {  	s5 =	simm.s32 $0x0;
	[tilespmem:s4+$0xFFFFFFE0] =	vst v6;
	v6 =	vld [tilespmem:s6+$0x60];
	s6 =	simm.s32 $0x180  }
.LBB2_12:
0x11f: {  	v7 =	vld [tilespmem:s6+$0xFFFFFFF0];
	s5 =	sadd.s32 $0x80, s5;
	[tilespmem:s4+$0xFFFFFFF0] =	vst v2  }
0x120: {  	v2 =	vld [tilespmem:s6+$0xFFFFFF90];
	p0 =	slt.u32 s5, $0x1880;
	[tilespmem:s4+$0x0] =	vst v3  }
0x121: {  	v3 =	vld [tilespmem:s6+$0xFFFFFFA0];
	[tilespmem:s4+$0x10] =	vst v5  }
0x122: {  	v5 =	vld [tilespmem:s6+$0xFFFFFFB0];
	[tilespmem:s4+$0xFFFFFFC0] =	vst v4  }
0x123: {  	s2 =	sadd.s32 $0x80, s2;
	v4 =	vld [tilespmem:s6+$0xFFFFFFC0];
	[tilespmem:s4+$0x20] =	vst v6  }
0x124: {  	v6 =	vld [tilespmem:s6+$0xFFFFFFD0];
	[tilespmem:s2+$0x30] =	vst v7  }
0x125: {  	[tilespmem:s2+$0xFFFFFFD0] =	vst v2;
	v7 =	vld [tilespmem:s6+$0x70]  }
0x126: {  	[tilespmem:s2+$0xFFFFFFE0] =	vst v3;
	v8 =	vld [tilespmem:s6+$0xFFFFFFE0]  }
0x127: {  	v9 =	vld [tilespmem:s6+$0xFFFFFF80];
	[tilespmem:s2+$0xFFFFFFF0] =	vst v5  }
0x128: {  	v10 =	vld [tilespmem:s6+$0x10];
	[tilespmem:s2+$0x0] =	vst v4  }
0x129: {  	s4 =	sadd.s32 $0x80, s4;
	v11 =	vld [tilespmem:s6+$0x20];
	[tilespmem:s2+$0x10] =	vst v6  }
.Ltmp5:
0x12a: {  	v2 =	vld [tilespmem:s6+$0x30];
	[tilespmem:s4+$0x30] =	vst v7;
	(pc) =	sbr.rel @p0 .LBB2_12-.Ltmp5, $4  }
0x12b: {  	v3 =	vld [tilespmem:s6+$0x40];
	[tilespmem:s2+$0x20] =	vst v8  }
0x12c: {  	[tilespmem:s2+$0xFFFFFFC0] =	vst v9;
	v5 =	vld [tilespmem:s6+$0x50]  }
0x12d: {  	v4 =	vld [tilespmem:s6+$0x0];
	[tilespmem:s4+$0xFFFFFFD0] =	vst v10  }
0x12e: {  	[tilespmem:s4+$0xFFFFFFE0] =	vst v11;
	v6 =	vld [tilespmem:s6+$0x60];
	s6 =	sadd.s32 $0x100, s6  }
0x12f: {  	[tilespmem:s4+$0xFFFFFFF0] =	vst v2  }
0x130: {  	[tilespmem:s4+$0x0] =	vst v3  }
0x131: {  	[tilespmem:s4+$0x10] =	vst v5  }
0x132: {  	[tilespmem:s4+$0xFFFFFFC0] =	vst v4  }
0x133: {  	[tilespmem:s4+$0x20] =	vst v6  }
0x134: {  	[tilespmem:s20], [sflag:$0x7] =	stream.indirect.gather [spmem:s1], $0x1, s19, s18, $0xb8;
	[tilespmem:$0x17700] =	vst v63  }
0x135: {  	_ =	swait.ge [sflag:s31], $0x1900  }
0x136: {  	[sflag:s31] =	ssyncset.done $0x0  }
0x137: {  	s2 =	rddreg [dreg:$0xa];
	[sflag:s31] =	ssyncadd.s32 $0xFFFFE700  }
0x138: {  	[tilespmem:s11], [sflag:$0x2] =	stream.linear.gather [hbm4b:s2+s17], $0x3200, $0x38;
	[tilespmem:$0x17700] =	vst v63  }
0x139: {  	s6 =	rddreg [dreg:$0x1a]  }
0x13a: {  	[tilespmem:s12], [sflag:$0x6] =	stream.linear.gather [hbm4b:s6+s17], $0x1900, $0x38;
	[tilespmem:$0x17700] =	vst v63  }
0x13b: {  	_ =	swait.ge [sflag:s21], $0x1900  }
0x13c: {  	[sflag:s21] =	ssyncset.done $0x0  }
0x13d: {  	s2 =	simm.s32 $0xFA40;
	[sflag:s21] =	ssyncadd.s32 $0xFFFFE700  }
0x13e: {  	s4 =	simm.s32 $0xC840;
	v3 =	vld [tilespmem:s2+$0x30]  }
0x13f: {  	v4 =	vld [tilespmem:s4+$0x30]  }
0x140: {  	v2 =	vld [tilespmem:s4+$0xFFFFFFC0]  }
0x141: {  	v5 =	vld [tilespmem:s2+$0xFFFFFFD0]  }
0x142: {  	v6 =	vld [tilespmem:s4+$0xFFFFFFD0]  }
0x143: {  	v7 =	vld [tilespmem:s2+$0xFFFFFFE0]  }
0x144: {  	v8 =	vld [tilespmem:s4+$0xFFFFFFE0]  }
0x145: {  	v9 =	vld [tilespmem:s2+$0xFFFFFFF0]  }
0x146: {  	v10 =	vld [tilespmem:s4+$0xFFFFFFF0]  }
0x147: {  	v11 =	vld [tilespmem:s2+$0x0]  }
0x148: {  	v12 =	vld [tilespmem:s4+$0x0];
	v4 =	vmul.f32 v4, v3  }
0x149: {  	v6 =	vmul.f32 v6, v5;
	v3 =	vld [tilespmem:s2+$0x10]  }
0x14a: {  	v7 =	vmul.f32 v8, v7;
	v5 =	vld [tilespmem:s4+$0x10];
	[tilespmem:s2+$0x30] =	vst v4  }
0x14b: {  	v8 =	vmul.f32 v10, v9;
	[tilespmem:s2+$0xFFFFFFD0] =	vst v6;
	v4 =	vld [tilespmem:s2+$0x20]  }
0x14c: {  	[tilespmem:s2+$0xFFFFFFE0] =	vst v7;
	v7 =	vld [tilespmem:s4+$0x20]  }
0x14d: {  	s5 =	simm.s32 $0x0;
	s6 =	simm.s32 $0xFAC0;
	v6 =	vld [tilespmem:s2+$0xFFFFFFC0];
	[tilespmem:s2+$0xFFFFFFF0] =	vst v8;
	v8 =	vmul.f32 v12, v11  }
.LBB2_14:
0x14e: {  	v9 =	vld [tilespmem:s6+$0x30];
	s4 =	sadd.s32 $0x80, s4  }
0x14f: {  	s5 =	sadd.s32 $0x80, s5;
	v10 =	vld [tilespmem:s4+$0x30];
	[tilespmem:s2+$0x0] =	vst v8;
	v3 =	vmul.f32 v5, v3  }
0x150: {  	p0 =	slt.u32 s5, $0x1880;
	v5 =	vld [tilespmem:s4+$0xFFFFFFC0]  }
0x151: {  	v8 =	vld [tilespmem:s6+$0xFFFFFFD0];
	[tilespmem:s2+$0x10] =	vst v3;
	v3 =	vmul.f32 v7, v4  }
0x152: {  	v4 =	vld [tilespmem:s4+$0xFFFFFFD0];
	v11 =	vmul.f32 v2, v6  }
0x153: {  	v6 =	vld [tilespmem:s6+$0xFFFFFFE0];
	[tilespmem:s2+$0x20] =	vst v3  }
0x154: {  	v3 =	vld [tilespmem:s4+$0xFFFFFFE0];
	v7 =	vmul.f32 v10, v9;
	[tilespmem:s2+$0xFFFFFFC0] =	vst v11;
	s2 =	smov.u32 s6  }
0x155: {  	v9 =	vld [tilespmem:s6+$0xFFFFFFF0];
	v2 =	vmov v5  }
0x156: {  	v10 =	vld [tilespmem:s4+$0xFFFFFFF0];
	[tilespmem:s6+$0x30] =	vst v7  }
0x157: {  	v4 =	vmul.f32 v4, v8;
	v8 =	vld [tilespmem:s6+$0x0]  }
0x158: {  	v11 =	vld [tilespmem:s4+$0x0]  }
.Ltmp6:
0x159: {  	[tilespmem:s6+$0xFFFFFFD0] =	vst v4;
	v4 =	vmul.f32 v3, v6;
	v3 =	vld [tilespmem:s6+$0x10];
	(pc) =	sbr.rel @p0 .LBB2_14-.Ltmp6, $4  }
0x15a: {  	v5 =	vld [tilespmem:s4+$0x10]  }
0x15b: {  	[tilespmem:s6+$0xFFFFFFE0] =	vst v4;
	v9 =	vmul.f32 v10, v9;
	v4 =	vld [tilespmem:s6+$0x20]  }
0x15c: {  	v7 =	vld [tilespmem:s4+$0x20]  }
0x15d: {  	s6 =	sadd.s32 $0x80, s6;
	v6 =	vld [tilespmem:s2+$0xFFFFFFC0];
	[tilespmem:s2+$0xFFFFFFF0] =	vst v9;
	v8 =	vmul.f32 v11, v8  }
0x15e: {  	_ =	sdelay $0x1  }
0x15f: {  	v3 =	vmul.f32 v5, v3  }
0x160: {  	[tilespmem:s2+$0x0] =	vst v8;
	v4 =	vmul.f32 v7, v4  }
0x161: {  	[tilespmem:s2+$0x10] =	vst v3;
	v2 =	vmul.f32 v2, v6  }
0x162: {  	[tilespmem:s2+$0x20] =	vst v4  }
0x163: {  	[tilespmem:s2+$0xFFFFFFC0] =	vst v2  }
0x164: {  	[spmem:s3] =	stream.indirect.scatter.add.f32 [tilespmem:s20], [sflag:$0x9], $0x1, s22, s18, $0xb8;
	[tilespmem:$0x17700] =	vst v63  }
0x165: {  	_ =	swait.ge [sflag:s23], $0x3200  }
0x166: {  	[sflag:s23] =	ssyncset.done $0x0  }
0x167: {  	[sflag:s23] =	ssyncadd.s32 $0xFFFFCE00  }
0x168: {  	_ =	swait.ge [sflag:s24], $0x1900  }
0x169: {  	[sflag:s24] =	ssyncset.done $0x0  }
0x16a: {  	s6 =	simm.s32 $0x3280;
	[sflag:s24] =	ssyncadd.s32 $0xFFFFE700  }
0x16b: {  	v2 =	vld [tilespmem:s6+$0xFFFFFFF0]  }
0x16c: {  	v3 =	vld [tilespmem:s6+$0xFFFFFF90]  }
0x16d: {  	v4 =	vld [tilespmem:s6+$0xFFFFFFA0]  }
0x16e: {  	v5 =	vld [tilespmem:s6+$0xFFFFFFB0]  }
0x16f: {  	s2 =	simm.s32 $0x7D40;
	v6 =	vld [tilespmem:s6+$0xFFFFFFC0]  }
0x170: {  	v7 =	vld [tilespmem:s6+$0xFFFFFFD0];
	[tilespmem:s2+$0x30] =	vst v2  }
0x171: {  	v8 =	vld [tilespmem:s6+$0xFFFFFF80];
	[tilespmem:s2+$0xFFFFFFD0] =	vst v3  }
0x172: {  	[tilespmem:s2+$0xFFFFFFE0] =	vst v4;
	v3 =	vld [tilespmem:s6+$0x70]  }
0x173: {  	v4 =	vld [tilespmem:s6+$0xFFFFFFE0];
	[tilespmem:s2+$0xFFFFFFF0] =	vst v5  }
0x174: {  	[tilespmem:s2+$0x0] =	vst v6;
	v9 =	vld [tilespmem:s6+$0x10]  }
0x175: {  	[tilespmem:s2+$0x10] =	vst v7;
	v6 =	vld [tilespmem:s6+$0x20]  }
0x176: {  	s4 =	simm.s32 $0xAF40;
	[tilespmem:s2+$0xFFFFFFC0] =	vst v8;
	v2 =	vld [tilespmem:s6+$0x30]  }
0x177: {  	[tilespmem:s4+$0x30] =	vst v3;
	v3 =	vld [tilespmem:s6+$0x40]  }
0x178: {  	v5 =	vld [tilespmem:s6+$0x50];
	[tilespmem:s2+$0x20] =	vst v4  }
0x179: {  	v4 =	vld [tilespmem:s6+$0x0];
	[tilespmem:s4+$0xFFFFFFD0] =	vst v9  }
0x17a: {  	s5 =	simm.s32 $0x0;
	[tilespmem:s4+$0xFFFFFFE0] =	vst v6;
	v6 =	vld [tilespmem:s6+$0x60];
	s6 =	simm.s32 $0x3380  }
.LBB2_16:
0x17b: {  	v7 =	vld [tilespmem:s6+$0xFFFFFFF0];
	s5 =	sadd.s32 $0x80, s5;
	[tilespmem:s4+$0xFFFFFFF0] =	vst v2  }
0x17c: {  	v2 =	vld [tilespmem:s6+$0xFFFFFF90];
	p0 =	slt.u32 s5, $0x1880;
	[tilespmem:s4+$0x0] =	vst v3  }
0x17d: {  	v3 =	vld [tilespmem:s6+$0xFFFFFFA0];
	[tilespmem:s4+$0x10] =	vst v5  }
0x17e: {  	v5 =	vld [tilespmem:s6+$0xFFFFFFB0];
	[tilespmem:s4+$0xFFFFFFC0] =	vst v4  }
0x17f: {  	s2 =	sadd.s32 $0x80, s2;
	v4 =	vld [tilespmem:s6+$0xFFFFFFC0];
	[tilespmem:s4+$0x20] =	vst v6  }
0x180: {  	v6 =	vld [tilespmem:s6+$0xFFFFFFD0];
	[tilespmem:s2+$0x30] =	vst v7  }
0x181: {  	[tilespmem:s2+$0xFFFFFFD0] =	vst v2;
	v7 =	vld [tilespmem:s6+$0x70]  }
0x182: {  	[tilespmem:s2+$0xFFFFFFE0] =	vst v3;
	v8 =	vld [tilespmem:s6+$0xFFFFFFE0]  }
0x183: {  	v9 =	vld [tilespmem:s6+$0xFFFFFF80];
	[tilespmem:s2+$0xFFFFFFF0] =	vst v5  }
0x184: {  	v10 =	vld [tilespmem:s6+$0x10];
	[tilespmem:s2+$0x0] =	vst v4  }
0x185: {  	s4 =	sadd.s32 $0x80, s4;
	v11 =	vld [tilespmem:s6+$0x20];
	[tilespmem:s2+$0x10] =	vst v6  }
.Ltmp7:
0x186: {  	v2 =	vld [tilespmem:s6+$0x30];
	[tilespmem:s4+$0x30] =	vst v7;
	(pc) =	sbr.rel @p0 .LBB2_16-.Ltmp7, $4  }
0x187: {  	v3 =	vld [tilespmem:s6+$0x40];
	[tilespmem:s2+$0x20] =	vst v8  }
0x188: {  	[tilespmem:s2+$0xFFFFFFC0] =	vst v9;
	v5 =	vld [tilespmem:s6+$0x50]  }
0x189: {  	v4 =	vld [tilespmem:s6+$0x0];
	[tilespmem:s4+$0xFFFFFFD0] =	vst v10  }
0x18a: {  	[tilespmem:s4+$0xFFFFFFE0] =	vst v11;
	v6 =	vld [tilespmem:s6+$0x60];
	s6 =	sadd.s32 $0x100, s6  }
0x18b: {  	[tilespmem:s4+$0xFFFFFFF0] =	vst v2  }
0x18c: {  	[tilespmem:s4+$0x0] =	vst v3  }
0x18d: {  	[tilespmem:s4+$0x10] =	vst v5  }
0x18e: {  	[tilespmem:s4+$0xFFFFFFC0] =	vst v4  }
0x18f: {  	[tilespmem:s4+$0x20] =	vst v6  }
0x190: {  	[tilespmem:s26], [sflag:$0x8] =	stream.indirect.gather [spmem:s1], $0x1, s25, s18, $0xb8;
	[tilespmem:$0x17700] =	vst v63  }
0x191: {  	_ =	swait.ge [sflag:s28], $0x1900  }
0x192: {  	[sflag:s28] =	ssyncset.done $0x0  }
0x193: {  	s2 =	rddreg [dreg:$0xb];
	[sflag:s28] =	ssyncadd.s32 $0xFFFFE700  }
0x194: {  	[tilespmem:s17], [sflag:$0x1] =	stream.linear.gather [hbm4b:s2+s17], $0x3200, $0x38;
	[tilespmem:$0x17700] =	vst v63  }
0x195: {  	s6 =	rddreg [dreg:$0x1b]  }
0x196: {  	[tilespmem:s10], [sflag:$0x5] =	stream.linear.gather [hbm4b:s6+s17], $0x1900, $0x38;
	[tilespmem:$0x17700] =	vst v63  }
0x197: {  	_ =	swait.ge [sflag:s29], $0x1900  }
0x198: {  	[sflag:s29] =	ssyncset.done $0x0  }
0x199: {  	s2 =	simm.s32 $0x11340;
	[sflag:s29] =	ssyncadd.s32 $0xFFFFE700  }
0x19a: {  	s4 =	simm.s32 $0xE140;
	v3 =	vld [tilespmem:s2+$0x30]  }
0x19b: {  	v4 =	vld [tilespmem:s4+$0x30]  }
0x19c: {  	v2 =	vld [tilespmem:s4+$0xFFFFFFC0]  }
0x19d: {  	v5 =	vld [tilespmem:s2+$0xFFFFFFD0]  }
0x19e: {  	v6 =	vld [tilespmem:s4+$0xFFFFFFD0]  }
0x19f: {  	v7 =	vld [tilespmem:s2+$0xFFFFFFE0]  }
0x1a0: {  	v8 =	vld [tilespmem:s4+$0xFFFFFFE0]  }
0x1a1: {  	v9 =	vld [tilespmem:s2+$0xFFFFFFF0]  }
0x1a2: {  	v10 =	vld [tilespmem:s4+$0xFFFFFFF0]  }
0x1a3: {  	v11 =	vld [tilespmem:s2+$0x0]  }
0x1a4: {  	v12 =	vld [tilespmem:s4+$0x0];
	v4 =	vmul.f32 v4, v3  }
0x1a5: {  	v6 =	vmul.f32 v6, v5;
	v3 =	vld [tilespmem:s2+$0x10]  }
0x1a6: {  	v7 =	vmul.f32 v8, v7;
	v5 =	vld [tilespmem:s4+$0x10];
	[tilespmem:s2+$0x30] =	vst v4  }
0x1a7: {  	v8 =	vmul.f32 v10, v9;
	[tilespmem:s2+$0xFFFFFFD0] =	vst v6;
	v4 =	vld [tilespmem:s2+$0x20]  }
0x1a8: {  	[tilespmem:s2+$0xFFFFFFE0] =	vst v7;
	v7 =	vld [tilespmem:s4+$0x20]  }
0x1a9: {  	s5 =	simm.s32 $0x0;
	s6 =	simm.s32 $0x113C0;
	v6 =	vld [tilespmem:s2+$0xFFFFFFC0];
	[tilespmem:s2+$0xFFFFFFF0] =	vst v8;
	v8 =	vmul.f32 v12, v11  }
.LBB2_18:
0x1aa: {  	v9 =	vld [tilespmem:s6+$0x30];
	s4 =	sadd.s32 $0x80, s4  }
0x1ab: {  	s5 =	sadd.s32 $0x80, s5;
	v10 =	vld [tilespmem:s4+$0x30];
	[tilespmem:s2+$0x0] =	vst v8;
	v3 =	vmul.f32 v5, v3  }
0x1ac: {  	p0 =	slt.u32 s5, $0x1880;
	v5 =	vld [tilespmem:s4+$0xFFFFFFC0]  }
0x1ad: {  	v8 =	vld [tilespmem:s6+$0xFFFFFFD0];
	[tilespmem:s2+$0x10] =	vst v3;
	v3 =	vmul.f32 v7, v4  }
0x1ae: {  	v4 =	vld [tilespmem:s4+$0xFFFFFFD0];
	v11 =	vmul.f32 v2, v6  }
0x1af: {  	v6 =	vld [tilespmem:s6+$0xFFFFFFE0];
	[tilespmem:s2+$0x20] =	vst v3  }
0x1b0: {  	v3 =	vld [tilespmem:s4+$0xFFFFFFE0];
	v7 =	vmul.f32 v10, v9;
	[tilespmem:s2+$0xFFFFFFC0] =	vst v11;
	s2 =	smov.u32 s6  }
0x1b1: {  	v9 =	vld [tilespmem:s6+$0xFFFFFFF0];
	v2 =	vmov v5  }
0x1b2: {  	v10 =	vld [tilespmem:s4+$0xFFFFFFF0];
	[tilespmem:s6+$0x30] =	vst v7  }
0x1b3: {  	v4 =	vmul.f32 v4, v8;
	v8 =	vld [tilespmem:s6+$0x0]  }
0x1b4: {  	v11 =	vld [tilespmem:s4+$0x0]  }
.Ltmp8:
0x1b5: {  	[tilespmem:s6+$0xFFFFFFD0] =	vst v4;
	v4 =	vmul.f32 v3, v6;
	v3 =	vld [tilespmem:s6+$0x10];
	(pc) =	sbr.rel @p0 .LBB2_18-.Ltmp8, $4  }
0x1b6: {  	v5 =	vld [tilespmem:s4+$0x10]  }
0x1b7: {  	[tilespmem:s6+$0xFFFFFFE0] =	vst v4;
	v9 =	vmul.f32 v10, v9;
	v4 =	vld [tilespmem:s6+$0x20]  }
0x1b8: {  	v7 =	vld [tilespmem:s4+$0x20]  }
0x1b9: {  	s6 =	sadd.s32 $0x80, s6;
	v6 =	vld [tilespmem:s2+$0xFFFFFFC0];
	[tilespmem:s2+$0xFFFFFFF0] =	vst v9;
	v8 =	vmul.f32 v11, v8  }
0x1ba: {  	_ =	sdelay $0x1  }
0x1bb: {  	v3 =	vmul.f32 v5, v3  }
0x1bc: {  	[tilespmem:s2+$0x0] =	vst v8;
	v4 =	vmul.f32 v7, v4  }
0x1bd: {  	[tilespmem:s2+$0x10] =	vst v3;
	v2 =	vmul.f32 v2, v6  }
0x1be: {  	[tilespmem:s2+$0x20] =	vst v4  }
0x1bf: {  	[tilespmem:s2+$0xFFFFFFC0] =	vst v2  }
0x1c0: {  	[spmem:s3] =	stream.indirect.scatter.add.f32 [tilespmem:s26], [sflag:$0xA], $0x1, s30, s18, $0xb8;
	[tilespmem:$0x17700] =	vst v63  }
0x1c1: {  	_ =	swait.ge [sflag:s15], $0x3200  }
0x1c2: {  	[sflag:s15] =	ssyncset.done $0x0  }
0x1c3: {  	[sflag:s15] =	ssyncadd.s32 $0xFFFFCE00  }
0x1c4: {  	_ =	swait.ge [sflag:s16], $0x1900  }
0x1c5: {  	[sflag:s16] =	ssyncset.done $0x0  }
0x1c6: {  	s6 =	simm.s32 $0x80;
	[sflag:s16] =	ssyncadd.s32 $0xFFFFE700  }
0x1c7: {  	v2 =	vld [tilespmem:s6+$0xFFFFFFF0]  }
0x1c8: {  	v3 =	vld [tilespmem:s6+$0xFFFFFF90]  }
0x1c9: {  	v4 =	vld [tilespmem:s6+$0xFFFFFFA0]  }
0x1ca: {  	v5 =	vld [tilespmem:s6+$0xFFFFFFB0]  }
0x1cb: {  	s2 =	simm.s32 $0x6440;
	v6 =	vld [tilespmem:s6+$0xFFFFFFC0]  }
0x1cc: {  	v7 =	vld [tilespmem:s6+$0xFFFFFFD0];
	[tilespmem:s2+$0x30] =	vst v2  }
0x1cd: {  	v8 =	vld [tilespmem:s6+$0xFFFFFF80];
	[tilespmem:s2+$0xFFFFFFD0] =	vst v3  }
0x1ce: {  	[tilespmem:s2+$0xFFFFFFE0] =	vst v4;
	v3 =	vld [tilespmem:s6+$0x70]  }
0x1cf: {  	v4 =	vld [tilespmem:s6+$0xFFFFFFE0];
	[tilespmem:s2+$0xFFFFFFF0] =	vst v5  }
0x1d0: {  	[tilespmem:s2+$0x0] =	vst v6;
	v9 =	vld [tilespmem:s6+$0x10]  }
0x1d1: {  	[tilespmem:s2+$0x10] =	vst v7;
	v6 =	vld [tilespmem:s6+$0x20]  }
0x1d2: {  	s4 =	simm.s32 $0x9640;
	[tilespmem:s2+$0xFFFFFFC0] =	vst v8;
	v2 =	vld [tilespmem:s6+$0x30]  }
0x1d3: {  	[tilespmem:s4+$0x30] =	vst v3;
	v3 =	vld [tilespmem:s6+$0x40]  }
0x1d4: {  	v5 =	vld [tilespmem:s6+$0x50];
	[tilespmem:s2+$0x20] =	vst v4  }
0x1d5: {  	v4 =	vld [tilespmem:s6+$0x0];
	[tilespmem:s4+$0xFFFFFFD0] =	vst v9  }
0x1d6: {  	s5 =	simm.s32 $0x0;
	[tilespmem:s4+$0xFFFFFFE0] =	vst v6;
	v6 =	vld [tilespmem:s6+$0x60];
	s6 =	simm.s32 $0x180  }
.LBB2_20:
0x1d7: {  	v7 =	vld [tilespmem:s6+$0xFFFFFFF0];
	s5 =	sadd.s32 $0x80, s5;
	[tilespmem:s4+$0xFFFFFFF0] =	vst v2  }
0x1d8: {  	v2 =	vld [tilespmem:s6+$0xFFFFFF90];
	p0 =	slt.u32 s5, $0x1880;
	[tilespmem:s4+$0x0] =	vst v3  }
0x1d9: {  	v3 =	vld [tilespmem:s6+$0xFFFFFFA0];
	[tilespmem:s4+$0x10] =	vst v5  }
0x1da: {  	v5 =	vld [tilespmem:s6+$0xFFFFFFB0];
	[tilespmem:s4+$0xFFFFFFC0] =	vst v4  }
0x1db: {  	s2 =	sadd.s32 $0x80, s2;
	v4 =	vld [tilespmem:s6+$0xFFFFFFC0];
	[tilespmem:s4+$0x20] =	vst v6  }
0x1dc: {  	v6 =	vld [tilespmem:s6+$0xFFFFFFD0];
	[tilespmem:s2+$0x30] =	vst v7  }
0x1dd: {  	[tilespmem:s2+$0xFFFFFFD0] =	vst v2;
	v7 =	vld [tilespmem:s6+$0x70]  }
0x1de: {  	[tilespmem:s2+$0xFFFFFFE0] =	vst v3;
	v8 =	vld [tilespmem:s6+$0xFFFFFFE0]  }
0x1df: {  	v9 =	vld [tilespmem:s6+$0xFFFFFF80];
	[tilespmem:s2+$0xFFFFFFF0] =	vst v5  }
0x1e0: {  	v10 =	vld [tilespmem:s6+$0x10];
	[tilespmem:s2+$0x0] =	vst v4  }
0x1e1: {  	s4 =	sadd.s32 $0x80, s4;
	v11 =	vld [tilespmem:s6+$0x20];
	[tilespmem:s2+$0x10] =	vst v6  }
.Ltmp9:
0x1e2: {  	v2 =	vld [tilespmem:s6+$0x30];
	[tilespmem:s4+$0x30] =	vst v7;
	(pc) =	sbr.rel @p0 .LBB2_20-.Ltmp9, $4  }
0x1e3: {  	v3 =	vld [tilespmem:s6+$0x40];
	[tilespmem:s2+$0x20] =	vst v8  }
0x1e4: {  	[tilespmem:s2+$0xFFFFFFC0] =	vst v9;
	v5 =	vld [tilespmem:s6+$0x50]  }
0x1e5: {  	v4 =	vld [tilespmem:s6+$0x0];
	[tilespmem:s4+$0xFFFFFFD0] =	vst v10  }
0x1e6: {  	[tilespmem:s4+$0xFFFFFFE0] =	vst v11;
	v6 =	vld [tilespmem:s6+$0x60];
	s6 =	sadd.s32 $0x100, s6  }
0x1e7: {  	[tilespmem:s4+$0xFFFFFFF0] =	vst v2  }
0x1e8: {  	[tilespmem:s4+$0x0] =	vst v3  }
0x1e9: {  	[tilespmem:s4+$0x10] =	vst v5  }
0x1ea: {  	[tilespmem:s4+$0xFFFFFFC0] =	vst v4  }
0x1eb: {  	[tilespmem:s4+$0x20] =	vst v6  }
0x1ec: {  	[tilespmem:s20], [sflag:$0x7] =	stream.indirect.gather [spmem:s1], $0x1, s19, s18, $0xb8;
	[tilespmem:$0x17700] =	vst v63  }
0x1ed: {  	_ =	swait.ge [sflag:s31], $0x1900  }
0x1ee: {  	[sflag:s31] =	ssyncset.done $0x0  }
0x1ef: {  	s2 =	rddreg [dreg:$0xc];
	[sflag:s31] =	ssyncadd.s32 $0xFFFFE700  }
0x1f0: {  	[tilespmem:s11], [sflag:$0x2] =	stream.linear.gather [hbm4b:s2+s17], $0x3200, $0x38;
	[tilespmem:$0x17700] =	vst v63  }
0x1f1: {  	s6 =	rddreg [dreg:$0x1c]  }
0x1f2: {  	[tilespmem:s12], [sflag:$0x6] =	stream.linear.gather [hbm4b:s6+s17], $0x1900, $0x38;
	[tilespmem:$0x17700] =	vst v63  }
0x1f3: {  	_ =	swait.ge [sflag:s21], $0x1900  }
0x1f4: {  	[sflag:s21] =	ssyncset.done $0x0  }
0x1f5: {  	s2 =	simm.s32 $0xFA40;
	[sflag:s21] =	ssyncadd.s32 $0xFFFFE700  }
0x1f6: {  	s4 =	simm.s32 $0xC840;
	v3 =	vld [tilespmem:s2+$0x30]  }
0x1f7: {  	v4 =	vld [tilespmem:s4+$0x30]  }
0x1f8: {  	v2 =	vld [tilespmem:s4+$0xFFFFFFC0]  }
0x1f9: {  	v5 =	vld [tilespmem:s2+$0xFFFFFFD0]  }
0x1fa: {  	v6 =	vld [tilespmem:s4+$0xFFFFFFD0]  }
0x1fb: {  	v7 =	vld [tilespmem:s2+$0xFFFFFFE0]  }
0x1fc: {  	v8 =	vld [tilespmem:s4+$0xFFFFFFE0]  }
0x1fd: {  	v9 =	vld [tilespmem:s2+$0xFFFFFFF0]  }
0x1fe: {  	v10 =	vld [tilespmem:s4+$0xFFFFFFF0]  }
0x1ff: {  	v11 =	vld [tilespmem:s2+$0x0]  }
0x200: {  	v12 =	vld [tilespmem:s4+$0x0];
	v4 =	vmul.f32 v4, v3  }
0x201: {  	v6 =	vmul.f32 v6, v5;
	v3 =	vld [tilespmem:s2+$0x10]  }
0x202: {  	v7 =	vmul.f32 v8, v7;
	v5 =	vld [tilespmem:s4+$0x10];
	[tilespmem:s2+$0x30] =	vst v4  }
0x203: {  	v8 =	vmul.f32 v10, v9;
	[tilespmem:s2+$0xFFFFFFD0] =	vst v6;
	v4 =	vld [tilespmem:s2+$0x20]  }
0x204: {  	[tilespmem:s2+$0xFFFFFFE0] =	vst v7;
	v7 =	vld [tilespmem:s4+$0x20]  }
0x205: {  	s5 =	simm.s32 $0x0;
	s6 =	simm.s32 $0xFAC0;
	v6 =	vld [tilespmem:s2+$0xFFFFFFC0];
	[tilespmem:s2+$0xFFFFFFF0] =	vst v8;
	v8 =	vmul.f32 v12, v11  }
.LBB2_22:
0x206: {  	v9 =	vld [tilespmem:s6+$0x30];
	s4 =	sadd.s32 $0x80, s4  }
0x207: {  	s5 =	sadd.s32 $0x80, s5;
	v10 =	vld [tilespmem:s4+$0x30];
	[tilespmem:s2+$0x0] =	vst v8;
	v3 =	vmul.f32 v5, v3  }
0x208: {  	p0 =	slt.u32 s5, $0x1880;
	v5 =	vld [tilespmem:s4+$0xFFFFFFC0]  }
0x209: {  	v8 =	vld [tilespmem:s6+$0xFFFFFFD0];
	[tilespmem:s2+$0x10] =	vst v3;
	v3 =	vmul.f32 v7, v4  }
0x20a: {  	v4 =	vld [tilespmem:s4+$0xFFFFFFD0];
	v11 =	vmul.f32 v2, v6  }
0x20b: {  	v6 =	vld [tilespmem:s6+$0xFFFFFFE0];
	[tilespmem:s2+$0x20] =	vst v3  }
0x20c: {  	v3 =	vld [tilespmem:s4+$0xFFFFFFE0];
	v7 =	vmul.f32 v10, v9;
	[tilespmem:s2+$0xFFFFFFC0] =	vst v11;
	s2 =	smov.u32 s6  }
0x20d: {  	v9 =	vld [tilespmem:s6+$0xFFFFFFF0];
	v2 =	vmov v5  }
0x20e: {  	v10 =	vld [tilespmem:s4+$0xFFFFFFF0];
	[tilespmem:s6+$0x30] =	vst v7  }
0x20f: {  	v4 =	vmul.f32 v4, v8;
	v8 =	vld [tilespmem:s6+$0x0]  }
0x210: {  	v11 =	vld [tilespmem:s4+$0x0]  }
.Ltmp10:
0x211: {  	[tilespmem:s6+$0xFFFFFFD0] =	vst v4;
	v4 =	vmul.f32 v3, v6;
	v3 =	vld [tilespmem:s6+$0x10];
	(pc) =	sbr.rel @p0 .LBB2_22-.Ltmp10, $4  }
0x212: {  	v5 =	vld [tilespmem:s4+$0x10]  }
0x213: {  	[tilespmem:s6+$0xFFFFFFE0] =	vst v4;
	v9 =	vmul.f32 v10, v9;
	v4 =	vld [tilespmem:s6+$0x20]  }
0x214: {  	v7 =	vld [tilespmem:s4+$0x20]  }
0x215: {  	s6 =	sadd.s32 $0x80, s6;
	v6 =	vld [tilespmem:s2+$0xFFFFFFC0];
	[tilespmem:s2+$0xFFFFFFF0] =	vst v9;
	v8 =	vmul.f32 v11, v8  }
0x216: {  	_ =	sdelay $0x1  }
0x217: {  	v3 =	vmul.f32 v5, v3  }
0x218: {  	[tilespmem:s2+$0x0] =	vst v8;
	v4 =	vmul.f32 v7, v4  }
0x219: {  	[tilespmem:s2+$0x10] =	vst v3;
	v2 =	vmul.f32 v2, v6  }
0x21a: {  	[tilespmem:s2+$0x20] =	vst v4  }
0x21b: {  	[tilespmem:s2+$0xFFFFFFC0] =	vst v2  }
0x21c: {  	[spmem:s3] =	stream.indirect.scatter.add.f32 [tilespmem:s20], [sflag:$0x9], $0x1, s22, s18, $0xb8;
	[tilespmem:$0x17700] =	vst v63  }
0x21d: {  	_ =	swait.ge [sflag:s23], $0x3200  }
0x21e: {  	[sflag:s23] =	ssyncset.done $0x0  }
0x21f: {  	[sflag:s23] =	ssyncadd.s32 $0xFFFFCE00  }
0x220: {  	_ =	swait.ge [sflag:s24], $0x1900  }
0x221: {  	[sflag:s24] =	ssyncset.done $0x0  }
0x222: {  	s6 =	simm.s32 $0x3280;
	[sflag:s24] =	ssyncadd.s32 $0xFFFFE700  }
0x223: {  	v2 =	vld [tilespmem:s6+$0xFFFFFFF0]  }
0x224: {  	v3 =	vld [tilespmem:s6+$0xFFFFFF90]  }
0x225: {  	v4 =	vld [tilespmem:s6+$0xFFFFFFA0]  }
0x226: {  	v5 =	vld [tilespmem:s6+$0xFFFFFFB0]  }
0x227: {  	s2 =	simm.s32 $0x7D40;
	v6 =	vld [tilespmem:s6+$0xFFFFFFC0]  }
0x228: {  	v7 =	vld [tilespmem:s6+$0xFFFFFFD0];
	[tilespmem:s2+$0x30] =	vst v2  }
0x229: {  	v8 =	vld [tilespmem:s6+$0xFFFFFF80];
	[tilespmem:s2+$0xFFFFFFD0] =	vst v3  }
0x22a: {  	[tilespmem:s2+$0xFFFFFFE0] =	vst v4;
	v3 =	vld [tilespmem:s6+$0x70]  }
0x22b: {  	v4 =	vld [tilespmem:s6+$0xFFFFFFE0];
	[tilespmem:s2+$0xFFFFFFF0] =	vst v5  }
0x22c: {  	[tilespmem:s2+$0x0] =	vst v6;
	v9 =	vld [tilespmem:s6+$0x10]  }
0x22d: {  	[tilespmem:s2+$0x10] =	vst v7;
	v6 =	vld [tilespmem:s6+$0x20]  }
0x22e: {  	s4 =	simm.s32 $0xAF40;
	[tilespmem:s2+$0xFFFFFFC0] =	vst v8;
	v2 =	vld [tilespmem:s6+$0x30]  }
0x22f: {  	[tilespmem:s4+$0x30] =	vst v3;
	v3 =	vld [tilespmem:s6+$0x40]  }
0x230: {  	v5 =	vld [tilespmem:s6+$0x50];
	[tilespmem:s2+$0x20] =	vst v4  }
0x231: {  	v4 =	vld [tilespmem:s6+$0x0];
	[tilespmem:s4+$0xFFFFFFD0] =	vst v9  }
0x232: {  	s5 =	simm.s32 $0x0;
	[tilespmem:s4+$0xFFFFFFE0] =	vst v6;
	v6 =	vld [tilespmem:s6+$0x60];
	s6 =	simm.s32 $0x3380  }
.LBB2_24:
0x233: {  	v7 =	vld [tilespmem:s6+$0xFFFFFFF0];
	s5 =	sadd.s32 $0x80, s5;
	[tilespmem:s4+$0xFFFFFFF0] =	vst v2  }
0x234: {  	v2 =	vld [tilespmem:s6+$0xFFFFFF90];
	p0 =	slt.u32 s5, $0x1880;
	[tilespmem:s4+$0x0] =	vst v3  }
0x235: {  	v3 =	vld [tilespmem:s6+$0xFFFFFFA0];
	[tilespmem:s4+$0x10] =	vst v5  }
0x236: {  	v5 =	vld [tilespmem:s6+$0xFFFFFFB0];
	[tilespmem:s4+$0xFFFFFFC0] =	vst v4  }
0x237: {  	s2 =	sadd.s32 $0x80, s2;
	v4 =	vld [tilespmem:s6+$0xFFFFFFC0];
	[tilespmem:s4+$0x20] =	vst v6  }
0x238: {  	v6 =	vld [tilespmem:s6+$0xFFFFFFD0];
	[tilespmem:s2+$0x30] =	vst v7  }
0x239: {  	[tilespmem:s2+$0xFFFFFFD0] =	vst v2;
	v7 =	vld [tilespmem:s6+$0x70]  }
0x23a: {  	[tilespmem:s2+$0xFFFFFFE0] =	vst v3;
	v8 =	vld [tilespmem:s6+$0xFFFFFFE0]  }
0x23b: {  	v9 =	vld [tilespmem:s6+$0xFFFFFF80];
	[tilespmem:s2+$0xFFFFFFF0] =	vst v5  }
0x23c: {  	v10 =	vld [tilespmem:s6+$0x10];
	[tilespmem:s2+$0x0] =	vst v4  }
0x23d: {  	s4 =	sadd.s32 $0x80, s4;
	v11 =	vld [tilespmem:s6+$0x20];
	[tilespmem:s2+$0x10] =	vst v6  }
.Ltmp11:
0x23e: {  	v2 =	vld [tilespmem:s6+$0x30];
	[tilespmem:s4+$0x30] =	vst v7;
	(pc) =	sbr.rel @p0 .LBB2_24-.Ltmp11, $4  }
0x23f: {  	v3 =	vld [tilespmem:s6+$0x40];
	[tilespmem:s2+$0x20] =	vst v8  }
0x240: {  	[tilespmem:s2+$0xFFFFFFC0] =	vst v9;
	v5 =	vld [tilespmem:s6+$0x50]  }
0x241: {  	v4 =	vld [tilespmem:s6+$0x0];
	[tilespmem:s4+$0xFFFFFFD0] =	vst v10  }
0x242: {  	[tilespmem:s4+$0xFFFFFFE0] =	vst v11;
	v6 =	vld [tilespmem:s6+$0x60];
	s6 =	sadd.s32 $0x100, s6  }
0x243: {  	[tilespmem:s4+$0xFFFFFFF0] =	vst v2  }
0x244: {  	[tilespmem:s4+$0x0] =	vst v3  }
0x245: {  	[tilespmem:s4+$0x10] =	vst v5  }
0x246: {  	[tilespmem:s4+$0xFFFFFFC0] =	vst v4  }
0x247: {  	[tilespmem:s4+$0x20] =	vst v6  }
0x248: {  	[tilespmem:s26], [sflag:$0x8] =	stream.indirect.gather [spmem:s1], $0x1, s25, s18, $0xb8;
	[tilespmem:$0x17700] =	vst v63  }
0x249: {  	_ =	swait.ge [sflag:s28], $0x1900  }
0x24a: {  	[sflag:s28] =	ssyncset.done $0x0  }
0x24b: {  	s2 =	rddreg [dreg:$0xd];
	[sflag:s28] =	ssyncadd.s32 $0xFFFFE700  }
0x24c: {  	[tilespmem:s17], [sflag:$0x1] =	stream.linear.gather [hbm4b:s2+s17], $0x3200, $0x38;
	[tilespmem:$0x17700] =	vst v63  }
0x24d: {  	s6 =	rddreg [dreg:$0x1d]  }
0x24e: {  	[tilespmem:s10], [sflag:$0x5] =	stream.linear.gather [hbm4b:s6+s17], $0x1900, $0x38;
	[tilespmem:$0x17700] =	vst v63  }
0x24f: {  	_ =	swait.ge [sflag:s29], $0x1900  }
0x250: {  	[sflag:s29] =	ssyncset.done $0x0  }
0x251: {  	s2 =	simm.s32 $0x11340;
	[sflag:s29] =	ssyncadd.s32 $0xFFFFE700  }
0x252: {  	s4 =	simm.s32 $0xE140;
	v3 =	vld [tilespmem:s2+$0x30]  }
0x253: {  	v4 =	vld [tilespmem:s4+$0x30]  }
0x254: {  	v2 =	vld [tilespmem:s4+$0xFFFFFFC0]  }
0x255: {  	v5 =	vld [tilespmem:s2+$0xFFFFFFD0]  }
0x256: {  	v6 =	vld [tilespmem:s4+$0xFFFFFFD0]  }
0x257: {  	v7 =	vld [tilespmem:s2+$0xFFFFFFE0]  }
0x258: {  	v8 =	vld [tilespmem:s4+$0xFFFFFFE0]  }
0x259: {  	v9 =	vld [tilespmem:s2+$0xFFFFFFF0]  }
0x25a: {  	v10 =	vld [tilespmem:s4+$0xFFFFFFF0]  }
0x25b: {  	v11 =	vld [tilespmem:s2+$0x0]  }
0x25c: {  	v12 =	vld [tilespmem:s4+$0x0];
	v4 =	vmul.f32 v4, v3  }
0x25d: {  	v6 =	vmul.f32 v6, v5;
	v3 =	vld [tilespmem:s2+$0x10]  }
0x25e: {  	v7 =	vmul.f32 v8, v7;
	v5 =	vld [tilespmem:s4+$0x10];
	[tilespmem:s2+$0x30] =	vst v4  }
0x25f: {  	v8 =	vmul.f32 v10, v9;
	[tilespmem:s2+$0xFFFFFFD0] =	vst v6;
	v4 =	vld [tilespmem:s2+$0x20]  }
0x260: {  	[tilespmem:s2+$0xFFFFFFE0] =	vst v7;
	v7 =	vld [tilespmem:s4+$0x20]  }
0x261: {  	s5 =	simm.s32 $0x0;
	s6 =	simm.s32 $0x113C0;
	v6 =	vld [tilespmem:s2+$0xFFFFFFC0];
	[tilespmem:s2+$0xFFFFFFF0] =	vst v8;
	v8 =	vmul.f32 v12, v11  }
.LBB2_26:
0x262: {  	v9 =	vld [tilespmem:s6+$0x30];
	s4 =	sadd.s32 $0x80, s4  }
0x263: {  	s5 =	sadd.s32 $0x80, s5;
	v10 =	vld [tilespmem:s4+$0x30];
	[tilespmem:s2+$0x0] =	vst v8;
	v3 =	vmul.f32 v5, v3  }
0x264: {  	p0 =	slt.u32 s5, $0x1880;
	v5 =	vld [tilespmem:s4+$0xFFFFFFC0]  }
0x265: {  	v8 =	vld [tilespmem:s6+$0xFFFFFFD0];
	[tilespmem:s2+$0x10] =	vst v3;
	v3 =	vmul.f32 v7, v4  }
0x266: {  	v4 =	vld [tilespmem:s4+$0xFFFFFFD0];
	v11 =	vmul.f32 v2, v6  }
0x267: {  	v6 =	vld [tilespmem:s6+$0xFFFFFFE0];
	[tilespmem:s2+$0x20] =	vst v3  }
0x268: {  	v3 =	vld [tilespmem:s4+$0xFFFFFFE0];
	v7 =	vmul.f32 v10, v9;
	[tilespmem:s2+$0xFFFFFFC0] =	vst v11;
	s2 =	smov.u32 s6  }
0x269: {  	v9 =	vld [tilespmem:s6+$0xFFFFFFF0];
	v2 =	vmov v5  }
0x26a: {  	v10 =	vld [tilespmem:s4+$0xFFFFFFF0];
	[tilespmem:s6+$0x30] =	vst v7  }
0x26b: {  	v4 =	vmul.f32 v4, v8;
	v8 =	vld [tilespmem:s6+$0x0]  }
0x26c: {  	v11 =	vld [tilespmem:s4+$0x0]  }
.Ltmp12:
0x26d: {  	[tilespmem:s6+$0xFFFFFFD0] =	vst v4;
	v4 =	vmul.f32 v3, v6;
	v3 =	vld [tilespmem:s6+$0x10];
	(pc) =	sbr.rel @p0 .LBB2_26-.Ltmp12, $4  }
0x26e: {  	v5 =	vld [tilespmem:s4+$0x10]  }
0x26f: {  	[tilespmem:s6+$0xFFFFFFE0] =	vst v4;
	v9 =	vmul.f32 v10, v9;
	v4 =	vld [tilespmem:s6+$0x20]  }
0x270: {  	v7 =	vld [tilespmem:s4+$0x20]  }
0x271: {  	s6 =	sadd.s32 $0x80, s6;
	v6 =	vld [tilespmem:s2+$0xFFFFFFC0];
	[tilespmem:s2+$0xFFFFFFF0] =	vst v9;
	v8 =	vmul.f32 v11, v8  }
0x272: {  	_ =	sdelay $0x1  }
0x273: {  	v3 =	vmul.f32 v5, v3  }
0x274: {  	[tilespmem:s2+$0x0] =	vst v8;
	v4 =	vmul.f32 v7, v4  }
0x275: {  	[tilespmem:s2+$0x10] =	vst v3;
	v2 =	vmul.f32 v2, v6  }
0x276: {  	[tilespmem:s2+$0x20] =	vst v4  }
0x277: {  	[tilespmem:s2+$0xFFFFFFC0] =	vst v2  }
0x278: {  	[spmem:s3] =	stream.indirect.scatter.add.f32 [tilespmem:s26], [sflag:$0xA], $0x1, s30, s18, $0xb8;
	[tilespmem:$0x17700] =	vst v63  }
0x279: {  	_ =	swait.ge [sflag:s15], $0x3200  }
0x27a: {  	[sflag:s15] =	ssyncset.done $0x0  }
0x27b: {  	[sflag:s15] =	ssyncadd.s32 $0xFFFFCE00  }
0x27c: {  	_ =	swait.ge [sflag:s16], $0x1900  }
0x27d: {  	[sflag:s16] =	ssyncset.done $0x0  }
0x27e: {  	s6 =	simm.s32 $0x80;
	[sflag:s16] =	ssyncadd.s32 $0xFFFFE700  }
0x27f: {  	v2 =	vld [tilespmem:s6+$0xFFFFFFF0]  }
0x280: {  	v3 =	vld [tilespmem:s6+$0xFFFFFF90]  }
0x281: {  	v4 =	vld [tilespmem:s6+$0xFFFFFFA0]  }
0x282: {  	v5 =	vld [tilespmem:s6+$0xFFFFFFB0]  }
0x283: {  	s2 =	simm.s32 $0x6440;
	v6 =	vld [tilespmem:s6+$0xFFFFFFC0]  }
0x284: {  	v7 =	vld [tilespmem:s6+$0xFFFFFFD0];
	[tilespmem:s2+$0x30] =	vst v2  }
0x285: {  	v8 =	vld [tilespmem:s6+$0xFFFFFF80];
	[tilespmem:s2+$0xFFFFFFD0] =	vst v3  }
0x286: {  	[tilespmem:s2+$0xFFFFFFE0] =	vst v4;
	v3 =	vld [tilespmem:s6+$0x70]  }
0x287: {  	v4 =	vld [tilespmem:s6+$0xFFFFFFE0];
	[tilespmem:s2+$0xFFFFFFF0] =	vst v5  }
0x288: {  	[tilespmem:s2+$0x0] =	vst v6;
	v9 =	vld [tilespmem:s6+$0x10]  }
0x289: {  	[tilespmem:s2+$0x10] =	vst v7;
	v6 =	vld [tilespmem:s6+$0x20]  }
0x28a: {  	s4 =	simm.s32 $0x9640;
	[tilespmem:s2+$0xFFFFFFC0] =	vst v8;
	v2 =	vld [tilespmem:s6+$0x30]  }
0x28b: {  	[tilespmem:s4+$0x30] =	vst v3;
	v3 =	vld [tilespmem:s6+$0x40]  }
0x28c: {  	v5 =	vld [tilespmem:s6+$0x50];
	[tilespmem:s2+$0x20] =	vst v4  }
0x28d: {  	v4 =	vld [tilespmem:s6+$0x0];
	[tilespmem:s4+$0xFFFFFFD0] =	vst v9  }
0x28e: {  	s5 =	simm.s32 $0x0;
	[tilespmem:s4+$0xFFFFFFE0] =	vst v6;
	v6 =	vld [tilespmem:s6+$0x60];
	s6 =	simm.s32 $0x180  }
.LBB2_28:
0x28f: {  	v7 =	vld [tilespmem:s6+$0xFFFFFFF0];
	s5 =	sadd.s32 $0x80, s5;
	[tilespmem:s4+$0xFFFFFFF0] =	vst v2  }
0x290: {  	v2 =	vld [tilespmem:s6+$0xFFFFFF90];
	p0 =	slt.u32 s5, $0x1880;
	[tilespmem:s4+$0x0] =	vst v3  }
0x291: {  	v3 =	vld [tilespmem:s6+$0xFFFFFFA0];
	[tilespmem:s4+$0x10] =	vst v5  }
0x292: {  	v5 =	vld [tilespmem:s6+$0xFFFFFFB0];
	[tilespmem:s4+$0xFFFFFFC0] =	vst v4  }
0x293: {  	s2 =	sadd.s32 $0x80, s2;
	v4 =	vld [tilespmem:s6+$0xFFFFFFC0];
	[tilespmem:s4+$0x20] =	vst v6  }
0x294: {  	v6 =	vld [tilespmem:s6+$0xFFFFFFD0];
	[tilespmem:s2+$0x30] =	vst v7  }
0x295: {  	[tilespmem:s2+$0xFFFFFFD0] =	vst v2;
	v7 =	vld [tilespmem:s6+$0x70]  }
0x296: {  	[tilespmem:s2+$0xFFFFFFE0] =	vst v3;
	v8 =	vld [tilespmem:s6+$0xFFFFFFE0]  }
0x297: {  	v9 =	vld [tilespmem:s6+$0xFFFFFF80];
	[tilespmem:s2+$0xFFFFFFF0] =	vst v5  }
0x298: {  	v10 =	vld [tilespmem:s6+$0x10];
	[tilespmem:s2+$0x0] =	vst v4  }
0x299: {  	s4 =	sadd.s32 $0x80, s4;
	v11 =	vld [tilespmem:s6+$0x20];
	[tilespmem:s2+$0x10] =	vst v6  }
.Ltmp13:
0x29a: {  	v2 =	vld [tilespmem:s6+$0x30];
	[tilespmem:s4+$0x30] =	vst v7;
	(pc) =	sbr.rel @p0 .LBB2_28-.Ltmp13, $4  }
0x29b: {  	v3 =	vld [tilespmem:s6+$0x40];
	[tilespmem:s2+$0x20] =	vst v8  }
0x29c: {  	[tilespmem:s2+$0xFFFFFFC0] =	vst v9;
	v5 =	vld [tilespmem:s6+$0x50]  }
0x29d: {  	v4 =	vld [tilespmem:s6+$0x0];
	[tilespmem:s4+$0xFFFFFFD0] =	vst v10  }
0x29e: {  	[tilespmem:s4+$0xFFFFFFE0] =	vst v11;
	v6 =	vld [tilespmem:s6+$0x60];
	s6 =	sadd.s32 $0x100, s6  }
0x29f: {  	[tilespmem:s4+$0xFFFFFFF0] =	vst v2  }
0x2a0: {  	[tilespmem:s4+$0x0] =	vst v3  }
0x2a1: {  	[tilespmem:s4+$0x10] =	vst v5  }
0x2a2: {  	[tilespmem:s4+$0xFFFFFFC0] =	vst v4  }
0x2a3: {  	[tilespmem:s4+$0x20] =	vst v6  }
0x2a4: {  	[tilespmem:s20], [sflag:$0x7] =	stream.indirect.gather [spmem:s1], $0x1, s19, s18, $0xb8;
	[tilespmem:$0x17700] =	vst v63  }
0x2a5: {  	_ =	swait.ge [sflag:s31], $0x1900  }
0x2a6: {  	[sflag:s31] =	ssyncset.done $0x0  }
0x2a7: {  	s2 =	rddreg [dreg:$0xe];
	[sflag:s31] =	ssyncadd.s32 $0xFFFFE700  }
0x2a8: {  	[tilespmem:s11], [sflag:$0x2] =	stream.linear.gather [hbm4b:s2+s17], $0x3200, $0x38;
	[tilespmem:$0x17700] =	vst v63  }
0x2a9: {  	s6 =	rddreg [dreg:$0x1e]  }
0x2aa: {  	[tilespmem:s12], [sflag:$0x6] =	stream.linear.gather [hbm4b:s6+s17], $0x1900, $0x38;
	[tilespmem:$0x17700] =	vst v63  }
0x2ab: {  	_ =	swait.ge [sflag:s21], $0x1900  }
0x2ac: {  	[sflag:s21] =	ssyncset.done $0x0  }
0x2ad: {  	s2 =	simm.s32 $0xFA40;
	[sflag:s21] =	ssyncadd.s32 $0xFFFFE700  }
0x2ae: {  	s4 =	simm.s32 $0xC840;
	v3 =	vld [tilespmem:s2+$0x30]  }
0x2af: {  	v4 =	vld [tilespmem:s4+$0x30]  }
0x2b0: {  	v2 =	vld [tilespmem:s4+$0xFFFFFFC0]  }
0x2b1: {  	v5 =	vld [tilespmem:s2+$0xFFFFFFD0]  }
0x2b2: {  	v6 =	vld [tilespmem:s4+$0xFFFFFFD0]  }
0x2b3: {  	v7 =	vld [tilespmem:s2+$0xFFFFFFE0]  }
0x2b4: {  	v8 =	vld [tilespmem:s4+$0xFFFFFFE0]  }
0x2b5: {  	v9 =	vld [tilespmem:s2+$0xFFFFFFF0]  }
0x2b6: {  	v10 =	vld [tilespmem:s4+$0xFFFFFFF0]  }
0x2b7: {  	v11 =	vld [tilespmem:s2+$0x0]  }
0x2b8: {  	v12 =	vld [tilespmem:s4+$0x0];
	v4 =	vmul.f32 v4, v3  }
0x2b9: {  	v6 =	vmul.f32 v6, v5;
	v3 =	vld [tilespmem:s2+$0x10]  }
0x2ba: {  	v7 =	vmul.f32 v8, v7;
	v5 =	vld [tilespmem:s4+$0x10];
	[tilespmem:s2+$0x30] =	vst v4  }
0x2bb: {  	v8 =	vmul.f32 v10, v9;
	[tilespmem:s2+$0xFFFFFFD0] =	vst v6;
	v4 =	vld [tilespmem:s2+$0x20]  }
0x2bc: {  	[tilespmem:s2+$0xFFFFFFE0] =	vst v7;
	v7 =	vld [tilespmem:s4+$0x20]  }
0x2bd: {  	s5 =	simm.s32 $0x0;
	s6 =	simm.s32 $0xFAC0;
	v6 =	vld [tilespmem:s2+$0xFFFFFFC0];
	[tilespmem:s2+$0xFFFFFFF0] =	vst v8;
	v8 =	vmul.f32 v12, v11  }
.LBB2_30:
0x2be: {  	v9 =	vld [tilespmem:s6+$0x30];
	s4 =	sadd.s32 $0x80, s4  }
0x2bf: {  	s5 =	sadd.s32 $0x80, s5;
	v10 =	vld [tilespmem:s4+$0x30];
	[tilespmem:s2+$0x0] =	vst v8;
	v3 =	vmul.f32 v5, v3  }
0x2c0: {  	p0 =	slt.u32 s5, $0x1880;
	v5 =	vld [tilespmem:s4+$0xFFFFFFC0]  }
0x2c1: {  	v8 =	vld [tilespmem:s6+$0xFFFFFFD0];
	[tilespmem:s2+$0x10] =	vst v3;
	v3 =	vmul.f32 v7, v4  }
0x2c2: {  	v4 =	vld [tilespmem:s4+$0xFFFFFFD0];
	v11 =	vmul.f32 v2, v6  }
0x2c3: {  	v6 =	vld [tilespmem:s6+$0xFFFFFFE0];
	[tilespmem:s2+$0x20] =	vst v3  }
0x2c4: {  	v3 =	vld [tilespmem:s4+$0xFFFFFFE0];
	v7 =	vmul.f32 v10, v9;
	[tilespmem:s2+$0xFFFFFFC0] =	vst v11;
	s2 =	smov.u32 s6  }
0x2c5: {  	v9 =	vld [tilespmem:s6+$0xFFFFFFF0];
	v2 =	vmov v5  }
0x2c6: {  	v10 =	vld [tilespmem:s4+$0xFFFFFFF0];
	[tilespmem:s6+$0x30] =	vst v7  }
0x2c7: {  	v4 =	vmul.f32 v4, v8;
	v8 =	vld [tilespmem:s6+$0x0]  }
0x2c8: {  	v11 =	vld [tilespmem:s4+$0x0]  }
.Ltmp14:
0x2c9: {  	[tilespmem:s6+$0xFFFFFFD0] =	vst v4;
	v4 =	vmul.f32 v3, v6;
	v3 =	vld [tilespmem:s6+$0x10];
	(pc) =	sbr.rel @p0 .LBB2_30-.Ltmp14, $4  }
0x2ca: {  	v5 =	vld [tilespmem:s4+$0x10]  }
0x2cb: {  	[tilespmem:s6+$0xFFFFFFE0] =	vst v4;
	v9 =	vmul.f32 v10, v9;
	v4 =	vld [tilespmem:s6+$0x20]  }
0x2cc: {  	v7 =	vld [tilespmem:s4+$0x20]  }
0x2cd: {  	s6 =	sadd.s32 $0x80, s6;
	v6 =	vld [tilespmem:s2+$0xFFFFFFC0];
	[tilespmem:s2+$0xFFFFFFF0] =	vst v9;
	v8 =	vmul.f32 v11, v8  }
0x2ce: {  	_ =	sdelay $0x1  }
0x2cf: {  	v3 =	vmul.f32 v5, v3  }
0x2d0: {  	[tilespmem:s2+$0x0] =	vst v8;
	v4 =	vmul.f32 v7, v4  }
0x2d1: {  	[tilespmem:s2+$0x10] =	vst v3;
	v2 =	vmul.f32 v2, v6  }
0x2d2: {  	[tilespmem:s2+$0x20] =	vst v4  }
0x2d3: {  	[tilespmem:s2+$0xFFFFFFC0] =	vst v2  }
0x2d4: {  	[spmem:s3] =	stream.indirect.scatter.add.f32 [tilespmem:s20], [sflag:$0x9], $0x1, s22, s18, $0xb8;
	[tilespmem:$0x17700] =	vst v63  }
0x2d5: {  	_ =	swait.ge [sflag:s23], $0x3200  }
0x2d6: {  	[sflag:s23] =	ssyncset.done $0x0  }
0x2d7: {  	[sflag:s23] =	ssyncadd.s32 $0xFFFFCE00  }
0x2d8: {  	_ =	swait.ge [sflag:s24], $0x1900  }
0x2d9: {  	[sflag:s24] =	ssyncset.done $0x0  }
0x2da: {  	s6 =	simm.s32 $0x3280;
	[sflag:s24] =	ssyncadd.s32 $0xFFFFE700  }
0x2db: {  	v2 =	vld [tilespmem:s6+$0xFFFFFFF0]  }
0x2dc: {  	v3 =	vld [tilespmem:s6+$0xFFFFFF90]  }
0x2dd: {  	v4 =	vld [tilespmem:s6+$0xFFFFFFA0]  }
0x2de: {  	v5 =	vld [tilespmem:s6+$0xFFFFFFB0]  }
0x2df: {  	s2 =	simm.s32 $0x7D40;
	v6 =	vld [tilespmem:s6+$0xFFFFFFC0]  }
0x2e0: {  	v7 =	vld [tilespmem:s6+$0xFFFFFFD0];
	[tilespmem:s2+$0x30] =	vst v2  }
0x2e1: {  	v8 =	vld [tilespmem:s6+$0xFFFFFF80];
	[tilespmem:s2+$0xFFFFFFD0] =	vst v3  }
0x2e2: {  	[tilespmem:s2+$0xFFFFFFE0] =	vst v4;
	v3 =	vld [tilespmem:s6+$0x70]  }
0x2e3: {  	v4 =	vld [tilespmem:s6+$0xFFFFFFE0];
	[tilespmem:s2+$0xFFFFFFF0] =	vst v5  }
0x2e4: {  	[tilespmem:s2+$0x0] =	vst v6;
	v9 =	vld [tilespmem:s6+$0x10]  }
0x2e5: {  	[tilespmem:s2+$0x10] =	vst v7;
	v6 =	vld [tilespmem:s6+$0x20]  }
0x2e6: {  	s4 =	simm.s32 $0xAF40;
	[tilespmem:s2+$0xFFFFFFC0] =	vst v8;
	v2 =	vld [tilespmem:s6+$0x30]  }
0x2e7: {  	[tilespmem:s4+$0x30] =	vst v3;
	v3 =	vld [tilespmem:s6+$0x40]  }
0x2e8: {  	v5 =	vld [tilespmem:s6+$0x50];
	[tilespmem:s2+$0x20] =	vst v4  }
0x2e9: {  	v4 =	vld [tilespmem:s6+$0x0];
	[tilespmem:s4+$0xFFFFFFD0] =	vst v9  }
0x2ea: {  	s5 =	simm.s32 $0x0;
	[tilespmem:s4+$0xFFFFFFE0] =	vst v6;
	v6 =	vld [tilespmem:s6+$0x60];
	s6 =	simm.s32 $0x3380  }
.LBB2_32:
0x2eb: {  	v7 =	vld [tilespmem:s6+$0xFFFFFFF0];
	s5 =	sadd.s32 $0x80, s5;
	[tilespmem:s4+$0xFFFFFFF0] =	vst v2  }
0x2ec: {  	v2 =	vld [tilespmem:s6+$0xFFFFFF90];
	p0 =	slt.u32 s5, $0x1880;
	[tilespmem:s4+$0x0] =	vst v3  }
0x2ed: {  	v3 =	vld [tilespmem:s6+$0xFFFFFFA0];
	[tilespmem:s4+$0x10] =	vst v5  }
0x2ee: {  	v5 =	vld [tilespmem:s6+$0xFFFFFFB0];
	[tilespmem:s4+$0xFFFFFFC0] =	vst v4  }
0x2ef: {  	s2 =	sadd.s32 $0x80, s2;
	v4 =	vld [tilespmem:s6+$0xFFFFFFC0];
	[tilespmem:s4+$0x20] =	vst v6  }
0x2f0: {  	v6 =	vld [tilespmem:s6+$0xFFFFFFD0];
	[tilespmem:s2+$0x30] =	vst v7  }
0x2f1: {  	[tilespmem:s2+$0xFFFFFFD0] =	vst v2;
	v7 =	vld [tilespmem:s6+$0x70]  }
0x2f2: {  	[tilespmem:s2+$0xFFFFFFE0] =	vst v3;
	v8 =	vld [tilespmem:s6+$0xFFFFFFE0]  }
0x2f3: {  	v9 =	vld [tilespmem:s6+$0xFFFFFF80];
	[tilespmem:s2+$0xFFFFFFF0] =	vst v5  }
0x2f4: {  	v10 =	vld [tilespmem:s6+$0x10];
	[tilespmem:s2+$0x0] =	vst v4  }
0x2f5: {  	s4 =	sadd.s32 $0x80, s4;
	v11 =	vld [tilespmem:s6+$0x20];
	[tilespmem:s2+$0x10] =	vst v6  }
.Ltmp15:
0x2f6: {  	v2 =	vld [tilespmem:s6+$0x30];
	[tilespmem:s4+$0x30] =	vst v7;
	(pc) =	sbr.rel @p0 .LBB2_32-.Ltmp15, $4  }
0x2f7: {  	v3 =	vld [tilespmem:s6+$0x40];
	[tilespmem:s2+$0x20] =	vst v8  }
0x2f8: {  	[tilespmem:s2+$0xFFFFFFC0] =	vst v9;
	v5 =	vld [tilespmem:s6+$0x50]  }
0x2f9: {  	v4 =	vld [tilespmem:s6+$0x0];
	[tilespmem:s4+$0xFFFFFFD0] =	vst v10  }
0x2fa: {  	[tilespmem:s4+$0xFFFFFFE0] =	vst v11;
	v6 =	vld [tilespmem:s6+$0x60];
	s6 =	sadd.s32 $0x100, s6  }
0x2fb: {  	[tilespmem:s4+$0xFFFFFFF0] =	vst v2  }
0x2fc: {  	[tilespmem:s4+$0x0] =	vst v3  }
0x2fd: {  	[tilespmem:s4+$0x10] =	vst v5  }
0x2fe: {  	[tilespmem:s4+$0xFFFFFFC0] =	vst v4  }
0x2ff: {  	[tilespmem:s4+$0x20] =	vst v6  }
0x300: {  	[tilespmem:s26], [sflag:$0x8] =	stream.indirect.gather [spmem:s1], $0x1, s25, s18, $0xb8;
	[tilespmem:$0x17700] =	vst v63  }
0x301: {  	_ =	swait.ge [sflag:s28], $0x1900  }
0x302: {  	[sflag:s28] =	ssyncset.done $0x0  }
0x303: {  	s2 =	rddreg [dreg:$0xf];
	[sflag:s28] =	ssyncadd.s32 $0xFFFFE700  }
0x304: {  	[tilespmem:s17], [sflag:$0x1] =	stream.linear.gather [hbm4b:s2+s17], $0x3200, $0x38;
	[tilespmem:$0x17700] =	vst v63  }
0x305: {  	s6 =	rddreg [dreg:$0x1f]  }
0x306: {  	[tilespmem:s10], [sflag:$0x5] =	stream.linear.gather [hbm4b:s6+s17], $0x1900, $0x38;
	[tilespmem:$0x17700] =	vst v63  }
0x307: {  	_ =	swait.ge [sflag:s29], $0x1900  }
0x308: {  	[sflag:s29] =	ssyncset.done $0x0  }
0x309: {  	s2 =	simm.s32 $0x11340;
	[sflag:s29] =	ssyncadd.s32 $0xFFFFE700  }
0x30a: {  	s4 =	simm.s32 $0xE140;
	v3 =	vld [tilespmem:s2+$0x30]  }
0x30b: {  	v4 =	vld [tilespmem:s4+$0x30]  }
0x30c: {  	v2 =	vld [tilespmem:s4+$0xFFFFFFC0]  }
0x30d: {  	v5 =	vld [tilespmem:s2+$0xFFFFFFD0]  }
0x30e: {  	v6 =	vld [tilespmem:s4+$0xFFFFFFD0]  }
0x30f: {  	v7 =	vld [tilespmem:s2+$0xFFFFFFE0]  }
0x310: {  	v8 =	vld [tilespmem:s4+$0xFFFFFFE0]  }
0x311: {  	v9 =	vld [tilespmem:s2+$0xFFFFFFF0]  }
0x312: {  	v10 =	vld [tilespmem:s4+$0xFFFFFFF0]  }
0x313: {  	v11 =	vld [tilespmem:s2+$0x0]  }
0x314: {  	v12 =	vld [tilespmem:s4+$0x0];
	v4 =	vmul.f32 v4, v3  }
0x315: {  	v6 =	vmul.f32 v6, v5;
	v3 =	vld [tilespmem:s2+$0x10]  }
0x316: {  	v7 =	vmul.f32 v8, v7;
	v5 =	vld [tilespmem:s4+$0x10];
	[tilespmem:s2+$0x30] =	vst v4  }
0x317: {  	v8 =	vmul.f32 v10, v9;
	[tilespmem:s2+$0xFFFFFFD0] =	vst v6;
	v4 =	vld [tilespmem:s2+$0x20]  }
0x318: {  	[tilespmem:s2+$0xFFFFFFE0] =	vst v7;
	v7 =	vld [tilespmem:s4+$0x20]  }
0x319: {  	s5 =	simm.s32 $0x0;
	s6 =	simm.s32 $0x113C0;
	v6 =	vld [tilespmem:s2+$0xFFFFFFC0];
	[tilespmem:s2+$0xFFFFFFF0] =	vst v8;
	v8 =	vmul.f32 v12, v11  }
.LBB2_34:
0x31a: {  	v9 =	vld [tilespmem:s6+$0x30];
	s4 =	sadd.s32 $0x80, s4  }
0x31b: {  	s5 =	sadd.s32 $0x80, s5;
	v10 =	vld [tilespmem:s4+$0x30];
	[tilespmem:s2+$0x0] =	vst v8;
	v3 =	vmul.f32 v5, v3  }
0x31c: {  	p0 =	slt.u32 s5, $0x1880;
	v5 =	vld [tilespmem:s4+$0xFFFFFFC0]  }
0x31d: {  	v8 =	vld [tilespmem:s6+$0xFFFFFFD0];
	[tilespmem:s2+$0x10] =	vst v3;
	v3 =	vmul.f32 v7, v4  }
0x31e: {  	v4 =	vld [tilespmem:s4+$0xFFFFFFD0];
	v11 =	vmul.f32 v2, v6  }
0x31f: {  	v6 =	vld [tilespmem:s6+$0xFFFFFFE0];
	[tilespmem:s2+$0x20] =	vst v3  }
0x320: {  	v3 =	vld [tilespmem:s4+$0xFFFFFFE0];
	v7 =	vmul.f32 v10, v9;
	[tilespmem:s2+$0xFFFFFFC0] =	vst v11;
	s2 =	smov.u32 s6  }
0x321: {  	v9 =	vld [tilespmem:s6+$0xFFFFFFF0];
	v2 =	vmov v5  }
0x322: {  	v10 =	vld [tilespmem:s4+$0xFFFFFFF0];
	[tilespmem:s6+$0x30] =	vst v7  }
0x323: {  	v4 =	vmul.f32 v4, v8;
	v8 =	vld [tilespmem:s6+$0x0]  }
0x324: {  	v11 =	vld [tilespmem:s4+$0x0]  }
.Ltmp16:
0x325: {  	[tilespmem:s6+$0xFFFFFFD0] =	vst v4;
	v4 =	vmul.f32 v3, v6;
	v3 =	vld [tilespmem:s6+$0x10];
	(pc) =	sbr.rel @p0 .LBB2_34-.Ltmp16, $4  }
0x326: {  	v5 =	vld [tilespmem:s4+$0x10]  }
0x327: {  	[tilespmem:s6+$0xFFFFFFE0] =	vst v4;
	v9 =	vmul.f32 v10, v9;
	v4 =	vld [tilespmem:s6+$0x20]  }
0x328: {  	v7 =	vld [tilespmem:s4+$0x20]  }
0x329: {  	s6 =	sadd.s32 $0x80, s6;
	v6 =	vld [tilespmem:s2+$0xFFFFFFC0];
	[tilespmem:s2+$0xFFFFFFF0] =	vst v9;
	v8 =	vmul.f32 v11, v8  }
0x32a: {  	_ =	sdelay $0x1  }
0x32b: {  	v3 =	vmul.f32 v5, v3  }
0x32c: {  	[tilespmem:s2+$0x0] =	vst v8;
	v4 =	vmul.f32 v7, v4  }
0x32d: {  	[tilespmem:s2+$0x10] =	vst v3;
	v2 =	vmul.f32 v2, v6  }
0x32e: {  	[tilespmem:s2+$0x20] =	vst v4  }
0x32f: {  	[tilespmem:s2+$0xFFFFFFC0] =	vst v2  }
0x330: {  	[spmem:s3] =	stream.indirect.scatter.add.f32 [tilespmem:s26], [sflag:$0xA], $0x1, s30, s18, $0xb8;
	[tilespmem:$0x17700] =	vst v63  }
0x331: {  	_ =	swait.ge [sflag:s15], $0x3200  }
0x332: {  	[sflag:s15] =	ssyncset.done $0x0  }
0x333: {  	[sflag:s15] =	ssyncadd.s32 $0xFFFFCE00  }
0x334: {  	_ =	swait.ge [sflag:s16], $0x1900  }
0x335: {  	[sflag:s16] =	ssyncset.done $0x0  }
0x336: {  	s6 =	simm.s32 $0x80;
	[sflag:s16] =	ssyncadd.s32 $0xFFFFE700  }
0x337: {  	v2 =	vld [tilespmem:s6+$0xFFFFFFF0]  }
0x338: {  	v3 =	vld [tilespmem:s6+$0xFFFFFF90]  }
0x339: {  	v4 =	vld [tilespmem:s6+$0xFFFFFFA0]  }
0x33a: {  	v5 =	vld [tilespmem:s6+$0xFFFFFFB0]  }
0x33b: {  	s2 =	simm.s32 $0x6440;
	v6 =	vld [tilespmem:s6+$0xFFFFFFC0]  }
0x33c: {  	v7 =	vld [tilespmem:s6+$0xFFFFFFD0];
	[tilespmem:s2+$0x30] =	vst v2  }
0x33d: {  	v8 =	vld [tilespmem:s6+$0xFFFFFF80];
	[tilespmem:s2+$0xFFFFFFD0] =	vst v3  }
0x33e: {  	[tilespmem:s2+$0xFFFFFFE0] =	vst v4;
	v3 =	vld [tilespmem:s6+$0x70]  }
0x33f: {  	v4 =	vld [tilespmem:s6+$0xFFFFFFE0];
	[tilespmem:s2+$0xFFFFFFF0] =	vst v5  }
0x340: {  	[tilespmem:s2+$0x0] =	vst v6;
	v9 =	vld [tilespmem:s6+$0x10]  }
0x341: {  	[tilespmem:s2+$0x10] =	vst v7;
	v6 =	vld [tilespmem:s6+$0x20]  }
0x342: {  	s4 =	simm.s32 $0x9640;
	[tilespmem:s2+$0xFFFFFFC0] =	vst v8;
	v2 =	vld [tilespmem:s6+$0x30]  }
0x343: {  	[tilespmem:s4+$0x30] =	vst v3;
	v3 =	vld [tilespmem:s6+$0x40]  }
0x344: {  	v5 =	vld [tilespmem:s6+$0x50];
	[tilespmem:s2+$0x20] =	vst v4  }
0x345: {  	v4 =	vld [tilespmem:s6+$0x0];
	[tilespmem:s4+$0xFFFFFFD0] =	vst v9  }
0x346: {  	s5 =	simm.s32 $0x0;
	[tilespmem:s4+$0xFFFFFFE0] =	vst v6;
	v6 =	vld [tilespmem:s6+$0x60];
	s6 =	simm.s32 $0x180  }
.LBB2_36:
0x347: {  	v7 =	vld [tilespmem:s6+$0xFFFFFFF0];
	s5 =	sadd.s32 $0x80, s5;
	[tilespmem:s4+$0xFFFFFFF0] =	vst v2  }
0x348: {  	v2 =	vld [tilespmem:s6+$0xFFFFFF90];
	p0 =	slt.u32 s5, $0x1880;
	[tilespmem:s4+$0x0] =	vst v3  }
0x349: {  	v3 =	vld [tilespmem:s6+$0xFFFFFFA0];
	[tilespmem:s4+$0x10] =	vst v5  }
0x34a: {  	v5 =	vld [tilespmem:s6+$0xFFFFFFB0];
	[tilespmem:s4+$0xFFFFFFC0] =	vst v4  }
0x34b: {  	s2 =	sadd.s32 $0x80, s2;
	v4 =	vld [tilespmem:s6+$0xFFFFFFC0];
	[tilespmem:s4+$0x20] =	vst v6  }
0x34c: {  	v6 =	vld [tilespmem:s6+$0xFFFFFFD0];
	[tilespmem:s2+$0x30] =	vst v7  }
0x34d: {  	[tilespmem:s2+$0xFFFFFFD0] =	vst v2;
	v7 =	vld [tilespmem:s6+$0x70]  }
0x34e: {  	[tilespmem:s2+$0xFFFFFFE0] =	vst v3;
	v8 =	vld [tilespmem:s6+$0xFFFFFFE0]  }
0x34f: {  	v9 =	vld [tilespmem:s6+$0xFFFFFF80];
	[tilespmem:s2+$0xFFFFFFF0] =	vst v5  }
0x350: {  	v10 =	vld [tilespmem:s6+$0x10];
	[tilespmem:s2+$0x0] =	vst v4  }
0x351: {  	s4 =	sadd.s32 $0x80, s4;
	v11 =	vld [tilespmem:s6+$0x20];
	[tilespmem:s2+$0x10] =	vst v6  }
.Ltmp17:
0x352: {  	v2 =	vld [tilespmem:s6+$0x30];
	[tilespmem:s4+$0x30] =	vst v7;
	(pc) =	sbr.rel @p0 .LBB2_36-.Ltmp17, $4  }
0x353: {  	v3 =	vld [tilespmem:s6+$0x40];
	[tilespmem:s2+$0x20] =	vst v8  }
0x354: {  	[tilespmem:s2+$0xFFFFFFC0] =	vst v9;
	v5 =	vld [tilespmem:s6+$0x50]  }
0x355: {  	v4 =	vld [tilespmem:s6+$0x0];
	[tilespmem:s4+$0xFFFFFFD0] =	vst v10  }
0x356: {  	[tilespmem:s4+$0xFFFFFFE0] =	vst v11;
	v6 =	vld [tilespmem:s6+$0x60];
	s6 =	sadd.s32 $0x100, s6  }
0x357: {  	[tilespmem:s4+$0xFFFFFFF0] =	vst v2  }
0x358: {  	[tilespmem:s4+$0x0] =	vst v3  }
0x359: {  	[tilespmem:s4+$0x10] =	vst v5  }
0x35a: {  	[tilespmem:s4+$0xFFFFFFC0] =	vst v4  }
0x35b: {  	[tilespmem:s4+$0x20] =	vst v6  }
0x35c: {  	[tilespmem:s20], [sflag:$0x7] =	stream.indirect.gather [spmem:s1], $0x1, s19, s18, $0xb8;
	[tilespmem:$0x17700] =	vst v63  }
0x35d: {  	_ =	swait.ge [sflag:s31], $0x1900  }
0x35e: {  	[sflag:s31] =	ssyncset.done $0x0;
	s2 =	rddreg [dreg:$0x10]  }
0x35f: {  	s6 =	sld [smem:$0x7F6];
	[sflag:s31] =	ssyncadd.s32 $0xFFFFE700  }
0x360: {  	[tilespmem:s11], [sflag:$0x2] =	stream.linear.gather [hbm4b:s2+s17], $0x3200, $0x38;
	[tilespmem:$0x17700] =	vst v63  }
0x361: {  	_ = 	snop  }
0x362: {  	[tilespmem:s12], [sflag:$0x6] =	stream.linear.gather [hbm4b:s6+s17], $0x1900, $0x38;
	[tilespmem:$0x17700] =	vst v63  }
0x363: {  	_ =	swait.ge [sflag:s21], $0x1900  }
0x364: {  	[sflag:s21] =	ssyncset.done $0x0  }
0x365: {  	s2 =	simm.s32 $0xFA40;
	[sflag:s21] =	ssyncadd.s32 $0xFFFFE700  }
0x366: {  	s4 =	simm.s32 $0xC840;
	v3 =	vld [tilespmem:s2+$0x30]  }
0x367: {  	v4 =	vld [tilespmem:s4+$0x30]  }
0x368: {  	v2 =	vld [tilespmem:s4+$0xFFFFFFC0]  }
0x369: {  	v5 =	vld [tilespmem:s2+$0xFFFFFFD0]  }
0x36a: {  	v6 =	vld [tilespmem:s4+$0xFFFFFFD0]  }
0x36b: {  	v7 =	vld [tilespmem:s2+$0xFFFFFFE0]  }
0x36c: {  	v8 =	vld [tilespmem:s4+$0xFFFFFFE0]  }
0x36d: {  	v9 =	vld [tilespmem:s2+$0xFFFFFFF0]  }
0x36e: {  	v10 =	vld [tilespmem:s4+$0xFFFFFFF0]  }
0x36f: {  	v11 =	vld [tilespmem:s2+$0x0]  }
0x370: {  	v12 =	vld [tilespmem:s4+$0x0];
	v4 =	vmul.f32 v4, v3  }
0x371: {  	v6 =	vmul.f32 v6, v5;
	v3 =	vld [tilespmem:s2+$0x10]  }
0x372: {  	v7 =	vmul.f32 v8, v7;
	v5 =	vld [tilespmem:s4+$0x10];
	[tilespmem:s2+$0x30] =	vst v4  }
0x373: {  	v8 =	vmul.f32 v10, v9;
	[tilespmem:s2+$0xFFFFFFD0] =	vst v6;
	v4 =	vld [tilespmem:s2+$0x20]  }
0x374: {  	[tilespmem:s2+$0xFFFFFFE0] =	vst v7;
	v7 =	vld [tilespmem:s4+$0x20]  }
0x375: {  	s5 =	simm.s32 $0x0;
	s6 =	simm.s32 $0xFAC0;
	v6 =	vld [tilespmem:s2+$0xFFFFFFC0];
	[tilespmem:s2+$0xFFFFFFF0] =	vst v8;
	v8 =	vmul.f32 v12, v11  }
.LBB2_38:
0x376: {  	v9 =	vld [tilespmem:s6+$0x30];
	s4 =	sadd.s32 $0x80, s4  }
0x377: {  	s5 =	sadd.s32 $0x80, s5;
	v10 =	vld [tilespmem:s4+$0x30];
	[tilespmem:s2+$0x0] =	vst v8;
	v3 =	vmul.f32 v5, v3  }
0x378: {  	p0 =	slt.u32 s5, $0x1880;
	v5 =	vld [tilespmem:s4+$0xFFFFFFC0]  }
0x379: {  	v8 =	vld [tilespmem:s6+$0xFFFFFFD0];
	[tilespmem:s2+$0x10] =	vst v3;
	v3 =	vmul.f32 v7, v4  }
0x37a: {  	v4 =	vld [tilespmem:s4+$0xFFFFFFD0];
	v11 =	vmul.f32 v2, v6  }
0x37b: {  	v6 =	vld [tilespmem:s6+$0xFFFFFFE0];
	[tilespmem:s2+$0x20] =	vst v3  }
0x37c: {  	v3 =	vld [tilespmem:s4+$0xFFFFFFE0];
	v7 =	vmul.f32 v10, v9;
	[tilespmem:s2+$0xFFFFFFC0] =	vst v11;
	s2 =	smov.u32 s6  }
0x37d: {  	v9 =	vld [tilespmem:s6+$0xFFFFFFF0];
	v2 =	vmov v5  }
0x37e: {  	v10 =	vld [tilespmem:s4+$0xFFFFFFF0];
	[tilespmem:s6+$0x30] =	vst v7  }
0x37f: {  	v4 =	vmul.f32 v4, v8;
	v8 =	vld [tilespmem:s6+$0x0]  }
0x380: {  	v11 =	vld [tilespmem:s4+$0x0]  }
.Ltmp18:
0x381: {  	[tilespmem:s6+$0xFFFFFFD0] =	vst v4;
	v4 =	vmul.f32 v3, v6;
	v3 =	vld [tilespmem:s6+$0x10];
	(pc) =	sbr.rel @p0 .LBB2_38-.Ltmp18, $4  }
0x382: {  	v5 =	vld [tilespmem:s4+$0x10]  }
0x383: {  	[tilespmem:s6+$0xFFFFFFE0] =	vst v4;
	v9 =	vmul.f32 v10, v9;
	v4 =	vld [tilespmem:s6+$0x20]  }
0x384: {  	v7 =	vld [tilespmem:s4+$0x20]  }
0x385: {  	s6 =	sadd.s32 $0x80, s6;
	v6 =	vld [tilespmem:s2+$0xFFFFFFC0];
	[tilespmem:s2+$0xFFFFFFF0] =	vst v9;
	v8 =	vmul.f32 v11, v8  }
0x386: {  	_ =	sdelay $0x1  }
0x387: {  	v3 =	vmul.f32 v5, v3  }
0x388: {  	[tilespmem:s2+$0x0] =	vst v8;
	v4 =	vmul.f32 v7, v4  }
0x389: {  	[tilespmem:s2+$0x10] =	vst v3;
	v2 =	vmul.f32 v2, v6  }
0x38a: {  	[tilespmem:s2+$0x20] =	vst v4  }
0x38b: {  	[tilespmem:s2+$0xFFFFFFC0] =	vst v2  }
0x38c: {  	[spmem:s3] =	stream.indirect.scatter.add.f32 [tilespmem:s20], [sflag:$0x9], $0x1, s22, s18, $0xb8;
	[tilespmem:$0x17700] =	vst v63  }
0x38d: {  	_ =	swait.ge [sflag:s23], $0x3200  }
0x38e: {  	[sflag:s23] =	ssyncset.done $0x0  }
0x38f: {  	[sflag:s23] =	ssyncadd.s32 $0xFFFFCE00  }
0x390: {  	_ =	swait.ge [sflag:s24], $0x1900  }
0x391: {  	[sflag:s24] =	ssyncset.done $0x0  }
0x392: {  	s6 =	simm.s32 $0x3280;
	[sflag:s24] =	ssyncadd.s32 $0xFFFFE700  }
0x393: {  	v2 =	vld [tilespmem:s6+$0xFFFFFFF0]  }
0x394: {  	v3 =	vld [tilespmem:s6+$0xFFFFFF90]  }
0x395: {  	v4 =	vld [tilespmem:s6+$0xFFFFFFA0]  }
0x396: {  	v5 =	vld [tilespmem:s6+$0xFFFFFFB0]  }
0x397: {  	s2 =	simm.s32 $0x7D40;
	v6 =	vld [tilespmem:s6+$0xFFFFFFC0]  }
0x398: {  	v7 =	vld [tilespmem:s6+$0xFFFFFFD0];
	[tilespmem:s2+$0x30] =	vst v2  }
0x399: {  	v8 =	vld [tilespmem:s6+$0xFFFFFF80];
	[tilespmem:s2+$0xFFFFFFD0] =	vst v3  }
0x39a: {  	[tilespmem:s2+$0xFFFFFFE0] =	vst v4;
	v3 =	vld [tilespmem:s6+$0x70]  }
0x39b: {  	v4 =	vld [tilespmem:s6+$0xFFFFFFE0];
	[tilespmem:s2+$0xFFFFFFF0] =	vst v5  }
0x39c: {  	[tilespmem:s2+$0x0] =	vst v6;
	v9 =	vld [tilespmem:s6+$0x10]  }
0x39d: {  	[tilespmem:s2+$0x10] =	vst v7;
	v6 =	vld [tilespmem:s6+$0x20]  }
0x39e: {  	s4 =	simm.s32 $0xAF40;
	[tilespmem:s2+$0xFFFFFFC0] =	vst v8;
	v2 =	vld [tilespmem:s6+$0x30]  }
0x39f: {  	[tilespmem:s4+$0x30] =	vst v3;
	v3 =	vld [tilespmem:s6+$0x40]  }
0x3a0: {  	v5 =	vld [tilespmem:s6+$0x50];
	[tilespmem:s2+$0x20] =	vst v4  }
0x3a1: {  	v4 =	vld [tilespmem:s6+$0x0];
	[tilespmem:s4+$0xFFFFFFD0] =	vst v9  }
0x3a2: {  	s5 =	simm.s32 $0x0;
	[tilespmem:s4+$0xFFFFFFE0] =	vst v6;
	v6 =	vld [tilespmem:s6+$0x60];
	s6 =	simm.s32 $0x3380  }
.LBB2_40:
0x3a3: {  	v7 =	vld [tilespmem:s6+$0xFFFFFFF0];
	s5 =	sadd.s32 $0x80, s5;
	[tilespmem:s4+$0xFFFFFFF0] =	vst v2  }
0x3a4: {  	v2 =	vld [tilespmem:s6+$0xFFFFFF90];
	p0 =	slt.u32 s5, $0x1880;
	[tilespmem:s4+$0x0] =	vst v3  }
0x3a5: {  	v3 =	vld [tilespmem:s6+$0xFFFFFFA0];
	[tilespmem:s4+$0x10] =	vst v5  }
0x3a6: {  	v5 =	vld [tilespmem:s6+$0xFFFFFFB0];
	[tilespmem:s4+$0xFFFFFFC0] =	vst v4  }
0x3a7: {  	s2 =	sadd.s32 $0x80, s2;
	v4 =	vld [tilespmem:s6+$0xFFFFFFC0];
	[tilespmem:s4+$0x20] =	vst v6  }
0x3a8: {  	v6 =	vld [tilespmem:s6+$0xFFFFFFD0];
	[tilespmem:s2+$0x30] =	vst v7  }
0x3a9: {  	[tilespmem:s2+$0xFFFFFFD0] =	vst v2;
	v7 =	vld [tilespmem:s6+$0x70]  }
0x3aa: {  	[tilespmem:s2+$0xFFFFFFE0] =	vst v3;
	v8 =	vld [tilespmem:s6+$0xFFFFFFE0]  }
0x3ab: {  	v9 =	vld [tilespmem:s6+$0xFFFFFF80];
	[tilespmem:s2+$0xFFFFFFF0] =	vst v5  }
0x3ac: {  	v10 =	vld [tilespmem:s6+$0x10];
	[tilespmem:s2+$0x0] =	vst v4  }
0x3ad: {  	s4 =	sadd.s32 $0x80, s4;
	v11 =	vld [tilespmem:s6+$0x20];
	[tilespmem:s2+$0x10] =	vst v6  }
.Ltmp19:
0x3ae: {  	v2 =	vld [tilespmem:s6+$0x30];
	[tilespmem:s4+$0x30] =	vst v7;
	(pc) =	sbr.rel @p0 .LBB2_40-.Ltmp19, $4  }
0x3af: {  	v3 =	vld [tilespmem:s6+$0x40];
	[tilespmem:s2+$0x20] =	vst v8  }
0x3b0: {  	[tilespmem:s2+$0xFFFFFFC0] =	vst v9;
	v5 =	vld [tilespmem:s6+$0x50]  }
0x3b1: {  	v4 =	vld [tilespmem:s6+$0x0];
	[tilespmem:s4+$0xFFFFFFD0] =	vst v10  }
0x3b2: {  	[tilespmem:s4+$0xFFFFFFE0] =	vst v11;
	v6 =	vld [tilespmem:s6+$0x60];
	s6 =	sadd.s32 $0x100, s6  }
0x3b3: {  	[tilespmem:s4+$0xFFFFFFF0] =	vst v2  }
0x3b4: {  	[tilespmem:s4+$0x0] =	vst v3  }
0x3b5: {  	[tilespmem:s4+$0x10] =	vst v5  }
0x3b6: {  	[tilespmem:s4+$0xFFFFFFC0] =	vst v4  }
0x3b7: {  	[tilespmem:s4+$0x20] =	vst v6  }
0x3b8: {  	[tilespmem:s26], [sflag:$0x8] =	stream.indirect.gather [spmem:s1], $0x1, s25, s18, $0xb8;
	[tilespmem:$0x17700] =	vst v63  }
0x3b9: {  	_ =	swait.ge [sflag:s28], $0x1900  }
0x3ba: {  	[sflag:s28] =	ssyncset.done $0x0;
	s2 =	rddreg [dreg:$0x11]  }
0x3bb: {  	s6 =	sld [smem:$0x7F7];
	[sflag:s28] =	ssyncadd.s32 $0xFFFFE700  }
0x3bc: {  	[tilespmem:s17], [sflag:$0x1] =	stream.linear.gather [hbm4b:s2+s17], $0x3200, $0x38;
	[tilespmem:$0x17700] =	vst v63  }
0x3bd: {  	_ = 	snop  }
0x3be: {  	[tilespmem:s10], [sflag:$0x5] =	stream.linear.gather [hbm4b:s6+s17], $0x1900, $0x38;
	[tilespmem:$0x17700] =	vst v63  }
0x3bf: {  	_ =	swait.ge [sflag:s29], $0x1900  }
0x3c0: {  	[sflag:s29] =	ssyncset.done $0x0  }
0x3c1: {  	s2 =	simm.s32 $0x11340;
	[sflag:s29] =	ssyncadd.s32 $0xFFFFE700  }
0x3c2: {  	s4 =	simm.s32 $0xE140;
	v3 =	vld [tilespmem:s2+$0x30]  }
0x3c3: {  	v4 =	vld [tilespmem:s4+$0x30]  }
0x3c4: {  	v2 =	vld [tilespmem:s4+$0xFFFFFFC0]  }
0x3c5: {  	v5 =	vld [tilespmem:s2+$0xFFFFFFD0]  }
0x3c6: {  	v6 =	vld [tilespmem:s4+$0xFFFFFFD0]  }
0x3c7: {  	v7 =	vld [tilespmem:s2+$0xFFFFFFE0]  }
0x3c8: {  	v8 =	vld [tilespmem:s4+$0xFFFFFFE0]  }
0x3c9: {  	v9 =	vld [tilespmem:s2+$0xFFFFFFF0]  }
0x3ca: {  	v10 =	vld [tilespmem:s4+$0xFFFFFFF0]  }
0x3cb: {  	v11 =	vld [tilespmem:s2+$0x0]  }
0x3cc: {  	v12 =	vld [tilespmem:s4+$0x0];
	v4 =	vmul.f32 v4, v3  }
0x3cd: {  	v6 =	vmul.f32 v6, v5;
	v3 =	vld [tilespmem:s2+$0x10]  }
0x3ce: {  	v7 =	vmul.f32 v8, v7;
	v5 =	vld [tilespmem:s4+$0x10];
	[tilespmem:s2+$0x30] =	vst v4  }
0x3cf: {  	v8 =	vmul.f32 v10, v9;
	[tilespmem:s2+$0xFFFFFFD0] =	vst v6;
	v4 =	vld [tilespmem:s2+$0x20]  }
0x3d0: {  	[tilespmem:s2+$0xFFFFFFE0] =	vst v7;
	v7 =	vld [tilespmem:s4+$0x20]  }
0x3d1: {  	s5 =	simm.s32 $0x0;
	s6 =	simm.s32 $0x113C0;
	v6 =	vld [tilespmem:s2+$0xFFFFFFC0];
	[tilespmem:s2+$0xFFFFFFF0] =	vst v8;
	v8 =	vmul.f32 v12, v11  }
.LBB2_42:
0x3d2: {  	v9 =	vld [tilespmem:s6+$0x30];
	s4 =	sadd.s32 $0x80, s4  }
0x3d3: {  	s5 =	sadd.s32 $0x80, s5;
	v10 =	vld [tilespmem:s4+$0x30];
	[tilespmem:s2+$0x0] =	vst v8;
	v3 =	vmul.f32 v5, v3  }
0x3d4: {  	p0 =	slt.u32 s5, $0x1880;
	v5 =	vld [tilespmem:s4+$0xFFFFFFC0]  }
0x3d5: {  	v8 =	vld [tilespmem:s6+$0xFFFFFFD0];
	[tilespmem:s2+$0x10] =	vst v3;
	v3 =	vmul.f32 v7, v4  }
0x3d6: {  	v4 =	vld [tilespmem:s4+$0xFFFFFFD0];
	v11 =	vmul.f32 v2, v6  }
0x3d7: {  	v6 =	vld [tilespmem:s6+$0xFFFFFFE0];
	[tilespmem:s2+$0x20] =	vst v3  }
0x3d8: {  	v3 =	vld [tilespmem:s4+$0xFFFFFFE0];
	v7 =	vmul.f32 v10, v9;
	[tilespmem:s2+$0xFFFFFFC0] =	vst v11;
	s2 =	smov.u32 s6  }
0x3d9: {  	v9 =	vld [tilespmem:s6+$0xFFFFFFF0];
	v2 =	vmov v5  }
0x3da: {  	v10 =	vld [tilespmem:s4+$0xFFFFFFF0];
	[tilespmem:s6+$0x30] =	vst v7  }
0x3db: {  	v4 =	vmul.f32 v4, v8;
	v8 =	vld [tilespmem:s6+$0x0]  }
0x3dc: {  	v11 =	vld [tilespmem:s4+$0x0]  }
.Ltmp20:
0x3dd: {  	[tilespmem:s6+$0xFFFFFFD0] =	vst v4;
	v4 =	vmul.f32 v3, v6;
	v3 =	vld [tilespmem:s6+$0x10];
	(pc) =	sbr.rel @p0 .LBB2_42-.Ltmp20, $4  }
0x3de: {  	v5 =	vld [tilespmem:s4+$0x10]  }
0x3df: {  	[tilespmem:s6+$0xFFFFFFE0] =	vst v4;
	v9 =	vmul.f32 v10, v9;
	v4 =	vld [tilespmem:s6+$0x20]  }
0x3e0: {  	v7 =	vld [tilespmem:s4+$0x20]  }
0x3e1: {  	s6 =	sadd.s32 $0x80, s6;
	v6 =	vld [tilespmem:s2+$0xFFFFFFC0];
	[tilespmem:s2+$0xFFFFFFF0] =	vst v9;
	v8 =	vmul.f32 v11, v8  }
0x3e2: {  	_ =	sdelay $0x1  }
0x3e3: {  	v3 =	vmul.f32 v5, v3  }
0x3e4: {  	[tilespmem:s2+$0x0] =	vst v8;
	v4 =	vmul.f32 v7, v4  }
0x3e5: {  	[tilespmem:s2+$0x10] =	vst v3;
	v2 =	vmul.f32 v2, v6  }
0x3e6: {  	[tilespmem:s2+$0x20] =	vst v4  }
0x3e7: {  	[tilespmem:s2+$0xFFFFFFC0] =	vst v2  }
0x3e8: {  	[spmem:s3] =	stream.indirect.scatter.add.f32 [tilespmem:s26], [sflag:$0xA], $0x1, s30, s18, $0xb8;
	[tilespmem:$0x17700] =	vst v63  }
0x3e9: {  	_ =	swait.ge [sflag:s15], $0x3200  }
0x3ea: {  	[sflag:s15] =	ssyncset.done $0x0  }
0x3eb: {  	[sflag:s15] =	ssyncadd.s32 $0xFFFFCE00  }
0x3ec: {  	_ =	swait.ge [sflag:s16], $0x1900  }
0x3ed: {  	[sflag:s16] =	ssyncset.done $0x0  }
0x3ee: {  	s6 =	simm.s32 $0x80;
	[sflag:s16] =	ssyncadd.s32 $0xFFFFE700  }
0x3ef: {  	v2 =	vld [tilespmem:s6+$0xFFFFFFF0]  }
0x3f0: {  	v3 =	vld [tilespmem:s6+$0xFFFFFF90]  }
0x3f1: {  	v4 =	vld [tilespmem:s6+$0xFFFFFFA0]  }
0x3f2: {  	v5 =	vld [tilespmem:s6+$0xFFFFFFB0]  }
0x3f3: {  	s2 =	simm.s32 $0x6440;
	v6 =	vld [tilespmem:s6+$0xFFFFFFC0]  }
0x3f4: {  	v7 =	vld [tilespmem:s6+$0xFFFFFFD0];
	[tilespmem:s2+$0x30] =	vst v2  }
0x3f5: {  	v8 =	vld [tilespmem:s6+$0xFFFFFF80];
	[tilespmem:s2+$0xFFFFFFD0] =	vst v3  }
0x3f6: {  	[tilespmem:s2+$0xFFFFFFE0] =	vst v4;
	v3 =	vld [tilespmem:s6+$0x70]  }
0x3f7: {  	v4 =	vld [tilespmem:s6+$0xFFFFFFE0];
	[tilespmem:s2+$0xFFFFFFF0] =	vst v5  }
0x3f8: {  	[tilespmem:s2+$0x0] =	vst v6;
	v9 =	vld [tilespmem:s6+$0x10]  }
0x3f9: {  	[tilespmem:s2+$0x10] =	vst v7;
	v6 =	vld [tilespmem:s6+$0x20]  }
0x3fa: {  	s4 =	simm.s32 $0x9640;
	[tilespmem:s2+$0xFFFFFFC0] =	vst v8;
	v2 =	vld [tilespmem:s6+$0x30]  }
0x3fb: {  	[tilespmem:s4+$0x30] =	vst v3;
	v3 =	vld [tilespmem:s6+$0x40]  }
0x3fc: {  	v5 =	vld [tilespmem:s6+$0x50];
	[tilespmem:s2+$0x20] =	vst v4  }
0x3fd: {  	v4 =	vld [tilespmem:s6+$0x0];
	[tilespmem:s4+$0xFFFFFFD0] =	vst v9  }
0x3fe: {  	s5 =	simm.s32 $0x0;
	[tilespmem:s4+$0xFFFFFFE0] =	vst v6;
	v6 =	vld [tilespmem:s6+$0x60];
	s6 =	simm.s32 $0x180  }
.LBB2_44:
0x3ff: {  	v7 =	vld [tilespmem:s6+$0xFFFFFFF0];
	s5 =	sadd.s32 $0x80, s5;
	[tilespmem:s4+$0xFFFFFFF0] =	vst v2  }
0x400: {  	v2 =	vld [tilespmem:s6+$0xFFFFFF90];
	p0 =	slt.u32 s5, $0x1880;
	[tilespmem:s4+$0x0] =	vst v3  }
0x401: {  	v3 =	vld [tilespmem:s6+$0xFFFFFFA0];
	[tilespmem:s4+$0x10] =	vst v5  }
0x402: {  	v5 =	vld [tilespmem:s6+$0xFFFFFFB0];
	[tilespmem:s4+$0xFFFFFFC0] =	vst v4  }
0x403: {  	s2 =	sadd.s32 $0x80, s2;
	v4 =	vld [tilespmem:s6+$0xFFFFFFC0];
	[tilespmem:s4+$0x20] =	vst v6  }
0x404: {  	v6 =	vld [tilespmem:s6+$0xFFFFFFD0];
	[tilespmem:s2+$0x30] =	vst v7  }
0x405: {  	[tilespmem:s2+$0xFFFFFFD0] =	vst v2;
	v7 =	vld [tilespmem:s6+$0x70]  }
0x406: {  	[tilespmem:s2+$0xFFFFFFE0] =	vst v3;
	v8 =	vld [tilespmem:s6+$0xFFFFFFE0]  }
0x407: {  	v9 =	vld [tilespmem:s6+$0xFFFFFF80];
	[tilespmem:s2+$0xFFFFFFF0] =	vst v5  }
0x408: {  	v10 =	vld [tilespmem:s6+$0x10];
	[tilespmem:s2+$0x0] =	vst v4  }
0x409: {  	s4 =	sadd.s32 $0x80, s4;
	v11 =	vld [tilespmem:s6+$0x20];
	[tilespmem:s2+$0x10] =	vst v6  }
.Ltmp21:
0x40a: {  	v2 =	vld [tilespmem:s6+$0x30];
	[tilespmem:s4+$0x30] =	vst v7;
	(pc) =	sbr.rel @p0 .LBB2_44-.Ltmp21, $4  }
0x40b: {  	v3 =	vld [tilespmem:s6+$0x40];
	[tilespmem:s2+$0x20] =	vst v8  }
0x40c: {  	[tilespmem:s2+$0xFFFFFFC0] =	vst v9;
	v5 =	vld [tilespmem:s6+$0x50]  }
0x40d: {  	v4 =	vld [tilespmem:s6+$0x0];
	[tilespmem:s4+$0xFFFFFFD0] =	vst v10  }
0x40e: {  	[tilespmem:s4+$0xFFFFFFE0] =	vst v11;
	v6 =	vld [tilespmem:s6+$0x60];
	s6 =	sadd.s32 $0x100, s6  }
0x40f: {  	[tilespmem:s4+$0xFFFFFFF0] =	vst v2  }
0x410: {  	[tilespmem:s4+$0x0] =	vst v3  }
0x411: {  	[tilespmem:s4+$0x10] =	vst v5  }
0x412: {  	[tilespmem:s4+$0xFFFFFFC0] =	vst v4  }
0x413: {  	[tilespmem:s4+$0x20] =	vst v6  }
0x414: {  	[tilespmem:s20], [sflag:$0x7] =	stream.indirect.gather [spmem:s1], $0x1, s19, s18, $0xb8;
	[tilespmem:$0x17700] =	vst v63  }
0x415: {  	_ =	swait.ge [sflag:s31], $0x1900  }
0x416: {  	[sflag:s31] =	ssyncset.done $0x0;
	s2 =	rddreg [dreg:$0x12]  }
0x417: {  	s6 =	sld [smem:$0x7F8];
	[sflag:s31] =	ssyncadd.s32 $0xFFFFE700  }
0x418: {  	[tilespmem:s11], [sflag:$0x2] =	stream.linear.gather [hbm4b:s2+s17], $0x3200, $0x38;
	[tilespmem:$0x17700] =	vst v63  }
0x419: {  	_ = 	snop  }
0x41a: {  	[tilespmem:s12], [sflag:$0x6] =	stream.linear.gather [hbm4b:s6+s17], $0x1900, $0x38;
	[tilespmem:$0x17700] =	vst v63  }
0x41b: {  	_ =	swait.ge [sflag:s21], $0x1900  }
0x41c: {  	[sflag:s21] =	ssyncset.done $0x0  }
0x41d: {  	s2 =	simm.s32 $0xFA40;
	[sflag:s21] =	ssyncadd.s32 $0xFFFFE700  }
0x41e: {  	s4 =	simm.s32 $0xC840;
	v3 =	vld [tilespmem:s2+$0x30]  }
0x41f: {  	v4 =	vld [tilespmem:s4+$0x30]  }
0x420: {  	v2 =	vld [tilespmem:s4+$0xFFFFFFC0]  }
0x421: {  	v5 =	vld [tilespmem:s2+$0xFFFFFFD0]  }
0x422: {  	v6 =	vld [tilespmem:s4+$0xFFFFFFD0]  }
0x423: {  	v7 =	vld [tilespmem:s2+$0xFFFFFFE0]  }
0x424: {  	v8 =	vld [tilespmem:s4+$0xFFFFFFE0]  }
0x425: {  	v9 =	vld [tilespmem:s2+$0xFFFFFFF0]  }
0x426: {  	v10 =	vld [tilespmem:s4+$0xFFFFFFF0]  }
0x427: {  	v11 =	vld [tilespmem:s2+$0x0]  }
0x428: {  	v12 =	vld [tilespmem:s4+$0x0];
	v4 =	vmul.f32 v4, v3  }
0x429: {  	v6 =	vmul.f32 v6, v5;
	v3 =	vld [tilespmem:s2+$0x10]  }
0x42a: {  	v7 =	vmul.f32 v8, v7;
	v5 =	vld [tilespmem:s4+$0x10];
	[tilespmem:s2+$0x30] =	vst v4  }
0x42b: {  	v8 =	vmul.f32 v10, v9;
	[tilespmem:s2+$0xFFFFFFD0] =	vst v6;
	v4 =	vld [tilespmem:s2+$0x20]  }
0x42c: {  	[tilespmem:s2+$0xFFFFFFE0] =	vst v7;
	v7 =	vld [tilespmem:s4+$0x20]  }
0x42d: {  	s5 =	simm.s32 $0x0;
	s6 =	simm.s32 $0xFAC0;
	v6 =	vld [tilespmem:s2+$0xFFFFFFC0];
	[tilespmem:s2+$0xFFFFFFF0] =	vst v8;
	v8 =	vmul.f32 v12, v11  }
.LBB2_46:
0x42e: {  	v9 =	vld [tilespmem:s6+$0x30];
	s4 =	sadd.s32 $0x80, s4  }
0x42f: {  	s5 =	sadd.s32 $0x80, s5;
	v10 =	vld [tilespmem:s4+$0x30];
	[tilespmem:s2+$0x0] =	vst v8;
	v3 =	vmul.f32 v5, v3  }
0x430: {  	p0 =	slt.u32 s5, $0x1880;
	v5 =	vld [tilespmem:s4+$0xFFFFFFC0]  }
0x431: {  	v8 =	vld [tilespmem:s6+$0xFFFFFFD0];
	[tilespmem:s2+$0x10] =	vst v3;
	v3 =	vmul.f32 v7, v4  }
0x432: {  	v4 =	vld [tilespmem:s4+$0xFFFFFFD0];
	v11 =	vmul.f32 v2, v6  }
0x433: {  	v6 =	vld [tilespmem:s6+$0xFFFFFFE0];
	[tilespmem:s2+$0x20] =	vst v3  }
0x434: {  	v3 =	vld [tilespmem:s4+$0xFFFFFFE0];
	v7 =	vmul.f32 v10, v9;
	[tilespmem:s2+$0xFFFFFFC0] =	vst v11;
	s2 =	smov.u32 s6  }
0x435: {  	v9 =	vld [tilespmem:s6+$0xFFFFFFF0];
	v2 =	vmov v5  }
0x436: {  	v10 =	vld [tilespmem:s4+$0xFFFFFFF0];
	[tilespmem:s6+$0x30] =	vst v7  }
0x437: {  	v4 =	vmul.f32 v4, v8;
	v8 =	vld [tilespmem:s6+$0x0]  }
0x438: {  	v11 =	vld [tilespmem:s4+$0x0]  }
.Ltmp22:
0x439: {  	[tilespmem:s6+$0xFFFFFFD0] =	vst v4;
	v4 =	vmul.f32 v3, v6;
	v3 =	vld [tilespmem:s6+$0x10];
	(pc) =	sbr.rel @p0 .LBB2_46-.Ltmp22, $4  }
0x43a: {  	v5 =	vld [tilespmem:s4+$0x10]  }
0x43b: {  	[tilespmem:s6+$0xFFFFFFE0] =	vst v4;
	v9 =	vmul.f32 v10, v9;
	v4 =	vld [tilespmem:s6+$0x20]  }
0x43c: {  	v7 =	vld [tilespmem:s4+$0x20]  }
0x43d: {  	s6 =	sadd.s32 $0x80, s6;
	v6 =	vld [tilespmem:s2+$0xFFFFFFC0];
	[tilespmem:s2+$0xFFFFFFF0] =	vst v9;
	v8 =	vmul.f32 v11, v8  }
0x43e: {  	_ =	sdelay $0x1  }
0x43f: {  	v3 =	vmul.f32 v5, v3  }
0x440: {  	[tilespmem:s2+$0x0] =	vst v8;
	v4 =	vmul.f32 v7, v4  }
0x441: {  	[tilespmem:s2+$0x10] =	vst v3;
	v2 =	vmul.f32 v2, v6  }
0x442: {  	[tilespmem:s2+$0x20] =	vst v4  }
0x443: {  	[tilespmem:s2+$0xFFFFFFC0] =	vst v2  }
0x444: {  	[spmem:s3] =	stream.indirect.scatter.add.f32 [tilespmem:s20], [sflag:$0x9], $0x1, s22, s18, $0xb8;
	[tilespmem:$0x17700] =	vst v63  }
0x445: {  	_ =	swait.ge [sflag:s23], $0x3200  }
0x446: {  	[sflag:s23] =	ssyncset.done $0x0  }
0x447: {  	[sflag:s23] =	ssyncadd.s32 $0xFFFFCE00  }
0x448: {  	_ =	swait.ge [sflag:s24], $0x1900  }
0x449: {  	[sflag:s24] =	ssyncset.done $0x0  }
0x44a: {  	s6 =	simm.s32 $0x3280;
	[sflag:s24] =	ssyncadd.s32 $0xFFFFE700  }
0x44b: {  	v2 =	vld [tilespmem:s6+$0xFFFFFFF0]  }
0x44c: {  	v3 =	vld [tilespmem:s6+$0xFFFFFF90]  }
0x44d: {  	v4 =	vld [tilespmem:s6+$0xFFFFFFA0]  }
0x44e: {  	v5 =	vld [tilespmem:s6+$0xFFFFFFB0]  }
0x44f: {  	s2 =	simm.s32 $0x7D40;
	v6 =	vld [tilespmem:s6+$0xFFFFFFC0]  }
0x450: {  	v7 =	vld [tilespmem:s6+$0xFFFFFFD0];
	[tilespmem:s2+$0x30] =	vst v2  }
0x451: {  	v8 =	vld [tilespmem:s6+$0xFFFFFF80];
	[tilespmem:s2+$0xFFFFFFD0] =	vst v3  }
0x452: {  	[tilespmem:s2+$0xFFFFFFE0] =	vst v4;
	v3 =	vld [tilespmem:s6+$0x70]  }
0x453: {  	v4 =	vld [tilespmem:s6+$0xFFFFFFE0];
	[tilespmem:s2+$0xFFFFFFF0] =	vst v5  }
0x454: {  	[tilespmem:s2+$0x0] =	vst v6;
	v9 =	vld [tilespmem:s6+$0x10]  }
0x455: {  	[tilespmem:s2+$0x10] =	vst v7;
	v6 =	vld [tilespmem:s6+$0x20]  }
0x456: {  	s4 =	simm.s32 $0xAF40;
	[tilespmem:s2+$0xFFFFFFC0] =	vst v8;
	v2 =	vld [tilespmem:s6+$0x30]  }
0x457: {  	[tilespmem:s4+$0x30] =	vst v3;
	v3 =	vld [tilespmem:s6+$0x40]  }
0x458: {  	v5 =	vld [tilespmem:s6+$0x50];
	[tilespmem:s2+$0x20] =	vst v4  }
0x459: {  	v4 =	vld [tilespmem:s6+$0x0];
	[tilespmem:s4+$0xFFFFFFD0] =	vst v9  }
0x45a: {  	s5 =	simm.s32 $0x0;
	[tilespmem:s4+$0xFFFFFFE0] =	vst v6;
	v6 =	vld [tilespmem:s6+$0x60];
	s6 =	simm.s32 $0x3380  }
.LBB2_48:
0x45b: {  	v7 =	vld [tilespmem:s6+$0xFFFFFFF0];
	s5 =	sadd.s32 $0x80, s5;
	[tilespmem:s4+$0xFFFFFFF0] =	vst v2  }
0x45c: {  	v2 =	vld [tilespmem:s6+$0xFFFFFF90];
	p0 =	slt.u32 s5, $0x1880;
	[tilespmem:s4+$0x0] =	vst v3  }
0x45d: {  	v3 =	vld [tilespmem:s6+$0xFFFFFFA0];
	[tilespmem:s4+$0x10] =	vst v5  }
0x45e: {  	v5 =	vld [tilespmem:s6+$0xFFFFFFB0];
	[tilespmem:s4+$0xFFFFFFC0] =	vst v4  }
0x45f: {  	s2 =	sadd.s32 $0x80, s2;
	v4 =	vld [tilespmem:s6+$0xFFFFFFC0];
	[tilespmem:s4+$0x20] =	vst v6  }
0x460: {  	v6 =	vld [tilespmem:s6+$0xFFFFFFD0];
	[tilespmem:s2+$0x30] =	vst v7  }
0x461: {  	[tilespmem:s2+$0xFFFFFFD0] =	vst v2;
	v7 =	vld [tilespmem:s6+$0x70]  }
0x462: {  	[tilespmem:s2+$0xFFFFFFE0] =	vst v3;
	v8 =	vld [tilespmem:s6+$0xFFFFFFE0]  }
0x463: {  	v9 =	vld [tilespmem:s6+$0xFFFFFF80];
	[tilespmem:s2+$0xFFFFFFF0] =	vst v5  }
0x464: {  	v10 =	vld [tilespmem:s6+$0x10];
	[tilespmem:s2+$0x0] =	vst v4  }
0x465: {  	s4 =	sadd.s32 $0x80, s4;
	v11 =	vld [tilespmem:s6+$0x20];
	[tilespmem:s2+$0x10] =	vst v6  }
.Ltmp23:
0x466: {  	v2 =	vld [tilespmem:s6+$0x30];
	[tilespmem:s4+$0x30] =	vst v7;
	(pc) =	sbr.rel @p0 .LBB2_48-.Ltmp23, $4  }
0x467: {  	v3 =	vld [tilespmem:s6+$0x40];
	[tilespmem:s2+$0x20] =	vst v8  }
0x468: {  	[tilespmem:s2+$0xFFFFFFC0] =	vst v9;
	v5 =	vld [tilespmem:s6+$0x50]  }
0x469: {  	v4 =	vld [tilespmem:s6+$0x0];
	[tilespmem:s4+$0xFFFFFFD0] =	vst v10  }
0x46a: {  	[tilespmem:s4+$0xFFFFFFE0] =	vst v11;
	v6 =	vld [tilespmem:s6+$0x60];
	s6 =	sadd.s32 $0x100, s6  }
0x46b: {  	[tilespmem:s4+$0xFFFFFFF0] =	vst v2  }
0x46c: {  	[tilespmem:s4+$0x0] =	vst v3  }
0x46d: {  	[tilespmem:s4+$0x10] =	vst v5  }
0x46e: {  	[tilespmem:s4+$0xFFFFFFC0] =	vst v4  }
0x46f: {  	[tilespmem:s4+$0x20] =	vst v6  }
0x470: {  	[tilespmem:s26], [sflag:$0x8] =	stream.indirect.gather [spmem:s1], $0x1, s25, s18, $0xb8;
	[tilespmem:$0x17700] =	vst v63  }
0x471: {  	_ =	swait.ge [sflag:s28], $0x1900  }
0x472: {  	[sflag:s28] =	ssyncset.done $0x0;
	s2 =	rddreg [dreg:$0x13]  }
0x473: {  	s6 =	sld [smem:$0x7F9];
	[sflag:s28] =	ssyncadd.s32 $0xFFFFE700  }
0x474: {  	[tilespmem:s17], [sflag:$0x1] =	stream.linear.gather [hbm4b:s2+s17], $0x3200, $0x38;
	[tilespmem:$0x17700] =	vst v63  }
0x475: {  	_ = 	snop  }
0x476: {  	[tilespmem:s10], [sflag:$0x5] =	stream.linear.gather [hbm4b:s6+s17], $0x1900, $0x38;
	[tilespmem:$0x17700] =	vst v63  }
0x477: {  	_ =	swait.ge [sflag:s29], $0x1900  }
0x478: {  	[sflag:s29] =	ssyncset.done $0x0  }
0x479: {  	s2 =	simm.s32 $0x11340;
	[sflag:s29] =	ssyncadd.s32 $0xFFFFE700  }
0x47a: {  	s4 =	simm.s32 $0xE140;
	v3 =	vld [tilespmem:s2+$0x30]  }
0x47b: {  	v4 =	vld [tilespmem:s4+$0x30]  }
0x47c: {  	v2 =	vld [tilespmem:s4+$0xFFFFFFC0]  }
0x47d: {  	v5 =	vld [tilespmem:s2+$0xFFFFFFD0]  }
0x47e: {  	v6 =	vld [tilespmem:s4+$0xFFFFFFD0]  }
0x47f: {  	v7 =	vld [tilespmem:s2+$0xFFFFFFE0]  }
0x480: {  	v8 =	vld [tilespmem:s4+$0xFFFFFFE0]  }
0x481: {  	v9 =	vld [tilespmem:s2+$0xFFFFFFF0]  }
0x482: {  	v10 =	vld [tilespmem:s4+$0xFFFFFFF0]  }
0x483: {  	v11 =	vld [tilespmem:s2+$0x0]  }
0x484: {  	v12 =	vld [tilespmem:s4+$0x0];
	v4 =	vmul.f32 v4, v3  }
0x485: {  	v6 =	vmul.f32 v6, v5;
	v3 =	vld [tilespmem:s2+$0x10]  }
0x486: {  	v7 =	vmul.f32 v8, v7;
	v5 =	vld [tilespmem:s4+$0x10];
	[tilespmem:s2+$0x30] =	vst v4  }
0x487: {  	v8 =	vmul.f32 v10, v9;
	[tilespmem:s2+$0xFFFFFFD0] =	vst v6;
	v4 =	vld [tilespmem:s2+$0x20]  }
0x488: {  	[tilespmem:s2+$0xFFFFFFE0] =	vst v7;
	v7 =	vld [tilespmem:s4+$0x20]  }
0x489: {  	s5 =	simm.s32 $0x0;
	s6 =	simm.s32 $0x113C0;
	v6 =	vld [tilespmem:s2+$0xFFFFFFC0];
	[tilespmem:s2+$0xFFFFFFF0] =	vst v8;
	v8 =	vmul.f32 v12, v11  }
.LBB2_50:
0x48a: {  	v9 =	vld [tilespmem:s6+$0x30];
	s4 =	sadd.s32 $0x80, s4  }
0x48b: {  	s5 =	sadd.s32 $0x80, s5;
	v10 =	vld [tilespmem:s4+$0x30];
	[tilespmem:s2+$0x0] =	vst v8;
	v3 =	vmul.f32 v5, v3  }
0x48c: {  	p0 =	slt.u32 s5, $0x1880;
	v5 =	vld [tilespmem:s4+$0xFFFFFFC0]  }
0x48d: {  	v8 =	vld [tilespmem:s6+$0xFFFFFFD0];
	[tilespmem:s2+$0x10] =	vst v3;
	v3 =	vmul.f32 v7, v4  }
0x48e: {  	v4 =	vld [tilespmem:s4+$0xFFFFFFD0];
	v11 =	vmul.f32 v2, v6  }
0x48f: {  	v6 =	vld [tilespmem:s6+$0xFFFFFFE0];
	[tilespmem:s2+$0x20] =	vst v3  }
0x490: {  	v3 =	vld [tilespmem:s4+$0xFFFFFFE0];
	v7 =	vmul.f32 v10, v9;
	[tilespmem:s2+$0xFFFFFFC0] =	vst v11;
	s2 =	smov.u32 s6  }
0x491: {  	v9 =	vld [tilespmem:s6+$0xFFFFFFF0];
	v2 =	vmov v5  }
0x492: {  	v10 =	vld [tilespmem:s4+$0xFFFFFFF0];
	[tilespmem:s6+$0x30] =	vst v7  }
0x493: {  	v4 =	vmul.f32 v4, v8;
	v8 =	vld [tilespmem:s6+$0x0]  }
0x494: {  	v11 =	vld [tilespmem:s4+$0x0]  }
.Ltmp24:
0x495: {  	[tilespmem:s6+$0xFFFFFFD0] =	vst v4;
	v4 =	vmul.f32 v3, v6;
	v3 =	vld [tilespmem:s6+$0x10];
	(pc) =	sbr.rel @p0 .LBB2_50-.Ltmp24, $4  }
0x496: {  	v5 =	vld [tilespmem:s4+$0x10]  }
0x497: {  	[tilespmem:s6+$0xFFFFFFE0] =	vst v4;
	v9 =	vmul.f32 v10, v9;
	v4 =	vld [tilespmem:s6+$0x20]  }
0x498: {  	v7 =	vld [tilespmem:s4+$0x20]  }
0x499: {  	s6 =	sadd.s32 $0x80, s6;
	v6 =	vld [tilespmem:s2+$0xFFFFFFC0];
	[tilespmem:s2+$0xFFFFFFF0] =	vst v9;
	v8 =	vmul.f32 v11, v8  }
0x49a: {  	_ =	sdelay $0x1  }
0x49b: {  	v3 =	vmul.f32 v5, v3  }
0x49c: {  	[tilespmem:s2+$0x0] =	vst v8;
	v4 =	vmul.f32 v7, v4  }
0x49d: {  	[tilespmem:s2+$0x10] =	vst v3;
	v2 =	vmul.f32 v2, v6  }
0x49e: {  	[tilespmem:s2+$0x20] =	vst v4  }
0x49f: {  	[tilespmem:s2+$0xFFFFFFC0] =	vst v2  }
0x4a0: {  	[spmem:s3] =	stream.indirect.scatter.add.f32 [tilespmem:s26], [sflag:$0xA], $0x1, s30, s18, $0xb8;
	[tilespmem:$0x17700] =	vst v63  }
0x4a1: {  	_ =	swait.ge [sflag:s15], $0x3200  }
0x4a2: {  	[sflag:s15] =	ssyncset.done $0x0  }
0x4a3: {  	[sflag:s15] =	ssyncadd.s32 $0xFFFFCE00  }
0x4a4: {  	_ =	swait.ge [sflag:s16], $0x1900  }
0x4a5: {  	[sflag:s16] =	ssyncset.done $0x0  }
0x4a6: {  	s6 =	simm.s32 $0x80;
	[sflag:s16] =	ssyncadd.s32 $0xFFFFE700  }
0x4a7: {  	v2 =	vld [tilespmem:s6+$0xFFFFFFF0]  }
0x4a8: {  	v3 =	vld [tilespmem:s6+$0xFFFFFF90]  }
0x4a9: {  	v4 =	vld [tilespmem:s6+$0xFFFFFFA0]  }
0x4aa: {  	v5 =	vld [tilespmem:s6+$0xFFFFFFB0]  }
0x4ab: {  	s2 =	simm.s32 $0x6440;
	v6 =	vld [tilespmem:s6+$0xFFFFFFC0]  }
0x4ac: {  	v7 =	vld [tilespmem:s6+$0xFFFFFFD0];
	[tilespmem:s2+$0x30] =	vst v2  }
0x4ad: {  	v8 =	vld [tilespmem:s6+$0xFFFFFF80];
	[tilespmem:s2+$0xFFFFFFD0] =	vst v3  }
0x4ae: {  	[tilespmem:s2+$0xFFFFFFE0] =	vst v4;
	v3 =	vld [tilespmem:s6+$0x70]  }
0x4af: {  	v4 =	vld [tilespmem:s6+$0xFFFFFFE0];
	[tilespmem:s2+$0xFFFFFFF0] =	vst v5  }
0x4b0: {  	[tilespmem:s2+$0x0] =	vst v6;
	v9 =	vld [tilespmem:s6+$0x10]  }
0x4b1: {  	[tilespmem:s2+$0x10] =	vst v7;
	v6 =	vld [tilespmem:s6+$0x20]  }
0x4b2: {  	s4 =	simm.s32 $0x9640;
	[tilespmem:s2+$0xFFFFFFC0] =	vst v8;
	v2 =	vld [tilespmem:s6+$0x30]  }
0x4b3: {  	[tilespmem:s4+$0x30] =	vst v3;
	v3 =	vld [tilespmem:s6+$0x40]  }
0x4b4: {  	v5 =	vld [tilespmem:s6+$0x50];
	[tilespmem:s2+$0x20] =	vst v4  }
0x4b5: {  	v4 =	vld [tilespmem:s6+$0x0];
	[tilespmem:s4+$0xFFFFFFD0] =	vst v9  }
0x4b6: {  	s5 =	simm.s32 $0x0;
	[tilespmem:s4+$0xFFFFFFE0] =	vst v6;
	v6 =	vld [tilespmem:s6+$0x60];
	s6 =	simm.s32 $0x180  }
.LBB2_52:
0x4b7: {  	v7 =	vld [tilespmem:s6+$0xFFFFFFF0];
	s5 =	sadd.s32 $0x80, s5;
	[tilespmem:s4+$0xFFFFFFF0] =	vst v2  }
0x4b8: {  	v2 =	vld [tilespmem:s6+$0xFFFFFF90];
	p0 =	slt.u32 s5, $0x1880;
	[tilespmem:s4+$0x0] =	vst v3  }
0x4b9: {  	v3 =	vld [tilespmem:s6+$0xFFFFFFA0];
	[tilespmem:s4+$0x10] =	vst v5  }
0x4ba: {  	v5 =	vld [tilespmem:s6+$0xFFFFFFB0];
	[tilespmem:s4+$0xFFFFFFC0] =	vst v4  }
0x4bb: {  	s2 =	sadd.s32 $0x80, s2;
	v4 =	vld [tilespmem:s6+$0xFFFFFFC0];
	[tilespmem:s4+$0x20] =	vst v6  }
0x4bc: {  	v6 =	vld [tilespmem:s6+$0xFFFFFFD0];
	[tilespmem:s2+$0x30] =	vst v7  }
0x4bd: {  	[tilespmem:s2+$0xFFFFFFD0] =	vst v2;
	v7 =	vld [tilespmem:s6+$0x70]  }
0x4be: {  	[tilespmem:s2+$0xFFFFFFE0] =	vst v3;
	v8 =	vld [tilespmem:s6+$0xFFFFFFE0]  }
0x4bf: {  	v9 =	vld [tilespmem:s6+$0xFFFFFF80];
	[tilespmem:s2+$0xFFFFFFF0] =	vst v5  }
0x4c0: {  	v10 =	vld [tilespmem:s6+$0x10];
	[tilespmem:s2+$0x0] =	vst v4  }
0x4c1: {  	s4 =	sadd.s32 $0x80, s4;
	v11 =	vld [tilespmem:s6+$0x20];
	[tilespmem:s2+$0x10] =	vst v6  }
.Ltmp25:
0x4c2: {  	v2 =	vld [tilespmem:s6+$0x30];
	[tilespmem:s4+$0x30] =	vst v7;
	(pc) =	sbr.rel @p0 .LBB2_52-.Ltmp25, $4  }
0x4c3: {  	v3 =	vld [tilespmem:s6+$0x40];
	[tilespmem:s2+$0x20] =	vst v8  }
0x4c4: {  	[tilespmem:s2+$0xFFFFFFC0] =	vst v9;
	v5 =	vld [tilespmem:s6+$0x50]  }
0x4c5: {  	v4 =	vld [tilespmem:s6+$0x0];
	[tilespmem:s4+$0xFFFFFFD0] =	vst v10  }
0x4c6: {  	[tilespmem:s4+$0xFFFFFFE0] =	vst v11;
	v6 =	vld [tilespmem:s6+$0x60];
	s6 =	sadd.s32 $0x100, s6  }
0x4c7: {  	[tilespmem:s4+$0xFFFFFFF0] =	vst v2  }
0x4c8: {  	[tilespmem:s4+$0x0] =	vst v3  }
0x4c9: {  	[tilespmem:s4+$0x10] =	vst v5  }
0x4ca: {  	[tilespmem:s4+$0xFFFFFFC0] =	vst v4  }
0x4cb: {  	[tilespmem:s4+$0x20] =	vst v6  }
0x4cc: {  	[tilespmem:s20], [sflag:$0x7] =	stream.indirect.gather [spmem:s1], $0x1, s19, s18, $0xb8;
	[tilespmem:$0x17700] =	vst v63  }
0x4cd: {  	_ =	swait.ge [sflag:s31], $0x1900  }
0x4ce: {  	[sflag:s31] =	ssyncset.done $0x0;
	s2 =	rddreg [dreg:$0x14]  }
0x4cf: {  	s6 =	sld [smem:$0x7FA];
	[sflag:s31] =	ssyncadd.s32 $0xFFFFE700  }
0x4d0: {  	[tilespmem:s11], [sflag:$0x2] =	stream.linear.gather [hbm4b:s2+s17], $0x3200, $0x38;
	[tilespmem:$0x17700] =	vst v63  }
0x4d1: {  	_ = 	snop  }
0x4d2: {  	[tilespmem:s12], [sflag:$0x6] =	stream.linear.gather [hbm4b:s6+s17], $0x1900, $0x38;
	[tilespmem:$0x17700] =	vst v63  }
0x4d3: {  	_ =	swait.ge [sflag:s21], $0x1900  }
0x4d4: {  	[sflag:s21] =	ssyncset.done $0x0  }
0x4d5: {  	s2 =	simm.s32 $0xFA40;
	[sflag:s21] =	ssyncadd.s32 $0xFFFFE700  }
0x4d6: {  	s4 =	simm.s32 $0xC840;
	v3 =	vld [tilespmem:s2+$0x30]  }
0x4d7: {  	v4 =	vld [tilespmem:s4+$0x30]  }
0x4d8: {  	v2 =	vld [tilespmem:s4+$0xFFFFFFC0]  }
0x4d9: {  	v5 =	vld [tilespmem:s2+$0xFFFFFFD0]  }
0x4da: {  	v6 =	vld [tilespmem:s4+$0xFFFFFFD0]  }
0x4db: {  	v7 =	vld [tilespmem:s2+$0xFFFFFFE0]  }
0x4dc: {  	v8 =	vld [tilespmem:s4+$0xFFFFFFE0]  }
0x4dd: {  	v9 =	vld [tilespmem:s2+$0xFFFFFFF0]  }
0x4de: {  	v10 =	vld [tilespmem:s4+$0xFFFFFFF0]  }
0x4df: {  	v11 =	vld [tilespmem:s2+$0x0]  }
0x4e0: {  	v12 =	vld [tilespmem:s4+$0x0];
	v4 =	vmul.f32 v4, v3  }
0x4e1: {  	v6 =	vmul.f32 v6, v5;
	v3 =	vld [tilespmem:s2+$0x10]  }
0x4e2: {  	v7 =	vmul.f32 v8, v7;
	v5 =	vld [tilespmem:s4+$0x10];
	[tilespmem:s2+$0x30] =	vst v4  }
0x4e3: {  	v8 =	vmul.f32 v10, v9;
	[tilespmem:s2+$0xFFFFFFD0] =	vst v6;
	v4 =	vld [tilespmem:s2+$0x20]  }
0x4e4: {  	[tilespmem:s2+$0xFFFFFFE0] =	vst v7;
	v7 =	vld [tilespmem:s4+$0x20]  }
0x4e5: {  	s5 =	simm.s32 $0x0;
	s6 =	simm.s32 $0xFAC0;
	v6 =	vld [tilespmem:s2+$0xFFFFFFC0];
	[tilespmem:s2+$0xFFFFFFF0] =	vst v8;
	v8 =	vmul.f32 v12, v11  }
.LBB2_54:
0x4e6: {  	v9 =	vld [tilespmem:s6+$0x30];
	s4 =	sadd.s32 $0x80, s4  }
0x4e7: {  	s5 =	sadd.s32 $0x80, s5;
	v10 =	vld [tilespmem:s4+$0x30];
	[tilespmem:s2+$0x0] =	vst v8;
	v3 =	vmul.f32 v5, v3  }
0x4e8: {  	p0 =	slt.u32 s5, $0x1880;
	v5 =	vld [tilespmem:s4+$0xFFFFFFC0]  }
0x4e9: {  	v8 =	vld [tilespmem:s6+$0xFFFFFFD0];
	[tilespmem:s2+$0x10] =	vst v3;
	v3 =	vmul.f32 v7, v4  }
0x4ea: {  	v4 =	vld [tilespmem:s4+$0xFFFFFFD0];
	v11 =	vmul.f32 v2, v6  }
0x4eb: {  	v6 =	vld [tilespmem:s6+$0xFFFFFFE0];
	[tilespmem:s2+$0x20] =	vst v3  }
0x4ec: {  	v3 =	vld [tilespmem:s4+$0xFFFFFFE0];
	v7 =	vmul.f32 v10, v9;
	[tilespmem:s2+$0xFFFFFFC0] =	vst v11;
	s2 =	smov.u32 s6  }
0x4ed: {  	v9 =	vld [tilespmem:s6+$0xFFFFFFF0];
	v2 =	vmov v5  }
0x4ee: {  	v10 =	vld [tilespmem:s4+$0xFFFFFFF0];
	[tilespmem:s6+$0x30] =	vst v7  }
0x4ef: {  	v4 =	vmul.f32 v4, v8;
	v8 =	vld [tilespmem:s6+$0x0]  }
0x4f0: {  	v11 =	vld [tilespmem:s4+$0x0]  }
.Ltmp26:
0x4f1: {  	[tilespmem:s6+$0xFFFFFFD0] =	vst v4;
	v4 =	vmul.f32 v3, v6;
	v3 =	vld [tilespmem:s6+$0x10];
	(pc) =	sbr.rel @p0 .LBB2_54-.Ltmp26, $4  }
0x4f2: {  	v5 =	vld [tilespmem:s4+$0x10]  }
0x4f3: {  	[tilespmem:s6+$0xFFFFFFE0] =	vst v4;
	v9 =	vmul.f32 v10, v9;
	v4 =	vld [tilespmem:s6+$0x20]  }
0x4f4: {  	v7 =	vld [tilespmem:s4+$0x20]  }
0x4f5: {  	s6 =	sadd.s32 $0x80, s6;
	v6 =	vld [tilespmem:s2+$0xFFFFFFC0];
	[tilespmem:s2+$0xFFFFFFF0] =	vst v9;
	v8 =	vmul.f32 v11, v8  }
0x4f6: {  	_ =	sdelay $0x1  }
0x4f7: {  	v3 =	vmul.f32 v5, v3  }
0x4f8: {  	[tilespmem:s2+$0x0] =	vst v8;
	v4 =	vmul.f32 v7, v4  }
0x4f9: {  	[tilespmem:s2+$0x10] =	vst v3;
	v2 =	vmul.f32 v2, v6  }
0x4fa: {  	[tilespmem:s2+$0x20] =	vst v4  }
0x4fb: {  	[tilespmem:s2+$0xFFFFFFC0] =	vst v2  }
0x4fc: {  	[spmem:s3] =	stream.indirect.scatter.add.f32 [tilespmem:s20], [sflag:$0x9], $0x1, s22, s18, $0xb8;
	[tilespmem:$0x17700] =	vst v63  }
0x4fd: {  	_ =	swait.ge [sflag:s23], $0x3200  }
0x4fe: {  	[sflag:s23] =	ssyncset.done $0x0  }
0x4ff: {  	[sflag:s23] =	ssyncadd.s32 $0xFFFFCE00  }
0x500: {  	_ =	swait.ge [sflag:s24], $0x1900  }
0x501: {  	[sflag:s24] =	ssyncset.done $0x0  }
0x502: {  	s6 =	simm.s32 $0x3280;
	[sflag:s24] =	ssyncadd.s32 $0xFFFFE700  }
0x503: {  	v2 =	vld [tilespmem:s6+$0xFFFFFFF0]  }
0x504: {  	v3 =	vld [tilespmem:s6+$0xFFFFFF90]  }
0x505: {  	v4 =	vld [tilespmem:s6+$0xFFFFFFA0]  }
0x506: {  	v5 =	vld [tilespmem:s6+$0xFFFFFFB0]  }
0x507: {  	s2 =	simm.s32 $0x7D40;
	v6 =	vld [tilespmem:s6+$0xFFFFFFC0]  }
0x508: {  	v7 =	vld [tilespmem:s6+$0xFFFFFFD0];
	[tilespmem:s2+$0x30] =	vst v2  }
0x509: {  	v8 =	vld [tilespmem:s6+$0xFFFFFF80];
	[tilespmem:s2+$0xFFFFFFD0] =	vst v3  }
0x50a: {  	[tilespmem:s2+$0xFFFFFFE0] =	vst v4;
	v3 =	vld [tilespmem:s6+$0x70]  }
0x50b: {  	v4 =	vld [tilespmem:s6+$0xFFFFFFE0];
	[tilespmem:s2+$0xFFFFFFF0] =	vst v5  }
0x50c: {  	[tilespmem:s2+$0x0] =	vst v6;
	v9 =	vld [tilespmem:s6+$0x10]  }
0x50d: {  	[tilespmem:s2+$0x10] =	vst v7;
	v6 =	vld [tilespmem:s6+$0x20]  }
0x50e: {  	s4 =	simm.s32 $0xAF40;
	[tilespmem:s2+$0xFFFFFFC0] =	vst v8;
	v2 =	vld [tilespmem:s6+$0x30]  }
0x50f: {  	[tilespmem:s4+$0x30] =	vst v3;
	v3 =	vld [tilespmem:s6+$0x40]  }
0x510: {  	v5 =	vld [tilespmem:s6+$0x50];
	[tilespmem:s2+$0x20] =	vst v4  }
0x511: {  	v4 =	vld [tilespmem:s6+$0x0];
	[tilespmem:s4+$0xFFFFFFD0] =	vst v9  }
0x512: {  	s5 =	simm.s32 $0x0;
	[tilespmem:s4+$0xFFFFFFE0] =	vst v6;
	v6 =	vld [tilespmem:s6+$0x60];
	s6 =	simm.s32 $0x3380  }
.LBB2_56:
0x513: {  	v7 =	vld [tilespmem:s6+$0xFFFFFFF0];
	s5 =	sadd.s32 $0x80, s5;
	[tilespmem:s4+$0xFFFFFFF0] =	vst v2  }
0x514: {  	v2 =	vld [tilespmem:s6+$0xFFFFFF90];
	p0 =	slt.u32 s5, $0x1880;
	[tilespmem:s4+$0x0] =	vst v3  }
0x515: {  	v3 =	vld [tilespmem:s6+$0xFFFFFFA0];
	[tilespmem:s4+$0x10] =	vst v5  }
0x516: {  	v5 =	vld [tilespmem:s6+$0xFFFFFFB0];
	[tilespmem:s4+$0xFFFFFFC0] =	vst v4  }
0x517: {  	s2 =	sadd.s32 $0x80, s2;
	v4 =	vld [tilespmem:s6+$0xFFFFFFC0];
	[tilespmem:s4+$0x20] =	vst v6  }
0x518: {  	v6 =	vld [tilespmem:s6+$0xFFFFFFD0];
	[tilespmem:s2+$0x30] =	vst v7  }
0x519: {  	[tilespmem:s2+$0xFFFFFFD0] =	vst v2;
	v7 =	vld [tilespmem:s6+$0x70]  }
0x51a: {  	[tilespmem:s2+$0xFFFFFFE0] =	vst v3;
	v8 =	vld [tilespmem:s6+$0xFFFFFFE0]  }
0x51b: {  	v9 =	vld [tilespmem:s6+$0xFFFFFF80];
	[tilespmem:s2+$0xFFFFFFF0] =	vst v5  }
0x51c: {  	v10 =	vld [tilespmem:s6+$0x10];
	[tilespmem:s2+$0x0] =	vst v4  }
0x51d: {  	s4 =	sadd.s32 $0x80, s4;
	v11 =	vld [tilespmem:s6+$0x20];
	[tilespmem:s2+$0x10] =	vst v6  }
.Ltmp27:
0x51e: {  	v2 =	vld [tilespmem:s6+$0x30];
	[tilespmem:s4+$0x30] =	vst v7;
	(pc) =	sbr.rel @p0 .LBB2_56-.Ltmp27, $4  }
0x51f: {  	v3 =	vld [tilespmem:s6+$0x40];
	[tilespmem:s2+$0x20] =	vst v8  }
0x520: {  	[tilespmem:s2+$0xFFFFFFC0] =	vst v9;
	v5 =	vld [tilespmem:s6+$0x50]  }
0x521: {  	v4 =	vld [tilespmem:s6+$0x0];
	[tilespmem:s4+$0xFFFFFFD0] =	vst v10  }
0x522: {  	[tilespmem:s4+$0xFFFFFFE0] =	vst v11;
	v6 =	vld [tilespmem:s6+$0x60];
	s6 =	sadd.s32 $0x100, s6  }
0x523: {  	[tilespmem:s4+$0xFFFFFFF0] =	vst v2  }
0x524: {  	[tilespmem:s4+$0x0] =	vst v3  }
0x525: {  	[tilespmem:s4+$0x10] =	vst v5  }
0x526: {  	[tilespmem:s4+$0xFFFFFFC0] =	vst v4  }
0x527: {  	[tilespmem:s4+$0x20] =	vst v6  }
0x528: {  	[tilespmem:s26], [sflag:$0x8] =	stream.indirect.gather [spmem:s1], $0x1, s25, s18, $0xb8;
	[tilespmem:$0x17700] =	vst v63  }
0x529: {  	_ =	swait.ge [sflag:s28], $0x1900  }
0x52a: {  	[sflag:s28] =	ssyncset.done $0x0;
	s2 =	rddreg [dreg:$0x15]  }
0x52b: {  	s6 =	sld [smem:$0x7FB];
	[sflag:s28] =	ssyncadd.s32 $0xFFFFE700  }
0x52c: {  	[tilespmem:s17], [sflag:$0x1] =	stream.linear.gather [hbm4b:s2+s17], $0x3200, $0x38;
	[tilespmem:$0x17700] =	vst v63  }
0x52d: {  	_ = 	snop  }
0x52e: {  	[tilespmem:s10], [sflag:$0x5] =	stream.linear.gather [hbm4b:s6+s17], $0x1900, $0x38;
	[tilespmem:$0x17700] =	vst v63  }
0x52f: {  	_ =	swait.ge [sflag:s29], $0x1900  }
0x530: {  	[sflag:s29] =	ssyncset.done $0x0  }
0x531: {  	s2 =	simm.s32 $0x11340;
	[sflag:s29] =	ssyncadd.s32 $0xFFFFE700  }
0x532: {  	s4 =	simm.s32 $0xE140;
	v3 =	vld [tilespmem:s2+$0x30]  }
0x533: {  	v4 =	vld [tilespmem:s4+$0x30]  }
0x534: {  	v2 =	vld [tilespmem:s4+$0xFFFFFFC0]  }
0x535: {  	v5 =	vld [tilespmem:s2+$0xFFFFFFD0]  }
0x536: {  	v6 =	vld [tilespmem:s4+$0xFFFFFFD0]  }
0x537: {  	v7 =	vld [tilespmem:s2+$0xFFFFFFE0]  }
0x538: {  	v8 =	vld [tilespmem:s4+$0xFFFFFFE0]  }
0x539: {  	v9 =	vld [tilespmem:s2+$0xFFFFFFF0]  }
0x53a: {  	v10 =	vld [tilespmem:s4+$0xFFFFFFF0]  }
0x53b: {  	v11 =	vld [tilespmem:s2+$0x0]  }
0x53c: {  	v12 =	vld [tilespmem:s4+$0x0];
	v4 =	vmul.f32 v4, v3  }
0x53d: {  	v6 =	vmul.f32 v6, v5;
	v3 =	vld [tilespmem:s2+$0x10]  }
0x53e: {  	v7 =	vmul.f32 v8, v7;
	v5 =	vld [tilespmem:s4+$0x10];
	[tilespmem:s2+$0x30] =	vst v4  }
0x53f: {  	v8 =	vmul.f32 v10, v9;
	[tilespmem:s2+$0xFFFFFFD0] =	vst v6;
	v4 =	vld [tilespmem:s2+$0x20]  }
0x540: {  	[tilespmem:s2+$0xFFFFFFE0] =	vst v7;
	v7 =	vld [tilespmem:s4+$0x20]  }
0x541: {  	s5 =	simm.s32 $0x0;
	s6 =	simm.s32 $0x113C0;
	v6 =	vld [tilespmem:s2+$0xFFFFFFC0];
	[tilespmem:s2+$0xFFFFFFF0] =	vst v8;
	v8 =	vmul.f32 v12, v11  }
.LBB2_58:
0x542: {  	v9 =	vld [tilespmem:s6+$0x30];
	s4 =	sadd.s32 $0x80, s4  }
0x543: {  	s5 =	sadd.s32 $0x80, s5;
	v10 =	vld [tilespmem:s4+$0x30];
	[tilespmem:s2+$0x0] =	vst v8;
	v3 =	vmul.f32 v5, v3  }
0x544: {  	p0 =	slt.u32 s5, $0x1880;
	v5 =	vld [tilespmem:s4+$0xFFFFFFC0]  }
0x545: {  	v8 =	vld [tilespmem:s6+$0xFFFFFFD0];
	[tilespmem:s2+$0x10] =	vst v3;
	v3 =	vmul.f32 v7, v4  }
0x546: {  	v4 =	vld [tilespmem:s4+$0xFFFFFFD0];
	v11 =	vmul.f32 v2, v6  }
0x547: {  	v6 =	vld [tilespmem:s6+$0xFFFFFFE0];
	[tilespmem:s2+$0x20] =	vst v3  }
0x548: {  	v3 =	vld [tilespmem:s4+$0xFFFFFFE0];
	v7 =	vmul.f32 v10, v9;
	[tilespmem:s2+$0xFFFFFFC0] =	vst v11;
	s2 =	smov.u32 s6  }
0x549: {  	v9 =	vld [tilespmem:s6+$0xFFFFFFF0];
	v2 =	vmov v5  }
0x54a: {  	v10 =	vld [tilespmem:s4+$0xFFFFFFF0];
	[tilespmem:s6+$0x30] =	vst v7  }
0x54b: {  	v4 =	vmul.f32 v4, v8;
	v8 =	vld [tilespmem:s6+$0x0]  }
0x54c: {  	v11 =	vld [tilespmem:s4+$0x0]  }
.Ltmp28:
0x54d: {  	[tilespmem:s6+$0xFFFFFFD0] =	vst v4;
	v4 =	vmul.f32 v3, v6;
	v3 =	vld [tilespmem:s6+$0x10];
	(pc) =	sbr.rel @p0 .LBB2_58-.Ltmp28, $4  }
0x54e: {  	v5 =	vld [tilespmem:s4+$0x10]  }
0x54f: {  	[tilespmem:s6+$0xFFFFFFE0] =	vst v4;
	v9 =	vmul.f32 v10, v9;
	v4 =	vld [tilespmem:s6+$0x20]  }
0x550: {  	v7 =	vld [tilespmem:s4+$0x20]  }
0x551: {  	s6 =	sadd.s32 $0x80, s6;
	v6 =	vld [tilespmem:s2+$0xFFFFFFC0];
	[tilespmem:s2+$0xFFFFFFF0] =	vst v9;
	v8 =	vmul.f32 v11, v8  }
0x552: {  	_ =	sdelay $0x1  }
0x553: {  	v3 =	vmul.f32 v5, v3  }
0x554: {  	[tilespmem:s2+$0x0] =	vst v8;
	v4 =	vmul.f32 v7, v4  }
0x555: {  	[tilespmem:s2+$0x10] =	vst v3;
	v2 =	vmul.f32 v2, v6  }
0x556: {  	[tilespmem:s2+$0x20] =	vst v4  }
0x557: {  	[tilespmem:s2+$0xFFFFFFC0] =	vst v2  }
0x558: {  	[spmem:s3] =	stream.indirect.scatter.add.f32 [tilespmem:s26], [sflag:$0xA], $0x1, s30, s18, $0xb8;
	[tilespmem:$0x17700] =	vst v63  }
0x559: {  	_ =	swait.ge [sflag:s15], $0x3200  }
0x55a: {  	[sflag:s15] =	ssyncset.done $0x0  }
0x55b: {  	[sflag:s15] =	ssyncadd.s32 $0xFFFFCE00  }
0x55c: {  	_ =	swait.ge [sflag:s16], $0x1900  }
0x55d: {  	[sflag:s16] =	ssyncset.done $0x0  }
0x55e: {  	s6 =	simm.s32 $0x80;
	[sflag:s16] =	ssyncadd.s32 $0xFFFFE700  }
0x55f: {  	v2 =	vld [tilespmem:s6+$0xFFFFFFF0]  }
0x560: {  	v3 =	vld [tilespmem:s6+$0xFFFFFF90]  }
0x561: {  	v4 =	vld [tilespmem:s6+$0xFFFFFFA0]  }
0x562: {  	v5 =	vld [tilespmem:s6+$0xFFFFFFB0]  }
0x563: {  	s2 =	simm.s32 $0x6440;
	v6 =	vld [tilespmem:s6+$0xFFFFFFC0]  }
0x564: {  	v7 =	vld [tilespmem:s6+$0xFFFFFFD0];
	[tilespmem:s2+$0x30] =	vst v2  }
0x565: {  	v8 =	vld [tilespmem:s6+$0xFFFFFF80];
	[tilespmem:s2+$0xFFFFFFD0] =	vst v3  }
0x566: {  	[tilespmem:s2+$0xFFFFFFE0] =	vst v4;
	v3 =	vld [tilespmem:s6+$0x70]  }
0x567: {  	v4 =	vld [tilespmem:s6+$0xFFFFFFE0];
	[tilespmem:s2+$0xFFFFFFF0] =	vst v5  }
0x568: {  	[tilespmem:s2+$0x0] =	vst v6;
	v9 =	vld [tilespmem:s6+$0x10]  }
0x569: {  	[tilespmem:s2+$0x10] =	vst v7;
	v6 =	vld [tilespmem:s6+$0x20]  }
0x56a: {  	s4 =	simm.s32 $0x9640;
	[tilespmem:s2+$0xFFFFFFC0] =	vst v8;
	v2 =	vld [tilespmem:s6+$0x30]  }
0x56b: {  	[tilespmem:s4+$0x30] =	vst v3;
	v3 =	vld [tilespmem:s6+$0x40]  }
0x56c: {  	v5 =	vld [tilespmem:s6+$0x50];
	[tilespmem:s2+$0x20] =	vst v4  }
0x56d: {  	v4 =	vld [tilespmem:s6+$0x0];
	[tilespmem:s4+$0xFFFFFFD0] =	vst v9  }
0x56e: {  	s5 =	simm.s32 $0x0;
	[tilespmem:s4+$0xFFFFFFE0] =	vst v6;
	v6 =	vld [tilespmem:s6+$0x60];
	s6 =	simm.s32 $0x180  }
.LBB2_60:
0x56f: {  	v7 =	vld [tilespmem:s6+$0xFFFFFFF0];
	s5 =	sadd.s32 $0x80, s5;
	[tilespmem:s4+$0xFFFFFFF0] =	vst v2  }
0x570: {  	v2 =	vld [tilespmem:s6+$0xFFFFFF90];
	p0 =	slt.u32 s5, $0x1880;
	[tilespmem:s4+$0x0] =	vst v3  }
0x571: {  	v3 =	vld [tilespmem:s6+$0xFFFFFFA0];
	[tilespmem:s4+$0x10] =	vst v5  }
0x572: {  	v5 =	vld [tilespmem:s6+$0xFFFFFFB0];
	[tilespmem:s4+$0xFFFFFFC0] =	vst v4  }
0x573: {  	s2 =	sadd.s32 $0x80, s2;
	v4 =	vld [tilespmem:s6+$0xFFFFFFC0];
	[tilespmem:s4+$0x20] =	vst v6  }
0x574: {  	v6 =	vld [tilespmem:s6+$0xFFFFFFD0];
	[tilespmem:s2+$0x30] =	vst v7  }
0x575: {  	[tilespmem:s2+$0xFFFFFFD0] =	vst v2;
	v7 =	vld [tilespmem:s6+$0x70]  }
0x576: {  	[tilespmem:s2+$0xFFFFFFE0] =	vst v3;
	v8 =	vld [tilespmem:s6+$0xFFFFFFE0]  }
0x577: {  	v9 =	vld [tilespmem:s6+$0xFFFFFF80];
	[tilespmem:s2+$0xFFFFFFF0] =	vst v5  }
0x578: {  	v10 =	vld [tilespmem:s6+$0x10];
	[tilespmem:s2+$0x0] =	vst v4  }
0x579: {  	s4 =	sadd.s32 $0x80, s4;
	v11 =	vld [tilespmem:s6+$0x20];
	[tilespmem:s2+$0x10] =	vst v6  }
.Ltmp29:
0x57a: {  	v2 =	vld [tilespmem:s6+$0x30];
	[tilespmem:s4+$0x30] =	vst v7;
	(pc) =	sbr.rel @p0 .LBB2_60-.Ltmp29, $4  }
0x57b: {  	v3 =	vld [tilespmem:s6+$0x40];
	[tilespmem:s2+$0x20] =	vst v8  }
0x57c: {  	[tilespmem:s2+$0xFFFFFFC0] =	vst v9;
	v5 =	vld [tilespmem:s6+$0x50]  }
0x57d: {  	v4 =	vld [tilespmem:s6+$0x0];
	[tilespmem:s4+$0xFFFFFFD0] =	vst v10  }
0x57e: {  	[tilespmem:s4+$0xFFFFFFE0] =	vst v11;
	v6 =	vld [tilespmem:s6+$0x60];
	s6 =	sadd.s32 $0x100, s6  }
0x57f: {  	[tilespmem:s4+$0xFFFFFFF0] =	vst v2  }
0x580: {  	[tilespmem:s4+$0x0] =	vst v3  }
0x581: {  	[tilespmem:s4+$0x10] =	vst v5  }
0x582: {  	[tilespmem:s4+$0xFFFFFFC0] =	vst v4  }
0x583: {  	[tilespmem:s4+$0x20] =	vst v6  }
0x584: {  	[tilespmem:s20], [sflag:$0x7] =	stream.indirect.gather [spmem:s1], $0x1, s19, s18, $0xb8;
	[tilespmem:$0x17700] =	vst v63  }
0x585: {  	_ =	swait.ge [sflag:s31], $0x1900  }
0x586: {  	[sflag:s31] =	ssyncset.done $0x0;
	s2 =	rddreg [dreg:$0x16]  }
0x587: {  	s6 =	sld [smem:$0x7FC];
	[sflag:s31] =	ssyncadd.s32 $0xFFFFE700  }
0x588: {  	[tilespmem:s11], [sflag:$0x2] =	stream.linear.gather [hbm4b:s2+s17], $0x3200, $0x38;
	[tilespmem:$0x17700] =	vst v63  }
0x589: {  	_ = 	snop  }
0x58a: {  	[tilespmem:s12], [sflag:$0x6] =	stream.linear.gather [hbm4b:s6+s17], $0x1900, $0x38;
	[tilespmem:$0x17700] =	vst v63  }
0x58b: {  	_ =	swait.ge [sflag:s21], $0x1900  }
0x58c: {  	[sflag:s21] =	ssyncset.done $0x0  }
0x58d: {  	s2 =	simm.s32 $0xFA40;
	[sflag:s21] =	ssyncadd.s32 $0xFFFFE700  }
0x58e: {  	s4 =	simm.s32 $0xC840;
	v3 =	vld [tilespmem:s2+$0x30]  }
0x58f: {  	v4 =	vld [tilespmem:s4+$0x30]  }
0x590: {  	v2 =	vld [tilespmem:s4+$0xFFFFFFC0]  }
0x591: {  	v5 =	vld [tilespmem:s2+$0xFFFFFFD0]  }
0x592: {  	v6 =	vld [tilespmem:s4+$0xFFFFFFD0]  }
0x593: {  	v7 =	vld [tilespmem:s2+$0xFFFFFFE0]  }
0x594: {  	v8 =	vld [tilespmem:s4+$0xFFFFFFE0]  }
0x595: {  	v9 =	vld [tilespmem:s2+$0xFFFFFFF0]  }
0x596: {  	v10 =	vld [tilespmem:s4+$0xFFFFFFF0]  }
0x597: {  	v11 =	vld [tilespmem:s2+$0x0]  }
0x598: {  	v12 =	vld [tilespmem:s4+$0x0];
	v4 =	vmul.f32 v4, v3  }
0x599: {  	v6 =	vmul.f32 v6, v5;
	v3 =	vld [tilespmem:s2+$0x10]  }
0x59a: {  	v7 =	vmul.f32 v8, v7;
	v5 =	vld [tilespmem:s4+$0x10];
	[tilespmem:s2+$0x30] =	vst v4  }
0x59b: {  	v8 =	vmul.f32 v10, v9;
	[tilespmem:s2+$0xFFFFFFD0] =	vst v6;
	v4 =	vld [tilespmem:s2+$0x20]  }
0x59c: {  	[tilespmem:s2+$0xFFFFFFE0] =	vst v7;
	v7 =	vld [tilespmem:s4+$0x20]  }
0x59d: {  	s5 =	simm.s32 $0x0;
	s6 =	simm.s32 $0xFAC0;
	v6 =	vld [tilespmem:s2+$0xFFFFFFC0];
	[tilespmem:s2+$0xFFFFFFF0] =	vst v8;
	v8 =	vmul.f32 v12, v11  }
.LBB2_62:
0x59e: {  	v9 =	vld [tilespmem:s6+$0x30];
	s4 =	sadd.s32 $0x80, s4  }
0x59f: {  	s5 =	sadd.s32 $0x80, s5;
	v10 =	vld [tilespmem:s4+$0x30];
	[tilespmem:s2+$0x0] =	vst v8;
	v3 =	vmul.f32 v5, v3  }
0x5a0: {  	p0 =	slt.u32 s5, $0x1880;
	v5 =	vld [tilespmem:s4+$0xFFFFFFC0]  }
0x5a1: {  	v8 =	vld [tilespmem:s6+$0xFFFFFFD0];
	[tilespmem:s2+$0x10] =	vst v3;
	v3 =	vmul.f32 v7, v4  }
0x5a2: {  	v4 =	vld [tilespmem:s4+$0xFFFFFFD0];
	v11 =	vmul.f32 v2, v6  }
0x5a3: {  	v6 =	vld [tilespmem:s6+$0xFFFFFFE0];
	[tilespmem:s2+$0x20] =	vst v3  }
0x5a4: {  	v3 =	vld [tilespmem:s4+$0xFFFFFFE0];
	v7 =	vmul.f32 v10, v9;
	[tilespmem:s2+$0xFFFFFFC0] =	vst v11;
	s2 =	smov.u32 s6  }
0x5a5: {  	v9 =	vld [tilespmem:s6+$0xFFFFFFF0];
	v2 =	vmov v5  }
0x5a6: {  	v10 =	vld [tilespmem:s4+$0xFFFFFFF0];
	[tilespmem:s6+$0x30] =	vst v7  }
0x5a7: {  	v4 =	vmul.f32 v4, v8;
	v8 =	vld [tilespmem:s6+$0x0]  }
0x5a8: {  	v11 =	vld [tilespmem:s4+$0x0]  }
.Ltmp30:
0x5a9: {  	[tilespmem:s6+$0xFFFFFFD0] =	vst v4;
	v4 =	vmul.f32 v3, v6;
	v3 =	vld [tilespmem:s6+$0x10];
	(pc) =	sbr.rel @p0 .LBB2_62-.Ltmp30, $4  }
0x5aa: {  	v5 =	vld [tilespmem:s4+$0x10]  }
0x5ab: {  	[tilespmem:s6+$0xFFFFFFE0] =	vst v4;
	v9 =	vmul.f32 v10, v9;
	v4 =	vld [tilespmem:s6+$0x20]  }
0x5ac: {  	v7 =	vld [tilespmem:s4+$0x20]  }
0x5ad: {  	s6 =	sadd.s32 $0x80, s6;
	v6 =	vld [tilespmem:s2+$0xFFFFFFC0];
	[tilespmem:s2+$0xFFFFFFF0] =	vst v9;
	v8 =	vmul.f32 v11, v8  }
0x5ae: {  	_ =	sdelay $0x1  }
0x5af: {  	v3 =	vmul.f32 v5, v3  }
0x5b0: {  	[tilespmem:s2+$0x0] =	vst v8;
	v4 =	vmul.f32 v7, v4  }
0x5b1: {  	[tilespmem:s2+$0x10] =	vst v3;
	v2 =	vmul.f32 v2, v6  }
0x5b2: {  	[tilespmem:s2+$0x20] =	vst v4  }
0x5b3: {  	[tilespmem:s2+$0xFFFFFFC0] =	vst v2  }
0x5b4: {  	[spmem:s3] =	stream.indirect.scatter.add.f32 [tilespmem:s20], [sflag:$0x9], $0x1, s22, s18, $0xb8;
	[tilespmem:$0x17700] =	vst v63  }
0x5b5: {  	_ =	swait.ge [sflag:s23], $0x3200  }
0x5b6: {  	[sflag:s23] =	ssyncset.done $0x0  }
0x5b7: {  	[sflag:s23] =	ssyncadd.s32 $0xFFFFCE00  }
0x5b8: {  	_ =	swait.ge [sflag:s24], $0x1900  }
0x5b9: {  	[sflag:s24] =	ssyncset.done $0x0  }
0x5ba: {  	s6 =	simm.s32 $0x3280;
	[sflag:s24] =	ssyncadd.s32 $0xFFFFE700  }
0x5bb: {  	v2 =	vld [tilespmem:s6+$0xFFFFFFF0]  }
0x5bc: {  	v3 =	vld [tilespmem:s6+$0xFFFFFF90]  }
0x5bd: {  	v4 =	vld [tilespmem:s6+$0xFFFFFFA0]  }
0x5be: {  	v5 =	vld [tilespmem:s6+$0xFFFFFFB0]  }
0x5bf: {  	s2 =	simm.s32 $0x7D40;
	v6 =	vld [tilespmem:s6+$0xFFFFFFC0]  }
0x5c0: {  	v7 =	vld [tilespmem:s6+$0xFFFFFFD0];
	[tilespmem:s2+$0x30] =	vst v2  }
0x5c1: {  	v8 =	vld [tilespmem:s6+$0xFFFFFF80];
	[tilespmem:s2+$0xFFFFFFD0] =	vst v3  }
0x5c2: {  	[tilespmem:s2+$0xFFFFFFE0] =	vst v4;
	v3 =	vld [tilespmem:s6+$0x70]  }
0x5c3: {  	v4 =	vld [tilespmem:s6+$0xFFFFFFE0];
	[tilespmem:s2+$0xFFFFFFF0] =	vst v5  }
0x5c4: {  	[tilespmem:s2+$0x0] =	vst v6;
	v9 =	vld [tilespmem:s6+$0x10]  }
0x5c5: {  	[tilespmem:s2+$0x10] =	vst v7;
	v6 =	vld [tilespmem:s6+$0x20]  }
0x5c6: {  	s4 =	simm.s32 $0xAF40;
	[tilespmem:s2+$0xFFFFFFC0] =	vst v8;
	v2 =	vld [tilespmem:s6+$0x30]  }
0x5c7: {  	[tilespmem:s4+$0x30] =	vst v3;
	v3 =	vld [tilespmem:s6+$0x40]  }
0x5c8: {  	v5 =	vld [tilespmem:s6+$0x50];
	[tilespmem:s2+$0x20] =	vst v4  }
0x5c9: {  	v4 =	vld [tilespmem:s6+$0x0];
	[tilespmem:s4+$0xFFFFFFD0] =	vst v9  }
0x5ca: {  	s5 =	simm.s32 $0x0;
	[tilespmem:s4+$0xFFFFFFE0] =	vst v6;
	v6 =	vld [tilespmem:s6+$0x60];
	s6 =	simm.s32 $0x3380  }
.LBB2_64:
0x5cb: {  	v7 =	vld [tilespmem:s6+$0xFFFFFFF0];
	s5 =	sadd.s32 $0x80, s5;
	[tilespmem:s4+$0xFFFFFFF0] =	vst v2  }
0x5cc: {  	v2 =	vld [tilespmem:s6+$0xFFFFFF90];
	p0 =	slt.u32 s5, $0x1880;
	[tilespmem:s4+$0x0] =	vst v3  }
0x5cd: {  	v3 =	vld [tilespmem:s6+$0xFFFFFFA0];
	[tilespmem:s4+$0x10] =	vst v5  }
0x5ce: {  	v5 =	vld [tilespmem:s6+$0xFFFFFFB0];
	[tilespmem:s4+$0xFFFFFFC0] =	vst v4  }
0x5cf: {  	s2 =	sadd.s32 $0x80, s2;
	v4 =	vld [tilespmem:s6+$0xFFFFFFC0];
	[tilespmem:s4+$0x20] =	vst v6  }
0x5d0: {  	v6 =	vld [tilespmem:s6+$0xFFFFFFD0];
	[tilespmem:s2+$0x30] =	vst v7  }
0x5d1: {  	[tilespmem:s2+$0xFFFFFFD0] =	vst v2;
	v7 =	vld [tilespmem:s6+$0x70]  }
0x5d2: {  	[tilespmem:s2+$0xFFFFFFE0] =	vst v3;
	v8 =	vld [tilespmem:s6+$0xFFFFFFE0]  }
0x5d3: {  	v9 =	vld [tilespmem:s6+$0xFFFFFF80];
	[tilespmem:s2+$0xFFFFFFF0] =	vst v5  }
0x5d4: {  	v10 =	vld [tilespmem:s6+$0x10];
	[tilespmem:s2+$0x0] =	vst v4  }
0x5d5: {  	s4 =	sadd.s32 $0x80, s4;
	v11 =	vld [tilespmem:s6+$0x20];
	[tilespmem:s2+$0x10] =	vst v6  }
.Ltmp31:
0x5d6: {  	v2 =	vld [tilespmem:s6+$0x30];
	[tilespmem:s4+$0x30] =	vst v7;
	(pc) =	sbr.rel @p0 .LBB2_64-.Ltmp31, $4  }
0x5d7: {  	v3 =	vld [tilespmem:s6+$0x40];
	[tilespmem:s2+$0x20] =	vst v8  }
0x5d8: {  	[tilespmem:s2+$0xFFFFFFC0] =	vst v9;
	v5 =	vld [tilespmem:s6+$0x50]  }
0x5d9: {  	v4 =	vld [tilespmem:s6+$0x0];
	[tilespmem:s4+$0xFFFFFFD0] =	vst v10  }
0x5da: {  	[tilespmem:s4+$0xFFFFFFE0] =	vst v11;
	v6 =	vld [tilespmem:s6+$0x60];
	s6 =	sadd.s32 $0x100, s6  }
0x5db: {  	[tilespmem:s4+$0xFFFFFFF0] =	vst v2  }
0x5dc: {  	[tilespmem:s4+$0x0] =	vst v3  }
0x5dd: {  	[tilespmem:s4+$0x10] =	vst v5  }
0x5de: {  	[tilespmem:s4+$0xFFFFFFC0] =	vst v4  }
0x5df: {  	[tilespmem:s4+$0x20] =	vst v6  }
0x5e0: {  	[tilespmem:s26], [sflag:$0x8] =	stream.indirect.gather [spmem:s1], $0x1, s25, s18, $0xb8;
	[tilespmem:$0x17700] =	vst v63  }
0x5e1: {  	_ =	swait.ge [sflag:s28], $0x1900  }
0x5e2: {  	[sflag:s28] =	ssyncset.done $0x0  }
0x5e3: {  	[sflag:s28] =	ssyncadd.s32 $0xFFFFE700  }
0x5e4: {  	_ =	swait.ge [sflag:s29], $0x1900  }
0x5e5: {  	[sflag:s29] =	ssyncset.done $0x0  }
0x5e6: {  	s2 =	simm.s32 $0x11340;
	[sflag:s29] =	ssyncadd.s32 $0xFFFFE700  }
0x5e7: {  	s4 =	simm.s32 $0xE140;
	v3 =	vld [tilespmem:s2+$0x30]  }
0x5e8: {  	v4 =	vld [tilespmem:s4+$0x30]  }
0x5e9: {  	v2 =	vld [tilespmem:s4+$0xFFFFFFC0]  }
0x5ea: {  	v5 =	vld [tilespmem:s2+$0xFFFFFFD0]  }
0x5eb: {  	v6 =	vld [tilespmem:s4+$0xFFFFFFD0]  }
0x5ec: {  	v7 =	vld [tilespmem:s2+$0xFFFFFFE0]  }
0x5ed: {  	v8 =	vld [tilespmem:s4+$0xFFFFFFE0]  }
0x5ee: {  	v9 =	vld [tilespmem:s2+$0xFFFFFFF0]  }
0x5ef: {  	v10 =	vld [tilespmem:s4+$0xFFFFFFF0]  }
0x5f0: {  	v11 =	vld [tilespmem:s2+$0x0];
	v3 =	vmul.f32 v4, v3  }
0x5f1: {  	v12 =	vld [tilespmem:s4+$0x0];
	v4 =	vmul.f32 v6, v5  }
0x5f2: {  	v7 =	vmul.f32 v8, v7;
	v5 =	vld [tilespmem:s4+$0x10];
	v6 =	vmul.f32 v3, v0  }
0x5f3: {  	v3 =	vld [tilespmem:s2+$0x10];
	v8 =	vmul.f32 v4, v0  }
0x5f4: {  	v9 =	vmul.f32 v10, v9;
	v13 =	vmul.f32 v7, v0;
	v4 =	vld [tilespmem:s2+$0x20];
	[tilespmem:s2+$0x30] =	vst v6  }
0x5f5: {  	v7 =	vld [tilespmem:s4+$0x20];
	[tilespmem:s2+$0xFFFFFFD0] =	vst v8  }
0x5f6: {  	s5 =	simm.s32 $0x0;
	s6 =	simm.s32 $0x113C0;
	v6 =	vld [tilespmem:s2+$0xFFFFFFC0];
	[tilespmem:s2+$0xFFFFFFE0] =	vst v13;
	v8 =	vmul.f32 v9, v0;
	v9 =	vmul.f32 v12, v11  }
.LBB2_66:
0x5f7: {  	v10 =	vld [tilespmem:s6+$0x30];
	s4 =	sadd.s32 $0x80, s4  }
0x5f8: {  	s5 =	sadd.s32 $0x80, s5;
	v11 =	vld [tilespmem:s4+$0x30];
	[tilespmem:s2+$0xFFFFFFF0] =	vst v8;
	v8 =	vmul.f32 v9, v0;
	v3 =	vmul.f32 v5, v3  }
0x5f9: {  	p0 =	slt.u32 s5, $0x1880;
	v5 =	vld [tilespmem:s4+$0xFFFFFFC0]  }
0x5fa: {  	v9 =	vld [tilespmem:s6+$0xFFFFFFD0];
	[tilespmem:s2+$0x0] =	vst v8;
	v3 =	vmul.f32 v3, v0;
	v4 =	vmul.f32 v7, v4  }
0x5fb: {  	v7 =	vld [tilespmem:s4+$0xFFFFFFD0];
	v12 =	vmul.f32 v2, v6  }
0x5fc: {  	v6 =	vld [tilespmem:s6+$0xFFFFFFE0];
	[tilespmem:s2+$0x10] =	vst v3;
	v3 =	vmul.f32 v4, v0  }
0x5fd: {  	v4 =	vld [tilespmem:s4+$0xFFFFFFE0];
	v8 =	vmul.f32 v11, v10;
	v10 =	vmul.f32 v12, v0  }
0x5fe: {  	v11 =	vld [tilespmem:s6+$0xFFFFFFF0];
	[tilespmem:s2+$0x20] =	vst v3;
	v2 =	vmov v5  }
0x5ff: {  	v12 =	vld [tilespmem:s4+$0xFFFFFFF0];
	v3 =	vmul.f32 v8, v0;
	[tilespmem:s2+$0xFFFFFFC0] =	vst v10;
	s2 =	smov.u32 s6  }
0x600: {  	v5 =	vmul.f32 v7, v9;
	v9 =	vld [tilespmem:s6+$0x0]  }
0x601: {  	v10 =	vld [tilespmem:s4+$0x0];
	[tilespmem:s6+$0x30] =	vst v3  }
.Ltmp32:
0x602: {  	v7 =	vmul.f32 v5, v0;
	v4 =	vmul.f32 v4, v6;
	v3 =	vld [tilespmem:s6+$0x10];
	(pc) =	sbr.rel @p0 .LBB2_66-.Ltmp32, $4  }
0x603: {  	v5 =	vld [tilespmem:s4+$0x10]  }
0x604: {  	[tilespmem:s6+$0xFFFFFFD0] =	vst v7;
	v8 =	vmul.f32 v4, v0;
	v11 =	vmul.f32 v12, v11;
	v4 =	vld [tilespmem:s6+$0x20]  }
0x605: {  	v7 =	vld [tilespmem:s4+$0x20]  }
0x606: {  	s6 =	sadd.s32 $0x80, s6;
	v6 =	vld [tilespmem:s2+$0xFFFFFFC0];
	[tilespmem:s2+$0xFFFFFFE0] =	vst v8;
	v8 =	vmul.f32 v11, v0;
	v9 =	vmul.f32 v10, v9  }
0x607: {  	_ =	sdelay $0x1  }
0x608: {  	v3 =	vmul.f32 v5, v3  }
0x609: {  	v63 =	vmul.f32 v9, v0;
	v4 =	vmul.f32 v7, v4  }
0x60a: {  	[tilespmem:s2+$0xFFFFFFF0] =	vst v8;
	v3 =	vmul.f32 v3, v0;
	v2 =	vmul.f32 v2, v6  }
0x60b: {  	[tilespmem:s2+$0x0] =	vst v63;
	v4 =	vmul.f32 v4, v0  }
0x60c: {  	[tilespmem:s2+$0x10] =	vst v3;
	v2 =	vmul.f32 v2, v0  }
0x60d: {  	[tilespmem:s2+$0x20] =	vst v4  }
0x60e: {  	[tilespmem:s2+$0xFFFFFFC0] =	vst v2  }
0x60f: {  	[spmem:s3] =	stream.indirect.scatter.add.f32 [tilespmem:s26], [sflag:$0xA], $0x1, s30, s18, $0xb8;
	[tilespmem:$0x17700] =	vst v63  }
0x610: {  	_ =	swait.ge [sflag:s31], $0x1900  }
0x611: {  	[sflag:s31] =	ssyncset.done $0x0  }
0x612: {  	[sflag:s31] =	ssyncadd.s32 $0xFFFFE700  }
0x613: {  	[bflag:$0x0] =	sbarrier.arrive $0xFFFF  }
0x614: {  	[tilespmem:s14], [sflag:$0xB] =	stream.linear.gather [spmem:s7], $0x1900, $0x38;
	[tilespmem:$0x17700] =	vst v63  }
0x615: {  	s0 =	sadd.s32 $0x1, s0;
	_ =	swait.ge [sflag:s13], $0x1900  }
0x616: {  	s6 =	simm.s32 $0x80;
	p0 =	sne.s32 s0, s9;
	[sflag:s13] =	ssyncset.done $0x0  }
.Ltmp33:
0x617: {  	s4 =	simm.s32 $0x100;
	[sflag:s13] =	ssyncadd.s32 $0xFFFFE700;
	(pc) =	sbr.rel @p0 .LBB2_1-.Ltmp33, $4  }
0x618: {  	[hbm4b:s8+s6] =	stream.strided.scatter [tilespmem:s14], [sflag:$0xB], $0x1900, s4, s6, $0x38;
	[tilespmem:$0x17700] =	vst v63  }
0x619: {  	_ =	swait.ge [sflag:s13], $0x1900  }
0x61a: {  	[sflag:s13] =	ssyncset.done $0x0  }
0x61b: {  	[sflag:s13] =	ssyncadd.s32 $0xFFFFE700  }
0x61c: {  	_ =	sfence.sel $0x180000  }
0x61d: {  	[bflag:$0x0] =	sbarrier.arrive $0xFFFF  }
0x61e: {  	_ =	strace $0x90000047  }
0x61f: {  	s0 =	stileid.u32;
	[bflag:$0x2] =	sbarrier.arrive $0xFFFF  }
0x620: {  	p0 =	sne.s32 s0, $0x0;
	s0 =	rddreg [dreg:$0x5]  }
0x621: {  	s0 =	sadd.s32 @!p0 $0x100000, s0  }
0x622: {  	[sflag:s0] =	ssyncadd.tile.s32 @!p0 $0x1;
	_ =	shalt  }
.Lfunc_end2:
_tile_overlayer_lowered:
.L_overlay_start_2:
0x623: {  	(tag) =	ssettag $0x2  }
0x624: {  	s0 =	rddreg [dreg:$0x0];
	s2 =	stileid.u32  }
0x625: {  	s1 =	rddreg [dreg:$0x1];
	p0 =	sne.s32 s2, $0x0  }
0x626: {  	s3 =	rddreg [dreg:$0x2];
	[bflag:$0x3] =	sbarrier.arrive $0xFFFF;
	s2 =	simm.s32 @!p0 $0x1C0B  }
0x627: {  	[timem:s3], [sflag:s2] =	dma.local @!p0 [hbm:s0], s1  }
0x628: {  	s0 =	simm.s32 @!p0 $0xB  }
0x629: {  	_ =	swait.ge @!p0 [sflag:s0], s1  }
0x62a: {  	s1 =	ssub.s32 @!p0 $0x0, s1;
	[sflag:s0] =	ssyncset.done @!p0 $0x0  }
0x62b: {  	[sflag:s0] =	ssyncadd.s32 @!p0 s1  }
0x62c: {  	[bflag:$0x3] =	sbarrier.arrive $0xFFFF  }
0x62d: {  	_ =	shalt  }

</sc_bundles>
